<compile_context>
chip_gen: v7x
topology: tpu7x:2x2x1
jax: 0.10.2.dev20260603
libtpu: 0.0.44.dev20260713+nightly
codegen_flags: <defaults>
</compile_context>

<pallas_src>
import jax
import jax.numpy as jnp
from jax import lax
from jax.experimental import pallas as pl
from jax.experimental.pallas import tpu as pltpu, tpu_sc as plsc

N = 10000
E = 320000
D = 128
NPAD = 10240
NC, NS = 2, 16
NW = NC * NS
CH = 128
NCH = 80
EPAD = NW * NCH * CH
RPS = NPAD // NS


def _sc_deg_body(dstw, zrow, out, didx, ones_v, accd):
    c = lax.axis_index("c")
    s = lax.axis_index("s")
    wid = s * NC + c
    pltpu.sync_copy(zrow, accd.at[pl.ds(s * RPS, RPS)])
    pltpu.sync_copy(dstw.at[wid], didx)
    for i in range(CH // 16):
        ones_v[pl.ds(i * 16, 16)] = jnp.ones((16,), jnp.float32)
    plsc.subcore_barrier()

    def body(j, carry):
        pltpu.sync_copy(ones_v, accd.at[didx.at[j]], add=True)
        return carry

    lax.fori_loop(0, NCH, body, 0)
    plsc.subcore_barrier()
    pltpu.sync_copy(accd.at[pl.ds(s * RPS, RPS)], out.at[c, pl.ds(s * RPS, RPS)])


_deg = pl.kernel(
    _sc_deg_body,
    out_type=jax.ShapeDtypeStruct((NC, NPAD), jnp.float32),
    mesh=plsc.VectorSubcoreMesh(
        core_axis_name="c", subcore_axis_name="s", num_cores=NC, num_subcores=NS
    ),
    scratch_types=[
        pltpu.VMEM((NCH, CH), jnp.int32),
        pltpu.VMEM((CH,), jnp.float32),
        pltpu.VMEM_SHARED((NPAD,), jnp.float32),
    ],
)


GRP = 10
NG = NCH // GRP


def _sc_agg_body(hs, eiw, zrows, out, ib0, ib1, gb0, gb1, is0, is1, gs0, gs1, acc):
    ib = (ib0, ib1)
    gb = (gb0, gb1)
    isem = (is0, is1)
    gsem = (gs0, gs1)
    c = lax.axis_index("c")
    s = lax.axis_index("s")
    wid = s * NC + c
    pltpu.sync_copy(zrows, acc.at[pl.ds(s * RPS, RPS)])
    pltpu.async_copy(eiw.at[wid, pl.ds(0, GRP)], ib[0], isem[0])
    pltpu.async_copy(eiw.at[wid, pl.ds(GRP, GRP)], ib[1], isem[1])
    pltpu.make_async_copy(eiw.at[wid, pl.ds(0, GRP)], ib[0], isem[0]).wait()
    pltpu.async_copy(hs.at[ib[0].at[0, 0]], gb[0], gsem[0])
    plsc.subcore_barrier()

    def pair(i, carry):
        for gg in range(2):
            g = 2 * i + gg
            for k in range(GRP):
                b = k % 2
                if k < GRP - 1:
                    pltpu.async_copy(hs.at[ib[gg].at[k + 1, 0]], gb[1 - b], gsem[1 - b])
                else:

                    @pl.when(g < NG - 1)
                    def _():
                        pltpu.make_async_copy(
                            eiw.at[wid, pl.ds((g + 1) * GRP, GRP)],
                            ib[1 - gg],
                            isem[1 - gg],
                        ).wait()
                        pltpu.async_copy(
                            hs.at[ib[1 - gg].at[0, 0]], gb[1 - b], gsem[1 - b]
                        )

                pltpu.make_async_copy(hs.at[ib[gg].at[k, 0]], gb[b], gsem[b]).wait()
                pltpu.sync_copy(gb[b], acc.at[ib[gg].at[k, 1]], add=True)

            @pl.when(g + 2 < NG)
            def _():
                pltpu.async_copy(
                    eiw.at[wid, pl.ds((g + 2) * GRP, GRP)], ib[gg], isem[gg]
                )

        return carry

    lax.fori_loop(0, NG // 2, pair, 0)
    plsc.subcore_barrier()
    pltpu.sync_copy(acc.at[pl.ds(s * RPS, RPS)], out.at[c, pl.ds(s * RPS, RPS)])


_agg = pl.kernel(
    _sc_agg_body,
    out_type=jax.ShapeDtypeStruct((NC, NPAD, D), jnp.float32),
    mesh=plsc.VectorSubcoreMesh(
        core_axis_name="c", subcore_axis_name="s", num_cores=NC, num_subcores=NS
    ),
    scratch_types=[
        pltpu.VMEM((GRP, 2, CH), jnp.int32),
        pltpu.VMEM((GRP, 2, CH), jnp.int32),
        pltpu.VMEM((CH, D), jnp.float32),
        pltpu.VMEM((CH, D), jnp.float32),
        pltpu.SemaphoreType.DMA,
        pltpu.SemaphoreType.DMA,
        pltpu.SemaphoreType.DMA,
        pltpu.SemaphoreType.DMA,
        pltpu.VMEM_SHARED((NPAD, D), jnp.float32),
    ],
)


BLK = 1024


def _mm1_body(x_ref, w_ref, h_ref):
    h_ref[...] = jnp.dot(x_ref[...], w_ref[...], preferred_element_type=jnp.float32)


def _tc1_body(h_ref, d0_ref, d1_ref, hs_ref, dis_ref):
    deg = d0_ref[...] + d1_ref[...] + 1.0
    dis = lax.rsqrt(deg)
    hs_ref[...] = h_ref[...] * dis
    dis_ref[...] = dis


def _tc2_body(p0_ref, p1_ref, hs_ref, dis_ref, b_ref, w_ref, out_ref):
    dis = dis_ref[...]
    pre = (p0_ref[...] + p1_ref[...] + hs_ref[...]) * dis + b_ref[...]
    a = jnp.maximum(pre, 0.0)
    out_ref[...] = jnp.dot(a, w_ref[...], preferred_element_type=jnp.float32) * dis


def _tc3_body(q0_ref, q1_ref, hs_ref, dis_ref, b_ref, out_ref):
    pre = (q0_ref[...] + q1_ref[...] + hs_ref[...]) * dis_ref[...] + b_ref[...]
    out_ref[...] = jnp.maximum(pre, 0.0)


_row_spec = pl.BlockSpec((BLK, D), lambda i: (i, 0))
_col_spec = pl.BlockSpec((BLK, 1), lambda i: (i, 0))
_w_spec = pl.BlockSpec((D, D), lambda i: (0, 0))
_b_spec = pl.BlockSpec((1, D), lambda i: (0, 0))

_mm1 = pl.pallas_call(
    _mm1_body,
    grid=(NPAD // BLK,),
    in_specs=[_row_spec, _w_spec],
    out_specs=_row_spec,
    out_shape=jax.ShapeDtypeStruct((NPAD, D), jnp.float32),
)

_tc1 = pl.pallas_call(
    _tc1_body,
    grid=(NPAD // BLK,),
    in_specs=[_row_spec, _col_spec, _col_spec],
    out_specs=[_row_spec, _col_spec],
    out_shape=[
        jax.ShapeDtypeStruct((NPAD, D), jnp.float32),
        jax.ShapeDtypeStruct((NPAD, 1), jnp.float32),
    ],
)

_tc2 = pl.pallas_call(
    _tc2_body,
    grid=(NPAD // BLK,),
    in_specs=[_row_spec, _row_spec, _row_spec, _col_spec, _b_spec, _w_spec],
    out_specs=_row_spec,
    out_shape=jax.ShapeDtypeStruct((NPAD, D), jnp.float32),
)

_OBLK = 1000
_orow_spec = pl.BlockSpec((_OBLK, D), lambda i: (i, 0))
_ocol_spec = pl.BlockSpec((_OBLK, 1), lambda i: (i, 0))
_ob_spec = pl.BlockSpec((1, D), lambda i: (0, 0))

_tc3 = pl.pallas_call(
    _tc3_body,
    grid=(N // _OBLK,),
    in_specs=[_orow_spec, _orow_spec, _orow_spec, _ocol_spec, _ob_spec],
    out_specs=_orow_spec,
    out_shape=jax.ShapeDtypeStruct((N, D), jnp.float32),
)


def kernel(x, edge_index, batch, W1, b1, W2, b2):
    src = edge_index[0].astype(jnp.int32)
    dst = edge_index[1].astype(jnp.int32)
    pad = EPAD - E
    pad_iota = jnp.arange(pad, dtype=jnp.int32)
    pad_src = pad_iota % N
    pad_dst = N + pad_iota % (NPAD - N)
    srcw = jnp.concatenate([src, pad_src]).reshape(NW, NCH, CH)
    dstw = jnp.concatenate([dst, pad_dst]).reshape(NW, NCH, CH)
    eiw = jnp.stack([srcw, dstw], axis=2)
    xp = jnp.pad(x, ((0, NPAD - N), (0, 0)))
    zrows = jnp.zeros((RPS, D), jnp.float32)
    zrow = jnp.zeros((RPS,), jnp.float32)

    h1 = _mm1(xp, W1)
    degp = _deg(dstw, zrow)
    d0 = degp[0].reshape(NPAD, 1)
    d1 = degp[1].reshape(NPAD, 1)
    hs1, dis = _tc1(h1, d0, d1)
    p = _agg(hs1, eiw, zrows)
    hs2 = _tc2(p[0], p[1], hs1, dis, b1.reshape(1, D), W2)
    q = _agg(hs2, eiw, zrows)
    return _tc3(q[0], q[1], hs2, dis, b2.reshape(1, D))

# --- scband reference (transcript-rebuilt; emitter-appended) ---
"""Pipeline reference for scband-simple-gnn-30580167147629 (READ-ONLY COPY).

The authoritative reference and input builder live on the scoring server;
editing this copy changes nothing except your own understanding.
"""

import jax, jax.numpy as jnp
import numpy as np

N_NODES = 10000
N_EDGES = 320000
IN_DIM = 128
HID = 128


def setup_inputs(seed: int = 0) -> dict:
    key = jax.random.key(seed)
    k_x, k_e, k_b, k_w1, k_b1, k_w2, k_b2 = jax.random.split(key, 7)
    x = jax.random.normal(k_x, (N_NODES, IN_DIM), dtype=jnp.float32)
    edge_index = jax.random.randint(k_e, (2, N_EDGES), 0, N_NODES, dtype=jnp.int64)
    batch = jnp.sort(jax.random.randint(k_b, (N_NODES,), 0, 16, dtype=jnp.int64))
    # GCNConv parameters (Glorot-style init for weights, zeros for bias)
    s1 = 1.0 / np.sqrt(IN_DIM)
    s2 = 1.0 / np.sqrt(HID)
    W1 = jax.random.uniform(k_w1, (IN_DIM, HID), dtype=jnp.float32, minval=-s1, maxval=s1)
    b1 = jnp.zeros((HID,), dtype=jnp.float32)
    W2 = jax.random.uniform(k_w2, (HID, HID), dtype=jnp.float32, minval=-s2, maxval=s2)
    b2 = jnp.zeros((HID,), dtype=jnp.float32)
    return {"x": x, "edge_index": edge_index, "batch": batch,
            "W1": W1, "b1": b1, "W2": W2, "b2": b2}


def _gcn_conv(x, edge_index, W, b, n_nodes):
    # PyG GCNConv: H = D^{-1/2} (A + I) D^{-1/2} (X W) + b
    src = edge_index[0]
    dst = edge_index[1]
    loop = jnp.arange(n_nodes, dtype=src.dtype)
    src = jnp.concatenate([src, loop], axis=0)
    dst = jnp.concatenate([dst, loop], axis=0)
    deg = jnp.zeros((n_nodes,), dtype=x.dtype).at[dst].add(1.0)
    deg_inv_sqrt = jnp.where(deg > 0, deg ** -0.5, 0.0)
    norm = deg_inv_sqrt[src] * deg_inv_sqrt[dst]
    h = x @ W
    msg = jnp.take(h, src, axis=0) * norm[:, None]
    out = jnp.zeros((n_nodes, h.shape[1]), dtype=h.dtype).at[dst].add(msg)
    return out + b


def reference(x, edge_index, batch, W1, b1, W2, b2):
    n = x.shape[0]
    h = _gcn_conv(x, edge_index, W1, b1, n)
    h = jax.nn.relu(h)
    h = _gcn_conv(h, edge_index, W2, b2, n)
    h = jax.nn.relu(h)
    return h

if __name__ == "__main__":
    import jax
    _d = setup_inputs()
    print(jax.jit(kernel)(*tuple(_d.values())))

</pallas_src>

<mosaic_0001>
#map = affine_map<(d0, d1) -> (0, 0, 0)>
#map1 = affine_map<(d0, d1) -> (0)>
#map2 = affine_map<(d0, d1) -> (0, 0)>
module attributes {stable_mosaic.version = 14 : i64} {
  func.func @_sc_deg_body(%arg0: i32, %arg1: i32, %arg2: memref<32x80x128xi32, #tpu.memory_space<hbm>>, %arg3: memref<640xf32, #tpu.memory_space<hbm>>, %arg4: memref<2x10240xf32, #tpu.memory_space<hbm>>, %arg5: memref<80x128xi32, #tpu.memory_space<vmem>>, %arg6: memref<128xf32, #tpu.memory_space<vmem>>, %arg7: memref<10240xf32, #tpu.memory_space<vmem_shared>>) attributes {dimension_semantics = [#tpu.dimension_semantics<core_parallel>, #tpu.dimension_semantics<subcore_parallel>], iteration_bounds = array<i64: 2, 16>, scalar_prefetch = 0 : i64, scratch_operands = 3 : i64, tpu.core_type = #tpu.core_type<sc_vector_subcore>, window_params = [{transform_indices = #map}, {transform_indices = #map1}, {transform_indices = #map2}]} {
    %mul3A = arith.constant 2 : i32
    %mul3A_0 = arith.muli %arg1, %mul3A : i32
    %add3A = arith.addi %mul3A_0, %arg0 : i32
    %mul3A_1 = arith.constant 640 : i32
    %mul3A_2 = arith.muli %arg1, %mul3A_1 : i32
    "tpu.region"() ({
      %run_scoped3A = tpu.sem_alloc : memref<!tpu.dma_semaphore, #tpu.memory_space<semaphore_mem>>
      %dma_start3A = tpu.memref_slice %arg7[%mul3A_2] : memref<10240xf32, #tpu.memory_space<vmem_shared>> -> memref<640xf32, #tpu.memory_space<vmem_shared>>
      tpu.enqueue_dma source(%arg3 : memref<640xf32, #tpu.memory_space<hbm>>) target(%dma_start3A : memref<640xf32, #tpu.memory_space<vmem_shared>>) target_semaphore(%run_scoped3A : memref<!tpu.dma_semaphore, #tpu.memory_space<semaphore_mem>>)
      %dma_wait3A = tpu.memref_slice %arg7[%mul3A_2] : memref<10240xf32, #tpu.memory_space<vmem_shared>> -> memref<640xf32, #tpu.memory_space<vmem_shared>>
      tpu.wait_dma2 semaphore(%run_scoped3A : memref<!tpu.dma_semaphore, #tpu.memory_space<semaphore_mem>>) src(%arg3 : memref<640xf32, #tpu.memory_space<hbm>>) dst(%dma_wait3A : memref<640xf32, #tpu.memory_space<vmem_shared>>)
      tpu.yield
    }) : () -> ()
    "tpu.region"() ({
      %run_scoped3A = tpu.sem_alloc : memref<!tpu.dma_semaphore, #tpu.memory_space<semaphore_mem>>
      %dma_start3A = arith.constant 0 : i32
      %dma_start3A_59 = arith.constant 0 : i32
      %dma_start3A_60 = tpu.memref_slice %arg2[%add3A, %dma_start3A, %dma_start3A_59] : memref<32x80x128xi32, #tpu.memory_space<hbm>> -> memref<1x80x128xi32, #tpu.memory_space<hbm>>
      %dma_start3A_61 = tpu.memref_squeeze %dma_start3A_60 : memref<1x80x128xi32, #tpu.memory_space<hbm>> -> memref<80x128xi32, #tpu.memory_space<hbm>>
      %dma_start3A_62 = arith.constant 0 : i32
      %dma_start3A_63 = arith.constant 0 : i32
      %dma_start3A_64 = tpu.memref_slice %arg2[%add3A, %dma_start3A_62, %dma_start3A_63] : memref<32x80x128xi32, #tpu.memory_space<hbm>> -> memref<1x80x128xi32, #tpu.memory_space<hbm>>
      %dma_start3A_65 = tpu.memref_squeeze %dma_start3A_64 : memref<1x80x128xi32, #tpu.memory_space<hbm>> -> memref<80x128xi32, #tpu.memory_space<hbm>>
      tpu.enqueue_dma source(%dma_start3A_65 : memref<80x128xi32, #tpu.memory_space<hbm>>) target(%arg5 : memref<80x128xi32, #tpu.memory_space<vmem>>) target_semaphore(%run_scoped3A : memref<!tpu.dma_semaphore, #tpu.memory_space<semaphore_mem>>)
      %dma_wait3A = arith.constant 0 : i32
      %dma_wait3A_66 = arith.constant 0 : i32
      %dma_wait3A_67 = tpu.memref_slice %arg2[%add3A, %dma_wait3A, %dma_wait3A_66] : memref<32x80x128xi32, #tpu.memory_space<hbm>> -> memref<1x80x128xi32, #tpu.memory_space<hbm>>
      %dma_wait3A_68 = tpu.memref_squeeze %dma_wait3A_67 : memref<1x80x128xi32, #tpu.memory_space<hbm>> -> memref<80x128xi32, #tpu.memory_space<hbm>>
      %dma_wait3A_69 = arith.constant 0 : i32
      %dma_wait3A_70 = arith.constant 0 : i32
      %dma_wait3A_71 = tpu.memref_slice %arg2[%add3A, %dma_wait3A_69, %dma_wait3A_70] : memref<32x80x128xi32, #tpu.memory_space<hbm>> -> memref<1x80x128xi32, #tpu.memory_space<hbm>>
      %dma_wait3A_72 = tpu.memref_squeeze %dma_wait3A_71 : memref<1x80x128xi32, #tpu.memory_space<hbm>> -> memref<80x128xi32, #tpu.memory_space<hbm>>
      tpu.wait_dma2 semaphore(%run_scoped3A : memref<!tpu.dma_semaphore, #tpu.memory_space<semaphore_mem>>) src(%dma_wait3A_72 : memref<80x128xi32, #tpu.memory_space<hbm>>) dst(%arg5 : memref<80x128xi32, #tpu.memory_space<vmem>>)
      tpu.yield
    }) : () -> ()
    %broadcast_in_dim3A = arith.constant 1.000000e+00 : f32
    %broadcast_in_dim3A_3 = vector.broadcast %broadcast_in_dim3A : f32 to vector<16xf32>
    %swap3A = arith.constant 0 : index
    %swap3A_4 = tpu.vector_load %arg6[%swap3A] {strides = array<i32>} : memref<128xf32, #tpu.memory_space<vmem>>, vector<16xf32>,
    %swap3A_5 = vector.shape_cast %swap3A_4 : vector<16xf32> to vector<16xf32>
    %swap3A_6 = vector.shape_cast %broadcast_in_dim3A_3 : vector<16xf32> to vector<16xf32>
    tpu.vector_store %arg6[%swap3A], %swap3A_6 {strides = array<i32>} : memref<128xf32, #tpu.memory_space<vmem>>, vector<16xf32>,
    %broadcast_in_dim3A_7 = arith.constant 1.000000e+00 : f32
    %broadcast_in_dim3A_8 = vector.broadcast %broadcast_in_dim3A_7 : f32 to vector<16xf32>
    %swap3A_9 = arith.constant 16 : index
    %swap3A_10 = tpu.vector_load %arg6[%swap3A_9] {strides = array<i32>} : memref<128xf32, #tpu.memory_space<vmem>>, vector<16xf32>,
    %swap3A_11 = vector.shape_cast %swap3A_10 : vector<16xf32> to vector<16xf32>
    %swap3A_12 = vector.shape_cast %broadcast_in_dim3A_8 : vector<16xf32> to vector<16xf32>
    tpu.vector_store %arg6[%swap3A_9], %swap3A_12 {strides = array<i32>} : memref<128xf32, #tpu.memory_space<vmem>>, vector<16xf32>,
    %broadcast_in_dim3A_13 = arith.constant 1.000000e+00 : f32
    %broadcast_in_dim3A_14 = vector.broadcast %broadcast_in_dim3A_13 : f32 to vector<16xf32>
    %swap3A_15 = arith.constant 32 : index
    %swap3A_16 = tpu.vector_load %arg6[%swap3A_15] {strides = array<i32>} : memref<128xf32, #tpu.memory_space<vmem>>, vector<16xf32>,
    %swap3A_17 = vector.shape_cast %swap3A_16 : vector<16xf32> to vector<16xf32>
    %swap3A_18 = vector.shape_cast %broadcast_in_dim3A_14 : vector<16xf32> to vector<16xf32>
    tpu.vector_store %arg6[%swap3A_15], %swap3A_18 {strides = array<i32>} : memref<128xf32, #tpu.memory_space<vmem>>, vector<16xf32>,
    %broadcast_in_dim3A_19 = arith.constant 1.000000e+00 : f32
    %broadcast_in_dim3A_20 = vector.broadcast %broadcast_in_dim3A_19 : f32 to vector<16xf32>
    %swap3A_21 = arith.constant 48 : index
    %swap3A_22 = tpu.vector_load %arg6[%swap3A_21] {strides = array<i32>} : memref<128xf32, #tpu.memory_space<vmem>>, vector<16xf32>,
    %swap3A_23 = vector.shape_cast %swap3A_22 : vector<16xf32> to vector<16xf32>
    %swap3A_24 = vector.shape_cast %broadcast_in_dim3A_20 : vector<16xf32> to vector<16xf32>
    tpu.vector_store %arg6[%swap3A_21], %swap3A_24 {strides = array<i32>} : memref<128xf32, #tpu.memory_space<vmem>>, vector<16xf32>,
    %broadcast_in_dim3A_25 = arith.constant 1.000000e+00 : f32
    %broadcast_in_dim3A_26 = vector.broadcast %broadcast_in_dim3A_25 : f32 to vector<16xf32>
    %swap3A_27 = arith.constant 64 : index
    %swap3A_28 = tpu.vector_load %arg6[%swap3A_27] {strides = array<i32>} : memref<128xf32, #tpu.memory_space<vmem>>, vector<16xf32>,
    %swap3A_29 = vector.shape_cast %swap3A_28 : vector<16xf32> to vector<16xf32>
    %swap3A_30 = vector.shape_cast %broadcast_in_dim3A_26 : vector<16xf32> to vector<16xf32>
    tpu.vector_store %arg6[%swap3A_27], %swap3A_30 {strides = array<i32>} : memref<128xf32, #tpu.memory_space<vmem>>, vector<16xf32>,
    %broadcast_in_dim3A_31 = arith.constant 1.000000e+00 : f32
    %broadcast_in_dim3A_32 = vector.broadcast %broadcast_in_dim3A_31 : f32 to vector<16xf32>
    %swap3A_33 = arith.constant 80 : index
    %swap3A_34 = tpu.vector_load %arg6[%swap3A_33] {strides = array<i32>} : memref<128xf32, #tpu.memory_space<vmem>>, vector<16xf32>,
    %swap3A_35 = vector.shape_cast %swap3A_34 : vector<16xf32> to vector<16xf32>
    %swap3A_36 = vector.shape_cast %broadcast_in_dim3A_32 : vector<16xf32> to vector<16xf32>
    tpu.vector_store %arg6[%swap3A_33], %swap3A_36 {strides = array<i32>} : memref<128xf32, #tpu.memory_space<vmem>>, vector<16xf32>,
    %broadcast_in_dim3A_37 = arith.constant 1.000000e+00 : f32
    %broadcast_in_dim3A_38 = vector.broadcast %broadcast_in_dim3A_37 : f32 to vector<16xf32>
    %swap3A_39 = arith.constant 96 : index
    %swap3A_40 = tpu.vector_load %arg6[%swap3A_39] {strides = array<i32>} : memref<128xf32, #tpu.memory_space<vmem>>, vector<16xf32>,
    %swap3A_41 = vector.shape_cast %swap3A_40 : vector<16xf32> to vector<16xf32>
    %swap3A_42 = vector.shape_cast %broadcast_in_dim3A_38 : vector<16xf32> to vector<16xf32>
    tpu.vector_store %arg6[%swap3A_39], %swap3A_42 {strides = array<i32>} : memref<128xf32, #tpu.memory_space<vmem>>, vector<16xf32>,
    %broadcast_in_dim3A_43 = arith.constant 1.000000e+00 : f32
    %broadcast_in_dim3A_44 = vector.broadcast %broadcast_in_dim3A_43 : f32 to vector<16xf32>
    %swap3A_45 = arith.constant 112 : index
    %swap3A_46 = tpu.vector_load %arg6[%swap3A_45] {strides = array<i32>} : memref<128xf32, #tpu.memory_space<vmem>>, vector<16xf32>,
    %swap3A_47 = vector.shape_cast %swap3A_46 : vector<16xf32> to vector<16xf32>
    %swap3A_48 = vector.shape_cast %broadcast_in_dim3A_44 : vector<16xf32> to vector<16xf32>
    tpu.vector_store %arg6[%swap3A_45], %swap3A_48 {strides = array<i32>} : memref<128xf32, #tpu.memory_space<vmem>>, vector<16xf32>,
    %barrier3A = arith.constant 0 : index
    tpu.barrier barrier_id(%barrier3A)
    %scan3A = arith.constant 0 : i32
    %scan3A_49 = arith.constant 0 : i32
    %scan3A_50 = arith.constant 80 : i32
    %scan3A_51 = arith.addi %scan3A_49, %scan3A_50 : i32
    %scan3A_52 = arith.constant 1 : i32
    scf.for %scan3A_59 = %scan3A_49 to %scan3A_51 step %scan3A_52  : i32 {
      "tpu.region"() ({
        %run_scoped3A = tpu.sem_alloc : memref<!tpu.dma_semaphore, #tpu.memory_space<semaphore_mem>>
        %dma_start3A = arith.constant 0 : i32
        %dma_start3A_60 = tpu.memref_slice %arg5[%scan3A_59, %dma_start3A] : memref<80x128xi32, #tpu.memory_space<vmem>> -> memref<1x128xi32, #tpu.memory_space<vmem>>
        %dma_start3A_61 = tpu.memref_squeeze %dma_start3A_60 : memref<1x128xi32, #tpu.memory_space<vmem>> -> memref<128xi32, #tpu.memory_space<vmem>>
        %dma_start3A_62 = arith.constant 0 : i32
        %dma_start3A_63 = tpu.memref_slice %arg7[%dma_start3A_62] : memref<10240xf32, #tpu.memory_space<vmem_shared>> -> memref<10240xf32, #tpu.memory_space<vmem_shared>>
        tpu.enqueue_indirect_dma source(%arg6 : memref<128xf32, #tpu.memory_space<vmem>>) target(%dma_start3A_63 : memref<10240xf32, #tpu.memory_space<vmem_shared>>) offsets(%dma_start3A_61 : memref<128xi32, #tpu.memory_space<vmem>>) semaphore(%run_scoped3A : memref<!tpu.dma_semaphore, #tpu.memory_space<semaphore_mem>>) {add = true}
        %dma_wait3A = arith.constant 0 : i32
        %dma_wait3A_64 = tpu.memref_slice %arg5[%scan3A_59, %dma_wait3A] : memref<80x128xi32, #tpu.memory_space<vmem>> -> memref<1x128xi32, #tpu.memory_space<vmem>>
        %dma_wait3A_65 = tpu.memref_squeeze %dma_wait3A_64 : memref<1x128xi32, #tpu.memory_space<vmem>> -> memref<128xi32, #tpu.memory_space<vmem>>
        %dma_wait3A_66 = arith.constant 0 : i32
        %dma_wait3A_67 = tpu.memref_slice %arg7[%dma_wait3A_66] : memref<10240xf32, #tpu.memory_space<vmem_shared>> -> memref<10240xf32, #tpu.memory_space<vmem_shared>>
        tpu.wait_indirect_dma semaphore(%run_scoped3A : memref<!tpu.dma_semaphore, #tpu.memory_space<semaphore_mem>>) src(%arg6 : memref<128xf32, #tpu.memory_space<vmem>>) dst(%dma_wait3A_67 : memref<10240xf32, #tpu.memory_space<vmem_shared>>)
        tpu.yield
      }) : () -> ()
    }
    %scan3A_53 = arith.constant 80 : i32
    %barrier3A_54 = arith.constant 0 : index
    tpu.barrier barrier_id(%barrier3A_54)
    %mul3A_55 = arith.constant 640 : i32
    %mul3A_56 = arith.muli %arg1, %mul3A_55 : i32
    %mul3A_57 = arith.constant 640 : i32
    %mul3A_58 = arith.muli %arg1, %mul3A_57 : i32
    "tpu.region"() ({
      %run_scoped3A = tpu.sem_alloc : memref<!tpu.dma_semaphore, #tpu.memory_space<semaphore_mem>>
      %dma_start3A = tpu.memref_slice %arg4[%arg0, %mul3A_58] : memref<2x10240xf32, #tpu.memory_space<hbm>> -> memref<1x640xf32, #tpu.memory_space<hbm>>
      %dma_start3A_59 = tpu.memref_squeeze %dma_start3A : memref<1x640xf32, #tpu.memory_space<hbm>> -> memref<640xf32, #tpu.memory_space<hbm>>
      %dma_start3A_60 = tpu.memref_slice %arg7[%mul3A_56] : memref<10240xf32, #tpu.memory_space<vmem_shared>> -> memref<640xf32, #tpu.memory_space<vmem_shared>>
      tpu.enqueue_dma source(%dma_start3A_60 : memref<640xf32, #tpu.memory_space<vmem_shared>>) target(%dma_start3A_59 : memref<640xf32, #tpu.memory_space<hbm>>) target_semaphore(%run_scoped3A : memref<!tpu.dma_semaphore, #tpu.memory_space<semaphore_mem>>)
      %dma_wait3A = tpu.memref_slice %arg4[%arg0, %mul3A_58] : memref<2x10240xf32, #tpu.memory_space<hbm>> -> memref<1x640xf32, #tpu.memory_space<hbm>>
      %dma_wait3A_61 = tpu.memref_squeeze %dma_wait3A : memref<1x640xf32, #tpu.memory_space<hbm>> -> memref<640xf32, #tpu.memory_space<hbm>>
      %dma_wait3A_62 = tpu.memref_slice %arg7[%mul3A_56] : memref<10240xf32, #tpu.memory_space<vmem_shared>> -> memref<640xf32, #tpu.memory_space<vmem_shared>>
      tpu.wait_dma2 semaphore(%run_scoped3A : memref<!tpu.dma_semaphore, #tpu.memory_space<semaphore_mem>>) src(%dma_wait3A_62 : memref<640xf32, #tpu.memory_space<vmem_shared>>) dst(%dma_wait3A_61 : memref<640xf32, #tpu.memory_space<hbm>>)
      tpu.yield
    }) : () -> ()
    return
  }
}

#map = affine_map<(d0, d1) -> (0, 0)>
#map1 = affine_map<(d0, d1) -> (0, 0, 0, 0)>
#map2 = affine_map<(d0, d1) -> (0, 0, 0)>
module attributes {stable_mosaic.version = 14 : i64} {
  func.func @_sc_agg_body(%arg0: i32, %arg1: i32, %arg2: memref<10240x128xf32, #tpu.memory_space<hbm>>, %arg3: memref<32x80x2x128xi32, #tpu.memory_space<hbm>>, %arg4: memref<640x128xf32, #tpu.memory_space<hbm>>, %arg5: memref<2x10240x128xf32, #tpu.memory_space<hbm>>, %arg6: memref<10x2x128xi32, #tpu.memory_space<vmem>>, %arg7: memref<10x2x128xi32, #tpu.memory_space<vmem>>, %arg8: memref<128x128xf32, #tpu.memory_space<vmem>>, %arg9: memref<128x128xf32, #tpu.memory_space<vmem>>, %arg10: memref<!tpu.dma_semaphore, #tpu.memory_space<semaphore_mem>>, %arg11: memref<!tpu.dma_semaphore, #tpu.memory_space<semaphore_mem>>, %arg12: memref<!tpu.dma_semaphore, #tpu.memory_space<semaphore_mem>>, %arg13: memref<!tpu.dma_semaphore, #tpu.memory_space<semaphore_mem>>, %arg14: memref<10240x128xf32, #tpu.memory_space<vmem_shared>>) attributes {dimension_semantics = [#tpu.dimension_semantics<core_parallel>, #tpu.dimension_semantics<subcore_parallel>], iteration_bounds = array<i64: 2, 16>, scalar_prefetch = 0 : i64, scratch_operands = 9 : i64, tpu.core_type = #tpu.core_type<sc_vector_subcore>, window_params = [{transform_indices = #map}, {transform_indices = #map1}, {transform_indices = #map}, {transform_indices = #map2}]} {
    %mul3A = arith.constant 2 : i32
    %mul3A_0 = arith.muli %arg1, %mul3A : i32
    %add3A = arith.addi %mul3A_0, %arg0 : i32
    %mul3A_1 = arith.constant 640 : i32
    %mul3A_2 = arith.muli %arg1, %mul3A_1 : i32
    "tpu.region"() ({
      %run_scoped3A = tpu.sem_alloc : memref<!tpu.dma_semaphore, #tpu.memory_space<semaphore_mem>>
      %dma_start3A_49 = arith.constant 0 : i32
      %dma_start3A_50 = tpu.memref_slice %arg14[%mul3A_2, %dma_start3A_49] : memref<10240x128xf32, #tpu.memory_space<vmem_shared>> -> memref<640x128xf32, #tpu.memory_space<vmem_shared>>
      tpu.enqueue_dma source(%arg4 : memref<640x128xf32, #tpu.memory_space<hbm>>) target(%dma_start3A_50 : memref<640x128xf32, #tpu.memory_space<vmem_shared>>) target_semaphore(%run_scoped3A : memref<!tpu.dma_semaphore, #tpu.memory_space<semaphore_mem>>)
      %dma_wait3A_51 = arith.constant 0 : i32
      %dma_wait3A_52 = tpu.memref_slice %arg14[%mul3A_2, %dma_wait3A_51] : memref<10240x128xf32, #tpu.memory_space<vmem_shared>> -> memref<640x128xf32, #tpu.memory_space<vmem_shared>>
      tpu.wait_dma2 semaphore(%run_scoped3A : memref<!tpu.dma_semaphore, #tpu.memory_space<semaphore_mem>>) src(%arg4 : memref<640x128xf32, #tpu.memory_space<hbm>>) dst(%dma_wait3A_52 : memref<640x128xf32, #tpu.memory_space<vmem_shared>>)
      tpu.yield
    }) : () -> ()
    %dma_start3A = arith.constant 0 : i32
    %dma_start3A_3 = arith.constant 0 : i32
    %dma_start3A_4 = arith.constant 0 : i32
    %dma_start3A_5 = tpu.memref_slice %arg3[%add3A, %dma_start3A, %dma_start3A_3, %dma_start3A_4] : memref<32x80x2x128xi32, #tpu.memory_space<hbm>> -> memref<1x10x2x128xi32, #tpu.memory_space<hbm>>
    %dma_start3A_6 = tpu.memref_squeeze %dma_start3A_5 : memref<1x10x2x128xi32, #tpu.memory_space<hbm>> -> memref<10x2x128xi32, #tpu.memory_space<hbm>>
    %dma_start3A_7 = arith.constant 0 : i32
    %dma_start3A_8 = arith.constant 0 : i32
    %dma_start3A_9 = arith.constant 0 : i32
    %dma_start3A_10 = tpu.memref_slice %arg3[%add3A, %dma_start3A_7, %dma_start3A_8, %dma_start3A_9] : memref<32x80x2x128xi32, #tpu.memory_space<hbm>> -> memref<1x10x2x128xi32, #tpu.memory_space<hbm>>
    %dma_start3A_11 = tpu.memref_squeeze %dma_start3A_10 : memref<1x10x2x128xi32, #tpu.memory_space<hbm>> -> memref<10x2x128xi32, #tpu.memory_space<hbm>>
    tpu.enqueue_dma source(%dma_start3A_11 : memref<10x2x128xi32, #tpu.memory_space<hbm>>) target(%arg6 : memref<10x2x128xi32, #tpu.memory_space<vmem>>) target_semaphore(%arg10 : memref<!tpu.dma_semaphore, #tpu.memory_space<semaphore_mem>>)
    %dma_start3A_12 = arith.constant 10 : i32
    %dma_start3A_13 = arith.constant 0 : i32
    %dma_start3A_14 = arith.constant 0 : i32
    %dma_start3A_15 = tpu.memref_slice %arg3[%add3A, %dma_start3A_12, %dma_start3A_13, %dma_start3A_14] : memref<32x80x2x128xi32, #tpu.memory_space<hbm>> -> memref<1x10x2x128xi32, #tpu.memory_space<hbm>>
    %dma_start3A_16 = tpu.memref_squeeze %dma_start3A_15 : memref<1x10x2x128xi32, #tpu.memory_space<hbm>> -> memref<10x2x128xi32, #tpu.memory_space<hbm>>
    %dma_start3A_17 = arith.constant 10 : i32
    %dma_start3A_18 = arith.constant 0 : i32
    %dma_start3A_19 = arith.constant 0 : i32
    %dma_start3A_20 = tpu.memref_slice %arg3[%add3A, %dma_start3A_17, %dma_start3A_18, %dma_start3A_19] : memref<32x80x2x128xi32, #tpu.memory_space<hbm>> -> memref<1x10x2x128xi32, #tpu.memory_space<hbm>>
    %dma_start3A_21 = tpu.memref_squeeze %dma_start3A_20 : memref<1x10x2x128xi32, #tpu.memory_space<hbm>> -> memref<10x2x128xi32, #tpu.memory_space<hbm>>
    tpu.enqueue_dma source(%dma_start3A_21 : memref<10x2x128xi32, #tpu.memory_space<hbm>>) target(%arg7 : memref<10x2x128xi32, #tpu.memory_space<vmem>>) target_semaphore(%arg11 : memref<!tpu.dma_semaphore, #tpu.memory_space<semaphore_mem>>)
    %dma_wait3A = arith.constant 0 : i32
    %dma_wait3A_22 = arith.constant 0 : i32
    %dma_wait3A_23 = arith.constant 0 : i32
    %dma_wait3A_24 = tpu.memref_slice %arg3[%add3A, %dma_wait3A, %dma_wait3A_22, %dma_wait3A_23] : memref<32x80x2x128xi32, #tpu.memory_space<hbm>> -> memref<1x10x2x128xi32, #tpu.memory_space<hbm>>
    %dma_wait3A_25 = tpu.memref_squeeze %dma_wait3A_24 : memref<1x10x2x128xi32, #tpu.memory_space<hbm>> -> memref<10x2x128xi32, #tpu.memory_space<hbm>>
    %dma_wait3A_26 = arith.constant 0 : i32
    %dma_wait3A_27 = arith.constant 0 : i32
    %dma_wait3A_28 = arith.constant 0 : i32
    %dma_wait3A_29 = tpu.memref_slice %arg3[%add3A, %dma_wait3A_26, %dma_wait3A_27, %dma_wait3A_28] : memref<32x80x2x128xi32, #tpu.memory_space<hbm>> -> memref<1x10x2x128xi32, #tpu.memory_space<hbm>>
    %dma_wait3A_30 = tpu.memref_squeeze %dma_wait3A_29 : memref<1x10x2x128xi32, #tpu.memory_space<hbm>> -> memref<10x2x128xi32, #tpu.memory_space<hbm>>
    tpu.wait_dma2 semaphore(%arg10 : memref<!tpu.dma_semaphore, #tpu.memory_space<semaphore_mem>>) src(%dma_wait3A_30 : memref<10x2x128xi32, #tpu.memory_space<hbm>>) dst(%arg6 : memref<10x2x128xi32, #tpu.memory_space<vmem>>)
    %dma_start3A_31 = arith.constant 0 : i32
    %dma_start3A_32 = arith.constant 0 : i32
    %dma_start3A_33 = arith.constant 0 : i32
    %dma_start3A_34 = tpu.memref_slice %arg6[%dma_start3A_31, %dma_start3A_32, %dma_start3A_33] : memref<10x2x128xi32, #tpu.memory_space<vmem>> -> memref<1x1x128xi32, #tpu.memory_space<vmem>>
    %dma_start3A_35 = tpu.memref_squeeze %dma_start3A_34 : memref<1x1x128xi32, #tpu.memory_space<vmem>> -> memref<128xi32, #tpu.memory_space<vmem>>
    %dma_start3A_36 = arith.constant 0 : i32
    %dma_start3A_37 = arith.constant 0 : i32
    %dma_start3A_38 = tpu.memref_slice %arg2[%dma_start3A_36, %dma_start3A_37] : memref<10240x128xf32, #tpu.memory_space<hbm>> -> memref<10240x128xf32, #tpu.memory_space<hbm>>
    tpu.enqueue_indirect_dma source(%dma_start3A_38 : memref<10240x128xf32, #tpu.memory_space<hbm>>) target(%arg8 : memref<128x128xf32, #tpu.memory_space<vmem>>) offsets(%dma_start3A_35 : memref<128xi32, #tpu.memory_space<vmem>>) semaphore(%arg12 : memref<!tpu.dma_semaphore, #tpu.memory_space<semaphore_mem>>)
    %barrier3A = arith.constant 0 : index
    tpu.barrier barrier_id(%barrier3A)
    %scan3A = arith.constant 0 : i32
    %scan3A_39 = arith.constant 0 : i32
    %scan3A_40 = arith.constant 4 : i32
    %scan3A_41 = arith.addi %scan3A_39, %scan3A_40 : i32
    %scan3A_42 = arith.constant 1 : i32
    scf.for %scan3A_49 = %scan3A_39 to %scan3A_41 step %scan3A_42  : i32 {
      %mul3A_50 = arith.constant 2 : i32
      %mul3A_51 = arith.muli %mul3A_50, %scan3A_49 : i32
      %add3A_52 = arith.constant 0 : i32
      %add3A_53 = arith.addi %mul3A_51, %add3A_52 : i32
      %dma_start3A_54 = arith.constant 1 : i32
      %dma_start3A_55 = arith.constant 0 : i32
      %dma_start3A_56 = arith.constant 0 : i32
      %dma_start3A_57 = tpu.memref_slice %arg6[%dma_start3A_54, %dma_start3A_55, %dma_start3A_56] : memref<10x2x128xi32, #tpu.memory_space<vmem>> -> memref<1x1x128xi32, #tpu.memory_space<vmem>>
      %dma_start3A_58 = tpu.memref_squeeze %dma_start3A_57 : memref<1x1x128xi32, #tpu.memory_space<vmem>> -> memref<128xi32, #tpu.memory_space<vmem>>
      %dma_start3A_59 = arith.constant 0 : i32
      %dma_start3A_60 = arith.constant 0 : i32
      %dma_start3A_61 = tpu.memref_slice %arg2[%dma_start3A_59, %dma_start3A_60] : memref<10240x128xf32, #tpu.memory_space<hbm>> -> memref<10240x128xf32, #tpu.memory_space<hbm>>
      tpu.enqueue_indirect_dma source(%dma_start3A_61 : memref<10240x128xf32, #tpu.memory_space<hbm>>) target(%arg9 : memref<128x128xf32, #tpu.memory_space<vmem>>) offsets(%dma_start3A_58 : memref<128xi32, #tpu.memory_space<vmem>>) semaphore(%arg13 : memref<!tpu.dma_semaphore, #tpu.memory_space<semaphore_mem>>)
      %dma_wait3A_62 = arith.constant 0 : i32
      %dma_wait3A_63 = arith.constant 0 : i32
      %dma_wait3A_64 = arith.constant 0 : i32
      %dma_wait3A_65 = tpu.memref_slice %arg6[%dma_wait3A_62, %dma_wait3A_63, %dma_wait3A_64] : memref<10x2x128xi32, #tpu.memory_space<vmem>> -> memref<1x1x128xi32, #tpu.memory_space<vmem>>
      %dma_wait3A_66 = tpu.memref_squeeze %dma_wait3A_65 : memref<1x1x128xi32, #tpu.memory_space<vmem>> -> memref<128xi32, #tpu.memory_space<vmem>>
      %dma_wait3A_67 = arith.constant 0 : i32
      %dma_wait3A_68 = arith.constant 0 : i32
      %dma_wait3A_69 = tpu.memref_slice %arg2[%dma_wait3A_67, %dma_wait3A_68] : memref<10240x128xf32, #tpu.memory_space<hbm>> -> memref<10240x128xf32, #tpu.memory_space<hbm>>
      tpu.wait_indirect_dma semaphore(%arg12 : memref<!tpu.dma_semaphore, #tpu.memory_space<semaphore_mem>>) src(%dma_wait3A_69 : memref<10240x128xf32, #tpu.memory_space<hbm>>) dst(%arg8 : memref<128x128xf32, #tpu.memory_space<vmem>>)
      %run_scoped3A = arith.constant 0 : i32
      %run_scoped3A_70 = arith.constant 1 : i32
      "tpu.region"() ({
        %run_scoped3A_422 = tpu.sem_alloc : memref<!tpu.dma_semaphore, #tpu.memory_space<semaphore_mem>>
        %dma_start3A_423 = arith.constant 0 : i32
        %dma_start3A_424 = tpu.memref_slice %arg6[%run_scoped3A, %run_scoped3A_70, %dma_start3A_423] : memref<10x2x128xi32, #tpu.memory_space<vmem>> -> memref<1x1x128xi32, #tpu.memory_space<vmem>>
        %dma_start3A_425 = tpu.memref_squeeze %dma_start3A_424 : memref<1x1x128xi32, #tpu.memory_space<vmem>> -> memref<128xi32, #tpu.memory_space<vmem>>
        %dma_start3A_426 = arith.constant 0 : i32
        %dma_start3A_427 = arith.constant 0 : i32
        %dma_start3A_428 = tpu.memref_slice %arg14[%dma_start3A_426, %dma_start3A_427] : memref<10240x128xf32, #tpu.memory_space<vmem_shared>> -> memref<10240x128xf32, #tpu.memory_space<vmem_shared>>
        tpu.enqueue_indirect_dma source(%arg8 : memref<128x128xf32, #tpu.memory_space<vmem>>) target(%dma_start3A_428 : memref<10240x128xf32, #tpu.memory_space<vmem_shared>>) offsets(%dma_start3A_425 : memref<128xi32, #tpu.memory_space<vmem>>) semaphore(%run_scoped3A_422 : memref<!tpu.dma_semaphore, #tpu.memory_space<semaphore_mem>>) {add = true}
        %dma_wait3A_429 = arith.constant 0 : i32
        %dma_wait3A_430 = tpu.memref_slice %arg6[%run_scoped3A, %run_scoped3A_70, %dma_wait3A_429] : memref<10x2x128xi32, #tpu.memory_space<vmem>> -> memref<1x1x128xi32, #tpu.memory_space<vmem>>
        %dma_wait3A_431 = tpu.memref_squeeze %dma_wait3A_430 : memref<1x1x128xi32, #tpu.memory_space<vmem>> -> memref<128xi32, #tpu.memory_space<vmem>>
        %dma_wait3A_432 = arith.constant 0 : i32
        %dma_wait3A_433 = arith.constant 0 : i32
        %dma_wait3A_434 = tpu.memref_slice %arg14[%dma_wait3A_432, %dma_wait3A_433] : memref<10240x128xf32, #tpu.memory_space<vmem_shared>> -> memref<10240x128xf32, #tpu.memory_space<vmem_shared>>
        tpu.wait_indirect_dma semaphore(%run_scoped3A_422 : memref<!tpu.dma_semaphore, #tpu.memory_space<semaphore_mem>>) src(%arg8 : memref<128x128xf32, #tpu.memory_space<vmem>>) dst(%dma_wait3A_434 : memref<10240x128xf32, #tpu.memory_space<vmem_shared>>)
        tpu.yield
      }) : () -> ()
      %dma_start3A_71 = arith.constant 2 : i32
      %dma_start3A_72 = arith.constant 0 : i32
      %dma_start3A_73 = arith.constant 0 : i32
      %dma_start3A_74 = tpu.memref_slice %arg6[%dma_start3A_71, %dma_start3A_72, %dma_start3A_73] : memref<10x2x128xi32, #tpu.memory_space<vmem>> -> memref<1x1x128xi32, #tpu.memory_space<vmem>>
      %dma_start3A_75 = tpu.memref_squeeze %dma_start3A_74 : memref<1x1x128xi32, #tpu.memory_space<vmem>> -> memref<128xi32, #tpu.memory_space<vmem>>
      %dma_start3A_76 = arith.constant 0 : i32
      %dma_start3A_77 = arith.constant 0 : i32
      %dma_start3A_78 = tpu.memref_slice %arg2[%dma_start3A_76, %dma_start3A_77] : memref<10240x128xf32, #tpu.memory_space<hbm>> -> memref<10240x128xf32, #tpu.memory_space<hbm>>
      tpu.enqueue_indirect_dma source(%dma_start3A_78 : memref<10240x128xf32, #tpu.memory_space<hbm>>) target(%arg8 : memref<128x128xf32, #tpu.memory_space<vmem>>) offsets(%dma_start3A_75 : memref<128xi32, #tpu.memory_space<vmem>>) semaphore(%arg12 : memref<!tpu.dma_semaphore, #tpu.memory_space<semaphore_mem>>)
      %dma_wait3A_79 = arith.constant 1 : i32
      %dma_wait3A_80 = arith.constant 0 : i32
      %dma_wait3A_81 = arith.constant 0 : i32
      %dma_wait3A_82 = tpu.memref_slice %arg6[%dma_wait3A_79, %dma_wait3A_80, %dma_wait3A_81] : memref<10x2x128xi32, #tpu.memory_space<vmem>> -> memref<1x1x128xi32, #tpu.memory_space<vmem>>
      %dma_wait3A_83 = tpu.memref_squeeze %dma_wait3A_82 : memref<1x1x128xi32, #tpu.memory_space<vmem>> -> memref<128xi32, #tpu.memory_space<vmem>>
      %dma_wait3A_84 = arith.constant 0 : i32
      %dma_wait3A_85 = arith.constant 0 : i32
      %dma_wait3A_86 = tpu.memref_slice %arg2[%dma_wait3A_84, %dma_wait3A_85] : memref<10240x128xf32, #tpu.memory_space<hbm>> -> memref<10240x128xf32, #tpu.memory_space<hbm>>
      tpu.wait_indirect_dma semaphore(%arg13 : memref<!tpu.dma_semaphore, #tpu.memory_space<semaphore_mem>>) src(%dma_wait3A_86 : memref<10240x128xf32, #tpu.memory_space<hbm>>) dst(%arg9 : memref<128x128xf32, #tpu.memory_space<vmem>>)
      %run_scoped3A_87 = arith.constant 1 : i32
      %run_scoped3A_88 = arith.constant 1 : i32
      "tpu.region"() ({
        %run_scoped3A_422 = tpu.sem_alloc : memref<!tpu.dma_semaphore, #tpu.memory_space<semaphore_mem>>
        %dma_start3A_423 = arith.constant 0 : i32
        %dma_start3A_424 = tpu.memref_slice %arg6[%run_scoped3A_87, %run_scoped3A_88, %dma_start3A_423] : memref<10x2x128xi32, #tpu.memory_space<vmem>> -> memref<1x1x128xi32, #tpu.memory_space<vmem>>
        %dma_start3A_425 = tpu.memref_squeeze %dma_start3A_424 : memref<1x1x128xi32, #tpu.memory_space<vmem>> -> memref<128xi32, #tpu.memory_space<vmem>>
        %dma_start3A_426 = arith.constant 0 : i32
        %dma_start3A_427 = arith.constant 0 : i32
        %dma_start3A_428 = tpu.memref_slice %arg14[%dma_start3A_426, %dma_start3A_427] : memref<10240x128xf32, #tpu.memory_space<vmem_shared>> -> memref<10240x128xf32, #tpu.memory_space<vmem_shared>>
        tpu.enqueue_indirect_dma source(%arg9 : memref<128x128xf32, #tpu.memory_space<vmem>>) target(%dma_start3A_428 : memref<10240x128xf32, #tpu.memory_space<vmem_shared>>) offsets(%dma_start3A_425 : memref<128xi32, #tpu.memory_space<vmem>>) semaphore(%run_scoped3A_422 : memref<!tpu.dma_semaphore, #tpu.memory_space<semaphore_mem>>) {add = true}
        %dma_wait3A_429 = arith.constant 0 : i32
        %dma_wait3A_430 = tpu.memref_slice %arg6[%run_scoped3A_87, %run_scoped3A_88, %dma_wait3A_429] : memref<10x2x128xi32, #tpu.memory_space<vmem>> -> memref<1x1x128xi32, #tpu.memory_space<vmem>>
        %dma_wait3A_431 = tpu.memref_squeeze %dma_wait3A_430 : memref<1x1x128xi32, #tpu.memory_space<vmem>> -> memref<128xi32, #tpu.memory_space<vmem>>
        %dma_wait3A_432 = arith.constant 0 : i32
        %dma_wait3A_433 = arith.constant 0 : i32
        %dma_wait3A_434 = tpu.memref_slice %arg14[%dma_wait3A_432, %dma_wait3A_433] : memref<10240x128xf32, #tpu.memory_space<vmem_shared>> -> memref<10240x128xf32, #tpu.memory_space<vmem_shared>>
        tpu.wait_indirect_dma semaphore(%run_scoped3A_422 : memref<!tpu.dma_semaphore, #tpu.memory_space<semaphore_mem>>) src(%arg9 : memref<128x128xf32, #tpu.memory_space<vmem>>) dst(%dma_wait3A_434 : memref<10240x128xf32, #tpu.memory_space<vmem_shared>>)
        tpu.yield
      }) : () -> ()
      %dma_start3A_89 = arith.constant 3 : i32
      %dma_start3A_90 = arith.constant 0 : i32
      %dma_start3A_91 = arith.constant 0 : i32
      %dma_start3A_92 = tpu.memref_slice %arg6[%dma_start3A_89, %dma_start3A_90, %dma_start3A_91] : memref<10x2x128xi32, #tpu.memory_space<vmem>> -> memref<1x1x128xi32, #tpu.memory_space<vmem>>
      %dma_start3A_93 = tpu.memref_squeeze %dma_start3A_92 : memref<1x1x128xi32, #tpu.memory_space<vmem>> -> memref<128xi32, #tpu.memory_space<vmem>>
      %dma_start3A_94 = arith.constant 0 : i32
      %dma_start3A_95 = arith.constant 0 : i32
      %dma_start3A_96 = tpu.memref_slice %arg2[%dma_start3A_94, %dma_start3A_95] : memref<10240x128xf32, #tpu.memory_space<hbm>> -> memref<10240x128xf32, #tpu.memory_space<hbm>>
      tpu.enqueue_indirect_dma source(%dma_start3A_96 : memref<10240x128xf32, #tpu.memory_space<hbm>>) target(%arg9 : memref<128x128xf32, #tpu.memory_space<vmem>>) offsets(%dma_start3A_93 : memref<128xi32, #tpu.memory_space<vmem>>) semaphore(%arg13 : memref<!tpu.dma_semaphore, #tpu.memory_space<semaphore_mem>>)
      %dma_wait3A_97 = arith.constant 2 : i32
      %dma_wait3A_98 = arith.constant 0 : i32
      %dma_wait3A_99 = arith.constant 0 : i32
      %dma_wait3A_100 = tpu.memref_slice %arg6[%dma_wait3A_97, %dma_wait3A_98, %dma_wait3A_99] : memref<10x2x128xi32, #tpu.memory_space<vmem>> -> memref<1x1x128xi32, #tpu.memory_space<vmem>>
      %dma_wait3A_101 = tpu.memref_squeeze %dma_wait3A_100 : memref<1x1x128xi32, #tpu.memory_space<vmem>> -> memref<128xi32, #tpu.memory_space<vmem>>
      %dma_wait3A_102 = arith.constant 0 : i32
      %dma_wait3A_103 = arith.constant 0 : i32
      %dma_wait3A_104 = tpu.memref_slice %arg2[%dma_wait3A_102, %dma_wait3A_103] : memref<10240x128xf32, #tpu.memory_space<hbm>> -> memref<10240x128xf32, #tpu.memory_space<hbm>>
      tpu.wait_indirect_dma semaphore(%arg12 : memref<!tpu.dma_semaphore, #tpu.memory_space<semaphore_mem>>) src(%dma_wait3A_104 : memref<10240x128xf32, #tpu.memory_space<hbm>>) dst(%arg8 : memref<128x128xf32, #tpu.memory_space<vmem>>)
      %run_scoped3A_105 = arith.constant 2 : i32
      %run_scoped3A_106 = arith.constant 1 : i32
      "tpu.region"() ({
        %run_scoped3A_422 = tpu.sem_alloc : memref<!tpu.dma_semaphore, #tpu.memory_space<semaphore_mem>>
        %dma_start3A_423 = arith.constant 0 : i32
        %dma_start3A_424 = tpu.memref_slice %arg6[%run_scoped3A_105, %run_scoped3A_106, %dma_start3A_423] : memref<10x2x128xi32, #tpu.memory_space<vmem>> -> memref<1x1x128xi32, #tpu.memory_space<vmem>>
        %dma_start3A_425 = tpu.memref_squeeze %dma_start3A_424 : memref<1x1x128xi32, #tpu.memory_space<vmem>> -> memref<128xi32, #tpu.memory_space<vmem>>
        %dma_start3A_426 = arith.constant 0 : i32
        %dma_start3A_427 = arith.constant 0 : i32
        %dma_start3A_428 = tpu.memref_slice %arg14[%dma_start3A_426, %dma_start3A_427] : memref<10240x128xf32, #tpu.memory_space<vmem_shared>> -> memref<10240x128xf32, #tpu.memory_space<vmem_shared>>
        tpu.enqueue_indirect_dma source(%arg8 : memref<128x128xf32, #tpu.memory_space<vmem>>) target(%dma_start3A_428 : memref<10240x128xf32, #tpu.memory_space<vmem_shared>>) offsets(%dma_start3A_425 : memref<128xi32, #tpu.memory_space<vmem>>) semaphore(%run_scoped3A_422 : memref<!tpu.dma_semaphore, #tpu.memory_space<semaphore_mem>>) {add = true}
        %dma_wait3A_429 = arith.constant 0 : i32
        %dma_wait3A_430 = tpu.memref_slice %arg6[%run_scoped3A_105, %run_scoped3A_106, %dma_wait3A_429] : memref<10x2x128xi32, #tpu.memory_space<vmem>> -> memref<1x1x128xi32, #tpu.memory_space<vmem>>
        %dma_wait3A_431 = tpu.memref_squeeze %dma_wait3A_430 : memref<1x1x128xi32, #tpu.memory_space<vmem>> -> memref<128xi32, #tpu.memory_space<vmem>>
        %dma_wait3A_432 = arith.constant 0 : i32
        %dma_wait3A_433 = arith.constant 0 : i32
        %dma_wait3A_434 = tpu.memref_slice %arg14[%dma_wait3A_432, %dma_wait3A_433] : memref<10240x128xf32, #tpu.memory_space<vmem_shared>> -> memref<10240x128xf32, #tpu.memory_space<vmem_shared>>
        tpu.wait_indirect_dma semaphore(%run_scoped3A_422 : memref<!tpu.dma_semaphore, #tpu.memory_space<semaphore_mem>>) src(%arg8 : memref<128x128xf32, #tpu.memory_space<vmem>>) dst(%dma_wait3A_434 : memref<10240x128xf32, #tpu.memory_space<vmem_shared>>)
        tpu.yield
      }) : () -> ()
      %dma_start3A_107 = arith.constant 4 : i32
      %dma_start3A_108 = arith.constant 0 : i32
      %dma_start3A_109 = arith.constant 0 : i32
      %dma_start3A_110 = tpu.memref_slice %arg6[%dma_start3A_107, %dma_start3A_108, %dma_start3A_109] : memref<10x2x128xi32, #tpu.memory_space<vmem>> -> memref<1x1x128xi32, #tpu.memory_space<vmem>>
      %dma_start3A_111 = tpu.memref_squeeze %dma_start3A_110 : memref<1x1x128xi32, #tpu.memory_space<vmem>> -> memref<128xi32, #tpu.memory_space<vmem>>
      %dma_start3A_112 = arith.constant 0 : i32
      %dma_start3A_113 = arith.constant 0 : i32
      %dma_start3A_114 = tpu.memref_slice %arg2[%dma_start3A_112, %dma_start3A_113] : memref<10240x128xf32, #tpu.memory_space<hbm>> -> memref<10240x128xf32, #tpu.memory_space<hbm>>
      tpu.enqueue_indirect_dma source(%dma_start3A_114 : memref<10240x128xf32, #tpu.memory_space<hbm>>) target(%arg8 : memref<128x128xf32, #tpu.memory_space<vmem>>) offsets(%dma_start3A_111 : memref<128xi32, #tpu.memory_space<vmem>>) semaphore(%arg12 : memref<!tpu.dma_semaphore, #tpu.memory_space<semaphore_mem>>)
      %dma_wait3A_115 = arith.constant 3 : i32
      %dma_wait3A_116 = arith.constant 0 : i32
      %dma_wait3A_117 = arith.constant 0 : i32
      %dma_wait3A_118 = tpu.memref_slice %arg6[%dma_wait3A_115, %dma_wait3A_116, %dma_wait3A_117] : memref<10x2x128xi32, #tpu.memory_space<vmem>> -> memref<1x1x128xi32, #tpu.memory_space<vmem>>
      %dma_wait3A_119 = tpu.memref_squeeze %dma_wait3A_118 : memref<1x1x128xi32, #tpu.memory_space<vmem>> -> memref<128xi32, #tpu.memory_space<vmem>>
      %dma_wait3A_120 = arith.constant 0 : i32
      %dma_wait3A_121 = arith.constant 0 : i32
      %dma_wait3A_122 = tpu.memref_slice %arg2[%dma_wait3A_120, %dma_wait3A_121] : memref<10240x128xf32, #tpu.memory_space<hbm>> -> memref<10240x128xf32, #tpu.memory_space<hbm>>
      tpu.wait_indirect_dma semaphore(%arg13 : memref<!tpu.dma_semaphore, #tpu.memory_space<semaphore_mem>>) src(%dma_wait3A_122 : memref<10240x128xf32, #tpu.memory_space<hbm>>) dst(%arg9 : memref<128x128xf32, #tpu.memory_space<vmem>>)
      %run_scoped3A_123 = arith.constant 3 : i32
      %run_scoped3A_124 = arith.constant 1 : i32
      "tpu.region"() ({
        %run_scoped3A_422 = tpu.sem_alloc : memref<!tpu.dma_semaphore, #tpu.memory_space<semaphore_mem>>
        %dma_start3A_423 = arith.constant 0 : i32
        %dma_start3A_424 = tpu.memref_slice %arg6[%run_scoped3A_123, %run_scoped3A_124, %dma_start3A_423] : memref<10x2x128xi32, #tpu.memory_space<vmem>> -> memref<1x1x128xi32, #tpu.memory_space<vmem>>
        %dma_start3A_425 = tpu.memref_squeeze %dma_start3A_424 : memref<1x1x128xi32, #tpu.memory_space<vmem>> -> memref<128xi32, #tpu.memory_space<vmem>>
        %dma_start3A_426 = arith.constant 0 : i32
        %dma_start3A_427 = arith.constant 0 : i32
        %dma_start3A_428 = tpu.memref_slice %arg14[%dma_start3A_426, %dma_start3A_427] : memref<10240x128xf32, #tpu.memory_space<vmem_shared>> -> memref<10240x128xf32, #tpu.memory_space<vmem_shared>>
        tpu.enqueue_indirect_dma source(%arg9 : memref<128x128xf32, #tpu.memory_space<vmem>>) target(%dma_start3A_428 : memref<10240x128xf32, #tpu.memory_space<vmem_shared>>) offsets(%dma_start3A_425 : memref<128xi32, #tpu.memory_space<vmem>>) semaphore(%run_scoped3A_422 : memref<!tpu.dma_semaphore, #tpu.memory_space<semaphore_mem>>) {add = true}
        %dma_wait3A_429 = arith.constant 0 : i32
        %dma_wait3A_430 = tpu.memref_slice %arg6[%run_scoped3A_123, %run_scoped3A_124, %dma_wait3A_429] : memref<10x2x128xi32, #tpu.memory_space<vmem>> -> memref<1x1x128xi32, #tpu.memory_space<vmem>>
        %dma_wait3A_431 = tpu.memref_squeeze %dma_wait3A_430 : memref<1x1x128xi32, #tpu.memory_space<vmem>> -> memref<128xi32, #tpu.memory_space<vmem>>
        %dma_wait3A_432 = arith.constant 0 : i32
        %dma_wait3A_433 = arith.constant 0 : i32
        %dma_wait3A_434 = tpu.memref_slice %arg14[%dma_wait3A_432, %dma_wait3A_433] : memref<10240x128xf32, #tpu.memory_space<vmem_shared>> -> memref<10240x128xf32, #tpu.memory_space<vmem_shared>>
        tpu.wait_indirect_dma semaphore(%run_scoped3A_422 : memref<!tpu.dma_semaphore, #tpu.memory_space<semaphore_mem>>) src(%arg9 : memref<128x128xf32, #tpu.memory_space<vmem>>) dst(%dma_wait3A_434 : memref<10240x128xf32, #tpu.memory_space<vmem_shared>>)
        tpu.yield
      }) : () -> ()
      %dma_start3A_125 = arith.constant 5 : i32
      %dma_start3A_126 = arith.constant 0 : i32
      %dma_start3A_127 = arith.constant 0 : i32
      %dma_start3A_128 = tpu.memref_slice %arg6[%dma_start3A_125, %dma_start3A_126, %dma_start3A_127] : memref<10x2x128xi32, #tpu.memory_space<vmem>> -> memref<1x1x128xi32, #tpu.memory_space<vmem>>
      %dma_start3A_129 = tpu.memref_squeeze %dma_start3A_128 : memref<1x1x128xi32, #tpu.memory_space<vmem>> -> memref<128xi32, #tpu.memory_space<vmem>>
      %dma_start3A_130 = arith.constant 0 : i32
      %dma_start3A_131 = arith.constant 0 : i32
      %dma_start3A_132 = tpu.memref_slice %arg2[%dma_start3A_130, %dma_start3A_131] : memref<10240x128xf32, #tpu.memory_space<hbm>> -> memref<10240x128xf32, #tpu.memory_space<hbm>>
      tpu.enqueue_indirect_dma source(%dma_start3A_132 : memref<10240x128xf32, #tpu.memory_space<hbm>>) target(%arg9 : memref<128x128xf32, #tpu.memory_space<vmem>>) offsets(%dma_start3A_129 : memref<128xi32, #tpu.memory_space<vmem>>) semaphore(%arg13 : memref<!tpu.dma_semaphore, #tpu.memory_space<semaphore_mem>>)
      %dma_wait3A_133 = arith.constant 4 : i32
      %dma_wait3A_134 = arith.constant 0 : i32
      %dma_wait3A_135 = arith.constant 0 : i32
      %dma_wait3A_136 = tpu.memref_slice %arg6[%dma_wait3A_133, %dma_wait3A_134, %dma_wait3A_135] : memref<10x2x128xi32, #tpu.memory_space<vmem>> -> memref<1x1x128xi32, #tpu.memory_space<vmem>>
      %dma_wait3A_137 = tpu.memref_squeeze %dma_wait3A_136 : memref<1x1x128xi32, #tpu.memory_space<vmem>> -> memref<128xi32, #tpu.memory_space<vmem>>
      %dma_wait3A_138 = arith.constant 0 : i32
      %dma_wait3A_139 = arith.constant 0 : i32
      %dma_wait3A_140 = tpu.memref_slice %arg2[%dma_wait3A_138, %dma_wait3A_139] : memref<10240x128xf32, #tpu.memory_space<hbm>> -> memref<10240x128xf32, #tpu.memory_space<hbm>>
      tpu.wait_indirect_dma semaphore(%arg12 : memref<!tpu.dma_semaphore, #tpu.memory_space<semaphore_mem>>) src(%dma_wait3A_140 : memref<10240x128xf32, #tpu.memory_space<hbm>>) dst(%arg8 : memref<128x128xf32, #tpu.memory_space<vmem>>)
      %run_scoped3A_141 = arith.constant 4 : i32
      %run_scoped3A_142 = arith.constant 1 : i32
      "tpu.region"() ({
        %run_scoped3A_422 = tpu.sem_alloc : memref<!tpu.dma_semaphore, #tpu.memory_space<semaphore_mem>>
        %dma_start3A_423 = arith.constant 0 : i32
        %dma_start3A_424 = tpu.memref_slice %arg6[%run_scoped3A_141, %run_scoped3A_142, %dma_start3A_423] : memref<10x2x128xi32, #tpu.memory_space<vmem>> -> memref<1x1x128xi32, #tpu.memory_space<vmem>>
        %dma_start3A_425 = tpu.memref_squeeze %dma_start3A_424 : memref<1x1x128xi32, #tpu.memory_space<vmem>> -> memref<128xi32, #tpu.memory_space<vmem>>
        %dma_start3A_426 = arith.constant 0 : i32
        %dma_start3A_427 = arith.constant 0 : i32
        %dma_start3A_428 = tpu.memref_slice %arg14[%dma_start3A_426, %dma_start3A_427] : memref<10240x128xf32, #tpu.memory_space<vmem_shared>> -> memref<10240x128xf32, #tpu.memory_space<vmem_shared>>
        tpu.enqueue_indirect_dma source(%arg8 : memref<128x128xf32, #tpu.memory_space<vmem>>) target(%dma_start3A_428 : memref<10240x128xf32, #tpu.memory_space<vmem_shared>>) offsets(%dma_start3A_425 : memref<128xi32, #tpu.memory_space<vmem>>) semaphore(%run_scoped3A_422 : memref<!tpu.dma_semaphore, #tpu.memory_space<semaphore_mem>>) {add = true}
        %dma_wait3A_429 = arith.constant 0 : i32
        %dma_wait3A_430 = tpu.memref_slice %arg6[%run_scoped3A_141, %run_scoped3A_142, %dma_wait3A_429] : memref<10x2x128xi32, #tpu.memory_space<vmem>> -> memref<1x1x128xi32, #tpu.memory_space<vmem>>
        %dma_wait3A_431 = tpu.memref_squeeze %dma_wait3A_430 : memref<1x1x128xi32, #tpu.memory_space<vmem>> -> memref<128xi32, #tpu.memory_space<vmem>>
        %dma_wait3A_432 = arith.constant 0 : i32
        %dma_wait3A_433 = arith.constant 0 : i32
        %dma_wait3A_434 = tpu.memref_slice %arg14[%dma_wait3A_432, %dma_wait3A_433] : memref<10240x128xf32, #tpu.memory_space<vmem_shared>> -> memref<10240x128xf32, #tpu.memory_space<vmem_shared>>
        tpu.wait_indirect_dma semaphore(%run_scoped3A_422 : memref<!tpu.dma_semaphore, #tpu.memory_space<semaphore_mem>>) src(%arg8 : memref<128x128xf32, #tpu.memory_space<vmem>>) dst(%dma_wait3A_434 : memref<10240x128xf32, #tpu.memory_space<vmem_shared>>)
        tpu.yield
      }) : () -> ()
      %dma_start3A_143 = arith.constant 6 : i32
      %dma_start3A_144 = arith.constant 0 : i32
      %dma_start3A_145 = arith.constant 0 : i32
      %dma_start3A_146 = tpu.memref_slice %arg6[%dma_start3A_143, %dma_start3A_144, %dma_start3A_145] : memref<10x2x128xi32, #tpu.memory_space<vmem>> -> memref<1x1x128xi32, #tpu.memory_space<vmem>>
      %dma_start3A_147 = tpu.memref_squeeze %dma_start3A_146 : memref<1x1x128xi32, #tpu.memory_space<vmem>> -> memref<128xi32, #tpu.memory_space<vmem>>
      %dma_start3A_148 = arith.constant 0 : i32
      %dma_start3A_149 = arith.constant 0 : i32
      %dma_start3A_150 = tpu.memref_slice %arg2[%dma_start3A_148, %dma_start3A_149] : memref<10240x128xf32, #tpu.memory_space<hbm>> -> memref<10240x128xf32, #tpu.memory_space<hbm>>
      tpu.enqueue_indirect_dma source(%dma_start3A_150 : memref<10240x128xf32, #tpu.memory_space<hbm>>) target(%arg8 : memref<128x128xf32, #tpu.memory_space<vmem>>) offsets(%dma_start3A_147 : memref<128xi32, #tpu.memory_space<vmem>>) semaphore(%arg12 : memref<!tpu.dma_semaphore, #tpu.memory_space<semaphore_mem>>)
      %dma_wait3A_151 = arith.constant 5 : i32
      %dma_wait3A_152 = arith.constant 0 : i32
      %dma_wait3A_153 = arith.constant 0 : i32
      %dma_wait3A_154 = tpu.memref_slice %arg6[%dma_wait3A_151, %dma_wait3A_152, %dma_wait3A_153] : memref<10x2x128xi32, #tpu.memory_space<vmem>> -> memref<1x1x128xi32, #tpu.memory_space<vmem>>
      %dma_wait3A_155 = tpu.memref_squeeze %dma_wait3A_154 : memref<1x1x128xi32, #tpu.memory_space<vmem>> -> memref<128xi32, #tpu.memory_space<vmem>>
      %dma_wait3A_156 = arith.constant 0 : i32
      %dma_wait3A_157 = arith.constant 0 : i32
      %dma_wait3A_158 = tpu.memref_slice %arg2[%dma_wait3A_156, %dma_wait3A_157] : memref<10240x128xf32, #tpu.memory_space<hbm>> -> memref<10240x128xf32, #tpu.memory_space<hbm>>
      tpu.wait_indirect_dma semaphore(%arg13 : memref<!tpu.dma_semaphore, #tpu.memory_space<semaphore_mem>>) src(%dma_wait3A_158 : memref<10240x128xf32, #tpu.memory_space<hbm>>) dst(%arg9 : memref<128x128xf32, #tpu.memory_space<vmem>>)
      %run_scoped3A_159 = arith.constant 5 : i32
      %run_scoped3A_160 = arith.constant 1 : i32
      "tpu.region"() ({
        %run_scoped3A_422 = tpu.sem_alloc : memref<!tpu.dma_semaphore, #tpu.memory_space<semaphore_mem>>
        %dma_start3A_423 = arith.constant 0 : i32
        %dma_start3A_424 = tpu.memref_slice %arg6[%run_scoped3A_159, %run_scoped3A_160, %dma_start3A_423] : memref<10x2x128xi32, #tpu.memory_space<vmem>> -> memref<1x1x128xi32, #tpu.memory_space<vmem>>
        %dma_start3A_425 = tpu.memref_squeeze %dma_start3A_424 : memref<1x1x128xi32, #tpu.memory_space<vmem>> -> memref<128xi32, #tpu.memory_space<vmem>>
        %dma_start3A_426 = arith.constant 0 : i32
        %dma_start3A_427 = arith.constant 0 : i32
        %dma_start3A_428 = tpu.memref_slice %arg14[%dma_start3A_426, %dma_start3A_427] : memref<10240x128xf32, #tpu.memory_space<vmem_shared>> -> memref<10240x128xf32, #tpu.memory_space<vmem_shared>>
        tpu.enqueue_indirect_dma source(%arg9 : memref<128x128xf32, #tpu.memory_space<vmem>>) target(%dma_start3A_428 : memref<10240x128xf32, #tpu.memory_space<vmem_shared>>) offsets(%dma_start3A_425 : memref<128xi32, #tpu.memory_space<vmem>>) semaphore(%run_scoped3A_422 : memref<!tpu.dma_semaphore, #tpu.memory_space<semaphore_mem>>) {add = true}
        %dma_wait3A_429 = arith.constant 0 : i32
        %dma_wait3A_430 = tpu.memref_slice %arg6[%run_scoped3A_159, %run_scoped3A_160, %dma_wait3A_429] : memref<10x2x128xi32, #tpu.memory_space<vmem>> -> memref<1x1x128xi32, #tpu.memory_space<vmem>>
        %dma_wait3A_431 = tpu.memref_squeeze %dma_wait3A_430 : memref<1x1x128xi32, #tpu.memory_space<vmem>> -> memref<128xi32, #tpu.memory_space<vmem>>
        %dma_wait3A_432 = arith.constant 0 : i32
        %dma_wait3A_433 = arith.constant 0 : i32
        %dma_wait3A_434 = tpu.memref_slice %arg14[%dma_wait3A_432, %dma_wait3A_433] : memref<10240x128xf32, #tpu.memory_space<vmem_shared>> -> memref<10240x128xf32, #tpu.memory_space<vmem_shared>>
        tpu.wait_indirect_dma semaphore(%run_scoped3A_422 : memref<!tpu.dma_semaphore, #tpu.memory_space<semaphore_mem>>) src(%arg9 : memref<128x128xf32, #tpu.memory_space<vmem>>) dst(%dma_wait3A_434 : memref<10240x128xf32, #tpu.memory_space<vmem_shared>>)
        tpu.yield
      }) : () -> ()
      %dma_start3A_161 = arith.constant 7 : i32
      %dma_start3A_162 = arith.constant 0 : i32
      %dma_start3A_163 = arith.constant 0 : i32
      %dma_start3A_164 = tpu.memref_slice %arg6[%dma_start3A_161, %dma_start3A_162, %dma_start3A_163] : memref<10x2x128xi32, #tpu.memory_space<vmem>> -> memref<1x1x128xi32, #tpu.memory_space<vmem>>
      %dma_start3A_165 = tpu.memref_squeeze %dma_start3A_164 : memref<1x1x128xi32, #tpu.memory_space<vmem>> -> memref<128xi32, #tpu.memory_space<vmem>>
      %dma_start3A_166 = arith.constant 0 : i32
      %dma_start3A_167 = arith.constant 0 : i32
      %dma_start3A_168 = tpu.memref_slice %arg2[%dma_start3A_166, %dma_start3A_167] : memref<10240x128xf32, #tpu.memory_space<hbm>> -> memref<10240x128xf32, #tpu.memory_space<hbm>>
      tpu.enqueue_indirect_dma source(%dma_start3A_168 : memref<10240x128xf32, #tpu.memory_space<hbm>>) target(%arg9 : memref<128x128xf32, #tpu.memory_space<vmem>>) offsets(%dma_start3A_165 : memref<128xi32, #tpu.memory_space<vmem>>) semaphore(%arg13 : memref<!tpu.dma_semaphore, #tpu.memory_space<semaphore_mem>>)
      %dma_wait3A_169 = arith.constant 6 : i32
      %dma_wait3A_170 = arith.constant 0 : i32
      %dma_wait3A_171 = arith.constant 0 : i32
      %dma_wait3A_172 = tpu.memref_slice %arg6[%dma_wait3A_169, %dma_wait3A_170, %dma_wait3A_171] : memref<10x2x128xi32, #tpu.memory_space<vmem>> -> memref<1x1x128xi32, #tpu.memory_space<vmem>>
      %dma_wait3A_173 = tpu.memref_squeeze %dma_wait3A_172 : memref<1x1x128xi32, #tpu.memory_space<vmem>> -> memref<128xi32, #tpu.memory_space<vmem>>
      %dma_wait3A_174 = arith.constant 0 : i32
      %dma_wait3A_175 = arith.constant 0 : i32
      %dma_wait3A_176 = tpu.memref_slice %arg2[%dma_wait3A_174, %dma_wait3A_175] : memref<10240x128xf32, #tpu.memory_space<hbm>> -> memref<10240x128xf32, #tpu.memory_space<hbm>>
      tpu.wait_indirect_dma semaphore(%arg12 : memref<!tpu.dma_semaphore, #tpu.memory_space<semaphore_mem>>) src(%dma_wait3A_176 : memref<10240x128xf32, #tpu.memory_space<hbm>>) dst(%arg8 : memref<128x128xf32, #tpu.memory_space<vmem>>)
      %run_scoped3A_177 = arith.constant 6 : i32
      %run_scoped3A_178 = arith.constant 1 : i32
      "tpu.region"() ({
        %run_scoped3A_422 = tpu.sem_alloc : memref<!tpu.dma_semaphore, #tpu.memory_space<semaphore_mem>>
        %dma_start3A_423 = arith.constant 0 : i32
        %dma_start3A_424 = tpu.memref_slice %arg6[%run_scoped3A_177, %run_scoped3A_178, %dma_start3A_423] : memref<10x2x128xi32, #tpu.memory_space<vmem>> -> memref<1x1x128xi32, #tpu.memory_space<vmem>>
        %dma_start3A_425 = tpu.memref_squeeze %dma_start3A_424 : memref<1x1x128xi32, #tpu.memory_space<vmem>> -> memref<128xi32, #tpu.memory_space<vmem>>
        %dma_start3A_426 = arith.constant 0 : i32
        %dma_start3A_427 = arith.constant 0 : i32
        %dma_start3A_428 = tpu.memref_slice %arg14[%dma_start3A_426, %dma_start3A_427] : memref<10240x128xf32, #tpu.memory_space<vmem_shared>> -> memref<10240x128xf32, #tpu.memory_space<vmem_shared>>
        tpu.enqueue_indirect_dma source(%arg8 : memref<128x128xf32, #tpu.memory_space<vmem>>) target(%dma_start3A_428 : memref<10240x128xf32, #tpu.memory_space<vmem_shared>>) offsets(%dma_start3A_425 : memref<128xi32, #tpu.memory_space<vmem>>) semaphore(%run_scoped3A_422 : memref<!tpu.dma_semaphore, #tpu.memory_space<semaphore_mem>>) {add = true}
        %dma_wait3A_429 = arith.constant 0 : i32
        %dma_wait3A_430 = tpu.memref_slice %arg6[%run_scoped3A_177, %run_scoped3A_178, %dma_wait3A_429] : memref<10x2x128xi32, #tpu.memory_space<vmem>> -> memref<1x1x128xi32, #tpu.memory_space<vmem>>
        %dma_wait3A_431 = tpu.memref_squeeze %dma_wait3A_430 : memref<1x1x128xi32, #tpu.memory_space<vmem>> -> memref<128xi32, #tpu.memory_space<vmem>>
        %dma_wait3A_432 = arith.constant 0 : i32
        %dma_wait3A_433 = arith.constant 0 : i32
        %dma_wait3A_434 = tpu.memref_slice %arg14[%dma_wait3A_432, %dma_wait3A_433] : memref<10240x128xf32, #tpu.memory_space<vmem_shared>> -> memref<10240x128xf32, #tpu.memory_space<vmem_shared>>
        tpu.wait_indirect_dma semaphore(%run_scoped3A_422 : memref<!tpu.dma_semaphore, #tpu.memory_space<semaphore_mem>>) src(%arg8 : memref<128x128xf32, #tpu.memory_space<vmem>>) dst(%dma_wait3A_434 : memref<10240x128xf32, #tpu.memory_space<vmem_shared>>)
        tpu.yield
      }) : () -> ()
      %dma_start3A_179 = arith.constant 8 : i32
      %dma_start3A_180 = arith.constant 0 : i32
      %dma_start3A_181 = arith.constant 0 : i32
      %dma_start3A_182 = tpu.memref_slice %arg6[%dma_start3A_179, %dma_start3A_180, %dma_start3A_181] : memref<10x2x128xi32, #tpu.memory_space<vmem>> -> memref<1x1x128xi32, #tpu.memory_space<vmem>>
      %dma_start3A_183 = tpu.memref_squeeze %dma_start3A_182 : memref<1x1x128xi32, #tpu.memory_space<vmem>> -> memref<128xi32, #tpu.memory_space<vmem>>
      %dma_start3A_184 = arith.constant 0 : i32
      %dma_start3A_185 = arith.constant 0 : i32
      %dma_start3A_186 = tpu.memref_slice %arg2[%dma_start3A_184, %dma_start3A_185] : memref<10240x128xf32, #tpu.memory_space<hbm>> -> memref<10240x128xf32, #tpu.memory_space<hbm>>
      tpu.enqueue_indirect_dma source(%dma_start3A_186 : memref<10240x128xf32, #tpu.memory_space<hbm>>) target(%arg8 : memref<128x128xf32, #tpu.memory_space<vmem>>) offsets(%dma_start3A_183 : memref<128xi32, #tpu.memory_space<vmem>>) semaphore(%arg12 : memref<!tpu.dma_semaphore, #tpu.memory_space<semaphore_mem>>)
      %dma_wait3A_187 = arith.constant 7 : i32
      %dma_wait3A_188 = arith.constant 0 : i32
      %dma_wait3A_189 = arith.constant 0 : i32
      %dma_wait3A_190 = tpu.memref_slice %arg6[%dma_wait3A_187, %dma_wait3A_188, %dma_wait3A_189] : memref<10x2x128xi32, #tpu.memory_space<vmem>> -> memref<1x1x128xi32, #tpu.memory_space<vmem>>
      %dma_wait3A_191 = tpu.memref_squeeze %dma_wait3A_190 : memref<1x1x128xi32, #tpu.memory_space<vmem>> -> memref<128xi32, #tpu.memory_space<vmem>>
      %dma_wait3A_192 = arith.constant 0 : i32
      %dma_wait3A_193 = arith.constant 0 : i32
      %dma_wait3A_194 = tpu.memref_slice %arg2[%dma_wait3A_192, %dma_wait3A_193] : memref<10240x128xf32, #tpu.memory_space<hbm>> -> memref<10240x128xf32, #tpu.memory_space<hbm>>
      tpu.wait_indirect_dma semaphore(%arg13 : memref<!tpu.dma_semaphore, #tpu.memory_space<semaphore_mem>>) src(%dma_wait3A_194 : memref<10240x128xf32, #tpu.memory_space<hbm>>) dst(%arg9 : memref<128x128xf32, #tpu.memory_space<vmem>>)
      %run_scoped3A_195 = arith.constant 7 : i32
      %run_scoped3A_196 = arith.constant 1 : i32
      "tpu.region"() ({
        %run_scoped3A_422 = tpu.sem_alloc : memref<!tpu.dma_semaphore, #tpu.memory_space<semaphore_mem>>
        %dma_start3A_423 = arith.constant 0 : i32
        %dma_start3A_424 = tpu.memref_slice %arg6[%run_scoped3A_195, %run_scoped3A_196, %dma_start3A_423] : memref<10x2x128xi32, #tpu.memory_space<vmem>> -> memref<1x1x128xi32, #tpu.memory_space<vmem>>
        %dma_start3A_425 = tpu.memref_squeeze %dma_start3A_424 : memref<1x1x128xi32, #tpu.memory_space<vmem>> -> memref<128xi32, #tpu.memory_space<vmem>>
        %dma_start3A_426 = arith.constant 0 : i32
        %dma_start3A_427 = arith.constant 0 : i32
        %dma_start3A_428 = tpu.memref_slice %arg14[%dma_start3A_426, %dma_start3A_427] : memref<10240x128xf32, #tpu.memory_space<vmem_shared>> -> memref<10240x128xf32, #tpu.memory_space<vmem_shared>>
        tpu.enqueue_indirect_dma source(%arg9 : memref<128x128xf32, #tpu.memory_space<vmem>>) target(%dma_start3A_428 : memref<10240x128xf32, #tpu.memory_space<vmem_shared>>) offsets(%dma_start3A_425 : memref<128xi32, #tpu.memory_space<vmem>>) semaphore(%run_scoped3A_422 : memref<!tpu.dma_semaphore, #tpu.memory_space<semaphore_mem>>) {add = true}
        %dma_wait3A_429 = arith.constant 0 : i32
        %dma_wait3A_430 = tpu.memref_slice %arg6[%run_scoped3A_195, %run_scoped3A_196, %dma_wait3A_429] : memref<10x2x128xi32, #tpu.memory_space<vmem>> -> memref<1x1x128xi32, #tpu.memory_space<vmem>>
        %dma_wait3A_431 = tpu.memref_squeeze %dma_wait3A_430 : memref<1x1x128xi32, #tpu.memory_space<vmem>> -> memref<128xi32, #tpu.memory_space<vmem>>
        %dma_wait3A_432 = arith.constant 0 : i32
        %dma_wait3A_433 = arith.constant 0 : i32
        %dma_wait3A_434 = tpu.memref_slice %arg14[%dma_wait3A_432, %dma_wait3A_433] : memref<10240x128xf32, #tpu.memory_space<vmem_shared>> -> memref<10240x128xf32, #tpu.memory_space<vmem_shared>>
        tpu.wait_indirect_dma semaphore(%run_scoped3A_422 : memref<!tpu.dma_semaphore, #tpu.memory_space<semaphore_mem>>) src(%arg9 : memref<128x128xf32, #tpu.memory_space<vmem>>) dst(%dma_wait3A_434 : memref<10240x128xf32, #tpu.memory_space<vmem_shared>>)
        tpu.yield
      }) : () -> ()
      %dma_start3A_197 = arith.constant 9 : i32
      %dma_start3A_198 = arith.constant 0 : i32
      %dma_start3A_199 = arith.constant 0 : i32
      %dma_start3A_200 = tpu.memref_slice %arg6[%dma_start3A_197, %dma_start3A_198, %dma_start3A_199] : memref<10x2x128xi32, #tpu.memory_space<vmem>> -> memref<1x1x128xi32, #tpu.memory_space<vmem>>
      %dma_start3A_201 = tpu.memref_squeeze %dma_start3A_200 : memref<1x1x128xi32, #tpu.memory_space<vmem>> -> memref<128xi32, #tpu.memory_space<vmem>>
      %dma_start3A_202 = arith.constant 0 : i32
      %dma_start3A_203 = arith.constant 0 : i32
      %dma_start3A_204 = tpu.memref_slice %arg2[%dma_start3A_202, %dma_start3A_203] : memref<10240x128xf32, #tpu.memory_space<hbm>> -> memref<10240x128xf32, #tpu.memory_space<hbm>>
      tpu.enqueue_indirect_dma source(%dma_start3A_204 : memref<10240x128xf32, #tpu.memory_space<hbm>>) target(%arg9 : memref<128x128xf32, #tpu.memory_space<vmem>>) offsets(%dma_start3A_201 : memref<128xi32, #tpu.memory_space<vmem>>) semaphore(%arg13 : memref<!tpu.dma_semaphore, #tpu.memory_space<semaphore_mem>>)
      %dma_wait3A_205 = arith.constant 8 : i32
      %dma_wait3A_206 = arith.constant 0 : i32
      %dma_wait3A_207 = arith.constant 0 : i32
      %dma_wait3A_208 = tpu.memref_slice %arg6[%dma_wait3A_205, %dma_wait3A_206, %dma_wait3A_207] : memref<10x2x128xi32, #tpu.memory_space<vmem>> -> memref<1x1x128xi32, #tpu.memory_space<vmem>>
      %dma_wait3A_209 = tpu.memref_squeeze %dma_wait3A_208 : memref<1x1x128xi32, #tpu.memory_space<vmem>> -> memref<128xi32, #tpu.memory_space<vmem>>
      %dma_wait3A_210 = arith.constant 0 : i32
      %dma_wait3A_211 = arith.constant 0 : i32
      %dma_wait3A_212 = tpu.memref_slice %arg2[%dma_wait3A_210, %dma_wait3A_211] : memref<10240x128xf32, #tpu.memory_space<hbm>> -> memref<10240x128xf32, #tpu.memory_space<hbm>>
      tpu.wait_indirect_dma semaphore(%arg12 : memref<!tpu.dma_semaphore, #tpu.memory_space<semaphore_mem>>) src(%dma_wait3A_212 : memref<10240x128xf32, #tpu.memory_space<hbm>>) dst(%arg8 : memref<128x128xf32, #tpu.memory_space<vmem>>)
      %run_scoped3A_213 = arith.constant 8 : i32
      %run_scoped3A_214 = arith.constant 1 : i32
      "tpu.region"() ({
        %run_scoped3A_422 = tpu.sem_alloc : memref<!tpu.dma_semaphore, #tpu.memory_space<semaphore_mem>>
        %dma_start3A_423 = arith.constant 0 : i32
        %dma_start3A_424 = tpu.memref_slice %arg6[%run_scoped3A_213, %run_scoped3A_214, %dma_start3A_423] : memref<10x2x128xi32, #tpu.memory_space<vmem>> -> memref<1x1x128xi32, #tpu.memory_space<vmem>>
        %dma_start3A_425 = tpu.memref_squeeze %dma_start3A_424 : memref<1x1x128xi32, #tpu.memory_space<vmem>> -> memref<128xi32, #tpu.memory_space<vmem>>
        %dma_start3A_426 = arith.constant 0 : i32
        %dma_start3A_427 = arith.constant 0 : i32
        %dma_start3A_428 = tpu.memref_slice %arg14[%dma_start3A_426, %dma_start3A_427] : memref<10240x128xf32, #tpu.memory_space<vmem_shared>> -> memref<10240x128xf32, #tpu.memory_space<vmem_shared>>
        tpu.enqueue_indirect_dma source(%arg8 : memref<128x128xf32, #tpu.memory_space<vmem>>) target(%dma_start3A_428 : memref<10240x128xf32, #tpu.memory_space<vmem_shared>>) offsets(%dma_start3A_425 : memref<128xi32, #tpu.memory_space<vmem>>) semaphore(%run_scoped3A_422 : memref<!tpu.dma_semaphore, #tpu.memory_space<semaphore_mem>>) {add = true}
        %dma_wait3A_429 = arith.constant 0 : i32
        %dma_wait3A_430 = tpu.memref_slice %arg6[%run_scoped3A_213, %run_scoped3A_214, %dma_wait3A_429] : memref<10x2x128xi32, #tpu.memory_space<vmem>> -> memref<1x1x128xi32, #tpu.memory_space<vmem>>
        %dma_wait3A_431 = tpu.memref_squeeze %dma_wait3A_430 : memref<1x1x128xi32, #tpu.memory_space<vmem>> -> memref<128xi32, #tpu.memory_space<vmem>>
        %dma_wait3A_432 = arith.constant 0 : i32
        %dma_wait3A_433 = arith.constant 0 : i32
        %dma_wait3A_434 = tpu.memref_slice %arg14[%dma_wait3A_432, %dma_wait3A_433] : memref<10240x128xf32, #tpu.memory_space<vmem_shared>> -> memref<10240x128xf32, #tpu.memory_space<vmem_shared>>
        tpu.wait_indirect_dma semaphore(%run_scoped3A_422 : memref<!tpu.dma_semaphore, #tpu.memory_space<semaphore_mem>>) src(%arg8 : memref<128x128xf32, #tpu.memory_space<vmem>>) dst(%dma_wait3A_434 : memref<10240x128xf32, #tpu.memory_space<vmem_shared>>)
        tpu.yield
      }) : () -> ()
      %lt3A = arith.constant 7 : i32
      %lt3A_215 = arith.cmpi slt, %add3A_53, %lt3A : i32
      %convert_element_type3A = arith.extui %lt3A_215 : i1 to i32
      %cond3A = arith.constant 0 : i32
      %cond3A_216 = arith.cmpi ne, %convert_element_type3A, %cond3A : i32
      scf.if %cond3A_216 {
        %add3A_422 = arith.constant 1 : i32
        %add3A_423 = arith.addi %add3A_53, %add3A_422 : i32
        %mul3A_424 = arith.constant 10 : i32
        %mul3A_425 = arith.muli %add3A_423, %mul3A_424 : i32
        %dma_wait3A_426 = arith.constant 0 : i32
        %dma_wait3A_427 = arith.constant 0 : i32
        %dma_wait3A_428 = tpu.memref_slice %arg3[%add3A, %mul3A_425, %dma_wait3A_426, %dma_wait3A_427] : memref<32x80x2x128xi32, #tpu.memory_space<hbm>> -> memref<1x10x2x128xi32, #tpu.memory_space<hbm>>
        %dma_wait3A_429 = tpu.memref_squeeze %dma_wait3A_428 : memref<1x10x2x128xi32, #tpu.memory_space<hbm>> -> memref<10x2x128xi32, #tpu.memory_space<hbm>>
        %dma_wait3A_430 = arith.constant 0 : i32
        %dma_wait3A_431 = arith.constant 0 : i32
        %dma_wait3A_432 = tpu.memref_slice %arg3[%add3A, %mul3A_425, %dma_wait3A_430, %dma_wait3A_431] : memref<32x80x2x128xi32, #tpu.memory_space<hbm>> -> memref<1x10x2x128xi32, #tpu.memory_space<hbm>>
        %dma_wait3A_433 = tpu.memref_squeeze %dma_wait3A_432 : memref<1x10x2x128xi32, #tpu.memory_space<hbm>> -> memref<10x2x128xi32, #tpu.memory_space<hbm>>
        tpu.wait_dma2 semaphore(%arg11 : memref<!tpu.dma_semaphore, #tpu.memory_space<semaphore_mem>>) src(%dma_wait3A_433 : memref<10x2x128xi32, #tpu.memory_space<hbm>>) dst(%arg7 : memref<10x2x128xi32, #tpu.memory_space<vmem>>)
        %dma_start3A_434 = arith.constant 0 : i32
        %dma_start3A_435 = arith.constant 0 : i32
        %dma_start3A_436 = arith.constant 0 : i32
        %dma_start3A_437 = tpu.memref_slice %arg7[%dma_start3A_434, %dma_start3A_435, %dma_start3A_436] : memref<10x2x128xi32, #tpu.memory_space<vmem>> -> memref<1x1x128xi32, #tpu.memory_space<vmem>>
        %dma_start3A_438 = tpu.memref_squeeze %dma_start3A_437 : memref<1x1x128xi32, #tpu.memory_space<vmem>> -> memref<128xi32, #tpu.memory_space<vmem>>
        %dma_start3A_439 = arith.constant 0 : i32
        %dma_start3A_440 = arith.constant 0 : i32
        %dma_start3A_441 = tpu.memref_slice %arg2[%dma_start3A_439, %dma_start3A_440] : memref<10240x128xf32, #tpu.memory_space<hbm>> -> memref<10240x128xf32, #tpu.memory_space<hbm>>
        tpu.enqueue_indirect_dma source(%dma_start3A_441 : memref<10240x128xf32, #tpu.memory_space<hbm>>) target(%arg8 : memref<128x128xf32, #tpu.memory_space<vmem>>) offsets(%dma_start3A_438 : memref<128xi32, #tpu.memory_space<vmem>>) semaphore(%arg12 : memref<!tpu.dma_semaphore, #tpu.memory_space<semaphore_mem>>)
      } else {
      }
      %dma_wait3A_217 = arith.constant 9 : i32
      %dma_wait3A_218 = arith.constant 0 : i32
      %dma_wait3A_219 = arith.constant 0 : i32
      %dma_wait3A_220 = tpu.memref_slice %arg6[%dma_wait3A_217, %dma_wait3A_218, %dma_wait3A_219] : memref<10x2x128xi32, #tpu.memory_space<vmem>> -> memref<1x1x128xi32, #tpu.memory_space<vmem>>
      %dma_wait3A_221 = tpu.memref_squeeze %dma_wait3A_220 : memref<1x1x128xi32, #tpu.memory_space<vmem>> -> memref<128xi32, #tpu.memory_space<vmem>>
      %dma_wait3A_222 = arith.constant 0 : i32
      %dma_wait3A_223 = arith.constant 0 : i32
      %dma_wait3A_224 = tpu.memref_slice %arg2[%dma_wait3A_222, %dma_wait3A_223] : memref<10240x128xf32, #tpu.memory_space<hbm>> -> memref<10240x128xf32, #tpu.memory_space<hbm>>
      tpu.wait_indirect_dma semaphore(%arg13 : memref<!tpu.dma_semaphore, #tpu.memory_space<semaphore_mem>>) src(%dma_wait3A_224 : memref<10240x128xf32, #tpu.memory_space<hbm>>) dst(%arg9 : memref<128x128xf32, #tpu.memory_space<vmem>>)
      %run_scoped3A_225 = arith.constant 9 : i32
      %run_scoped3A_226 = arith.constant 1 : i32
      "tpu.region"() ({
        %run_scoped3A_422 = tpu.sem_alloc : memref<!tpu.dma_semaphore, #tpu.memory_space<semaphore_mem>>
        %dma_start3A_423 = arith.constant 0 : i32
        %dma_start3A_424 = tpu.memref_slice %arg6[%run_scoped3A_225, %run_scoped3A_226, %dma_start3A_423] : memref<10x2x128xi32, #tpu.memory_space<vmem>> -> memref<1x1x128xi32, #tpu.memory_space<vmem>>
        %dma_start3A_425 = tpu.memref_squeeze %dma_start3A_424 : memref<1x1x128xi32, #tpu.memory_space<vmem>> -> memref<128xi32, #tpu.memory_space<vmem>>
        %dma_start3A_426 = arith.constant 0 : i32
        %dma_start3A_427 = arith.constant 0 : i32
        %dma_start3A_428 = tpu.memref_slice %arg14[%dma_start3A_426, %dma_start3A_427] : memref<10240x128xf32, #tpu.memory_space<vmem_shared>> -> memref<10240x128xf32, #tpu.memory_space<vmem_shared>>
        tpu.enqueue_indirect_dma source(%arg9 : memref<128x128xf32, #tpu.memory_space<vmem>>) target(%dma_start3A_428 : memref<10240x128xf32, #tpu.memory_space<vmem_shared>>) offsets(%dma_start3A_425 : memref<128xi32, #tpu.memory_space<vmem>>) semaphore(%run_scoped3A_422 : memref<!tpu.dma_semaphore, #tpu.memory_space<semaphore_mem>>) {add = true}
        %dma_wait3A_429 = arith.constant 0 : i32
        %dma_wait3A_430 = tpu.memref_slice %arg6[%run_scoped3A_225, %run_scoped3A_226, %dma_wait3A_429] : memref<10x2x128xi32, #tpu.memory_space<vmem>> -> memref<1x1x128xi32, #tpu.memory_space<vmem>>
        %dma_wait3A_431 = tpu.memref_squeeze %dma_wait3A_430 : memref<1x1x128xi32, #tpu.memory_space<vmem>> -> memref<128xi32, #tpu.memory_space<vmem>>
        %dma_wait3A_432 = arith.constant 0 : i32
        %dma_wait3A_433 = arith.constant 0 : i32
        %dma_wait3A_434 = tpu.memref_slice %arg14[%dma_wait3A_432, %dma_wait3A_433] : memref<10240x128xf32, #tpu.memory_space<vmem_shared>> -> memref<10240x128xf32, #tpu.memory_space<vmem_shared>>
        tpu.wait_indirect_dma semaphore(%run_scoped3A_422 : memref<!tpu.dma_semaphore, #tpu.memory_space<semaphore_mem>>) src(%arg9 : memref<128x128xf32, #tpu.memory_space<vmem>>) dst(%dma_wait3A_434 : memref<10240x128xf32, #tpu.memory_space<vmem_shared>>)
        tpu.yield
      }) : () -> ()
      %add3A_227 = arith.constant 2 : i32
      %add3A_228 = arith.addi %add3A_53, %add3A_227 : i32
      %lt3A_229 = arith.constant 8 : i32
      %lt3A_230 = arith.cmpi slt, %add3A_228, %lt3A_229 : i32
      %convert_element_type3A_231 = arith.extui %lt3A_230 : i1 to i32
      %cond3A_232 = arith.constant 0 : i32
      %cond3A_233 = arith.cmpi ne, %convert_element_type3A_231, %cond3A_232 : i32
      scf.if %cond3A_233 {
        %add3A_422 = arith.constant 2 : i32
        %add3A_423 = arith.addi %add3A_53, %add3A_422 : i32
        %mul3A_424 = arith.constant 10 : i32
        %mul3A_425 = arith.muli %add3A_423, %mul3A_424 : i32
        %dma_start3A_426 = arith.constant 0 : i32
        %dma_start3A_427 = arith.constant 0 : i32
        %dma_start3A_428 = tpu.memref_slice %arg3[%add3A, %mul3A_425, %dma_start3A_426, %dma_start3A_427] : memref<32x80x2x128xi32, #tpu.memory_space<hbm>> -> memref<1x10x2x128xi32, #tpu.memory_space<hbm>>
        %dma_start3A_429 = tpu.memref_squeeze %dma_start3A_428 : memref<1x10x2x128xi32, #tpu.memory_space<hbm>> -> memref<10x2x128xi32, #tpu.memory_space<hbm>>
        %dma_start3A_430 = arith.constant 0 : i32
        %dma_start3A_431 = arith.constant 0 : i32
        %dma_start3A_432 = tpu.memref_slice %arg3[%add3A, %mul3A_425, %dma_start3A_430, %dma_start3A_431] : memref<32x80x2x128xi32, #tpu.memory_space<hbm>> -> memref<1x10x2x128xi32, #tpu.memory_space<hbm>>
        %dma_start3A_433 = tpu.memref_squeeze %dma_start3A_432 : memref<1x10x2x128xi32, #tpu.memory_space<hbm>> -> memref<10x2x128xi32, #tpu.memory_space<hbm>>
        tpu.enqueue_dma source(%dma_start3A_433 : memref<10x2x128xi32, #tpu.memory_space<hbm>>) target(%arg6 : memref<10x2x128xi32, #tpu.memory_space<vmem>>) target_semaphore(%arg10 : memref<!tpu.dma_semaphore, #tpu.memory_space<semaphore_mem>>)
      } else {
      }
      %mul3A_234 = arith.constant 2 : i32
      %mul3A_235 = arith.muli %mul3A_234, %scan3A_49 : i32
      %add3A_236 = arith.constant 1 : i32
      %add3A_237 = arith.addi %mul3A_235, %add3A_236 : i32
      %dma_start3A_238 = arith.constant 1 : i32
      %dma_start3A_239 = arith.constant 0 : i32
      %dma_start3A_240 = arith.constant 0 : i32
      %dma_start3A_241 = tpu.memref_slice %arg7[%dma_start3A_238, %dma_start3A_239, %dma_start3A_240] : memref<10x2x128xi32, #tpu.memory_space<vmem>> -> memref<1x1x128xi32, #tpu.memory_space<vmem>>
      %dma_start3A_242 = tpu.memref_squeeze %dma_start3A_241 : memref<1x1x128xi32, #tpu.memory_space<vmem>> -> memref<128xi32, #tpu.memory_space<vmem>>
      %dma_start3A_243 = arith.constant 0 : i32
      %dma_start3A_244 = arith.constant 0 : i32
      %dma_start3A_245 = tpu.memref_slice %arg2[%dma_start3A_243, %dma_start3A_244] : memref<10240x128xf32, #tpu.memory_space<hbm>> -> memref<10240x128xf32, #tpu.memory_space<hbm>>
      tpu.enqueue_indirect_dma source(%dma_start3A_245 : memref<10240x128xf32, #tpu.memory_space<hbm>>) target(%arg9 : memref<128x128xf32, #tpu.memory_space<vmem>>) offsets(%dma_start3A_242 : memref<128xi32, #tpu.memory_space<vmem>>) semaphore(%arg13 : memref<!tpu.dma_semaphore, #tpu.memory_space<semaphore_mem>>)
      %dma_wait3A_246 = arith.constant 0 : i32
      %dma_wait3A_247 = arith.constant 0 : i32
      %dma_wait3A_248 = arith.constant 0 : i32
      %dma_wait3A_249 = tpu.memref_slice %arg7[%dma_wait3A_246, %dma_wait3A_247, %dma_wait3A_248] : memref<10x2x128xi32, #tpu.memory_space<vmem>> -> memref<1x1x128xi32, #tpu.memory_space<vmem>>
      %dma_wait3A_250 = tpu.memref_squeeze %dma_wait3A_249 : memref<1x1x128xi32, #tpu.memory_space<vmem>> -> memref<128xi32, #tpu.memory_space<vmem>>
      %dma_wait3A_251 = arith.constant 0 : i32
      %dma_wait3A_252 = arith.constant 0 : i32
      %dma_wait3A_253 = tpu.memref_slice %arg2[%dma_wait3A_251, %dma_wait3A_252] : memref<10240x128xf32, #tpu.memory_space<hbm>> -> memref<10240x128xf32, #tpu.memory_space<hbm>>
      tpu.wait_indirect_dma semaphore(%arg12 : memref<!tpu.dma_semaphore, #tpu.memory_space<semaphore_mem>>) src(%dma_wait3A_253 : memref<10240x128xf32, #tpu.memory_space<hbm>>) dst(%arg8 : memref<128x128xf32, #tpu.memory_space<vmem>>)
      %run_scoped3A_254 = arith.constant 0 : i32
      %run_scoped3A_255 = arith.constant 1 : i32
      "tpu.region"() ({
        %run_scoped3A_422 = tpu.sem_alloc : memref<!tpu.dma_semaphore, #tpu.memory_space<semaphore_mem>>
        %dma_start3A_423 = arith.constant 0 : i32
        %dma_start3A_424 = tpu.memref_slice %arg7[%run_scoped3A_254, %run_scoped3A_255, %dma_start3A_423] : memref<10x2x128xi32, #tpu.memory_space<vmem>> -> memref<1x1x128xi32, #tpu.memory_space<vmem>>
        %dma_start3A_425 = tpu.memref_squeeze %dma_start3A_424 : memref<1x1x128xi32, #tpu.memory_space<vmem>> -> memref<128xi32, #tpu.memory_space<vmem>>
        %dma_start3A_426 = arith.constant 0 : i32
        %dma_start3A_427 = arith.constant 0 : i32
        %dma_start3A_428 = tpu.memref_slice %arg14[%dma_start3A_426, %dma_start3A_427] : memref<10240x128xf32, #tpu.memory_space<vmem_shared>> -> memref<10240x128xf32, #tpu.memory_space<vmem_shared>>
        tpu.enqueue_indirect_dma source(%arg8 : memref<128x128xf32, #tpu.memory_space<vmem>>) target(%dma_start3A_428 : memref<10240x128xf32, #tpu.memory_space<vmem_shared>>) offsets(%dma_start3A_425 : memref<128xi32, #tpu.memory_space<vmem>>) semaphore(%run_scoped3A_422 : memref<!tpu.dma_semaphore, #tpu.memory_space<semaphore_mem>>) {add = true}
        %dma_wait3A_429 = arith.constant 0 : i32
        %dma_wait3A_430 = tpu.memref_slice %arg7[%run_scoped3A_254, %run_scoped3A_255, %dma_wait3A_429] : memref<10x2x128xi32, #tpu.memory_space<vmem>> -> memref<1x1x128xi32, #tpu.memory_space<vmem>>
        %dma_wait3A_431 = tpu.memref_squeeze %dma_wait3A_430 : memref<1x1x128xi32, #tpu.memory_space<vmem>> -> memref<128xi32, #tpu.memory_space<vmem>>
        %dma_wait3A_432 = arith.constant 0 : i32
        %dma_wait3A_433 = arith.constant 0 : i32
        %dma_wait3A_434 = tpu.memref_slice %arg14[%dma_wait3A_432, %dma_wait3A_433] : memref<10240x128xf32, #tpu.memory_space<vmem_shared>> -> memref<10240x128xf32, #tpu.memory_space<vmem_shared>>
        tpu.wait_indirect_dma semaphore(%run_scoped3A_422 : memref<!tpu.dma_semaphore, #tpu.memory_space<semaphore_mem>>) src(%arg8 : memref<128x128xf32, #tpu.memory_space<vmem>>) dst(%dma_wait3A_434 : memref<10240x128xf32, #tpu.memory_space<vmem_shared>>)
        tpu.yield
      }) : () -> ()
      %dma_start3A_256 = arith.constant 2 : i32
      %dma_start3A_257 = arith.constant 0 : i32
      %dma_start3A_258 = arith.constant 0 : i32
      %dma_start3A_259 = tpu.memref_slice %arg7[%dma_start3A_256, %dma_start3A_257, %dma_start3A_258] : memref<10x2x128xi32, #tpu.memory_space<vmem>> -> memref<1x1x128xi32, #tpu.memory_space<vmem>>
      %dma_start3A_260 = tpu.memref_squeeze %dma_start3A_259 : memref<1x1x128xi32, #tpu.memory_space<vmem>> -> memref<128xi32, #tpu.memory_space<vmem>>
      %dma_start3A_261 = arith.constant 0 : i32
      %dma_start3A_262 = arith.constant 0 : i32
      %dma_start3A_263 = tpu.memref_slice %arg2[%dma_start3A_261, %dma_start3A_262] : memref<10240x128xf32, #tpu.memory_space<hbm>> -> memref<10240x128xf32, #tpu.memory_space<hbm>>
      tpu.enqueue_indirect_dma source(%dma_start3A_263 : memref<10240x128xf32, #tpu.memory_space<hbm>>) target(%arg8 : memref<128x128xf32, #tpu.memory_space<vmem>>) offsets(%dma_start3A_260 : memref<128xi32, #tpu.memory_space<vmem>>) semaphore(%arg12 : memref<!tpu.dma_semaphore, #tpu.memory_space<semaphore_mem>>)
      %dma_wait3A_264 = arith.constant 1 : i32
      %dma_wait3A_265 = arith.constant 0 : i32
      %dma_wait3A_266 = arith.constant 0 : i32
      %dma_wait3A_267 = tpu.memref_slice %arg7[%dma_wait3A_264, %dma_wait3A_265, %dma_wait3A_266] : memref<10x2x128xi32, #tpu.memory_space<vmem>> -> memref<1x1x128xi32, #tpu.memory_space<vmem>>
      %dma_wait3A_268 = tpu.memref_squeeze %dma_wait3A_267 : memref<1x1x128xi32, #tpu.memory_space<vmem>> -> memref<128xi32, #tpu.memory_space<vmem>>
      %dma_wait3A_269 = arith.constant 0 : i32
      %dma_wait3A_270 = arith.constant 0 : i32
      %dma_wait3A_271 = tpu.memref_slice %arg2[%dma_wait3A_269, %dma_wait3A_270] : memref<10240x128xf32, #tpu.memory_space<hbm>> -> memref<10240x128xf32, #tpu.memory_space<hbm>>
      tpu.wait_indirect_dma semaphore(%arg13 : memref<!tpu.dma_semaphore, #tpu.memory_space<semaphore_mem>>) src(%dma_wait3A_271 : memref<10240x128xf32, #tpu.memory_space<hbm>>) dst(%arg9 : memref<128x128xf32, #tpu.memory_space<vmem>>)
      %run_scoped3A_272 = arith.constant 1 : i32
      %run_scoped3A_273 = arith.constant 1 : i32
      "tpu.region"() ({
        %run_scoped3A_422 = tpu.sem_alloc : memref<!tpu.dma_semaphore, #tpu.memory_space<semaphore_mem>>
        %dma_start3A_423 = arith.constant 0 : i32
        %dma_start3A_424 = tpu.memref_slice %arg7[%run_scoped3A_272, %run_scoped3A_273, %dma_start3A_423] : memref<10x2x128xi32, #tpu.memory_space<vmem>> -> memref<1x1x128xi32, #tpu.memory_space<vmem>>
        %dma_start3A_425 = tpu.memref_squeeze %dma_start3A_424 : memref<1x1x128xi32, #tpu.memory_space<vmem>> -> memref<128xi32, #tpu.memory_space<vmem>>
        %dma_start3A_426 = arith.constant 0 : i32
        %dma_start3A_427 = arith.constant 0 : i32
        %dma_start3A_428 = tpu.memref_slice %arg14[%dma_start3A_426, %dma_start3A_427] : memref<10240x128xf32, #tpu.memory_space<vmem_shared>> -> memref<10240x128xf32, #tpu.memory_space<vmem_shared>>
        tpu.enqueue_indirect_dma source(%arg9 : memref<128x128xf32, #tpu.memory_space<vmem>>) target(%dma_start3A_428 : memref<10240x128xf32, #tpu.memory_space<vmem_shared>>) offsets(%dma_start3A_425 : memref<128xi32, #tpu.memory_space<vmem>>) semaphore(%run_scoped3A_422 : memref<!tpu.dma_semaphore, #tpu.memory_space<semaphore_mem>>) {add = true}
        %dma_wait3A_429 = arith.constant 0 : i32
        %dma_wait3A_430 = tpu.memref_slice %arg7[%run_scoped3A_272, %run_scoped3A_273, %dma_wait3A_429] : memref<10x2x128xi32, #tpu.memory_space<vmem>> -> memref<1x1x128xi32, #tpu.memory_space<vmem>>
        %dma_wait3A_431 = tpu.memref_squeeze %dma_wait3A_430 : memref<1x1x128xi32, #tpu.memory_space<vmem>> -> memref<128xi32, #tpu.memory_space<vmem>>
        %dma_wait3A_432 = arith.constant 0 : i32
        %dma_wait3A_433 = arith.constant 0 : i32
        %dma_wait3A_434 = tpu.memref_slice %arg14[%dma_wait3A_432, %dma_wait3A_433] : memref<10240x128xf32, #tpu.memory_space<vmem_shared>> -> memref<10240x128xf32, #tpu.memory_space<vmem_shared>>
        tpu.wait_indirect_dma semaphore(%run_scoped3A_422 : memref<!tpu.dma_semaphore, #tpu.memory_space<semaphore_mem>>) src(%arg9 : memref<128x128xf32, #tpu.memory_space<vmem>>) dst(%dma_wait3A_434 : memref<10240x128xf32, #tpu.memory_space<vmem_shared>>)
        tpu.yield
      }) : () -> ()
      %dma_start3A_274 = arith.constant 3 : i32
      %dma_start3A_275 = arith.constant 0 : i32
      %dma_start3A_276 = arith.constant 0 : i32
      %dma_start3A_277 = tpu.memref_slice %arg7[%dma_start3A_274, %dma_start3A_275, %dma_start3A_276] : memref<10x2x128xi32, #tpu.memory_space<vmem>> -> memref<1x1x128xi32, #tpu.memory_space<vmem>>
      %dma_start3A_278 = tpu.memref_squeeze %dma_start3A_277 : memref<1x1x128xi32, #tpu.memory_space<vmem>> -> memref<128xi32, #tpu.memory_space<vmem>>
      %dma_start3A_279 = arith.constant 0 : i32
      %dma_start3A_280 = arith.constant 0 : i32
      %dma_start3A_281 = tpu.memref_slice %arg2[%dma_start3A_279, %dma_start3A_280] : memref<10240x128xf32, #tpu.memory_space<hbm>> -> memref<10240x128xf32, #tpu.memory_space<hbm>>
      tpu.enqueue_indirect_dma source(%dma_start3A_281 : memref<10240x128xf32, #tpu.memory_space<hbm>>) target(%arg9 : memref<128x128xf32, #tpu.memory_space<vmem>>) offsets(%dma_start3A_278 : memref<128xi32, #tpu.memory_space<vmem>>) semaphore(%arg13 : memref<!tpu.dma_semaphore, #tpu.memory_space<semaphore_mem>>)
      %dma_wait3A_282 = arith.constant 2 : i32
      %dma_wait3A_283 = arith.constant 0 : i32
      %dma_wait3A_284 = arith.constant 0 : i32
      %dma_wait3A_285 = tpu.memref_slice %arg7[%dma_wait3A_282, %dma_wait3A_283, %dma_wait3A_284] : memref<10x2x128xi32, #tpu.memory_space<vmem>> -> memref<1x1x128xi32, #tpu.memory_space<vmem>>
      %dma_wait3A_286 = tpu.memref_squeeze %dma_wait3A_285 : memref<1x1x128xi32, #tpu.memory_space<vmem>> -> memref<128xi32, #tpu.memory_space<vmem>>
      %dma_wait3A_287 = arith.constant 0 : i32
      %dma_wait3A_288 = arith.constant 0 : i32
      %dma_wait3A_289 = tpu.memref_slice %arg2[%dma_wait3A_287, %dma_wait3A_288] : memref<10240x128xf32, #tpu.memory_space<hbm>> -> memref<10240x128xf32, #tpu.memory_space<hbm>>
      tpu.wait_indirect_dma semaphore(%arg12 : memref<!tpu.dma_semaphore, #tpu.memory_space<semaphore_mem>>) src(%dma_wait3A_289 : memref<10240x128xf32, #tpu.memory_space<hbm>>) dst(%arg8 : memref<128x128xf32, #tpu.memory_space<vmem>>)
      %run_scoped3A_290 = arith.constant 2 : i32
      %run_scoped3A_291 = arith.constant 1 : i32
      "tpu.region"() ({
        %run_scoped3A_422 = tpu.sem_alloc : memref<!tpu.dma_semaphore, #tpu.memory_space<semaphore_mem>>
        %dma_start3A_423 = arith.constant 0 : i32
        %dma_start3A_424 = tpu.memref_slice %arg7[%run_scoped3A_290, %run_scoped3A_291, %dma_start3A_423] : memref<10x2x128xi32, #tpu.memory_space<vmem>> -> memref<1x1x128xi32, #tpu.memory_space<vmem>>
        %dma_start3A_425 = tpu.memref_squeeze %dma_start3A_424 : memref<1x1x128xi32, #tpu.memory_space<vmem>> -> memref<128xi32, #tpu.memory_space<vmem>>
        %dma_start3A_426 = arith.constant 0 : i32
        %dma_start3A_427 = arith.constant 0 : i32
        %dma_start3A_428 = tpu.memref_slice %arg14[%dma_start3A_426, %dma_start3A_427] : memref<10240x128xf32, #tpu.memory_space<vmem_shared>> -> memref<10240x128xf32, #tpu.memory_space<vmem_shared>>
        tpu.enqueue_indirect_dma source(%arg8 : memref<128x128xf32, #tpu.memory_space<vmem>>) target(%dma_start3A_428 : memref<10240x128xf32, #tpu.memory_space<vmem_shared>>) offsets(%dma_start3A_425 : memref<128xi32, #tpu.memory_space<vmem>>) semaphore(%run_scoped3A_422 : memref<!tpu.dma_semaphore, #tpu.memory_space<semaphore_mem>>) {add = true}
        %dma_wait3A_429 = arith.constant 0 : i32
        %dma_wait3A_430 = tpu.memref_slice %arg7[%run_scoped3A_290, %run_scoped3A_291, %dma_wait3A_429] : memref<10x2x128xi32, #tpu.memory_space<vmem>> -> memref<1x1x128xi32, #tpu.memory_space<vmem>>
        %dma_wait3A_431 = tpu.memref_squeeze %dma_wait3A_430 : memref<1x1x128xi32, #tpu.memory_space<vmem>> -> memref<128xi32, #tpu.memory_space<vmem>>
        %dma_wait3A_432 = arith.constant 0 : i32
        %dma_wait3A_433 = arith.constant 0 : i32
        %dma_wait3A_434 = tpu.memref_slice %arg14[%dma_wait3A_432, %dma_wait3A_433] : memref<10240x128xf32, #tpu.memory_space<vmem_shared>> -> memref<10240x128xf32, #tpu.memory_space<vmem_shared>>
        tpu.wait_indirect_dma semaphore(%run_scoped3A_422 : memref<!tpu.dma_semaphore, #tpu.memory_space<semaphore_mem>>) src(%arg8 : memref<128x128xf32, #tpu.memory_space<vmem>>) dst(%dma_wait3A_434 : memref<10240x128xf32, #tpu.memory_space<vmem_shared>>)
        tpu.yield
      }) : () -> ()
      %dma_start3A_292 = arith.constant 4 : i32
      %dma_start3A_293 = arith.constant 0 : i32
      %dma_start3A_294 = arith.constant 0 : i32
      %dma_start3A_295 = tpu.memref_slice %arg7[%dma_start3A_292, %dma_start3A_293, %dma_start3A_294] : memref<10x2x128xi32, #tpu.memory_space<vmem>> -> memref<1x1x128xi32, #tpu.memory_space<vmem>>
      %dma_start3A_296 = tpu.memref_squeeze %dma_start3A_295 : memref<1x1x128xi32, #tpu.memory_space<vmem>> -> memref<128xi32, #tpu.memory_space<vmem>>
      %dma_start3A_297 = arith.constant 0 : i32
      %dma_start3A_298 = arith.constant 0 : i32
      %dma_start3A_299 = tpu.memref_slice %arg2[%dma_start3A_297, %dma_start3A_298] : memref<10240x128xf32, #tpu.memory_space<hbm>> -> memref<10240x128xf32, #tpu.memory_space<hbm>>
      tpu.enqueue_indirect_dma source(%dma_start3A_299 : memref<10240x128xf32, #tpu.memory_space<hbm>>) target(%arg8 : memref<128x128xf32, #tpu.memory_space<vmem>>) offsets(%dma_start3A_296 : memref<128xi32, #tpu.memory_space<vmem>>) semaphore(%arg12 : memref<!tpu.dma_semaphore, #tpu.memory_space<semaphore_mem>>)
      %dma_wait3A_300 = arith.constant 3 : i32
      %dma_wait3A_301 = arith.constant 0 : i32
      %dma_wait3A_302 = arith.constant 0 : i32
      %dma_wait3A_303 = tpu.memref_slice %arg7[%dma_wait3A_300, %dma_wait3A_301, %dma_wait3A_302] : memref<10x2x128xi32, #tpu.memory_space<vmem>> -> memref<1x1x128xi32, #tpu.memory_space<vmem>>
      %dma_wait3A_304 = tpu.memref_squeeze %dma_wait3A_303 : memref<1x1x128xi32, #tpu.memory_space<vmem>> -> memref<128xi32, #tpu.memory_space<vmem>>
      %dma_wait3A_305 = arith.constant 0 : i32
      %dma_wait3A_306 = arith.constant 0 : i32
      %dma_wait3A_307 = tpu.memref_slice %arg2[%dma_wait3A_305, %dma_wait3A_306] : memref<10240x128xf32, #tpu.memory_space<hbm>> -> memref<10240x128xf32, #tpu.memory_space<hbm>>
      tpu.wait_indirect_dma semaphore(%arg13 : memref<!tpu.dma_semaphore, #tpu.memory_space<semaphore_mem>>) src(%dma_wait3A_307 : memref<10240x128xf32, #tpu.memory_space<hbm>>) dst(%arg9 : memref<128x128xf32, #tpu.memory_space<vmem>>)
      %run_scoped3A_308 = arith.constant 3 : i32
      %run_scoped3A_309 = arith.constant 1 : i32
      "tpu.region"() ({
        %run_scoped3A_422 = tpu.sem_alloc : memref<!tpu.dma_semaphore, #tpu.memory_space<semaphore_mem>>
        %dma_start3A_423 = arith.constant 0 : i32
        %dma_start3A_424 = tpu.memref_slice %arg7[%run_scoped3A_308, %run_scoped3A_309, %dma_start3A_423] : memref<10x2x128xi32, #tpu.memory_space<vmem>> -> memref<1x1x128xi32, #tpu.memory_space<vmem>>
        %dma_start3A_425 = tpu.memref_squeeze %dma_start3A_424 : memref<1x1x128xi32, #tpu.memory_space<vmem>> -> memref<128xi32, #tpu.memory_space<vmem>>
        %dma_start3A_426 = arith.constant 0 : i32
        %dma_start3A_427 = arith.constant 0 : i32
        %dma_start3A_428 = tpu.memref_slice %arg14[%dma_start3A_426, %dma_start3A_427] : memref<10240x128xf32, #tpu.memory_space<vmem_shared>> -> memref<10240x128xf32, #tpu.memory_space<vmem_shared>>
        tpu.enqueue_indirect_dma source(%arg9 : memref<128x128xf32, #tpu.memory_space<vmem>>) target(%dma_start3A_428 : memref<10240x128xf32, #tpu.memory_space<vmem_shared>>) offsets(%dma_start3A_425 : memref<128xi32, #tpu.memory_space<vmem>>) semaphore(%run_scoped3A_422 : memref<!tpu.dma_semaphore, #tpu.memory_space<semaphore_mem>>) {add = true}
        %dma_wait3A_429 = arith.constant 0 : i32
        %dma_wait3A_430 = tpu.memref_slice %arg7[%run_scoped3A_308, %run_scoped3A_309, %dma_wait3A_429] : memref<10x2x128xi32, #tpu.memory_space<vmem>> -> memref<1x1x128xi32, #tpu.memory_space<vmem>>
        %dma_wait3A_431 = tpu.memref_squeeze %dma_wait3A_430 : memref<1x1x128xi32, #tpu.memory_space<vmem>> -> memref<128xi32, #tpu.memory_space<vmem>>
        %dma_wait3A_432 = arith.constant 0 : i32
        %dma_wait3A_433 = arith.constant 0 : i32
        %dma_wait3A_434 = tpu.memref_slice %arg14[%dma_wait3A_432, %dma_wait3A_433] : memref<10240x128xf32, #tpu.memory_space<vmem_shared>> -> memref<10240x128xf32, #tpu.memory_space<vmem_shared>>
        tpu.wait_indirect_dma semaphore(%run_scoped3A_422 : memref<!tpu.dma_semaphore, #tpu.memory_space<semaphore_mem>>) src(%arg9 : memref<128x128xf32, #tpu.memory_space<vmem>>) dst(%dma_wait3A_434 : memref<10240x128xf32, #tpu.memory_space<vmem_shared>>)
        tpu.yield
      }) : () -> ()
      %dma_start3A_310 = arith.constant 5 : i32
      %dma_start3A_311 = arith.constant 0 : i32
      %dma_start3A_312 = arith.constant 0 : i32
      %dma_start3A_313 = tpu.memref_slice %arg7[%dma_start3A_310, %dma_start3A_311, %dma_start3A_312] : memref<10x2x128xi32, #tpu.memory_space<vmem>> -> memref<1x1x128xi32, #tpu.memory_space<vmem>>
      %dma_start3A_314 = tpu.memref_squeeze %dma_start3A_313 : memref<1x1x128xi32, #tpu.memory_space<vmem>> -> memref<128xi32, #tpu.memory_space<vmem>>
      %dma_start3A_315 = arith.constant 0 : i32
      %dma_start3A_316 = arith.constant 0 : i32
      %dma_start3A_317 = tpu.memref_slice %arg2[%dma_start3A_315, %dma_start3A_316] : memref<10240x128xf32, #tpu.memory_space<hbm>> -> memref<10240x128xf32, #tpu.memory_space<hbm>>
      tpu.enqueue_indirect_dma source(%dma_start3A_317 : memref<10240x128xf32, #tpu.memory_space<hbm>>) target(%arg9 : memref<128x128xf32, #tpu.memory_space<vmem>>) offsets(%dma_start3A_314 : memref<128xi32, #tpu.memory_space<vmem>>) semaphore(%arg13 : memref<!tpu.dma_semaphore, #tpu.memory_space<semaphore_mem>>)
      %dma_wait3A_318 = arith.constant 4 : i32
      %dma_wait3A_319 = arith.constant 0 : i32
      %dma_wait3A_320 = arith.constant 0 : i32
      %dma_wait3A_321 = tpu.memref_slice %arg7[%dma_wait3A_318, %dma_wait3A_319, %dma_wait3A_320] : memref<10x2x128xi32, #tpu.memory_space<vmem>> -> memref<1x1x128xi32, #tpu.memory_space<vmem>>
      %dma_wait3A_322 = tpu.memref_squeeze %dma_wait3A_321 : memref<1x1x128xi32, #tpu.memory_space<vmem>> -> memref<128xi32, #tpu.memory_space<vmem>>
      %dma_wait3A_323 = arith.constant 0 : i32
      %dma_wait3A_324 = arith.constant 0 : i32
      %dma_wait3A_325 = tpu.memref_slice %arg2[%dma_wait3A_323, %dma_wait3A_324] : memref<10240x128xf32, #tpu.memory_space<hbm>> -> memref<10240x128xf32, #tpu.memory_space<hbm>>
      tpu.wait_indirect_dma semaphore(%arg12 : memref<!tpu.dma_semaphore, #tpu.memory_space<semaphore_mem>>) src(%dma_wait3A_325 : memref<10240x128xf32, #tpu.memory_space<hbm>>) dst(%arg8 : memref<128x128xf32, #tpu.memory_space<vmem>>)
      %run_scoped3A_326 = arith.constant 4 : i32
      %run_scoped3A_327 = arith.constant 1 : i32
      "tpu.region"() ({
        %run_scoped3A_422 = tpu.sem_alloc : memref<!tpu.dma_semaphore, #tpu.memory_space<semaphore_mem>>
        %dma_start3A_423 = arith.constant 0 : i32
        %dma_start3A_424 = tpu.memref_slice %arg7[%run_scoped3A_326, %run_scoped3A_327, %dma_start3A_423] : memref<10x2x128xi32, #tpu.memory_space<vmem>> -> memref<1x1x128xi32, #tpu.memory_space<vmem>>
        %dma_start3A_425 = tpu.memref_squeeze %dma_start3A_424 : memref<1x1x128xi32, #tpu.memory_space<vmem>> -> memref<128xi32, #tpu.memory_space<vmem>>
        %dma_start3A_426 = arith.constant 0 : i32
        %dma_start3A_427 = arith.constant 0 : i32
        %dma_start3A_428 = tpu.memref_slice %arg14[%dma_start3A_426, %dma_start3A_427] : memref<10240x128xf32, #tpu.memory_space<vmem_shared>> -> memref<10240x128xf32, #tpu.memory_space<vmem_shared>>
        tpu.enqueue_indirect_dma source(%arg8 : memref<128x128xf32, #tpu.memory_space<vmem>>) target(%dma_start3A_428 : memref<10240x128xf32, #tpu.memory_space<vmem_shared>>) offsets(%dma_start3A_425 : memref<128xi32, #tpu.memory_space<vmem>>) semaphore(%run_scoped3A_422 : memref<!tpu.dma_semaphore, #tpu.memory_space<semaphore_mem>>) {add = true}
        %dma_wait3A_429 = arith.constant 0 : i32
        %dma_wait3A_430 = tpu.memref_slice %arg7[%run_scoped3A_326, %run_scoped3A_327, %dma_wait3A_429] : memref<10x2x128xi32, #tpu.memory_space<vmem>> -> memref<1x1x128xi32, #tpu.memory_space<vmem>>
        %dma_wait3A_431 = tpu.memref_squeeze %dma_wait3A_430 : memref<1x1x128xi32, #tpu.memory_space<vmem>> -> memref<128xi32, #tpu.memory_space<vmem>>
        %dma_wait3A_432 = arith.constant 0 : i32
        %dma_wait3A_433 = arith.constant 0 : i32
        %dma_wait3A_434 = tpu.memref_slice %arg14[%dma_wait3A_432, %dma_wait3A_433] : memref<10240x128xf32, #tpu.memory_space<vmem_shared>> -> memref<10240x128xf32, #tpu.memory_space<vmem_shared>>
        tpu.wait_indirect_dma semaphore(%run_scoped3A_422 : memref<!tpu.dma_semaphore, #tpu.memory_space<semaphore_mem>>) src(%arg8 : memref<128x128xf32, #tpu.memory_space<vmem>>) dst(%dma_wait3A_434 : memref<10240x128xf32, #tpu.memory_space<vmem_shared>>)
        tpu.yield
      }) : () -> ()
      %dma_start3A_328 = arith.constant 6 : i32
      %dma_start3A_329 = arith.constant 0 : i32
      %dma_start3A_330 = arith.constant 0 : i32
      %dma_start3A_331 = tpu.memref_slice %arg7[%dma_start3A_328, %dma_start3A_329, %dma_start3A_330] : memref<10x2x128xi32, #tpu.memory_space<vmem>> -> memref<1x1x128xi32, #tpu.memory_space<vmem>>
      %dma_start3A_332 = tpu.memref_squeeze %dma_start3A_331 : memref<1x1x128xi32, #tpu.memory_space<vmem>> -> memref<128xi32, #tpu.memory_space<vmem>>
      %dma_start3A_333 = arith.constant 0 : i32
      %dma_start3A_334 = arith.constant 0 : i32
      %dma_start3A_335 = tpu.memref_slice %arg2[%dma_start3A_333, %dma_start3A_334] : memref<10240x128xf32, #tpu.memory_space<hbm>> -> memref<10240x128xf32, #tpu.memory_space<hbm>>
      tpu.enqueue_indirect_dma source(%dma_start3A_335 : memref<10240x128xf32, #tpu.memory_space<hbm>>) target(%arg8 : memref<128x128xf32, #tpu.memory_space<vmem>>) offsets(%dma_start3A_332 : memref<128xi32, #tpu.memory_space<vmem>>) semaphore(%arg12 : memref<!tpu.dma_semaphore, #tpu.memory_space<semaphore_mem>>)
      %dma_wait3A_336 = arith.constant 5 : i32
      %dma_wait3A_337 = arith.constant 0 : i32
      %dma_wait3A_338 = arith.constant 0 : i32
      %dma_wait3A_339 = tpu.memref_slice %arg7[%dma_wait3A_336, %dma_wait3A_337, %dma_wait3A_338] : memref<10x2x128xi32, #tpu.memory_space<vmem>> -> memref<1x1x128xi32, #tpu.memory_space<vmem>>
      %dma_wait3A_340 = tpu.memref_squeeze %dma_wait3A_339 : memref<1x1x128xi32, #tpu.memory_space<vmem>> -> memref<128xi32, #tpu.memory_space<vmem>>
      %dma_wait3A_341 = arith.constant 0 : i32
      %dma_wait3A_342 = arith.constant 0 : i32
      %dma_wait3A_343 = tpu.memref_slice %arg2[%dma_wait3A_341, %dma_wait3A_342] : memref<10240x128xf32, #tpu.memory_space<hbm>> -> memref<10240x128xf32, #tpu.memory_space<hbm>>
      tpu.wait_indirect_dma semaphore(%arg13 : memref<!tpu.dma_semaphore, #tpu.memory_space<semaphore_mem>>) src(%dma_wait3A_343 : memref<10240x128xf32, #tpu.memory_space<hbm>>) dst(%arg9 : memref<128x128xf32, #tpu.memory_space<vmem>>)
      %run_scoped3A_344 = arith.constant 5 : i32
      %run_scoped3A_345 = arith.constant 1 : i32
      "tpu.region"() ({
        %run_scoped3A_422 = tpu.sem_alloc : memref<!tpu.dma_semaphore, #tpu.memory_space<semaphore_mem>>
        %dma_start3A_423 = arith.constant 0 : i32
        %dma_start3A_424 = tpu.memref_slice %arg7[%run_scoped3A_344, %run_scoped3A_345, %dma_start3A_423] : memref<10x2x128xi32, #tpu.memory_space<vmem>> -> memref<1x1x128xi32, #tpu.memory_space<vmem>>
        %dma_start3A_425 = tpu.memref_squeeze %dma_start3A_424 : memref<1x1x128xi32, #tpu.memory_space<vmem>> -> memref<128xi32, #tpu.memory_space<vmem>>
        %dma_start3A_426 = arith.constant 0 : i32
        %dma_start3A_427 = arith.constant 0 : i32
        %dma_start3A_428 = tpu.memref_slice %arg14[%dma_start3A_426, %dma_start3A_427] : memref<10240x128xf32, #tpu.memory_space<vmem_shared>> -> memref<10240x128xf32, #tpu.memory_space<vmem_shared>>
        tpu.enqueue_indirect_dma source(%arg9 : memref<128x128xf32, #tpu.memory_space<vmem>>) target(%dma_start3A_428 : memref<10240x128xf32, #tpu.memory_space<vmem_shared>>) offsets(%dma_start3A_425 : memref<128xi32, #tpu.memory_space<vmem>>) semaphore(%run_scoped3A_422 : memref<!tpu.dma_semaphore, #tpu.memory_space<semaphore_mem>>) {add = true}
        %dma_wait3A_429 = arith.constant 0 : i32
        %dma_wait3A_430 = tpu.memref_slice %arg7[%run_scoped3A_344, %run_scoped3A_345, %dma_wait3A_429] : memref<10x2x128xi32, #tpu.memory_space<vmem>> -> memref<1x1x128xi32, #tpu.memory_space<vmem>>
        %dma_wait3A_431 = tpu.memref_squeeze %dma_wait3A_430 : memref<1x1x128xi32, #tpu.memory_space<vmem>> -> memref<128xi32, #tpu.memory_space<vmem>>
        %dma_wait3A_432 = arith.constant 0 : i32
        %dma_wait3A_433 = arith.constant 0 : i32
        %dma_wait3A_434 = tpu.memref_slice %arg14[%dma_wait3A_432, %dma_wait3A_433] : memref<10240x128xf32, #tpu.memory_space<vmem_shared>> -> memref<10240x128xf32, #tpu.memory_space<vmem_shared>>
        tpu.wait_indirect_dma semaphore(%run_scoped3A_422 : memref<!tpu.dma_semaphore, #tpu.memory_space<semaphore_mem>>) src(%arg9 : memref<128x128xf32, #tpu.memory_space<vmem>>) dst(%dma_wait3A_434 : memref<10240x128xf32, #tpu.memory_space<vmem_shared>>)
        tpu.yield
      }) : () -> ()
      %dma_start3A_346 = arith.constant 7 : i32
      %dma_start3A_347 = arith.constant 0 : i32
      %dma_start3A_348 = arith.constant 0 : i32
      %dma_start3A_349 = tpu.memref_slice %arg7[%dma_start3A_346, %dma_start3A_347, %dma_start3A_348] : memref<10x2x128xi32, #tpu.memory_space<vmem>> -> memref<1x1x128xi32, #tpu.memory_space<vmem>>
      %dma_start3A_350 = tpu.memref_squeeze %dma_start3A_349 : memref<1x1x128xi32, #tpu.memory_space<vmem>> -> memref<128xi32, #tpu.memory_space<vmem>>
      %dma_start3A_351 = arith.constant 0 : i32
      %dma_start3A_352 = arith.constant 0 : i32
      %dma_start3A_353 = tpu.memref_slice %arg2[%dma_start3A_351, %dma_start3A_352] : memref<10240x128xf32, #tpu.memory_space<hbm>> -> memref<10240x128xf32, #tpu.memory_space<hbm>>
      tpu.enqueue_indirect_dma source(%dma_start3A_353 : memref<10240x128xf32, #tpu.memory_space<hbm>>) target(%arg9 : memref<128x128xf32, #tpu.memory_space<vmem>>) offsets(%dma_start3A_350 : memref<128xi32, #tpu.memory_space<vmem>>) semaphore(%arg13 : memref<!tpu.dma_semaphore, #tpu.memory_space<semaphore_mem>>)
      %dma_wait3A_354 = arith.constant 6 : i32
      %dma_wait3A_355 = arith.constant 0 : i32
      %dma_wait3A_356 = arith.constant 0 : i32
      %dma_wait3A_357 = tpu.memref_slice %arg7[%dma_wait3A_354, %dma_wait3A_355, %dma_wait3A_356] : memref<10x2x128xi32, #tpu.memory_space<vmem>> -> memref<1x1x128xi32, #tpu.memory_space<vmem>>
      %dma_wait3A_358 = tpu.memref_squeeze %dma_wait3A_357 : memref<1x1x128xi32, #tpu.memory_space<vmem>> -> memref<128xi32, #tpu.memory_space<vmem>>
      %dma_wait3A_359 = arith.constant 0 : i32
      %dma_wait3A_360 = arith.constant 0 : i32
      %dma_wait3A_361 = tpu.memref_slice %arg2[%dma_wait3A_359, %dma_wait3A_360] : memref<10240x128xf32, #tpu.memory_space<hbm>> -> memref<10240x128xf32, #tpu.memory_space<hbm>>
      tpu.wait_indirect_dma semaphore(%arg12 : memref<!tpu.dma_semaphore, #tpu.memory_space<semaphore_mem>>) src(%dma_wait3A_361 : memref<10240x128xf32, #tpu.memory_space<hbm>>) dst(%arg8 : memref<128x128xf32, #tpu.memory_space<vmem>>)
      %run_scoped3A_362 = arith.constant 6 : i32
      %run_scoped3A_363 = arith.constant 1 : i32
      "tpu.region"() ({
        %run_scoped3A_422 = tpu.sem_alloc : memref<!tpu.dma_semaphore, #tpu.memory_space<semaphore_mem>>
        %dma_start3A_423 = arith.constant 0 : i32
        %dma_start3A_424 = tpu.memref_slice %arg7[%run_scoped3A_362, %run_scoped3A_363, %dma_start3A_423] : memref<10x2x128xi32, #tpu.memory_space<vmem>> -> memref<1x1x128xi32, #tpu.memory_space<vmem>>
        %dma_start3A_425 = tpu.memref_squeeze %dma_start3A_424 : memref<1x1x128xi32, #tpu.memory_space<vmem>> -> memref<128xi32, #tpu.memory_space<vmem>>
        %dma_start3A_426 = arith.constant 0 : i32
        %dma_start3A_427 = arith.constant 0 : i32
        %dma_start3A_428 = tpu.memref_slice %arg14[%dma_start3A_426, %dma_start3A_427] : memref<10240x128xf32, #tpu.memory_space<vmem_shared>> -> memref<10240x128xf32, #tpu.memory_space<vmem_shared>>
        tpu.enqueue_indirect_dma source(%arg8 : memref<128x128xf32, #tpu.memory_space<vmem>>) target(%dma_start3A_428 : memref<10240x128xf32, #tpu.memory_space<vmem_shared>>) offsets(%dma_start3A_425 : memref<128xi32, #tpu.memory_space<vmem>>) semaphore(%run_scoped3A_422 : memref<!tpu.dma_semaphore, #tpu.memory_space<semaphore_mem>>) {add = true}
        %dma_wait3A_429 = arith.constant 0 : i32
        %dma_wait3A_430 = tpu.memref_slice %arg7[%run_scoped3A_362, %run_scoped3A_363, %dma_wait3A_429] : memref<10x2x128xi32, #tpu.memory_space<vmem>> -> memref<1x1x128xi32, #tpu.memory_space<vmem>>
        %dma_wait3A_431 = tpu.memref_squeeze %dma_wait3A_430 : memref<1x1x128xi32, #tpu.memory_space<vmem>> -> memref<128xi32, #tpu.memory_space<vmem>>
        %dma_wait3A_432 = arith.constant 0 : i32
        %dma_wait3A_433 = arith.constant 0 : i32
        %dma_wait3A_434 = tpu.memref_slice %arg14[%dma_wait3A_432, %dma_wait3A_433] : memref<10240x128xf32, #tpu.memory_space<vmem_shared>> -> memref<10240x128xf32, #tpu.memory_space<vmem_shared>>
        tpu.wait_indirect_dma semaphore(%run_scoped3A_422 : memref<!tpu.dma_semaphore, #tpu.memory_space<semaphore_mem>>) src(%arg8 : memref<128x128xf32, #tpu.memory_space<vmem>>) dst(%dma_wait3A_434 : memref<10240x128xf32, #tpu.memory_space<vmem_shared>>)
        tpu.yield
      }) : () -> ()
      %dma_start3A_364 = arith.constant 8 : i32
      %dma_start3A_365 = arith.constant 0 : i32
      %dma_start3A_366 = arith.constant 0 : i32
      %dma_start3A_367 = tpu.memref_slice %arg7[%dma_start3A_364, %dma_start3A_365, %dma_start3A_366] : memref<10x2x128xi32, #tpu.memory_space<vmem>> -> memref<1x1x128xi32, #tpu.memory_space<vmem>>
      %dma_start3A_368 = tpu.memref_squeeze %dma_start3A_367 : memref<1x1x128xi32, #tpu.memory_space<vmem>> -> memref<128xi32, #tpu.memory_space<vmem>>
      %dma_start3A_369 = arith.constant 0 : i32
      %dma_start3A_370 = arith.constant 0 : i32
      %dma_start3A_371 = tpu.memref_slice %arg2[%dma_start3A_369, %dma_start3A_370] : memref<10240x128xf32, #tpu.memory_space<hbm>> -> memref<10240x128xf32, #tpu.memory_space<hbm>>
      tpu.enqueue_indirect_dma source(%dma_start3A_371 : memref<10240x128xf32, #tpu.memory_space<hbm>>) target(%arg8 : memref<128x128xf32, #tpu.memory_space<vmem>>) offsets(%dma_start3A_368 : memref<128xi32, #tpu.memory_space<vmem>>) semaphore(%arg12 : memref<!tpu.dma_semaphore, #tpu.memory_space<semaphore_mem>>)
      %dma_wait3A_372 = arith.constant 7 : i32
      %dma_wait3A_373 = arith.constant 0 : i32
      %dma_wait3A_374 = arith.constant 0 : i32
      %dma_wait3A_375 = tpu.memref_slice %arg7[%dma_wait3A_372, %dma_wait3A_373, %dma_wait3A_374] : memref<10x2x128xi32, #tpu.memory_space<vmem>> -> memref<1x1x128xi32, #tpu.memory_space<vmem>>
      %dma_wait3A_376 = tpu.memref_squeeze %dma_wait3A_375 : memref<1x1x128xi32, #tpu.memory_space<vmem>> -> memref<128xi32, #tpu.memory_space<vmem>>
      %dma_wait3A_377 = arith.constant 0 : i32
      %dma_wait3A_378 = arith.constant 0 : i32
      %dma_wait3A_379 = tpu.memref_slice %arg2[%dma_wait3A_377, %dma_wait3A_378] : memref<10240x128xf32, #tpu.memory_space<hbm>> -> memref<10240x128xf32, #tpu.memory_space<hbm>>
      tpu.wait_indirect_dma semaphore(%arg13 : memref<!tpu.dma_semaphore, #tpu.memory_space<semaphore_mem>>) src(%dma_wait3A_379 : memref<10240x128xf32, #tpu.memory_space<hbm>>) dst(%arg9 : memref<128x128xf32, #tpu.memory_space<vmem>>)
      %run_scoped3A_380 = arith.constant 7 : i32
      %run_scoped3A_381 = arith.constant 1 : i32
      "tpu.region"() ({
        %run_scoped3A_422 = tpu.sem_alloc : memref<!tpu.dma_semaphore, #tpu.memory_space<semaphore_mem>>
        %dma_start3A_423 = arith.constant 0 : i32
        %dma_start3A_424 = tpu.memref_slice %arg7[%run_scoped3A_380, %run_scoped3A_381, %dma_start3A_423] : memref<10x2x128xi32, #tpu.memory_space<vmem>> -> memref<1x1x128xi32, #tpu.memory_space<vmem>>
        %dma_start3A_425 = tpu.memref_squeeze %dma_start3A_424 : memref<1x1x128xi32, #tpu.memory_space<vmem>> -> memref<128xi32, #tpu.memory_space<vmem>>
        %dma_start3A_426 = arith.constant 0 : i32
        %dma_start3A_427 = arith.constant 0 : i32
        %dma_start3A_428 = tpu.memref_slice %arg14[%dma_start3A_426, %dma_start3A_427] : memref<10240x128xf32, #tpu.memory_space<vmem_shared>> -> memref<10240x128xf32, #tpu.memory_space<vmem_shared>>
        tpu.enqueue_indirect_dma source(%arg9 : memref<128x128xf32, #tpu.memory_space<vmem>>) target(%dma_start3A_428 : memref<10240x128xf32, #tpu.memory_space<vmem_shared>>) offsets(%dma_start3A_425 : memref<128xi32, #tpu.memory_space<vmem>>) semaphore(%run_scoped3A_422 : memref<!tpu.dma_semaphore, #tpu.memory_space<semaphore_mem>>) {add = true}
        %dma_wait3A_429 = arith.constant 0 : i32
        %dma_wait3A_430 = tpu.memref_slice %arg7[%run_scoped3A_380, %run_scoped3A_381, %dma_wait3A_429] : memref<10x2x128xi32, #tpu.memory_space<vmem>> -> memref<1x1x128xi32, #tpu.memory_space<vmem>>
        %dma_wait3A_431 = tpu.memref_squeeze %dma_wait3A_430 : memref<1x1x128xi32, #tpu.memory_space<vmem>> -> memref<128xi32, #tpu.memory_space<vmem>>
        %dma_wait3A_432 = arith.constant 0 : i32
        %dma_wait3A_433 = arith.constant 0 : i32
        %dma_wait3A_434 = tpu.memref_slice %arg14[%dma_wait3A_432, %dma_wait3A_433] : memref<10240x128xf32, #tpu.memory_space<vmem_shared>> -> memref<10240x128xf32, #tpu.memory_space<vmem_shared>>
        tpu.wait_indirect_dma semaphore(%run_scoped3A_422 : memref<!tpu.dma_semaphore, #tpu.memory_space<semaphore_mem>>) src(%arg9 : memref<128x128xf32, #tpu.memory_space<vmem>>) dst(%dma_wait3A_434 : memref<10240x128xf32, #tpu.memory_space<vmem_shared>>)
        tpu.yield
      }) : () -> ()
      %dma_start3A_382 = arith.constant 9 : i32
      %dma_start3A_383 = arith.constant 0 : i32
      %dma_start3A_384 = arith.constant 0 : i32
      %dma_start3A_385 = tpu.memref_slice %arg7[%dma_start3A_382, %dma_start3A_383, %dma_start3A_384] : memref<10x2x128xi32, #tpu.memory_space<vmem>> -> memref<1x1x128xi32, #tpu.memory_space<vmem>>
      %dma_start3A_386 = tpu.memref_squeeze %dma_start3A_385 : memref<1x1x128xi32, #tpu.memory_space<vmem>> -> memref<128xi32, #tpu.memory_space<vmem>>
      %dma_start3A_387 = arith.constant 0 : i32
      %dma_start3A_388 = arith.constant 0 : i32
      %dma_start3A_389 = tpu.memref_slice %arg2[%dma_start3A_387, %dma_start3A_388] : memref<10240x128xf32, #tpu.memory_space<hbm>> -> memref<10240x128xf32, #tpu.memory_space<hbm>>
      tpu.enqueue_indirect_dma source(%dma_start3A_389 : memref<10240x128xf32, #tpu.memory_space<hbm>>) target(%arg9 : memref<128x128xf32, #tpu.memory_space<vmem>>) offsets(%dma_start3A_386 : memref<128xi32, #tpu.memory_space<vmem>>) semaphore(%arg13 : memref<!tpu.dma_semaphore, #tpu.memory_space<semaphore_mem>>)
      %dma_wait3A_390 = arith.constant 8 : i32
      %dma_wait3A_391 = arith.constant 0 : i32
      %dma_wait3A_392 = arith.constant 0 : i32
      %dma_wait3A_393 = tpu.memref_slice %arg7[%dma_wait3A_390, %dma_wait3A_391, %dma_wait3A_392] : memref<10x2x128xi32, #tpu.memory_space<vmem>> -> memref<1x1x128xi32, #tpu.memory_space<vmem>>
      %dma_wait3A_394 = tpu.memref_squeeze %dma_wait3A_393 : memref<1x1x128xi32, #tpu.memory_space<vmem>> -> memref<128xi32, #tpu.memory_space<vmem>>
      %dma_wait3A_395 = arith.constant 0 : i32
      %dma_wait3A_396 = arith.constant 0 : i32
      %dma_wait3A_397 = tpu.memref_slice %arg2[%dma_wait3A_395, %dma_wait3A_396] : memref<10240x128xf32, #tpu.memory_space<hbm>> -> memref<10240x128xf32, #tpu.memory_space<hbm>>
      tpu.wait_indirect_dma semaphore(%arg12 : memref<!tpu.dma_semaphore, #tpu.memory_space<semaphore_mem>>) src(%dma_wait3A_397 : memref<10240x128xf32, #tpu.memory_space<hbm>>) dst(%arg8 : memref<128x128xf32, #tpu.memory_space<vmem>>)
      %run_scoped3A_398 = arith.constant 8 : i32
      %run_scoped3A_399 = arith.constant 1 : i32
      "tpu.region"() ({
        %run_scoped3A_422 = tpu.sem_alloc : memref<!tpu.dma_semaphore, #tpu.memory_space<semaphore_mem>>
        %dma_start3A_423 = arith.constant 0 : i32
        %dma_start3A_424 = tpu.memref_slice %arg7[%run_scoped3A_398, %run_scoped3A_399, %dma_start3A_423] : memref<10x2x128xi32, #tpu.memory_space<vmem>> -> memref<1x1x128xi32, #tpu.memory_space<vmem>>
        %dma_start3A_425 = tpu.memref_squeeze %dma_start3A_424 : memref<1x1x128xi32, #tpu.memory_space<vmem>> -> memref<128xi32, #tpu.memory_space<vmem>>
        %dma_start3A_426 = arith.constant 0 : i32
        %dma_start3A_427 = arith.constant 0 : i32
        %dma_start3A_428 = tpu.memref_slice %arg14[%dma_start3A_426, %dma_start3A_427] : memref<10240x128xf32, #tpu.memory_space<vmem_shared>> -> memref<10240x128xf32, #tpu.memory_space<vmem_shared>>
        tpu.enqueue_indirect_dma source(%arg8 : memref<128x128xf32, #tpu.memory_space<vmem>>) target(%dma_start3A_428 : memref<10240x128xf32, #tpu.memory_space<vmem_shared>>) offsets(%dma_start3A_425 : memref<128xi32, #tpu.memory_space<vmem>>) semaphore(%run_scoped3A_422 : memref<!tpu.dma_semaphore, #tpu.memory_space<semaphore_mem>>) {add = true}
        %dma_wait3A_429 = arith.constant 0 : i32
        %dma_wait3A_430 = tpu.memref_slice %arg7[%run_scoped3A_398, %run_scoped3A_399, %dma_wait3A_429] : memref<10x2x128xi32, #tpu.memory_space<vmem>> -> memref<1x1x128xi32, #tpu.memory_space<vmem>>
        %dma_wait3A_431 = tpu.memref_squeeze %dma_wait3A_430 : memref<1x1x128xi32, #tpu.memory_space<vmem>> -> memref<128xi32, #tpu.memory_space<vmem>>
        %dma_wait3A_432 = arith.constant 0 : i32
        %dma_wait3A_433 = arith.constant 0 : i32
        %dma_wait3A_434 = tpu.memref_slice %arg14[%dma_wait3A_432, %dma_wait3A_433] : memref<10240x128xf32, #tpu.memory_space<vmem_shared>> -> memref<10240x128xf32, #tpu.memory_space<vmem_shared>>
        tpu.wait_indirect_dma semaphore(%run_scoped3A_422 : memref<!tpu.dma_semaphore, #tpu.memory_space<semaphore_mem>>) src(%arg8 : memref<128x128xf32, #tpu.memory_space<vmem>>) dst(%dma_wait3A_434 : memref<10240x128xf32, #tpu.memory_space<vmem_shared>>)
        tpu.yield
      }) : () -> ()
      %lt3A_400 = arith.constant 7 : i32
      %lt3A_401 = arith.cmpi slt, %add3A_237, %lt3A_400 : i32
      %convert_element_type3A_402 = arith.extui %lt3A_401 : i1 to i32
      %cond3A_403 = arith.constant 0 : i32
      %cond3A_404 = arith.cmpi ne, %convert_element_type3A_402, %cond3A_403 : i32
      scf.if %cond3A_404 {
        %add3A_422 = arith.constant 1 : i32
        %add3A_423 = arith.addi %add3A_237, %add3A_422 : i32
        %mul3A_424 = arith.constant 10 : i32
        %mul3A_425 = arith.muli %add3A_423, %mul3A_424 : i32
        %dma_wait3A_426 = arith.constant 0 : i32
        %dma_wait3A_427 = arith.constant 0 : i32
        %dma_wait3A_428 = tpu.memref_slice %arg3[%add3A, %mul3A_425, %dma_wait3A_426, %dma_wait3A_427] : memref<32x80x2x128xi32, #tpu.memory_space<hbm>> -> memref<1x10x2x128xi32, #tpu.memory_space<hbm>>
        %dma_wait3A_429 = tpu.memref_squeeze %dma_wait3A_428 : memref<1x10x2x128xi32, #tpu.memory_space<hbm>> -> memref<10x2x128xi32, #tpu.memory_space<hbm>>
        %dma_wait3A_430 = arith.constant 0 : i32
        %dma_wait3A_431 = arith.constant 0 : i32
        %dma_wait3A_432 = tpu.memref_slice %arg3[%add3A, %mul3A_425, %dma_wait3A_430, %dma_wait3A_431] : memref<32x80x2x128xi32, #tpu.memory_space<hbm>> -> memref<1x10x2x128xi32, #tpu.memory_space<hbm>>
        %dma_wait3A_433 = tpu.memref_squeeze %dma_wait3A_432 : memref<1x10x2x128xi32, #tpu.memory_space<hbm>> -> memref<10x2x128xi32, #tpu.memory_space<hbm>>
        tpu.wait_dma2 semaphore(%arg10 : memref<!tpu.dma_semaphore, #tpu.memory_space<semaphore_mem>>) src(%dma_wait3A_433 : memref<10x2x128xi32, #tpu.memory_space<hbm>>) dst(%arg6 : memref<10x2x128xi32, #tpu.memory_space<vmem>>)
        %dma_start3A_434 = arith.constant 0 : i32
        %dma_start3A_435 = arith.constant 0 : i32
        %dma_start3A_436 = arith.constant 0 : i32
        %dma_start3A_437 = tpu.memref_slice %arg6[%dma_start3A_434, %dma_start3A_435, %dma_start3A_436] : memref<10x2x128xi32, #tpu.memory_space<vmem>> -> memref<1x1x128xi32, #tpu.memory_space<vmem>>
        %dma_start3A_438 = tpu.memref_squeeze %dma_start3A_437 : memref<1x1x128xi32, #tpu.memory_space<vmem>> -> memref<128xi32, #tpu.memory_space<vmem>>
        %dma_start3A_439 = arith.constant 0 : i32
        %dma_start3A_440 = arith.constant 0 : i32
        %dma_start3A_441 = tpu.memref_slice %arg2[%dma_start3A_439, %dma_start3A_440] : memref<10240x128xf32, #tpu.memory_space<hbm>> -> memref<10240x128xf32, #tpu.memory_space<hbm>>
        tpu.enqueue_indirect_dma source(%dma_start3A_441 : memref<10240x128xf32, #tpu.memory_space<hbm>>) target(%arg8 : memref<128x128xf32, #tpu.memory_space<vmem>>) offsets(%dma_start3A_438 : memref<128xi32, #tpu.memory_space<vmem>>) semaphore(%arg12 : memref<!tpu.dma_semaphore, #tpu.memory_space<semaphore_mem>>)
      } else {
      }
      %dma_wait3A_405 = arith.constant 9 : i32
      %dma_wait3A_406 = arith.constant 0 : i32
      %dma_wait3A_407 = arith.constant 0 : i32
      %dma_wait3A_408 = tpu.memref_slice %arg7[%dma_wait3A_405, %dma_wait3A_406, %dma_wait3A_407] : memref<10x2x128xi32, #tpu.memory_space<vmem>> -> memref<1x1x128xi32, #tpu.memory_space<vmem>>
      %dma_wait3A_409 = tpu.memref_squeeze %dma_wait3A_408 : memref<1x1x128xi32, #tpu.memory_space<vmem>> -> memref<128xi32, #tpu.memory_space<vmem>>
      %dma_wait3A_410 = arith.constant 0 : i32
      %dma_wait3A_411 = arith.constant 0 : i32
      %dma_wait3A_412 = tpu.memref_slice %arg2[%dma_wait3A_410, %dma_wait3A_411] : memref<10240x128xf32, #tpu.memory_space<hbm>> -> memref<10240x128xf32, #tpu.memory_space<hbm>>
      tpu.wait_indirect_dma semaphore(%arg13 : memref<!tpu.dma_semaphore, #tpu.memory_space<semaphore_mem>>) src(%dma_wait3A_412 : memref<10240x128xf32, #tpu.memory_space<hbm>>) dst(%arg9 : memref<128x128xf32, #tpu.memory_space<vmem>>)
      %run_scoped3A_413 = arith.constant 9 : i32
      %run_scoped3A_414 = arith.constant 1 : i32
      "tpu.region"() ({
        %run_scoped3A_422 = tpu.sem_alloc : memref<!tpu.dma_semaphore, #tpu.memory_space<semaphore_mem>>
        %dma_start3A_423 = arith.constant 0 : i32
        %dma_start3A_424 = tpu.memref_slice %arg7[%run_scoped3A_413, %run_scoped3A_414, %dma_start3A_423] : memref<10x2x128xi32, #tpu.memory_space<vmem>> -> memref<1x1x128xi32, #tpu.memory_space<vmem>>
        %dma_start3A_425 = tpu.memref_squeeze %dma_start3A_424 : memref<1x1x128xi32, #tpu.memory_space<vmem>> -> memref<128xi32, #tpu.memory_space<vmem>>
        %dma_start3A_426 = arith.constant 0 : i32
        %dma_start3A_427 = arith.constant 0 : i32
        %dma_start3A_428 = tpu.memref_slice %arg14[%dma_start3A_426, %dma_start3A_427] : memref<10240x128xf32, #tpu.memory_space<vmem_shared>> -> memref<10240x128xf32, #tpu.memory_space<vmem_shared>>
        tpu.enqueue_indirect_dma source(%arg9 : memref<128x128xf32, #tpu.memory_space<vmem>>) target(%dma_start3A_428 : memref<10240x128xf32, #tpu.memory_space<vmem_shared>>) offsets(%dma_start3A_425 : memref<128xi32, #tpu.memory_space<vmem>>) semaphore(%run_scoped3A_422 : memref<!tpu.dma_semaphore, #tpu.memory_space<semaphore_mem>>) {add = true}
        %dma_wait3A_429 = arith.constant 0 : i32
        %dma_wait3A_430 = tpu.memref_slice %arg7[%run_scoped3A_413, %run_scoped3A_414, %dma_wait3A_429] : memref<10x2x128xi32, #tpu.memory_space<vmem>> -> memref<1x1x128xi32, #tpu.memory_space<vmem>>
        %dma_wait3A_431 = tpu.memref_squeeze %dma_wait3A_430 : memref<1x1x128xi32, #tpu.memory_space<vmem>> -> memref<128xi32, #tpu.memory_space<vmem>>
        %dma_wait3A_432 = arith.constant 0 : i32
        %dma_wait3A_433 = arith.constant 0 : i32
        %dma_wait3A_434 = tpu.memref_slice %arg14[%dma_wait3A_432, %dma_wait3A_433] : memref<10240x128xf32, #tpu.memory_space<vmem_shared>> -> memref<10240x128xf32, #tpu.memory_space<vmem_shared>>
        tpu.wait_indirect_dma semaphore(%run_scoped3A_422 : memref<!tpu.dma_semaphore, #tpu.memory_space<semaphore_mem>>) src(%arg9 : memref<128x128xf32, #tpu.memory_space<vmem>>) dst(%dma_wait3A_434 : memref<10240x128xf32, #tpu.memory_space<vmem_shared>>)
        tpu.yield
      }) : () -> ()
      %add3A_415 = arith.constant 2 : i32
      %add3A_416 = arith.addi %add3A_237, %add3A_415 : i32
      %lt3A_417 = arith.constant 8 : i32
      %lt3A_418 = arith.cmpi slt, %add3A_416, %lt3A_417 : i32
      %convert_element_type3A_419 = arith.extui %lt3A_418 : i1 to i32
      %cond3A_420 = arith.constant 0 : i32
      %cond3A_421 = arith.cmpi ne, %convert_element_type3A_419, %cond3A_420 : i32
      scf.if %cond3A_421 {
        %add3A_422 = arith.constant 2 : i32
        %add3A_423 = arith.addi %add3A_237, %add3A_422 : i32
        %mul3A_424 = arith.constant 10 : i32
        %mul3A_425 = arith.muli %add3A_423, %mul3A_424 : i32
        %dma_start3A_426 = arith.constant 0 : i32
        %dma_start3A_427 = arith.constant 0 : i32
        %dma_start3A_428 = tpu.memref_slice %arg3[%add3A, %mul3A_425, %dma_start3A_426, %dma_start3A_427] : memref<32x80x2x128xi32, #tpu.memory_space<hbm>> -> memref<1x10x2x128xi32, #tpu.memory_space<hbm>>
        %dma_start3A_429 = tpu.memref_squeeze %dma_start3A_428 : memref<1x10x2x128xi32, #tpu.memory_space<hbm>> -> memref<10x2x128xi32, #tpu.memory_space<hbm>>
        %dma_start3A_430 = arith.constant 0 : i32
        %dma_start3A_431 = arith.constant 0 : i32
        %dma_start3A_432 = tpu.memref_slice %arg3[%add3A, %mul3A_425, %dma_start3A_430, %dma_start3A_431] : memref<32x80x2x128xi32, #tpu.memory_space<hbm>> -> memref<1x10x2x128xi32, #tpu.memory_space<hbm>>
        %dma_start3A_433 = tpu.memref_squeeze %dma_start3A_432 : memref<1x10x2x128xi32, #tpu.memory_space<hbm>> -> memref<10x2x128xi32, #tpu.memory_space<hbm>>
        tpu.enqueue_dma source(%dma_start3A_433 : memref<10x2x128xi32, #tpu.memory_space<hbm>>) target(%arg7 : memref<10x2x128xi32, #tpu.memory_space<vmem>>) target_semaphore(%arg11 : memref<!tpu.dma_semaphore, #tpu.memory_space<semaphore_mem>>)
      } else {
      }
    }
    %scan3A_43 = arith.constant 4 : i32
    %barrier3A_44 = arith.constant 0 : index
    tpu.barrier barrier_id(%barrier3A_44)
    %mul3A_45 = arith.constant 640 : i32
    %mul3A_46 = arith.muli %arg1, %mul3A_45 : i32
    %mul3A_47 = arith.constant 640 : i32
    %mul3A_48 = arith.muli %arg1, %mul3A_47 : i32
    "tpu.region"() ({
      %run_scoped3A = tpu.sem_alloc : memref<!tpu.dma_semaphore, #tpu.memory_space<semaphore_mem>>
      %dma_start3A_49 = arith.constant 0 : i32
      %dma_start3A_50 = tpu.memref_slice %arg5[%arg0, %mul3A_48, %dma_start3A_49] : memref<2x10240x128xf32, #tpu.memory_space<hbm>> -> memref<1x640x128xf32, #tpu.memory_space<hbm>>
      %dma_start3A_51 = tpu.memref_squeeze %dma_start3A_50 : memref<1x640x128xf32, #tpu.memory_space<hbm>> -> memref<640x128xf32, #tpu.memory_space<hbm>>
      %dma_start3A_52 = arith.constant 0 : i32
      %dma_start3A_53 = tpu.memref_slice %arg14[%mul3A_46, %dma_start3A_52] : memref<10240x128xf32, #tpu.memory_space<vmem_shared>> -> memref<640x128xf32, #tpu.memory_space<vmem_shared>>
      tpu.enqueue_dma source(%dma_start3A_53 : memref<640x128xf32, #tpu.memory_space<vmem_shared>>) target(%dma_start3A_51 : memref<640x128xf32, #tpu.memory_space<hbm>>) target_semaphore(%run_scoped3A : memref<!tpu.dma_semaphore, #tpu.memory_space<semaphore_mem>>)
      %dma_wait3A_54 = arith.constant 0 : i32
      %dma_wait3A_55 = tpu.memref_slice %arg5[%arg0, %mul3A_48, %dma_wait3A_54] : memref<2x10240x128xf32, #tpu.memory_space<hbm>> -> memref<1x640x128xf32, #tpu.memory_space<hbm>>
      %dma_wait3A_56 = tpu.memref_squeeze %dma_wait3A_55 : memref<1x640x128xf32, #tpu.memory_space<hbm>> -> memref<640x128xf32, #tpu.memory_space<hbm>>
      %dma_wait3A_57 = arith.constant 0 : i32
      %dma_wait3A_58 = tpu.memref_slice %arg14[%mul3A_46, %dma_wait3A_57] : memref<10240x128xf32, #tpu.memory_space<vmem_shared>> -> memref<640x128xf32, #tpu.memory_space<vmem_shared>>
      tpu.wait_dma2 semaphore(%run_scoped3A : memref<!tpu.dma_semaphore, #tpu.memory_space<semaphore_mem>>) src(%dma_wait3A_58 : memref<640x128xf32, #tpu.memory_space<vmem_shared>>) dst(%dma_wait3A_56 : memref<640x128xf32, #tpu.memory_space<hbm>>)
      tpu.yield
    }) : () -> ()
    return
  }
}

#map = affine_map<(d0, d1) -> (0, 0)>
#map1 = affine_map<(d0, d1) -> (0, 0, 0, 0)>
#map2 = affine_map<(d0, d1) -> (0, 0, 0)>
module attributes {stable_mosaic.version = 14 : i64} {
  func.func @_sc_agg_body(%arg0: i32, %arg1: i32, %arg2: memref<10240x128xf32, #tpu.memory_space<hbm>>, %arg3: memref<32x80x2x128xi32, #tpu.memory_space<hbm>>, %arg4: memref<640x128xf32, #tpu.memory_space<hbm>>, %arg5: memref<2x10240x128xf32, #tpu.memory_space<hbm>>, %arg6: memref<10x2x128xi32, #tpu.memory_space<vmem>>, %arg7: memref<10x2x128xi32, #tpu.memory_space<vmem>>, %arg8: memref<128x128xf32, #tpu.memory_space<vmem>>, %arg9: memref<128x128xf32, #tpu.memory_space<vmem>>, %arg10: memref<!tpu.dma_semaphore, #tpu.memory_space<semaphore_mem>>, %arg11: memref<!tpu.dma_semaphore, #tpu.memory_space<semaphore_mem>>, %arg12: memref<!tpu.dma_semaphore, #tpu.memory_space<semaphore_mem>>, %arg13: memref<!tpu.dma_semaphore, #tpu.memory_space<semaphore_mem>>, %arg14: memref<10240x128xf32, #tpu.memory_space<vmem_shared>>) attributes {dimension_semantics = [#tpu.dimension_semantics<core_parallel>, #tpu.dimension_semantics<subcore_parallel>], iteration_bounds = array<i64: 2, 16>, scalar_prefetch = 0 : i64, scratch_operands = 9 : i64, tpu.core_type = #tpu.core_type<sc_vector_subcore>, window_params = [{transform_indices = #map}, {transform_indices = #map1}, {transform_indices = #map}, {transform_indices = #map2}]} {
    %mul3A = arith.constant 2 : i32
    %mul3A_0 = arith.muli %arg1, %mul3A : i32
    %add3A = arith.addi %mul3A_0, %arg0 : i32
    %mul3A_1 = arith.constant 640 : i32
    %mul3A_2 = arith.muli %arg1, %mul3A_1 : i32
    "tpu.region"() ({
      %run_scoped3A = tpu.sem_alloc : memref<!tpu.dma_semaphore, #tpu.memory_space<semaphore_mem>>
      %dma_start3A_49 = arith.constant 0 : i32
      %dma_start3A_50 = tpu.memref_slice %arg14[%mul3A_2, %dma_start3A_49] : memref<10240x128xf32, #tpu.memory_space<vmem_shared>> -> memref<640x128xf32, #tpu.memory_space<vmem_shared>>
      tpu.enqueue_dma source(%arg4 : memref<640x128xf32, #tpu.memory_space<hbm>>) target(%dma_start3A_50 : memref<640x128xf32, #tpu.memory_space<vmem_shared>>) target_semaphore(%run_scoped3A : memref<!tpu.dma_semaphore, #tpu.memory_space<semaphore_mem>>)
      %dma_wait3A_51 = arith.constant 0 : i32
      %dma_wait3A_52 = tpu.memref_slice %arg14[%mul3A_2, %dma_wait3A_51] : memref<10240x128xf32, #tpu.memory_space<vmem_shared>> -> memref<640x128xf32, #tpu.memory_space<vmem_shared>>
      tpu.wait_dma2 semaphore(%run_scoped3A : memref<!tpu.dma_semaphore, #tpu.memory_space<semaphore_mem>>) src(%arg4 : memref<640x128xf32, #tpu.memory_space<hbm>>) dst(%dma_wait3A_52 : memref<640x128xf32, #tpu.memory_space<vmem_shared>>)
      tpu.yield
    }) : () -> ()
    %dma_start3A = arith.constant 0 : i32
    %dma_start3A_3 = arith.constant 0 : i32
    %dma_start3A_4 = arith.constant 0 : i32
    %dma_start3A_5 = tpu.memref_slice %arg3[%add3A, %dma_start3A, %dma_start3A_3, %dma_start3A_4] : memref<32x80x2x128xi32, #tpu.memory_space<hbm>> -> memref<1x10x2x128xi32, #tpu.memory_space<hbm>>
    %dma_start3A_6 = tpu.memref_squeeze %dma_start3A_5 : memref<1x10x2x128xi32, #tpu.memory_space<hbm>> -> memref<10x2x128xi32, #tpu.memory_space<hbm>>
    %dma_start3A_7 = arith.constant 0 : i32
    %dma_start3A_8 = arith.constant 0 : i32
    %dma_start3A_9 = arith.constant 0 : i32
    %dma_start3A_10 = tpu.memref_slice %arg3[%add3A, %dma_start3A_7, %dma_start3A_8, %dma_start3A_9] : memref<32x80x2x128xi32, #tpu.memory_space<hbm>> -> memref<1x10x2x128xi32, #tpu.memory_space<hbm>>
    %dma_start3A_11 = tpu.memref_squeeze %dma_start3A_10 : memref<1x10x2x128xi32, #tpu.memory_space<hbm>> -> memref<10x2x128xi32, #tpu.memory_space<hbm>>
    tpu.enqueue_dma source(%dma_start3A_11 : memref<10x2x128xi32, #tpu.memory_space<hbm>>) target(%arg6 : memref<10x2x128xi32, #tpu.memory_space<vmem>>) target_semaphore(%arg10 : memref<!tpu.dma_semaphore, #tpu.memory_space<semaphore_mem>>)
    %dma_start3A_12 = arith.constant 10 : i32
    %dma_start3A_13 = arith.constant 0 : i32
    %dma_start3A_14 = arith.constant 0 : i32
    %dma_start3A_15 = tpu.memref_slice %arg3[%add3A, %dma_start3A_12, %dma_start3A_13, %dma_start3A_14] : memref<32x80x2x128xi32, #tpu.memory_space<hbm>> -> memref<1x10x2x128xi32, #tpu.memory_space<hbm>>
    %dma_start3A_16 = tpu.memref_squeeze %dma_start3A_15 : memref<1x10x2x128xi32, #tpu.memory_space<hbm>> -> memref<10x2x128xi32, #tpu.memory_space<hbm>>
    %dma_start3A_17 = arith.constant 10 : i32
    %dma_start3A_18 = arith.constant 0 : i32
    %dma_start3A_19 = arith.constant 0 : i32
    %dma_start3A_20 = tpu.memref_slice %arg3[%add3A, %dma_start3A_17, %dma_start3A_18, %dma_start3A_19] : memref<32x80x2x128xi32, #tpu.memory_space<hbm>> -> memref<1x10x2x128xi32, #tpu.memory_space<hbm>>
    %dma_start3A_21 = tpu.memref_squeeze %dma_start3A_20 : memref<1x10x2x128xi32, #tpu.memory_space<hbm>> -> memref<10x2x128xi32, #tpu.memory_space<hbm>>
    tpu.enqueue_dma source(%dma_start3A_21 : memref<10x2x128xi32, #tpu.memory_space<hbm>>) target(%arg7 : memref<10x2x128xi32, #tpu.memory_space<vmem>>) target_semaphore(%arg11 : memref<!tpu.dma_semaphore, #tpu.memory_space<semaphore_mem>>)
    %dma_wait3A = arith.constant 0 : i32
    %dma_wait3A_22 = arith.constant 0 : i32
    %dma_wait3A_23 = arith.constant 0 : i32
    %dma_wait3A_24 = tpu.memref_slice %arg3[%add3A, %dma_wait3A, %dma_wait3A_22, %dma_wait3A_23] : memref<32x80x2x128xi32, #tpu.memory_space<hbm>> -> memref<1x10x2x128xi32, #tpu.memory_space<hbm>>
    %dma_wait3A_25 = tpu.memref_squeeze %dma_wait3A_24 : memref<1x10x2x128xi32, #tpu.memory_space<hbm>> -> memref<10x2x128xi32, #tpu.memory_space<hbm>>
    %dma_wait3A_26 = arith.constant 0 : i32
    %dma_wait3A_27 = arith.constant 0 : i32
    %dma_wait3A_28 = arith.constant 0 : i32
    %dma_wait3A_29 = tpu.memref_slice %arg3[%add3A, %dma_wait3A_26, %dma_wait3A_27, %dma_wait3A_28] : memref<32x80x2x128xi32, #tpu.memory_space<hbm>> -> memref<1x10x2x128xi32, #tpu.memory_space<hbm>>
    %dma_wait3A_30 = tpu.memref_squeeze %dma_wait3A_29 : memref<1x10x2x128xi32, #tpu.memory_space<hbm>> -> memref<10x2x128xi32, #tpu.memory_space<hbm>>
    tpu.wait_dma2 semaphore(%arg10 : memref<!tpu.dma_semaphore, #tpu.memory_space<semaphore_mem>>) src(%dma_wait3A_30 : memref<10x2x128xi32, #tpu.memory_space<hbm>>) dst(%arg6 : memref<10x2x128xi32, #tpu.memory_space<vmem>>)
    %dma_start3A_31 = arith.constant 0 : i32
    %dma_start3A_32 = arith.constant 0 : i32
    %dma_start3A_33 = arith.constant 0 : i32
    %dma_start3A_34 = tpu.memref_slice %arg6[%dma_start3A_31, %dma_start3A_32, %dma_start3A_33] : memref<10x2x128xi32, #tpu.memory_space<vmem>> -> memref<1x1x128xi32, #tpu.memory_space<vmem>>
    %dma_start3A_35 = tpu.memref_squeeze %dma_start3A_34 : memref<1x1x128xi32, #tpu.memory_space<vmem>> -> memref<128xi32, #tpu.memory_space<vmem>>
    %dma_start3A_36 = arith.constant 0 : i32
    %dma_start3A_37 = arith.constant 0 : i32
    %dma_start3A_38 = tpu.memref_slice %arg2[%dma_start3A_36, %dma_start3A_37] : memref<10240x128xf32, #tpu.memory_space<hbm>> -> memref<10240x128xf32, #tpu.memory_space<hbm>>
    tpu.enqueue_indirect_dma source(%dma_start3A_38 : memref<10240x128xf32, #tpu.memory_space<hbm>>) target(%arg8 : memref<128x128xf32, #tpu.memory_space<vmem>>) offsets(%dma_start3A_35 : memref<128xi32, #tpu.memory_space<vmem>>) semaphore(%arg12 : memref<!tpu.dma_semaphore, #tpu.memory_space<semaphore_mem>>)
    %barrier3A = arith.constant 0 : index
    tpu.barrier barrier_id(%barrier3A)
    %scan3A = arith.constant 0 : i32
    %scan3A_39 = arith.constant 0 : i32
    %scan3A_40 = arith.constant 4 : i32
    %scan3A_41 = arith.addi %scan3A_39, %scan3A_40 : i32
    %scan3A_42 = arith.constant 1 : i32
    scf.for %scan3A_49 = %scan3A_39 to %scan3A_41 step %scan3A_42  : i32 {
      %mul3A_50 = arith.constant 2 : i32
      %mul3A_51 = arith.muli %mul3A_50, %scan3A_49 : i32
      %add3A_52 = arith.constant 0 : i32
      %add3A_53 = arith.addi %mul3A_51, %add3A_52 : i32
      %dma_start3A_54 = arith.constant 1 : i32
      %dma_start3A_55 = arith.constant 0 : i32
      %dma_start3A_56 = arith.constant 0 : i32
      %dma_start3A_57 = tpu.memref_slice %arg6[%dma_start3A_54, %dma_start3A_55, %dma_start3A_56] : memref<10x2x128xi32, #tpu.memory_space<vmem>> -> memref<1x1x128xi32, #tpu.memory_space<vmem>>
      %dma_start3A_58 = tpu.memref_squeeze %dma_start3A_57 : memref<1x1x128xi32, #tpu.memory_space<vmem>> -> memref<128xi32, #tpu.memory_space<vmem>>
      %dma_start3A_59 = arith.constant 0 : i32
      %dma_start3A_60 = arith.constant 0 : i32
      %dma_start3A_61 = tpu.memref_slice %arg2[%dma_start3A_59, %dma_start3A_60] : memref<10240x128xf32, #tpu.memory_space<hbm>> -> memref<10240x128xf32, #tpu.memory_space<hbm>>
      tpu.enqueue_indirect_dma source(%dma_start3A_61 : memref<10240x128xf32, #tpu.memory_space<hbm>>) target(%arg9 : memref<128x128xf32, #tpu.memory_space<vmem>>) offsets(%dma_start3A_58 : memref<128xi32, #tpu.memory_space<vmem>>) semaphore(%arg13 : memref<!tpu.dma_semaphore, #tpu.memory_space<semaphore_mem>>)
      %dma_wait3A_62 = arith.constant 0 : i32
      %dma_wait3A_63 = arith.constant 0 : i32
      %dma_wait3A_64 = arith.constant 0 : i32
      %dma_wait3A_65 = tpu.memref_slice %arg6[%dma_wait3A_62, %dma_wait3A_63, %dma_wait3A_64] : memref<10x2x128xi32, #tpu.memory_space<vmem>> -> memref<1x1x128xi32, #tpu.memory_space<vmem>>
      %dma_wait3A_66 = tpu.memref_squeeze %dma_wait3A_65 : memref<1x1x128xi32, #tpu.memory_space<vmem>> -> memref<128xi32, #tpu.memory_space<vmem>>
      %dma_wait3A_67 = arith.constant 0 : i32
      %dma_wait3A_68 = arith.constant 0 : i32
      %dma_wait3A_69 = tpu.memref_slice %arg2[%dma_wait3A_67, %dma_wait3A_68] : memref<10240x128xf32, #tpu.memory_space<hbm>> -> memref<10240x128xf32, #tpu.memory_space<hbm>>
      tpu.wait_indirect_dma semaphore(%arg12 : memref<!tpu.dma_semaphore, #tpu.memory_space<semaphore_mem>>) src(%dma_wait3A_69 : memref<10240x128xf32, #tpu.memory_space<hbm>>) dst(%arg8 : memref<128x128xf32, #tpu.memory_space<vmem>>)
      %run_scoped3A = arith.constant 0 : i32
      %run_scoped3A_70 = arith.constant 1 : i32
      "tpu.region"() ({
        %run_scoped3A_422 = tpu.sem_alloc : memref<!tpu.dma_semaphore, #tpu.memory_space<semaphore_mem>>
        %dma_start3A_423 = arith.constant 0 : i32
        %dma_start3A_424 = tpu.memref_slice %arg6[%run_scoped3A, %run_scoped3A_70, %dma_start3A_423] : memref<10x2x128xi32, #tpu.memory_space<vmem>> -> memref<1x1x128xi32, #tpu.memory_space<vmem>>
        %dma_start3A_425 = tpu.memref_squeeze %dma_start3A_424 : memref<1x1x128xi32, #tpu.memory_space<vmem>> -> memref<128xi32, #tpu.memory_space<vmem>>
        %dma_start3A_426 = arith.constant 0 : i32
        %dma_start3A_427 = arith.constant 0 : i32
        %dma_start3A_428 = tpu.memref_slice %arg14[%dma_start3A_426, %dma_start3A_427] : memref<10240x128xf32, #tpu.memory_space<vmem_shared>> -> memref<10240x128xf32, #tpu.memory_space<vmem_shared>>
        tpu.enqueue_indirect_dma source(%arg8 : memref<128x128xf32, #tpu.memory_space<vmem>>) target(%dma_start3A_428 : memref<10240x128xf32, #tpu.memory_space<vmem_shared>>) offsets(%dma_start3A_425 : memref<128xi32, #tpu.memory_space<vmem>>) semaphore(%run_scoped3A_422 : memref<!tpu.dma_semaphore, #tpu.memory_space<semaphore_mem>>) {add = true}
        %dma_wait3A_429 = arith.constant 0 : i32
        %dma_wait3A_430 = tpu.memref_slice %arg6[%run_scoped3A, %run_scoped3A_70, %dma_wait3A_429] : memref<10x2x128xi32, #tpu.memory_space<vmem>> -> memref<1x1x128xi32, #tpu.memory_space<vmem>>
        %dma_wait3A_431 = tpu.memref_squeeze %dma_wait3A_430 : memref<1x1x128xi32, #tpu.memory_space<vmem>> -> memref<128xi32, #tpu.memory_space<vmem>>
        %dma_wait3A_432 = arith.constant 0 : i32
        %dma_wait3A_433 = arith.constant 0 : i32
        %dma_wait3A_434 = tpu.memref_slice %arg14[%dma_wait3A_432, %dma_wait3A_433] : memref<10240x128xf32, #tpu.memory_space<vmem_shared>> -> memref<10240x128xf32, #tpu.memory_space<vmem_shared>>
        tpu.wait_indirect_dma semaphore(%run_scoped3A_422 : memref<!tpu.dma_semaphore, #tpu.memory_space<semaphore_mem>>) src(%arg8 : memref<128x128xf32, #tpu.memory_space<vmem>>) dst(%dma_wait3A_434 : memref<10240x128xf32, #tpu.memory_space<vmem_shared>>)
        tpu.yield
      }) : () -> ()
      %dma_start3A_71 = arith.constant 2 : i32
      %dma_start3A_72 = arith.constant 0 : i32
      %dma_start3A_73 = arith.constant 0 : i32
      %dma_start3A_74 = tpu.memref_slice %arg6[%dma_start3A_71, %dma_start3A_72, %dma_start3A_73] : memref<10x2x128xi32, #tpu.memory_space<vmem>> -> memref<1x1x128xi32, #tpu.memory_space<vmem>>
      %dma_start3A_75 = tpu.memref_squeeze %dma_start3A_74 : memref<1x1x128xi32, #tpu.memory_space<vmem>> -> memref<128xi32, #tpu.memory_space<vmem>>
      %dma_start3A_76 = arith.constant 0 : i32
      %dma_start3A_77 = arith.constant 0 : i32
      %dma_start3A_78 = tpu.memref_slice %arg2[%dma_start3A_76, %dma_start3A_77] : memref<10240x128xf32, #tpu.memory_space<hbm>> -> memref<10240x128xf32, #tpu.memory_space<hbm>>
      tpu.enqueue_indirect_dma source(%dma_start3A_78 : memref<10240x128xf32, #tpu.memory_space<hbm>>) target(%arg8 : memref<128x128xf32, #tpu.memory_space<vmem>>) offsets(%dma_start3A_75 : memref<128xi32, #tpu.memory_space<vmem>>) semaphore(%arg12 : memref<!tpu.dma_semaphore, #tpu.memory_space<semaphore_mem>>)
      %dma_wait3A_79 = arith.constant 1 : i32
      %dma_wait3A_80 = arith.constant 0 : i32
      %dma_wait3A_81 = arith.constant 0 : i32
      %dma_wait3A_82 = tpu.memref_slice %arg6[%dma_wait3A_79, %dma_wait3A_80, %dma_wait3A_81] : memref<10x2x128xi32, #tpu.memory_space<vmem>> -> memref<1x1x128xi32, #tpu.memory_space<vmem>>
      %dma_wait3A_83 = tpu.memref_squeeze %dma_wait3A_82 : memref<1x1x128xi32, #tpu.memory_space<vmem>> -> memref<128xi32, #tpu.memory_space<vmem>>
      %dma_wait3A_84 = arith.constant 0 : i32
      %dma_wait3A_85 = arith.constant 0 : i32
      %dma_wait3A_86 = tpu.memref_slice %arg2[%dma_wait3A_84, %dma_wait3A_85] : memref<10240x128xf32, #tpu.memory_space<hbm>> -> memref<10240x128xf32, #tpu.memory_space<hbm>>
      tpu.wait_indirect_dma semaphore(%arg13 : memref<!tpu.dma_semaphore, #tpu.memory_space<semaphore_mem>>) src(%dma_wait3A_86 : memref<10240x128xf32, #tpu.memory_space<hbm>>) dst(%arg9 : memref<128x128xf32, #tpu.memory_space<vmem>>)
      %run_scoped3A_87 = arith.constant 1 : i32
      %run_scoped3A_88 = arith.constant 1 : i32
      "tpu.region"() ({
        %run_scoped3A_422 = tpu.sem_alloc : memref<!tpu.dma_semaphore, #tpu.memory_space<semaphore_mem>>
        %dma_start3A_423 = arith.constant 0 : i32
        %dma_start3A_424 = tpu.memref_slice %arg6[%run_scoped3A_87, %run_scoped3A_88, %dma_start3A_423] : memref<10x2x128xi32, #tpu.memory_space<vmem>> -> memref<1x1x128xi32, #tpu.memory_space<vmem>>
        %dma_start3A_425 = tpu.memref_squeeze %dma_start3A_424 : memref<1x1x128xi32, #tpu.memory_space<vmem>> -> memref<128xi32, #tpu.memory_space<vmem>>
        %dma_start3A_426 = arith.constant 0 : i32
        %dma_start3A_427 = arith.constant 0 : i32
        %dma_start3A_428 = tpu.memref_slice %arg14[%dma_start3A_426, %dma_start3A_427] : memref<10240x128xf32, #tpu.memory_space<vmem_shared>> -> memref<10240x128xf32, #tpu.memory_space<vmem_shared>>
        tpu.enqueue_indirect_dma source(%arg9 : memref<128x128xf32, #tpu.memory_space<vmem>>) target(%dma_start3A_428 : memref<10240x128xf32, #tpu.memory_space<vmem_shared>>) offsets(%dma_start3A_425 : memref<128xi32, #tpu.memory_space<vmem>>) semaphore(%run_scoped3A_422 : memref<!tpu.dma_semaphore, #tpu.memory_space<semaphore_mem>>) {add = true}
        %dma_wait3A_429 = arith.constant 0 : i32
        %dma_wait3A_430 = tpu.memref_slice %arg6[%run_scoped3A_87, %run_scoped3A_88, %dma_wait3A_429] : memref<10x2x128xi32, #tpu.memory_space<vmem>> -> memref<1x1x128xi32, #tpu.memory_space<vmem>>
        %dma_wait3A_431 = tpu.memref_squeeze %dma_wait3A_430 : memref<1x1x128xi32, #tpu.memory_space<vmem>> -> memref<128xi32, #tpu.memory_space<vmem>>
        %dma_wait3A_432 = arith.constant 0 : i32
        %dma_wait3A_433 = arith.constant 0 : i32
        %dma_wait3A_434 = tpu.memref_slice %arg14[%dma_wait3A_432, %dma_wait3A_433] : memref<10240x128xf32, #tpu.memory_space<vmem_shared>> -> memref<10240x128xf32, #tpu.memory_space<vmem_shared>>
        tpu.wait_indirect_dma semaphore(%run_scoped3A_422 : memref<!tpu.dma_semaphore, #tpu.memory_space<semaphore_mem>>) src(%arg9 : memref<128x128xf32, #tpu.memory_space<vmem>>) dst(%dma_wait3A_434 : memref<10240x128xf32, #tpu.memory_space<vmem_shared>>)
        tpu.yield
      }) : () -> ()
      %dma_start3A_89 = arith.constant 3 : i32
      %dma_start3A_90 = arith.constant 0 : i32
      %dma_start3A_91 = arith.constant 0 : i32
      %dma_start3A_92 = tpu.memref_slice %arg6[%dma_start3A_89, %dma_start3A_90, %dma_start3A_91] : memref<10x2x128xi32, #tpu.memory_space<vmem>> -> memref<1x1x128xi32, #tpu.memory_space<vmem>>
      %dma_start3A_93 = tpu.memref_squeeze %dma_start3A_92 : memref<1x1x128xi32, #tpu.memory_space<vmem>> -> memref<128xi32, #tpu.memory_space<vmem>>
      %dma_start3A_94 = arith.constant 0 : i32
      %dma_start3A_95 = arith.constant 0 : i32
      %dma_start3A_96 = tpu.memref_slice %arg2[%dma_start3A_94, %dma_start3A_95] : memref<10240x128xf32, #tpu.memory_space<hbm>> -> memref<10240x128xf32, #tpu.memory_space<hbm>>
      tpu.enqueue_indirect_dma source(%dma_start3A_96 : memref<10240x128xf32, #tpu.memory_space<hbm>>) target(%arg9 : memref<128x128xf32, #tpu.memory_space<vmem>>) offsets(%dma_start3A_93 : memref<128xi32, #tpu.memory_space<vmem>>) semaphore(%arg13 : memref<!tpu.dma_semaphore, #tpu.memory_space<semaphore_mem>>)
      %dma_wait3A_97 = arith.constant 2 : i32
      %dma_wait3A_98 = arith.constant 0 : i32
      %dma_wait3A_99 = arith.constant 0 : i32
      %dma_wait3A_100 = tpu.memref_slice %arg6[%dma_wait3A_97, %dma_wait3A_98, %dma_wait3A_99] : memref<10x2x128xi32, #tpu.memory_space<vmem>> -> memref<1x1x128xi32, #tpu.memory_space<vmem>>
      %dma_wait3A_101 = tpu.memref_squeeze %dma_wait3A_100 : memref<1x1x128xi32, #tpu.memory_space<vmem>> -> memref<128xi32, #tpu.memory_space<vmem>>
      %dma_wait3A_102 = arith.constant 0 : i32
      %dma_wait3A_103 = arith.constant 0 : i32
      %dma_wait3A_104 = tpu.memref_slice %arg2[%dma_wait3A_102, %dma_wait3A_103] : memref<10240x128xf32, #tpu.memory_space<hbm>> -> memref<10240x128xf32, #tpu.memory_space<hbm>>
      tpu.wait_indirect_dma semaphore(%arg12 : memref<!tpu.dma_semaphore, #tpu.memory_space<semaphore_mem>>) src(%dma_wait3A_104 : memref<10240x128xf32, #tpu.memory_space<hbm>>) dst(%arg8 : memref<128x128xf32, #tpu.memory_space<vmem>>)
      %run_scoped3A_105 = arith.constant 2 : i32
      %run_scoped3A_106 = arith.constant 1 : i32
      "tpu.region"() ({
        %run_scoped3A_422 = tpu.sem_alloc : memref<!tpu.dma_semaphore, #tpu.memory_space<semaphore_mem>>
        %dma_start3A_423 = arith.constant 0 : i32
        %dma_start3A_424 = tpu.memref_slice %arg6[%run_scoped3A_105, %run_scoped3A_106, %dma_start3A_423] : memref<10x2x128xi32, #tpu.memory_space<vmem>> -> memref<1x1x128xi32, #tpu.memory_space<vmem>>
        %dma_start3A_425 = tpu.memref_squeeze %dma_start3A_424 : memref<1x1x128xi32, #tpu.memory_space<vmem>> -> memref<128xi32, #tpu.memory_space<vmem>>
        %dma_start3A_426 = arith.constant 0 : i32
        %dma_start3A_427 = arith.constant 0 : i32
        %dma_start3A_428 = tpu.memref_slice %arg14[%dma_start3A_426, %dma_start3A_427] : memref<10240x128xf32, #tpu.memory_space<vmem_shared>> -> memref<10240x128xf32, #tpu.memory_space<vmem_shared>>
        tpu.enqueue_indirect_dma source(%arg8 : memref<128x128xf32, #tpu.memory_space<vmem>>) target(%dma_start3A_428 : memref<10240x128xf32, #tpu.memory_space<vmem_shared>>) offsets(%dma_start3A_425 : memref<128xi32, #tpu.memory_space<vmem>>) semaphore(%run_scoped3A_422 : memref<!tpu.dma_semaphore, #tpu.memory_space<semaphore_mem>>) {add = true}
        %dma_wait3A_429 = arith.constant 0 : i32
        %dma_wait3A_430 = tpu.memref_slice %arg6[%run_scoped3A_105, %run_scoped3A_106, %dma_wait3A_429] : memref<10x2x128xi32, #tpu.memory_space<vmem>> -> memref<1x1x128xi32, #tpu.memory_space<vmem>>
        %dma_wait3A_431 = tpu.memref_squeeze %dma_wait3A_430 : memref<1x1x128xi32, #tpu.memory_space<vmem>> -> memref<128xi32, #tpu.memory_space<vmem>>
        %dma_wait3A_432 = arith.constant 0 : i32
        %dma_wait3A_433 = arith.constant 0 : i32
        %dma_wait3A_434 = tpu.memref_slice %arg14[%dma_wait3A_432, %dma_wait3A_433] : memref<10240x128xf32, #tpu.memory_space<vmem_shared>> -> memref<10240x128xf32, #tpu.memory_space<vmem_shared>>
        tpu.wait_indirect_dma semaphore(%run_scoped3A_422 : memref<!tpu.dma_semaphore, #tpu.memory_space<semaphore_mem>>) src(%arg8 : memref<128x128xf32, #tpu.memory_space<vmem>>) dst(%dma_wait3A_434 : memref<10240x128xf32, #tpu.memory_space<vmem_shared>>)
        tpu.yield
      }) : () -> ()
      %dma_start3A_107 = arith.constant 4 : i32
      %dma_start3A_108 = arith.constant 0 : i32
      %dma_start3A_109 = arith.constant 0 : i32
      %dma_start3A_110 = tpu.memref_slice %arg6[%dma_start3A_107, %dma_start3A_108, %dma_start3A_109] : memref<10x2x128xi32, #tpu.memory_space<vmem>> -> memref<1x1x128xi32, #tpu.memory_space<vmem>>
      %dma_start3A_111 = tpu.memref_squeeze %dma_start3A_110 : memref<1x1x128xi32, #tpu.memory_space<vmem>> -> memref<128xi32, #tpu.memory_space<vmem>>
      %dma_start3A_112 = arith.constant 0 : i32
      %dma_start3A_113 = arith.constant 0 : i32
      %dma_start3A_114 = tpu.memref_slice %arg2[%dma_start3A_112, %dma_start3A_113] : memref<10240x128xf32, #tpu.memory_space<hbm>> -> memref<10240x128xf32, #tpu.memory_space<hbm>>
      tpu.enqueue_indirect_dma source(%dma_start3A_114 : memref<10240x128xf32, #tpu.memory_space<hbm>>) target(%arg8 : memref<128x128xf32, #tpu.memory_space<vmem>>) offsets(%dma_start3A_111 : memref<128xi32, #tpu.memory_space<vmem>>) semaphore(%arg12 : memref<!tpu.dma_semaphore, #tpu.memory_space<semaphore_mem>>)
      %dma_wait3A_115 = arith.constant 3 : i32
      %dma_wait3A_116 = arith.constant 0 : i32
      %dma_wait3A_117 = arith.constant 0 : i32
      %dma_wait3A_118 = tpu.memref_slice %arg6[%dma_wait3A_115, %dma_wait3A_116, %dma_wait3A_117] : memref<10x2x128xi32, #tpu.memory_space<vmem>> -> memref<1x1x128xi32, #tpu.memory_space<vmem>>
      %dma_wait3A_119 = tpu.memref_squeeze %dma_wait3A_118 : memref<1x1x128xi32, #tpu.memory_space<vmem>> -> memref<128xi32, #tpu.memory_space<vmem>>
      %dma_wait3A_120 = arith.constant 0 : i32
      %dma_wait3A_121 = arith.constant 0 : i32
      %dma_wait3A_122 = tpu.memref_slice %arg2[%dma_wait3A_120, %dma_wait3A_121] : memref<10240x128xf32, #tpu.memory_space<hbm>> -> memref<10240x128xf32, #tpu.memory_space<hbm>>
      tpu.wait_indirect_dma semaphore(%arg13 : memref<!tpu.dma_semaphore, #tpu.memory_space<semaphore_mem>>) src(%dma_wait3A_122 : memref<10240x128xf32, #tpu.memory_space<hbm>>) dst(%arg9 : memref<128x128xf32, #tpu.memory_space<vmem>>)
      %run_scoped3A_123 = arith.constant 3 : i32
      %run_scoped3A_124 = arith.constant 1 : i32
      "tpu.region"() ({
        %run_scoped3A_422 = tpu.sem_alloc : memref<!tpu.dma_semaphore, #tpu.memory_space<semaphore_mem>>
        %dma_start3A_423 = arith.constant 0 : i32
        %dma_start3A_424 = tpu.memref_slice %arg6[%run_scoped3A_123, %run_scoped3A_124, %dma_start3A_423] : memref<10x2x128xi32, #tpu.memory_space<vmem>> -> memref<1x1x128xi32, #tpu.memory_space<vmem>>
        %dma_start3A_425 = tpu.memref_squeeze %dma_start3A_424 : memref<1x1x128xi32, #tpu.memory_space<vmem>> -> memref<128xi32, #tpu.memory_space<vmem>>
        %dma_start3A_426 = arith.constant 0 : i32
        %dma_start3A_427 = arith.constant 0 : i32
        %dma_start3A_428 = tpu.memref_slice %arg14[%dma_start3A_426, %dma_start3A_427] : memref<10240x128xf32, #tpu.memory_space<vmem_shared>> -> memref<10240x128xf32, #tpu.memory_space<vmem_shared>>
        tpu.enqueue_indirect_dma source(%arg9 : memref<128x128xf32, #tpu.memory_space<vmem>>) target(%dma_start3A_428 : memref<10240x128xf32, #tpu.memory_space<vmem_shared>>) offsets(%dma_start3A_425 : memref<128xi32, #tpu.memory_space<vmem>>) semaphore(%run_scoped3A_422 : memref<!tpu.dma_semaphore, #tpu.memory_space<semaphore_mem>>) {add = true}
        %dma_wait3A_429 = arith.constant 0 : i32
        %dma_wait3A_430 = tpu.memref_slice %arg6[%run_scoped3A_123, %run_scoped3A_124, %dma_wait3A_429] : memref<10x2x128xi32, #tpu.memory_space<vmem>> -> memref<1x1x128xi32, #tpu.memory_space<vmem>>
        %dma_wait3A_431 = tpu.memref_squeeze %dma_wait3A_430 : memref<1x1x128xi32, #tpu.memory_space<vmem>> -> memref<128xi32, #tpu.memory_space<vmem>>
        %dma_wait3A_432 = arith.constant 0 : i32
        %dma_wait3A_433 = arith.constant 0 : i32
        %dma_wait3A_434 = tpu.memref_slice %arg14[%dma_wait3A_432, %dma_wait3A_433] : memref<10240x128xf32, #tpu.memory_space<vmem_shared>> -> memref<10240x128xf32, #tpu.memory_space<vmem_shared>>
        tpu.wait_indirect_dma semaphore(%run_scoped3A_422 : memref<!tpu.dma_semaphore, #tpu.memory_space<semaphore_mem>>) src(%arg9 : memref<128x128xf32, #tpu.memory_space<vmem>>) dst(%dma_wait3A_434 : memref<10240x128xf32, #tpu.memory_space<vmem_shared>>)
        tpu.yield
      }) : () -> ()
      %dma_start3A_125 = arith.constant 5 : i32
      %dma_start3A_126 = arith.constant 0 : i32
      %dma_start3A_127 = arith.constant 0 : i32
      %dma_start3A_128 = tpu.memref_slice %arg6[%dma_start3A_125, %dma_start3A_126, %dma_start3A_127] : memref<10x2x128xi32, #tpu.memory_space<vmem>> -> memref<1x1x128xi32, #tpu.memory_space<vmem>>
      %dma_start3A_129 = tpu.memref_squeeze %dma_start3A_128 : memref<1x1x128xi32, #tpu.memory_space<vmem>> -> memref<128xi32, #tpu.memory_space<vmem>>
      %dma_start3A_130 = arith.constant 0 : i32
      %dma_start3A_131 = arith.constant 0 : i32
      %dma_start3A_132 = tpu.memref_slice %arg2[%dma_start3A_130, %dma_start3A_131] : memref<10240x128xf32, #tpu.memory_space<hbm>> -> memref<10240x128xf32, #tpu.memory_space<hbm>>
      tpu.enqueue_indirect_dma source(%dma_start3A_132 : memref<10240x128xf32, #tpu.memory_space<hbm>>) target(%arg9 : memref<128x128xf32, #tpu.memory_space<vmem>>) offsets(%dma_start3A_129 : memref<128xi32, #tpu.memory_space<vmem>>) semaphore(%arg13 : memref<!tpu.dma_semaphore, #tpu.memory_space<semaphore_mem>>)
      %dma_wait3A_133 = arith.constant 4 : i32
      %dma_wait3A_134 = arith.constant 0 : i32
      %dma_wait3A_135 = arith.constant 0 : i32
      %dma_wait3A_136 = tpu.memref_slice %arg6[%dma_wait3A_133, %dma_wait3A_134, %dma_wait3A_135] : memref<10x2x128xi32, #tpu.memory_space<vmem>> -> memref<1x1x128xi32, #tpu.memory_space<vmem>>
      %dma_wait3A_137 = tpu.memref_squeeze %dma_wait3A_136 : memref<1x1x128xi32, #tpu.memory_space<vmem>> -> memref<128xi32, #tpu.memory_space<vmem>>
      %dma_wait3A_138 = arith.constant 0 : i32
      %dma_wait3A_139 = arith.constant 0 : i32
      %dma_wait3A_140 = tpu.memref_slice %arg2[%dma_wait3A_138, %dma_wait3A_139] : memref<10240x128xf32, #tpu.memory_space<hbm>> -> memref<10240x128xf32, #tpu.memory_space<hbm>>
      tpu.wait_indirect_dma semaphore(%arg12 : memref<!tpu.dma_semaphore, #tpu.memory_space<semaphore_mem>>) src(%dma_wait3A_140 : memref<10240x128xf32, #tpu.memory_space<hbm>>) dst(%arg8 : memref<128x128xf32, #tpu.memory_space<vmem>>)
      %run_scoped3A_141 = arith.constant 4 : i32
      %run_scoped3A_142 = arith.constant 1 : i32
      "tpu.region"() ({
        %run_scoped3A_422 = tpu.sem_alloc : memref<!tpu.dma_semaphore, #tpu.memory_space<semaphore_mem>>
        %dma_start3A_423 = arith.constant 0 : i32
        %dma_start3A_424 = tpu.memref_slice %arg6[%run_scoped3A_141, %run_scoped3A_142, %dma_start3A_423] : memref<10x2x128xi32, #tpu.memory_space<vmem>> -> memref<1x1x128xi32, #tpu.memory_space<vmem>>
        %dma_start3A_425 = tpu.memref_squeeze %dma_start3A_424 : memref<1x1x128xi32, #tpu.memory_space<vmem>> -> memref<128xi32, #tpu.memory_space<vmem>>
        %dma_start3A_426 = arith.constant 0 : i32
        %dma_start3A_427 = arith.constant 0 : i32
        %dma_start3A_428 = tpu.memref_slice %arg14[%dma_start3A_426, %dma_start3A_427] : memref<10240x128xf32, #tpu.memory_space<vmem_shared>> -> memref<10240x128xf32, #tpu.memory_space<vmem_shared>>
        tpu.enqueue_indirect_dma source(%arg8 : memref<128x128xf32, #tpu.memory_space<vmem>>) target(%dma_start3A_428 : memref<10240x128xf32, #tpu.memory_space<vmem_shared>>) offsets(%dma_start3A_425 : memref<128xi32, #tpu.memory_space<vmem>>) semaphore(%run_scoped3A_422 : memref<!tpu.dma_semaphore, #tpu.memory_space<semaphore_mem>>) {add = true}
        %dma_wait3A_429 = arith.constant 0 : i32
        %dma_wait3A_430 = tpu.memref_slice %arg6[%run_scoped3A_141, %run_scoped3A_142, %dma_wait3A_429] : memref<10x2x128xi32, #tpu.memory_space<vmem>> -> memref<1x1x128xi32, #tpu.memory_space<vmem>>
        %dma_wait3A_431 = tpu.memref_squeeze %dma_wait3A_430 : memref<1x1x128xi32, #tpu.memory_space<vmem>> -> memref<128xi32, #tpu.memory_space<vmem>>
        %dma_wait3A_432 = arith.constant 0 : i32
        %dma_wait3A_433 = arith.constant 0 : i32
        %dma_wait3A_434 = tpu.memref_slice %arg14[%dma_wait3A_432, %dma_wait3A_433] : memref<10240x128xf32, #tpu.memory_space<vmem_shared>> -> memref<10240x128xf32, #tpu.memory_space<vmem_shared>>
        tpu.wait_indirect_dma semaphore(%run_scoped3A_422 : memref<!tpu.dma_semaphore, #tpu.memory_space<semaphore_mem>>) src(%arg8 : memref<128x128xf32, #tpu.memory_space<vmem>>) dst(%dma_wait3A_434 : memref<10240x128xf32, #tpu.memory_space<vmem_shared>>)
        tpu.yield
      }) : () -> ()
      %dma_start3A_143 = arith.constant 6 : i32
      %dma_start3A_144 = arith.constant 0 : i32
      %dma_start3A_145 = arith.constant 0 : i32
      %dma_start3A_146 = tpu.memref_slice %arg6[%dma_start3A_143, %dma_start3A_144, %dma_start3A_145] : memref<10x2x128xi32, #tpu.memory_space<vmem>> -> memref<1x1x128xi32, #tpu.memory_space<vmem>>
      %dma_start3A_147 = tpu.memref_squeeze %dma_start3A_146 : memref<1x1x128xi32, #tpu.memory_space<vmem>> -> memref<128xi32, #tpu.memory_space<vmem>>
      %dma_start3A_148 = arith.constant 0 : i32
      %dma_start3A_149 = arith.constant 0 : i32
      %dma_start3A_150 = tpu.memref_slice %arg2[%dma_start3A_148, %dma_start3A_149] : memref<10240x128xf32, #tpu.memory_space<hbm>> -> memref<10240x128xf32, #tpu.memory_space<hbm>>
      tpu.enqueue_indirect_dma source(%dma_start3A_150 : memref<10240x128xf32, #tpu.memory_space<hbm>>) target(%arg8 : memref<128x128xf32, #tpu.memory_space<vmem>>) offsets(%dma_start3A_147 : memref<128xi32, #tpu.memory_space<vmem>>) semaphore(%arg12 : memref<!tpu.dma_semaphore, #tpu.memory_space<semaphore_mem>>)
      %dma_wait3A_151 = arith.constant 5 : i32
      %dma_wait3A_152 = arith.constant 0 : i32
      %dma_wait3A_153 = arith.constant 0 : i32
      %dma_wait3A_154 = tpu.memref_slice %arg6[%dma_wait3A_151, %dma_wait3A_152, %dma_wait3A_153] : memref<10x2x128xi32, #tpu.memory_space<vmem>> -> memref<1x1x128xi32, #tpu.memory_space<vmem>>
      %dma_wait3A_155 = tpu.memref_squeeze %dma_wait3A_154 : memref<1x1x128xi32, #tpu.memory_space<vmem>> -> memref<128xi32, #tpu.memory_space<vmem>>
      %dma_wait3A_156 = arith.constant 0 : i32
      %dma_wait3A_157 = arith.constant 0 : i32
      %dma_wait3A_158 = tpu.memref_slice %arg2[%dma_wait3A_156, %dma_wait3A_157] : memref<10240x128xf32, #tpu.memory_space<hbm>> -> memref<10240x128xf32, #tpu.memory_space<hbm>>
      tpu.wait_indirect_dma semaphore(%arg13 : memref<!tpu.dma_semaphore, #tpu.memory_space<semaphore_mem>>) src(%dma_wait3A_158 : memref<10240x128xf32, #tpu.memory_space<hbm>>) dst(%arg9 : memref<128x128xf32, #tpu.memory_space<vmem>>)
      %run_scoped3A_159 = arith.constant 5 : i32
      %run_scoped3A_160 = arith.constant 1 : i32
      "tpu.region"() ({
        %run_scoped3A_422 = tpu.sem_alloc : memref<!tpu.dma_semaphore, #tpu.memory_space<semaphore_mem>>
        %dma_start3A_423 = arith.constant 0 : i32
        %dma_start3A_424 = tpu.memref_slice %arg6[%run_scoped3A_159, %run_scoped3A_160, %dma_start3A_423] : memref<10x2x128xi32, #tpu.memory_space<vmem>> -> memref<1x1x128xi32, #tpu.memory_space<vmem>>
        %dma_start3A_425 = tpu.memref_squeeze %dma_start3A_424 : memref<1x1x128xi32, #tpu.memory_space<vmem>> -> memref<128xi32, #tpu.memory_space<vmem>>
        %dma_start3A_426 = arith.constant 0 : i32
        %dma_start3A_427 = arith.constant 0 : i32
        %dma_start3A_428 = tpu.memref_slice %arg14[%dma_start3A_426, %dma_start3A_427] : memref<10240x128xf32, #tpu.memory_space<vmem_shared>> -> memref<10240x128xf32, #tpu.memory_space<vmem_shared>>
        tpu.enqueue_indirect_dma source(%arg9 : memref<128x128xf32, #tpu.memory_space<vmem>>) target(%dma_start3A_428 : memref<10240x128xf32, #tpu.memory_space<vmem_shared>>) offsets(%dma_start3A_425 : memref<128xi32, #tpu.memory_space<vmem>>) semaphore(%run_scoped3A_422 : memref<!tpu.dma_semaphore, #tpu.memory_space<semaphore_mem>>) {add = true}
        %dma_wait3A_429 = arith.constant 0 : i32
        %dma_wait3A_430 = tpu.memref_slice %arg6[%run_scoped3A_159, %run_scoped3A_160, %dma_wait3A_429] : memref<10x2x128xi32, #tpu.memory_space<vmem>> -> memref<1x1x128xi32, #tpu.memory_space<vmem>>
        %dma_wait3A_431 = tpu.memref_squeeze %dma_wait3A_430 : memref<1x1x128xi32, #tpu.memory_space<vmem>> -> memref<128xi32, #tpu.memory_space<vmem>>
        %dma_wait3A_432 = arith.constant 0 : i32
        %dma_wait3A_433 = arith.constant 0 : i32
        %dma_wait3A_434 = tpu.memref_slice %arg14[%dma_wait3A_432, %dma_wait3A_433] : memref<10240x128xf32, #tpu.memory_space<vmem_shared>> -> memref<10240x128xf32, #tpu.memory_space<vmem_shared>>
        tpu.wait_indirect_dma semaphore(%run_scoped3A_422 : memref<!tpu.dma_semaphore, #tpu.memory_space<semaphore_mem>>) src(%arg9 : memref<128x128xf32, #tpu.memory_space<vmem>>) dst(%dma_wait3A_434 : memref<10240x128xf32, #tpu.memory_space<vmem_shared>>)
        tpu.yield
      }) : () -> ()
      %dma_start3A_161 = arith.constant 7 : i32
      %dma_start3A_162 = arith.constant 0 : i32
      %dma_start3A_163 = arith.constant 0 : i32
      %dma_start3A_164 = tpu.memref_slice %arg6[%dma_start3A_161, %dma_start3A_162, %dma_start3A_163] : memref<10x2x128xi32, #tpu.memory_space<vmem>> -> memref<1x1x128xi32, #tpu.memory_space<vmem>>
      %dma_start3A_165 = tpu.memref_squeeze %dma_start3A_164 : memref<1x1x128xi32, #tpu.memory_space<vmem>> -> memref<128xi32, #tpu.memory_space<vmem>>
      %dma_start3A_166 = arith.constant 0 : i32
      %dma_start3A_167 = arith.constant 0 : i32
      %dma_start3A_168 = tpu.memref_slice %arg2[%dma_start3A_166, %dma_start3A_167] : memref<10240x128xf32, #tpu.memory_space<hbm>> -> memref<10240x128xf32, #tpu.memory_space<hbm>>
      tpu.enqueue_indirect_dma source(%dma_start3A_168 : memref<10240x128xf32, #tpu.memory_space<hbm>>) target(%arg9 : memref<128x128xf32, #tpu.memory_space<vmem>>) offsets(%dma_start3A_165 : memref<128xi32, #tpu.memory_space<vmem>>) semaphore(%arg13 : memref<!tpu.dma_semaphore, #tpu.memory_space<semaphore_mem>>)
      %dma_wait3A_169 = arith.constant 6 : i32
      %dma_wait3A_170 = arith.constant 0 : i32
      %dma_wait3A_171 = arith.constant 0 : i32
      %dma_wait3A_172 = tpu.memref_slice %arg6[%dma_wait3A_169, %dma_wait3A_170, %dma_wait3A_171] : memref<10x2x128xi32, #tpu.memory_space<vmem>> -> memref<1x1x128xi32, #tpu.memory_space<vmem>>
      %dma_wait3A_173 = tpu.memref_squeeze %dma_wait3A_172 : memref<1x1x128xi32, #tpu.memory_space<vmem>> -> memref<128xi32, #tpu.memory_space<vmem>>
      %dma_wait3A_174 = arith.constant 0 : i32
      %dma_wait3A_175 = arith.constant 0 : i32
      %dma_wait3A_176 = tpu.memref_slice %arg2[%dma_wait3A_174, %dma_wait3A_175] : memref<10240x128xf32, #tpu.memory_space<hbm>> -> memref<10240x128xf32, #tpu.memory_space<hbm>>
      tpu.wait_indirect_dma semaphore(%arg12 : memref<!tpu.dma_semaphore, #tpu.memory_space<semaphore_mem>>) src(%dma_wait3A_176 : memref<10240x128xf32, #tpu.memory_space<hbm>>) dst(%arg8 : memref<128x128xf32, #tpu.memory_space<vmem>>)
      %run_scoped3A_177 = arith.constant 6 : i32
      %run_scoped3A_178 = arith.constant 1 : i32
      "tpu.region"() ({
        %run_scoped3A_422 = tpu.sem_alloc : memref<!tpu.dma_semaphore, #tpu.memory_space<semaphore_mem>>
        %dma_start3A_423 = arith.constant 0 : i32
        %dma_start3A_424 = tpu.memref_slice %arg6[%run_scoped3A_177, %run_scoped3A_178, %dma_start3A_423] : memref<10x2x128xi32, #tpu.memory_space<vmem>> -> memref<1x1x128xi32, #tpu.memory_space<vmem>>
        %dma_start3A_425 = tpu.memref_squeeze %dma_start3A_424 : memref<1x1x128xi32, #tpu.memory_space<vmem>> -> memref<128xi32, #tpu.memory_space<vmem>>
        %dma_start3A_426 = arith.constant 0 : i32
        %dma_start3A_427 = arith.constant 0 : i32
        %dma_start3A_428 = tpu.memref_slice %arg14[%dma_start3A_426, %dma_start3A_427] : memref<10240x128xf32, #tpu.memory_space<vmem_shared>> -> memref<10240x128xf32, #tpu.memory_space<vmem_shared>>
        tpu.enqueue_indirect_dma source(%arg8 : memref<128x128xf32, #tpu.memory_space<vmem>>) target(%dma_start3A_428 : memref<10240x128xf32, #tpu.memory_space<vmem_shared>>) offsets(%dma_start3A_425 : memref<128xi32, #tpu.memory_space<vmem>>) semaphore(%run_scoped3A_422 : memref<!tpu.dma_semaphore, #tpu.memory_space<semaphore_mem>>) {add = true}
        %dma_wait3A_429 = arith.constant 0 : i32
        %dma_wait3A_430 = tpu.memref_slice %arg6[%run_scoped3A_177, %run_scoped3A_178, %dma_wait3A_429] : memref<10x2x128xi32, #tpu.memory_space<vmem>> -> memref<1x1x128xi32, #tpu.memory_space<vmem>>
        %dma_wait3A_431 = tpu.memref_squeeze %dma_wait3A_430 : memref<1x1x128xi32, #tpu.memory_space<vmem>> -> memref<128xi32, #tpu.memory_space<vmem>>
        %dma_wait3A_432 = arith.constant 0 : i32
        %dma_wait3A_433 = arith.constant 0 : i32
        %dma_wait3A_434 = tpu.memref_slice %arg14[%dma_wait3A_432, %dma_wait3A_433] : memref<10240x128xf32, #tpu.memory_space<vmem_shared>> -> memref<10240x128xf32, #tpu.memory_space<vmem_shared>>
        tpu.wait_indirect_dma semaphore(%run_scoped3A_422 : memref<!tpu.dma_semaphore, #tpu.memory_space<semaphore_mem>>) src(%arg8 : memref<128x128xf32, #tpu.memory_space<vmem>>) dst(%dma_wait3A_434 : memref<10240x128xf32, #tpu.memory_space<vmem_shared>>)
        tpu.yield
      }) : () -> ()
      %dma_start3A_179 = arith.constant 8 : i32
      %dma_start3A_180 = arith.constant 0 : i32
      %dma_start3A_181 = arith.constant 0 : i32
      %dma_start3A_182 = tpu.memref_slice %arg6[%dma_start3A_179, %dma_start3A_180, %dma_start3A_181] : memref<10x2x128xi32, #tpu.memory_space<vmem>> -> memref<1x1x128xi32, #tpu.memory_space<vmem>>
      %dma_start3A_183 = tpu.memref_squeeze %dma_start3A_182 : memref<1x1x128xi32, #tpu.memory_space<vmem>> -> memref<128xi32, #tpu.memory_space<vmem>>
      %dma_start3A_184 = arith.constant 0 : i32
      %dma_start3A_185 = arith.constant 0 : i32
      %dma_start3A_186 = tpu.memref_slice %arg2[%dma_start3A_184, %dma_start3A_185] : memref<10240x128xf32, #tpu.memory_space<hbm>> -> memref<10240x128xf32, #tpu.memory_space<hbm>>
      tpu.enqueue_indirect_dma source(%dma_start3A_186 : memref<10240x128xf32, #tpu.memory_space<hbm>>) target(%arg8 : memref<128x128xf32, #tpu.memory_space<vmem>>) offsets(%dma_start3A_183 : memref<128xi32, #tpu.memory_space<vmem>>) semaphore(%arg12 : memref<!tpu.dma_semaphore, #tpu.memory_space<semaphore_mem>>)
      %dma_wait3A_187 = arith.constant 7 : i32
      %dma_wait3A_188 = arith.constant 0 : i32
      %dma_wait3A_189 = arith.constant 0 : i32
      %dma_wait3A_190 = tpu.memref_slice %arg6[%dma_wait3A_187, %dma_wait3A_188, %dma_wait3A_189] : memref<10x2x128xi32, #tpu.memory_space<vmem>> -> memref<1x1x128xi32, #tpu.memory_space<vmem>>
      %dma_wait3A_191 = tpu.memref_squeeze %dma_wait3A_190 : memref<1x1x128xi32, #tpu.memory_space<vmem>> -> memref<128xi32, #tpu.memory_space<vmem>>
      %dma_wait3A_192 = arith.constant 0 : i32
      %dma_wait3A_193 = arith.constant 0 : i32
      %dma_wait3A_194 = tpu.memref_slice %arg2[%dma_wait3A_192, %dma_wait3A_193] : memref<10240x128xf32, #tpu.memory_space<hbm>> -> memref<10240x128xf32, #tpu.memory_space<hbm>>
      tpu.wait_indirect_dma semaphore(%arg13 : memref<!tpu.dma_semaphore, #tpu.memory_space<semaphore_mem>>) src(%dma_wait3A_194 : memref<10240x128xf32, #tpu.memory_space<hbm>>) dst(%arg9 : memref<128x128xf32, #tpu.memory_space<vmem>>)
      %run_scoped3A_195 = arith.constant 7 : i32
      %run_scoped3A_196 = arith.constant 1 : i32
      "tpu.region"() ({
        %run_scoped3A_422 = tpu.sem_alloc : memref<!tpu.dma_semaphore, #tpu.memory_space<semaphore_mem>>
        %dma_start3A_423 = arith.constant 0 : i32
        %dma_start3A_424 = tpu.memref_slice %arg6[%run_scoped3A_195, %run_scoped3A_196, %dma_start3A_423] : memref<10x2x128xi32, #tpu.memory_space<vmem>> -> memref<1x1x128xi32, #tpu.memory_space<vmem>>
        %dma_start3A_425 = tpu.memref_squeeze %dma_start3A_424 : memref<1x1x128xi32, #tpu.memory_space<vmem>> -> memref<128xi32, #tpu.memory_space<vmem>>
        %dma_start3A_426 = arith.constant 0 : i32
        %dma_start3A_427 = arith.constant 0 : i32
        %dma_start3A_428 = tpu.memref_slice %arg14[%dma_start3A_426, %dma_start3A_427] : memref<10240x128xf32, #tpu.memory_space<vmem_shared>> -> memref<10240x128xf32, #tpu.memory_space<vmem_shared>>
        tpu.enqueue_indirect_dma source(%arg9 : memref<128x128xf32, #tpu.memory_space<vmem>>) target(%dma_start3A_428 : memref<10240x128xf32, #tpu.memory_space<vmem_shared>>) offsets(%dma_start3A_425 : memref<128xi32, #tpu.memory_space<vmem>>) semaphore(%run_scoped3A_422 : memref<!tpu.dma_semaphore, #tpu.memory_space<semaphore_mem>>) {add = true}
        %dma_wait3A_429 = arith.constant 0 : i32
        %dma_wait3A_430 = tpu.memref_slice %arg6[%run_scoped3A_195, %run_scoped3A_196, %dma_wait3A_429] : memref<10x2x128xi32, #tpu.memory_space<vmem>> -> memref<1x1x128xi32, #tpu.memory_space<vmem>>
        %dma_wait3A_431 = tpu.memref_squeeze %dma_wait3A_430 : memref<1x1x128xi32, #tpu.memory_space<vmem>> -> memref<128xi32, #tpu.memory_space<vmem>>
        %dma_wait3A_432 = arith.constant 0 : i32
        %dma_wait3A_433 = arith.constant 0 : i32
        %dma_wait3A_434 = tpu.memref_slice %arg14[%dma_wait3A_432, %dma_wait3A_433] : memref<10240x128xf32, #tpu.memory_space<vmem_shared>> -> memref<10240x128xf32, #tpu.memory_space<vmem_shared>>
        tpu.wait_indirect_dma semaphore(%run_scoped3A_422 : memref<!tpu.dma_semaphore, #tpu.memory_space<semaphore_mem>>) src(%arg9 : memref<128x128xf32, #tpu.memory_space<vmem>>) dst(%dma_wait3A_434 : memref<10240x128xf32, #tpu.memory_space<vmem_shared>>)
        tpu.yield
      }) : () -> ()
      %dma_start3A_197 = arith.constant 9 : i32
      %dma_start3A_198 = arith.constant 0 : i32
      %dma_start3A_199 = arith.constant 0 : i32
      %dma_start3A_200 = tpu.memref_slice %arg6[%dma_start3A_197, %dma_start3A_198, %dma_start3A_199] : memref<10x2x128xi32, #tpu.memory_space<vmem>> -> memref<1x1x128xi32, #tpu.memory_space<vmem>>
      %dma_start3A_201 = tpu.memref_squeeze %dma_start3A_200 : memref<1x1x128xi32, #tpu.memory_space<vmem>> -> memref<128xi32, #tpu.memory_space<vmem>>
      %dma_start3A_202 = arith.constant 0 : i32
      %dma_start3A_203 = arith.constant 0 : i32
      %dma_start3A_204 = tpu.memref_slice %arg2[%dma_start3A_202, %dma_start3A_203] : memref<10240x128xf32, #tpu.memory_space<hbm>> -> memref<10240x128xf32, #tpu.memory_space<hbm>>
      tpu.enqueue_indirect_dma source(%dma_start3A_204 : memref<10240x128xf32, #tpu.memory_space<hbm>>) target(%arg9 : memref<128x128xf32, #tpu.memory_space<vmem>>) offsets(%dma_start3A_201 : memref<128xi32, #tpu.memory_space<vmem>>) semaphore(%arg13 : memref<!tpu.dma_semaphore, #tpu.memory_space<semaphore_mem>>)
      %dma_wait3A_205 = arith.constant 8 : i32
      %dma_wait3A_206 = arith.constant 0 : i32
      %dma_wait3A_207 = arith.constant 0 : i32
      %dma_wait3A_208 = tpu.memref_slice %arg6[%dma_wait3A_205, %dma_wait3A_206, %dma_wait3A_207] : memref<10x2x128xi32, #tpu.memory_space<vmem>> -> memref<1x1x128xi32, #tpu.memory_space<vmem>>
      %dma_wait3A_209 = tpu.memref_squeeze %dma_wait3A_208 : memref<1x1x128xi32, #tpu.memory_space<vmem>> -> memref<128xi32, #tpu.memory_space<vmem>>
      %dma_wait3A_210 = arith.constant 0 : i32
      %dma_wait3A_211 = arith.constant 0 : i32
      %dma_wait3A_212 = tpu.memref_slice %arg2[%dma_wait3A_210, %dma_wait3A_211] : memref<10240x128xf32, #tpu.memory_space<hbm>> -> memref<10240x128xf32, #tpu.memory_space<hbm>>
      tpu.wait_indirect_dma semaphore(%arg12 : memref<!tpu.dma_semaphore, #tpu.memory_space<semaphore_mem>>) src(%dma_wait3A_212 : memref<10240x128xf32, #tpu.memory_space<hbm>>) dst(%arg8 : memref<128x128xf32, #tpu.memory_space<vmem>>)
      %run_scoped3A_213 = arith.constant 8 : i32
      %run_scoped3A_214 = arith.constant 1 : i32
      "tpu.region"() ({
        %run_scoped3A_422 = tpu.sem_alloc : memref<!tpu.dma_semaphore, #tpu.memory_space<semaphore_mem>>
        %dma_start3A_423 = arith.constant 0 : i32
        %dma_start3A_424 = tpu.memref_slice %arg6[%run_scoped3A_213, %run_scoped3A_214, %dma_start3A_423] : memref<10x2x128xi32, #tpu.memory_space<vmem>> -> memref<1x1x128xi32, #tpu.memory_space<vmem>>
        %dma_start3A_425 = tpu.memref_squeeze %dma_start3A_424 : memref<1x1x128xi32, #tpu.memory_space<vmem>> -> memref<128xi32, #tpu.memory_space<vmem>>
        %dma_start3A_426 = arith.constant 0 : i32
        %dma_start3A_427 = arith.constant 0 : i32
        %dma_start3A_428 = tpu.memref_slice %arg14[%dma_start3A_426, %dma_start3A_427] : memref<10240x128xf32, #tpu.memory_space<vmem_shared>> -> memref<10240x128xf32, #tpu.memory_space<vmem_shared>>
        tpu.enqueue_indirect_dma source(%arg8 : memref<128x128xf32, #tpu.memory_space<vmem>>) target(%dma_start3A_428 : memref<10240x128xf32, #tpu.memory_space<vmem_shared>>) offsets(%dma_start3A_425 : memref<128xi32, #tpu.memory_space<vmem>>) semaphore(%run_scoped3A_422 : memref<!tpu.dma_semaphore, #tpu.memory_space<semaphore_mem>>) {add = true}
        %dma_wait3A_429 = arith.constant 0 : i32
        %dma_wait3A_430 = tpu.memref_slice %arg6[%run_scoped3A_213, %run_scoped3A_214, %dma_wait3A_429] : memref<10x2x128xi32, #tpu.memory_space<vmem>> -> memref<1x1x128xi32, #tpu.memory_space<vmem>>
        %dma_wait3A_431 = tpu.memref_squeeze %dma_wait3A_430 : memref<1x1x128xi32, #tpu.memory_space<vmem>> -> memref<128xi32, #tpu.memory_space<vmem>>
        %dma_wait3A_432 = arith.constant 0 : i32
        %dma_wait3A_433 = arith.constant 0 : i32
        %dma_wait3A_434 = tpu.memref_slice %arg14[%dma_wait3A_432, %dma_wait3A_433] : memref<10240x128xf32, #tpu.memory_space<vmem_shared>> -> memref<10240x128xf32, #tpu.memory_space<vmem_shared>>
        tpu.wait_indirect_dma semaphore(%run_scoped3A_422 : memref<!tpu.dma_semaphore, #tpu.memory_space<semaphore_mem>>) src(%arg8 : memref<128x128xf32, #tpu.memory_space<vmem>>) dst(%dma_wait3A_434 : memref<10240x128xf32, #tpu.memory_space<vmem_shared>>)
        tpu.yield
      }) : () -> ()
      %lt3A = arith.constant 7 : i32
      %lt3A_215 = arith.cmpi slt, %add3A_53, %lt3A : i32
      %convert_element_type3A = arith.extui %lt3A_215 : i1 to i32
      %cond3A = arith.constant 0 : i32
      %cond3A_216 = arith.cmpi ne, %convert_element_type3A, %cond3A : i32
      scf.if %cond3A_216 {
        %add3A_422 = arith.constant 1 : i32
        %add3A_423 = arith.addi %add3A_53, %add3A_422 : i32
        %mul3A_424 = arith.constant 10 : i32
        %mul3A_425 = arith.muli %add3A_423, %mul3A_424 : i32
        %dma_wait3A_426 = arith.constant 0 : i32
        %dma_wait3A_427 = arith.constant 0 : i32
        %dma_wait3A_428 = tpu.memref_slice %arg3[%add3A, %mul3A_425, %dma_wait3A_426, %dma_wait3A_427] : memref<32x80x2x128xi32, #tpu.memory_space<hbm>> -> memref<1x10x2x128xi32, #tpu.memory_space<hbm>>
        %dma_wait3A_429 = tpu.memref_squeeze %dma_wait3A_428 : memref<1x10x2x128xi32, #tpu.memory_space<hbm>> -> memref<10x2x128xi32, #tpu.memory_space<hbm>>
        %dma_wait3A_430 = arith.constant 0 : i32
        %dma_wait3A_431 = arith.constant 0 : i32
        %dma_wait3A_432 = tpu.memref_slice %arg3[%add3A, %mul3A_425, %dma_wait3A_430, %dma_wait3A_431] : memref<32x80x2x128xi32, #tpu.memory_space<hbm>> -> memref<1x10x2x128xi32, #tpu.memory_space<hbm>>
        %dma_wait3A_433 = tpu.memref_squeeze %dma_wait3A_432 : memref<1x10x2x128xi32, #tpu.memory_space<hbm>> -> memref<10x2x128xi32, #tpu.memory_space<hbm>>
        tpu.wait_dma2 semaphore(%arg11 : memref<!tpu.dma_semaphore, #tpu.memory_space<semaphore_mem>>) src(%dma_wait3A_433 : memref<10x2x128xi32, #tpu.memory_space<hbm>>) dst(%arg7 : memref<10x2x128xi32, #tpu.memory_space<vmem>>)
        %dma_start3A_434 = arith.constant 0 : i32
        %dma_start3A_435 = arith.constant 0 : i32
        %dma_start3A_436 = arith.constant 0 : i32
        %dma_start3A_437 = tpu.memref_slice %arg7[%dma_start3A_434, %dma_start3A_435, %dma_start3A_436] : memref<10x2x128xi32, #tpu.memory_space<vmem>> -> memref<1x1x128xi32, #tpu.memory_space<vmem>>
        %dma_start3A_438 = tpu.memref_squeeze %dma_start3A_437 : memref<1x1x128xi32, #tpu.memory_space<vmem>> -> memref<128xi32, #tpu.memory_space<vmem>>
        %dma_start3A_439 = arith.constant 0 : i32
        %dma_start3A_440 = arith.constant 0 : i32
        %dma_start3A_441 = tpu.memref_slice %arg2[%dma_start3A_439, %dma_start3A_440] : memref<10240x128xf32, #tpu.memory_space<hbm>> -> memref<10240x128xf32, #tpu.memory_space<hbm>>
        tpu.enqueue_indirect_dma source(%dma_start3A_441 : memref<10240x128xf32, #tpu.memory_space<hbm>>) target(%arg8 : memref<128x128xf32, #tpu.memory_space<vmem>>) offsets(%dma_start3A_438 : memref<128xi32, #tpu.memory_space<vmem>>) semaphore(%arg12 : memref<!tpu.dma_semaphore, #tpu.memory_space<semaphore_mem>>)
      } else {
      }
      %dma_wait3A_217 = arith.constant 9 : i32
      %dma_wait3A_218 = arith.constant 0 : i32
      %dma_wait3A_219 = arith.constant 0 : i32
      %dma_wait3A_220 = tpu.memref_slice %arg6[%dma_wait3A_217, %dma_wait3A_218, %dma_wait3A_219] : memref<10x2x128xi32, #tpu.memory_space<vmem>> -> memref<1x1x128xi32, #tpu.memory_space<vmem>>
      %dma_wait3A_221 = tpu.memref_squeeze %dma_wait3A_220 : memref<1x1x128xi32, #tpu.memory_space<vmem>> -> memref<128xi32, #tpu.memory_space<vmem>>
      %dma_wait3A_222 = arith.constant 0 : i32
      %dma_wait3A_223 = arith.constant 0 : i32
      %dma_wait3A_224 = tpu.memref_slice %arg2[%dma_wait3A_222, %dma_wait3A_223] : memref<10240x128xf32, #tpu.memory_space<hbm>> -> memref<10240x128xf32, #tpu.memory_space<hbm>>
      tpu.wait_indirect_dma semaphore(%arg13 : memref<!tpu.dma_semaphore, #tpu.memory_space<semaphore_mem>>) src(%dma_wait3A_224 : memref<10240x128xf32, #tpu.memory_space<hbm>>) dst(%arg9 : memref<128x128xf32, #tpu.memory_space<vmem>>)
      %run_scoped3A_225 = arith.constant 9 : i32
      %run_scoped3A_226 = arith.constant 1 : i32
      "tpu.region"() ({
        %run_scoped3A_422 = tpu.sem_alloc : memref<!tpu.dma_semaphore, #tpu.memory_space<semaphore_mem>>
        %dma_start3A_423 = arith.constant 0 : i32
        %dma_start3A_424 = tpu.memref_slice %arg6[%run_scoped3A_225, %run_scoped3A_226, %dma_start3A_423] : memref<10x2x128xi32, #tpu.memory_space<vmem>> -> memref<1x1x128xi32, #tpu.memory_space<vmem>>
        %dma_start3A_425 = tpu.memref_squeeze %dma_start3A_424 : memref<1x1x128xi32, #tpu.memory_space<vmem>> -> memref<128xi32, #tpu.memory_space<vmem>>
        %dma_start3A_426 = arith.constant 0 : i32
        %dma_start3A_427 = arith.constant 0 : i32
        %dma_start3A_428 = tpu.memref_slice %arg14[%dma_start3A_426, %dma_start3A_427] : memref<10240x128xf32, #tpu.memory_space<vmem_shared>> -> memref<10240x128xf32, #tpu.memory_space<vmem_shared>>
        tpu.enqueue_indirect_dma source(%arg9 : memref<128x128xf32, #tpu.memory_space<vmem>>) target(%dma_start3A_428 : memref<10240x128xf32, #tpu.memory_space<vmem_shared>>) offsets(%dma_start3A_425 : memref<128xi32, #tpu.memory_space<vmem>>) semaphore(%run_scoped3A_422 : memref<!tpu.dma_semaphore, #tpu.memory_space<semaphore_mem>>) {add = true}
        %dma_wait3A_429 = arith.constant 0 : i32
        %dma_wait3A_430 = tpu.memref_slice %arg6[%run_scoped3A_225, %run_scoped3A_226, %dma_wait3A_429] : memref<10x2x128xi32, #tpu.memory_space<vmem>> -> memref<1x1x128xi32, #tpu.memory_space<vmem>>
        %dma_wait3A_431 = tpu.memref_squeeze %dma_wait3A_430 : memref<1x1x128xi32, #tpu.memory_space<vmem>> -> memref<128xi32, #tpu.memory_space<vmem>>
        %dma_wait3A_432 = arith.constant 0 : i32
        %dma_wait3A_433 = arith.constant 0 : i32
        %dma_wait3A_434 = tpu.memref_slice %arg14[%dma_wait3A_432, %dma_wait3A_433] : memref<10240x128xf32, #tpu.memory_space<vmem_shared>> -> memref<10240x128xf32, #tpu.memory_space<vmem_shared>>
        tpu.wait_indirect_dma semaphore(%run_scoped3A_422 : memref<!tpu.dma_semaphore, #tpu.memory_space<semaphore_mem>>) src(%arg9 : memref<128x128xf32, #tpu.memory_space<vmem>>) dst(%dma_wait3A_434 : memref<10240x128xf32, #tpu.memory_space<vmem_shared>>)
        tpu.yield
      }) : () -> ()
      %add3A_227 = arith.constant 2 : i32
      %add3A_228 = arith.addi %add3A_53, %add3A_227 : i32
      %lt3A_229 = arith.constant 8 : i32
      %lt3A_230 = arith.cmpi slt, %add3A_228, %lt3A_229 : i32
      %convert_element_type3A_231 = arith.extui %lt3A_230 : i1 to i32
      %cond3A_232 = arith.constant 0 : i32
      %cond3A_233 = arith.cmpi ne, %convert_element_type3A_231, %cond3A_232 : i32
      scf.if %cond3A_233 {
        %add3A_422 = arith.constant 2 : i32
        %add3A_423 = arith.addi %add3A_53, %add3A_422 : i32
        %mul3A_424 = arith.constant 10 : i32
        %mul3A_425 = arith.muli %add3A_423, %mul3A_424 : i32
        %dma_start3A_426 = arith.constant 0 : i32
        %dma_start3A_427 = arith.constant 0 : i32
        %dma_start3A_428 = tpu.memref_slice %arg3[%add3A, %mul3A_425, %dma_start3A_426, %dma_start3A_427] : memref<32x80x2x128xi32, #tpu.memory_space<hbm>> -> memref<1x10x2x128xi32, #tpu.memory_space<hbm>>
        %dma_start3A_429 = tpu.memref_squeeze %dma_start3A_428 : memref<1x10x2x128xi32, #tpu.memory_space<hbm>> -> memref<10x2x128xi32, #tpu.memory_space<hbm>>
        %dma_start3A_430 = arith.constant 0 : i32
        %dma_start3A_431 = arith.constant 0 : i32
        %dma_start3A_432 = tpu.memref_slice %arg3[%add3A, %mul3A_425, %dma_start3A_430, %dma_start3A_431] : memref<32x80x2x128xi32, #tpu.memory_space<hbm>> -> memref<1x10x2x128xi32, #tpu.memory_space<hbm>>
        %dma_start3A_433 = tpu.memref_squeeze %dma_start3A_432 : memref<1x10x2x128xi32, #tpu.memory_space<hbm>> -> memref<10x2x128xi32, #tpu.memory_space<hbm>>
        tpu.enqueue_dma source(%dma_start3A_433 : memref<10x2x128xi32, #tpu.memory_space<hbm>>) target(%arg6 : memref<10x2x128xi32, #tpu.memory_space<vmem>>) target_semaphore(%arg10 : memref<!tpu.dma_semaphore, #tpu.memory_space<semaphore_mem>>)
      } else {
      }
      %mul3A_234 = arith.constant 2 : i32
      %mul3A_235 = arith.muli %mul3A_234, %scan3A_49 : i32
      %add3A_236 = arith.constant 1 : i32
      %add3A_237 = arith.addi %mul3A_235, %add3A_236 : i32
      %dma_start3A_238 = arith.constant 1 : i32
      %dma_start3A_239 = arith.constant 0 : i32
      %dma_start3A_240 = arith.constant 0 : i32
      %dma_start3A_241 = tpu.memref_slice %arg7[%dma_start3A_238, %dma_start3A_239, %dma_start3A_240] : memref<10x2x128xi32, #tpu.memory_space<vmem>> -> memref<1x1x128xi32, #tpu.memory_space<vmem>>
      %dma_start3A_242 = tpu.memref_squeeze %dma_start3A_241 : memref<1x1x128xi32, #tpu.memory_space<vmem>> -> memref<128xi32, #tpu.memory_space<vmem>>
      %dma_start3A_243 = arith.constant 0 : i32
      %dma_start3A_244 = arith.constant 0 : i32
      %dma_start3A_245 = tpu.memref_slice %arg2[%dma_start3A_243, %dma_start3A_244] : memref<10240x128xf32, #tpu.memory_space<hbm>> -> memref<10240x128xf32, #tpu.memory_space<hbm>>
      tpu.enqueue_indirect_dma source(%dma_start3A_245 : memref<10240x128xf32, #tpu.memory_space<hbm>>) target(%arg9 : memref<128x128xf32, #tpu.memory_space<vmem>>) offsets(%dma_start3A_242 : memref<128xi32, #tpu.memory_space<vmem>>) semaphore(%arg13 : memref<!tpu.dma_semaphore, #tpu.memory_space<semaphore_mem>>)
      %dma_wait3A_246 = arith.constant 0 : i32
      %dma_wait3A_247 = arith.constant 0 : i32
      %dma_wait3A_248 = arith.constant 0 : i32
      %dma_wait3A_249 = tpu.memref_slice %arg7[%dma_wait3A_246, %dma_wait3A_247, %dma_wait3A_248] : memref<10x2x128xi32, #tpu.memory_space<vmem>> -> memref<1x1x128xi32, #tpu.memory_space<vmem>>
      %dma_wait3A_250 = tpu.memref_squeeze %dma_wait3A_249 : memref<1x1x128xi32, #tpu.memory_space<vmem>> -> memref<128xi32, #tpu.memory_space<vmem>>
      %dma_wait3A_251 = arith.constant 0 : i32
      %dma_wait3A_252 = arith.constant 0 : i32
      %dma_wait3A_253 = tpu.memref_slice %arg2[%dma_wait3A_251, %dma_wait3A_252] : memref<10240x128xf32, #tpu.memory_space<hbm>> -> memref<10240x128xf32, #tpu.memory_space<hbm>>
      tpu.wait_indirect_dma semaphore(%arg12 : memref<!tpu.dma_semaphore, #tpu.memory_space<semaphore_mem>>) src(%dma_wait3A_253 : memref<10240x128xf32, #tpu.memory_space<hbm>>) dst(%arg8 : memref<128x128xf32, #tpu.memory_space<vmem>>)
      %run_scoped3A_254 = arith.constant 0 : i32
      %run_scoped3A_255 = arith.constant 1 : i32
      "tpu.region"() ({
        %run_scoped3A_422 = tpu.sem_alloc : memref<!tpu.dma_semaphore, #tpu.memory_space<semaphore_mem>>
        %dma_start3A_423 = arith.constant 0 : i32
        %dma_start3A_424 = tpu.memref_slice %arg7[%run_scoped3A_254, %run_scoped3A_255, %dma_start3A_423] : memref<10x2x128xi32, #tpu.memory_space<vmem>> -> memref<1x1x128xi32, #tpu.memory_space<vmem>>
        %dma_start3A_425 = tpu.memref_squeeze %dma_start3A_424 : memref<1x1x128xi32, #tpu.memory_space<vmem>> -> memref<128xi32, #tpu.memory_space<vmem>>
        %dma_start3A_426 = arith.constant 0 : i32
        %dma_start3A_427 = arith.constant 0 : i32
        %dma_start3A_428 = tpu.memref_slice %arg14[%dma_start3A_426, %dma_start3A_427] : memref<10240x128xf32, #tpu.memory_space<vmem_shared>> -> memref<10240x128xf32, #tpu.memory_space<vmem_shared>>
        tpu.enqueue_indirect_dma source(%arg8 : memref<128x128xf32, #tpu.memory_space<vmem>>) target(%dma_start3A_428 : memref<10240x128xf32, #tpu.memory_space<vmem_shared>>) offsets(%dma_start3A_425 : memref<128xi32, #tpu.memory_space<vmem>>) semaphore(%run_scoped3A_422 : memref<!tpu.dma_semaphore, #tpu.memory_space<semaphore_mem>>) {add = true}
        %dma_wait3A_429 = arith.constant 0 : i32
        %dma_wait3A_430 = tpu.memref_slice %arg7[%run_scoped3A_254, %run_scoped3A_255, %dma_wait3A_429] : memref<10x2x128xi32, #tpu.memory_space<vmem>> -> memref<1x1x128xi32, #tpu.memory_space<vmem>>
        %dma_wait3A_431 = tpu.memref_squeeze %dma_wait3A_430 : memref<1x1x128xi32, #tpu.memory_space<vmem>> -> memref<128xi32, #tpu.memory_space<vmem>>
        %dma_wait3A_432 = arith.constant 0 : i32
        %dma_wait3A_433 = arith.constant 0 : i32
        %dma_wait3A_434 = tpu.memref_slice %arg14[%dma_wait3A_432, %dma_wait3A_433] : memref<10240x128xf32, #tpu.memory_space<vmem_shared>> -> memref<10240x128xf32, #tpu.memory_space<vmem_shared>>
        tpu.wait_indirect_dma semaphore(%run_scoped3A_422 : memref<!tpu.dma_semaphore, #tpu.memory_space<semaphore_mem>>) src(%arg8 : memref<128x128xf32, #tpu.memory_space<vmem>>) dst(%dma_wait3A_434 : memref<10240x128xf32, #tpu.memory_space<vmem_shared>>)
        tpu.yield
      }) : () -> ()
      %dma_start3A_256 = arith.constant 2 : i32
      %dma_start3A_257 = arith.constant 0 : i32
      %dma_start3A_258 = arith.constant 0 : i32
      %dma_start3A_259 = tpu.memref_slice %arg7[%dma_start3A_256, %dma_start3A_257, %dma_start3A_258] : memref<10x2x128xi32, #tpu.memory_space<vmem>> -> memref<1x1x128xi32, #tpu.memory_space<vmem>>
      %dma_start3A_260 = tpu.memref_squeeze %dma_start3A_259 : memref<1x1x128xi32, #tpu.memory_space<vmem>> -> memref<128xi32, #tpu.memory_space<vmem>>
      %dma_start3A_261 = arith.constant 0 : i32
      %dma_start3A_262 = arith.constant 0 : i32
      %dma_start3A_263 = tpu.memref_slice %arg2[%dma_start3A_261, %dma_start3A_262] : memref<10240x128xf32, #tpu.memory_space<hbm>> -> memref<10240x128xf32, #tpu.memory_space<hbm>>
      tpu.enqueue_indirect_dma source(%dma_start3A_263 : memref<10240x128xf32, #tpu.memory_space<hbm>>) target(%arg8 : memref<128x128xf32, #tpu.memory_space<vmem>>) offsets(%dma_start3A_260 : memref<128xi32, #tpu.memory_space<vmem>>) semaphore(%arg12 : memref<!tpu.dma_semaphore, #tpu.memory_space<semaphore_mem>>)
      %dma_wait3A_264 = arith.constant 1 : i32
      %dma_wait3A_265 = arith.constant 0 : i32
      %dma_wait3A_266 = arith.constant 0 : i32
      %dma_wait3A_267 = tpu.memref_slice %arg7[%dma_wait3A_264, %dma_wait3A_265, %dma_wait3A_266] : memref<10x2x128xi32, #tpu.memory_space<vmem>> -> memref<1x1x128xi32, #tpu.memory_space<vmem>>
      %dma_wait3A_268 = tpu.memref_squeeze %dma_wait3A_267 : memref<1x1x128xi32, #tpu.memory_space<vmem>> -> memref<128xi32, #tpu.memory_space<vmem>>
      %dma_wait3A_269 = arith.constant 0 : i32
      %dma_wait3A_270 = arith.constant 0 : i32
      %dma_wait3A_271 = tpu.memref_slice %arg2[%dma_wait3A_269, %dma_wait3A_270] : memref<10240x128xf32, #tpu.memory_space<hbm>> -> memref<10240x128xf32, #tpu.memory_space<hbm>>
      tpu.wait_indirect_dma semaphore(%arg13 : memref<!tpu.dma_semaphore, #tpu.memory_space<semaphore_mem>>) src(%dma_wait3A_271 : memref<10240x128xf32, #tpu.memory_space<hbm>>) dst(%arg9 : memref<128x128xf32, #tpu.memory_space<vmem>>)
      %run_scoped3A_272 = arith.constant 1 : i32
      %run_scoped3A_273 = arith.constant 1 : i32
      "tpu.region"() ({
        %run_scoped3A_422 = tpu.sem_alloc : memref<!tpu.dma_semaphore, #tpu.memory_space<semaphore_mem>>
        %dma_start3A_423 = arith.constant 0 : i32
        %dma_start3A_424 = tpu.memref_slice %arg7[%run_scoped3A_272, %run_scoped3A_273, %dma_start3A_423] : memref<10x2x128xi32, #tpu.memory_space<vmem>> -> memref<1x1x128xi32, #tpu.memory_space<vmem>>
        %dma_start3A_425 = tpu.memref_squeeze %dma_start3A_424 : memref<1x1x128xi32, #tpu.memory_space<vmem>> -> memref<128xi32, #tpu.memory_space<vmem>>
        %dma_start3A_426 = arith.constant 0 : i32
        %dma_start3A_427 = arith.constant 0 : i32
        %dma_start3A_428 = tpu.memref_slice %arg14[%dma_start3A_426, %dma_start3A_427] : memref<10240x128xf32, #tpu.memory_space<vmem_shared>> -> memref<10240x128xf32, #tpu.memory_space<vmem_shared>>
        tpu.enqueue_indirect_dma source(%arg9 : memref<128x128xf32, #tpu.memory_space<vmem>>) target(%dma_start3A_428 : memref<10240x128xf32, #tpu.memory_space<vmem_shared>>) offsets(%dma_start3A_425 : memref<128xi32, #tpu.memory_space<vmem>>) semaphore(%run_scoped3A_422 : memref<!tpu.dma_semaphore, #tpu.memory_space<semaphore_mem>>) {add = true}
        %dma_wait3A_429 = arith.constant 0 : i32
        %dma_wait3A_430 = tpu.memref_slice %arg7[%run_scoped3A_272, %run_scoped3A_273, %dma_wait3A_429] : memref<10x2x128xi32, #tpu.memory_space<vmem>> -> memref<1x1x128xi32, #tpu.memory_space<vmem>>
        %dma_wait3A_431 = tpu.memref_squeeze %dma_wait3A_430 : memref<1x1x128xi32, #tpu.memory_space<vmem>> -> memref<128xi32, #tpu.memory_space<vmem>>
        %dma_wait3A_432 = arith.constant 0 : i32
        %dma_wait3A_433 = arith.constant 0 : i32
        %dma_wait3A_434 = tpu.memref_slice %arg14[%dma_wait3A_432, %dma_wait3A_433] : memref<10240x128xf32, #tpu.memory_space<vmem_shared>> -> memref<10240x128xf32, #tpu.memory_space<vmem_shared>>
        tpu.wait_indirect_dma semaphore(%run_scoped3A_422 : memref<!tpu.dma_semaphore, #tpu.memory_space<semaphore_mem>>) src(%arg9 : memref<128x128xf32, #tpu.memory_space<vmem>>) dst(%dma_wait3A_434 : memref<10240x128xf32, #tpu.memory_space<vmem_shared>>)
        tpu.yield
      }) : () -> ()
      %dma_start3A_274 = arith.constant 3 : i32
      %dma_start3A_275 = arith.constant 0 : i32
      %dma_start3A_276 = arith.constant 0 : i32
      %dma_start3A_277 = tpu.memref_slice %arg7[%dma_start3A_274, %dma_start3A_275, %dma_start3A_276] : memref<10x2x128xi32, #tpu.memory_space<vmem>> -> memref<1x1x128xi32, #tpu.memory_space<vmem>>
      %dma_start3A_278 = tpu.memref_squeeze %dma_start3A_277 : memref<1x1x128xi32, #tpu.memory_space<vmem>> -> memref<128xi32, #tpu.memory_space<vmem>>
      %dma_start3A_279 = arith.constant 0 : i32
      %dma_start3A_280 = arith.constant 0 : i32
      %dma_start3A_281 = tpu.memref_slice %arg2[%dma_start3A_279, %dma_start3A_280] : memref<10240x128xf32, #tpu.memory_space<hbm>> -> memref<10240x128xf32, #tpu.memory_space<hbm>>
      tpu.enqueue_indirect_dma source(%dma_start3A_281 : memref<10240x128xf32, #tpu.memory_space<hbm>>) target(%arg9 : memref<128x128xf32, #tpu.memory_space<vmem>>) offsets(%dma_start3A_278 : memref<128xi32, #tpu.memory_space<vmem>>) semaphore(%arg13 : memref<!tpu.dma_semaphore, #tpu.memory_space<semaphore_mem>>)
      %dma_wait3A_282 = arith.constant 2 : i32
      %dma_wait3A_283 = arith.constant 0 : i32
      %dma_wait3A_284 = arith.constant 0 : i32
      %dma_wait3A_285 = tpu.memref_slice %arg7[%dma_wait3A_282, %dma_wait3A_283, %dma_wait3A_284] : memref<10x2x128xi32, #tpu.memory_space<vmem>> -> memref<1x1x128xi32, #tpu.memory_space<vmem>>
      %dma_wait3A_286 = tpu.memref_squeeze %dma_wait3A_285 : memref<1x1x128xi32, #tpu.memory_space<vmem>> -> memref<128xi32, #tpu.memory_space<vmem>>
      %dma_wait3A_287 = arith.constant 0 : i32
      %dma_wait3A_288 = arith.constant 0 : i32
      %dma_wait3A_289 = tpu.memref_slice %arg2[%dma_wait3A_287, %dma_wait3A_288] : memref<10240x128xf32, #tpu.memory_space<hbm>> -> memref<10240x128xf32, #tpu.memory_space<hbm>>
      tpu.wait_indirect_dma semaphore(%arg12 : memref<!tpu.dma_semaphore, #tpu.memory_space<semaphore_mem>>) src(%dma_wait3A_289 : memref<10240x128xf32, #tpu.memory_space<hbm>>) dst(%arg8 : memref<128x128xf32, #tpu.memory_space<vmem>>)
      %run_scoped3A_290 = arith.constant 2 : i32
      %run_scoped3A_291 = arith.constant 1 : i32
      "tpu.region"() ({
        %run_scoped3A_422 = tpu.sem_alloc : memref<!tpu.dma_semaphore, #tpu.memory_space<semaphore_mem>>
        %dma_start3A_423 = arith.constant 0 : i32
        %dma_start3A_424 = tpu.memref_slice %arg7[%run_scoped3A_290, %run_scoped3A_291, %dma_start3A_423] : memref<10x2x128xi32, #tpu.memory_space<vmem>> -> memref<1x1x128xi32, #tpu.memory_space<vmem>>
        %dma_start3A_425 = tpu.memref_squeeze %dma_start3A_424 : memref<1x1x128xi32, #tpu.memory_space<vmem>> -> memref<128xi32, #tpu.memory_space<vmem>>
        %dma_start3A_426 = arith.constant 0 : i32
        %dma_start3A_427 = arith.constant 0 : i32
        %dma_start3A_428 = tpu.memref_slice %arg14[%dma_start3A_426, %dma_start3A_427] : memref<10240x128xf32, #tpu.memory_space<vmem_shared>> -> memref<10240x128xf32, #tpu.memory_space<vmem_shared>>
        tpu.enqueue_indirect_dma source(%arg8 : memref<128x128xf32, #tpu.memory_space<vmem>>) target(%dma_start3A_428 : memref<10240x128xf32, #tpu.memory_space<vmem_shared>>) offsets(%dma_start3A_425 : memref<128xi32, #tpu.memory_space<vmem>>) semaphore(%run_scoped3A_422 : memref<!tpu.dma_semaphore, #tpu.memory_space<semaphore_mem>>) {add = true}
        %dma_wait3A_429 = arith.constant 0 : i32
        %dma_wait3A_430 = tpu.memref_slice %arg7[%run_scoped3A_290, %run_scoped3A_291, %dma_wait3A_429] : memref<10x2x128xi32, #tpu.memory_space<vmem>> -> memref<1x1x128xi32, #tpu.memory_space<vmem>>
        %dma_wait3A_431 = tpu.memref_squeeze %dma_wait3A_430 : memref<1x1x128xi32, #tpu.memory_space<vmem>> -> memref<128xi32, #tpu.memory_space<vmem>>
        %dma_wait3A_432 = arith.constant 0 : i32
        %dma_wait3A_433 = arith.constant 0 : i32
        %dma_wait3A_434 = tpu.memref_slice %arg14[%dma_wait3A_432, %dma_wait3A_433] : memref<10240x128xf32, #tpu.memory_space<vmem_shared>> -> memref<10240x128xf32, #tpu.memory_space<vmem_shared>>
        tpu.wait_indirect_dma semaphore(%run_scoped3A_422 : memref<!tpu.dma_semaphore, #tpu.memory_space<semaphore_mem>>) src(%arg8 : memref<128x128xf32, #tpu.memory_space<vmem>>) dst(%dma_wait3A_434 : memref<10240x128xf32, #tpu.memory_space<vmem_shared>>)
        tpu.yield
      }) : () -> ()
      %dma_start3A_292 = arith.constant 4 : i32
      %dma_start3A_293 = arith.constant 0 : i32
      %dma_start3A_294 = arith.constant 0 : i32
      %dma_start3A_295 = tpu.memref_slice %arg7[%dma_start3A_292, %dma_start3A_293, %dma_start3A_294] : memref<10x2x128xi32, #tpu.memory_space<vmem>> -> memref<1x1x128xi32, #tpu.memory_space<vmem>>
      %dma_start3A_296 = tpu.memref_squeeze %dma_start3A_295 : memref<1x1x128xi32, #tpu.memory_space<vmem>> -> memref<128xi32, #tpu.memory_space<vmem>>
      %dma_start3A_297 = arith.constant 0 : i32
      %dma_start3A_298 = arith.constant 0 : i32
      %dma_start3A_299 = tpu.memref_slice %arg2[%dma_start3A_297, %dma_start3A_298] : memref<10240x128xf32, #tpu.memory_space<hbm>> -> memref<10240x128xf32, #tpu.memory_space<hbm>>
      tpu.enqueue_indirect_dma source(%dma_start3A_299 : memref<10240x128xf32, #tpu.memory_space<hbm>>) target(%arg8 : memref<128x128xf32, #tpu.memory_space<vmem>>) offsets(%dma_start3A_296 : memref<128xi32, #tpu.memory_space<vmem>>) semaphore(%arg12 : memref<!tpu.dma_semaphore, #tpu.memory_space<semaphore_mem>>)
      %dma_wait3A_300 = arith.constant 3 : i32
      %dma_wait3A_301 = arith.constant 0 : i32
      %dma_wait3A_302 = arith.constant 0 : i32
      %dma_wait3A_303 = tpu.memref_slice %arg7[%dma_wait3A_300, %dma_wait3A_301, %dma_wait3A_302] : memref<10x2x128xi32, #tpu.memory_space<vmem>> -> memref<1x1x128xi32, #tpu.memory_space<vmem>>
      %dma_wait3A_304 = tpu.memref_squeeze %dma_wait3A_303 : memref<1x1x128xi32, #tpu.memory_space<vmem>> -> memref<128xi32, #tpu.memory_space<vmem>>
      %dma_wait3A_305 = arith.constant 0 : i32
      %dma_wait3A_306 = arith.constant 0 : i32
      %dma_wait3A_307 = tpu.memref_slice %arg2[%dma_wait3A_305, %dma_wait3A_306] : memref<10240x128xf32, #tpu.memory_space<hbm>> -> memref<10240x128xf32, #tpu.memory_space<hbm>>
      tpu.wait_indirect_dma semaphore(%arg13 : memref<!tpu.dma_semaphore, #tpu.memory_space<semaphore_mem>>) src(%dma_wait3A_307 : memref<10240x128xf32, #tpu.memory_space<hbm>>) dst(%arg9 : memref<128x128xf32, #tpu.memory_space<vmem>>)
      %run_scoped3A_308 = arith.constant 3 : i32
      %run_scoped3A_309 = arith.constant 1 : i32
      "tpu.region"() ({
        %run_scoped3A_422 = tpu.sem_alloc : memref<!tpu.dma_semaphore, #tpu.memory_space<semaphore_mem>>
        %dma_start3A_423 = arith.constant 0 : i32
        %dma_start3A_424 = tpu.memref_slice %arg7[%run_scoped3A_308, %run_scoped3A_309, %dma_start3A_423] : memref<10x2x128xi32, #tpu.memory_space<vmem>> -> memref<1x1x128xi32, #tpu.memory_space<vmem>>
        %dma_start3A_425 = tpu.memref_squeeze %dma_start3A_424 : memref<1x1x128xi32, #tpu.memory_space<vmem>> -> memref<128xi32, #tpu.memory_space<vmem>>
        %dma_start3A_426 = arith.constant 0 : i32
        %dma_start3A_427 = arith.constant 0 : i32
        %dma_start3A_428 = tpu.memref_slice %arg14[%dma_start3A_426, %dma_start3A_427] : memref<10240x128xf32, #tpu.memory_space<vmem_shared>> -> memref<10240x128xf32, #tpu.memory_space<vmem_shared>>
        tpu.enqueue_indirect_dma source(%arg9 : memref<128x128xf32, #tpu.memory_space<vmem>>) target(%dma_start3A_428 : memref<10240x128xf32, #tpu.memory_space<vmem_shared>>) offsets(%dma_start3A_425 : memref<128xi32, #tpu.memory_space<vmem>>) semaphore(%run_scoped3A_422 : memref<!tpu.dma_semaphore, #tpu.memory_space<semaphore_mem>>) {add = true}
        %dma_wait3A_429 = arith.constant 0 : i32
        %dma_wait3A_430 = tpu.memref_slice %arg7[%run_scoped3A_308, %run_scoped3A_309, %dma_wait3A_429] : memref<10x2x128xi32, #tpu.memory_space<vmem>> -> memref<1x1x128xi32, #tpu.memory_space<vmem>>
        %dma_wait3A_431 = tpu.memref_squeeze %dma_wait3A_430 : memref<1x1x128xi32, #tpu.memory_space<vmem>> -> memref<128xi32, #tpu.memory_space<vmem>>
        %dma_wait3A_432 = arith.constant 0 : i32
        %dma_wait3A_433 = arith.constant 0 : i32
        %dma_wait3A_434 = tpu.memref_slice %arg14[%dma_wait3A_432, %dma_wait3A_433] : memref<10240x128xf32, #tpu.memory_space<vmem_shared>> -> memref<10240x128xf32, #tpu.memory_space<vmem_shared>>
        tpu.wait_indirect_dma semaphore(%run_scoped3A_422 : memref<!tpu.dma_semaphore, #tpu.memory_space<semaphore_mem>>) src(%arg9 : memref<128x128xf32, #tpu.memory_space<vmem>>) dst(%dma_wait3A_434 : memref<10240x128xf32, #tpu.memory_space<vmem_shared>>)
        tpu.yield
      }) : () -> ()
      %dma_start3A_310 = arith.constant 5 : i32
      %dma_start3A_311 = arith.constant 0 : i32
      %dma_start3A_312 = arith.constant 0 : i32
      %dma_start3A_313 = tpu.memref_slice %arg7[%dma_start3A_310, %dma_start3A_311, %dma_start3A_312] : memref<10x2x128xi32, #tpu.memory_space<vmem>> -> memref<1x1x128xi32, #tpu.memory_space<vmem>>
      %dma_start3A_314 = tpu.memref_squeeze %dma_start3A_313 : memref<1x1x128xi32, #tpu.memory_space<vmem>> -> memref<128xi32, #tpu.memory_space<vmem>>
      %dma_start3A_315 = arith.constant 0 : i32
      %dma_start3A_316 = arith.constant 0 : i32
      %dma_start3A_317 = tpu.memref_slice %arg2[%dma_start3A_315, %dma_start3A_316] : memref<10240x128xf32, #tpu.memory_space<hbm>> -> memref<10240x128xf32, #tpu.memory_space<hbm>>
      tpu.enqueue_indirect_dma source(%dma_start3A_317 : memref<10240x128xf32, #tpu.memory_space<hbm>>) target(%arg9 : memref<128x128xf32, #tpu.memory_space<vmem>>) offsets(%dma_start3A_314 : memref<128xi32, #tpu.memory_space<vmem>>) semaphore(%arg13 : memref<!tpu.dma_semaphore, #tpu.memory_space<semaphore_mem>>)
      %dma_wait3A_318 = arith.constant 4 : i32
      %dma_wait3A_319 = arith.constant 0 : i32
      %dma_wait3A_320 = arith.constant 0 : i32
      %dma_wait3A_321 = tpu.memref_slice %arg7[%dma_wait3A_318, %dma_wait3A_319, %dma_wait3A_320] : memref<10x2x128xi32, #tpu.memory_space<vmem>> -> memref<1x1x128xi32, #tpu.memory_space<vmem>>
      %dma_wait3A_322 = tpu.memref_squeeze %dma_wait3A_321 : memref<1x1x128xi32, #tpu.memory_space<vmem>> -> memref<128xi32, #tpu.memory_space<vmem>>
      %dma_wait3A_323 = arith.constant 0 : i32
      %dma_wait3A_324 = arith.constant 0 : i32
      %dma_wait3A_325 = tpu.memref_slice %arg2[%dma_wait3A_323, %dma_wait3A_324] : memref<10240x128xf32, #tpu.memory_space<hbm>> -> memref<10240x128xf32, #tpu.memory_space<hbm>>
      tpu.wait_indirect_dma semaphore(%arg12 : memref<!tpu.dma_semaphore, #tpu.memory_space<semaphore_mem>>) src(%dma_wait3A_325 : memref<10240x128xf32, #tpu.memory_space<hbm>>) dst(%arg8 : memref<128x128xf32, #tpu.memory_space<vmem>>)
      %run_scoped3A_326 = arith.constant 4 : i32
      %run_scoped3A_327 = arith.constant 1 : i32
      "tpu.region"() ({
        %run_scoped3A_422 = tpu.sem_alloc : memref<!tpu.dma_semaphore, #tpu.memory_space<semaphore_mem>>
        %dma_start3A_423 = arith.constant 0 : i32
        %dma_start3A_424 = tpu.memref_slice %arg7[%run_scoped3A_326, %run_scoped3A_327, %dma_start3A_423] : memref<10x2x128xi32, #tpu.memory_space<vmem>> -> memref<1x1x128xi32, #tpu.memory_space<vmem>>
        %dma_start3A_425 = tpu.memref_squeeze %dma_start3A_424 : memref<1x1x128xi32, #tpu.memory_space<vmem>> -> memref<128xi32, #tpu.memory_space<vmem>>
        %dma_start3A_426 = arith.constant 0 : i32
        %dma_start3A_427 = arith.constant 0 : i32
        %dma_start3A_428 = tpu.memref_slice %arg14[%dma_start3A_426, %dma_start3A_427] : memref<10240x128xf32, #tpu.memory_space<vmem_shared>> -> memref<10240x128xf32, #tpu.memory_space<vmem_shared>>
        tpu.enqueue_indirect_dma source(%arg8 : memref<128x128xf32, #tpu.memory_space<vmem>>) target(%dma_start3A_428 : memref<10240x128xf32, #tpu.memory_space<vmem_shared>>) offsets(%dma_start3A_425 : memref<128xi32, #tpu.memory_space<vmem>>) semaphore(%run_scoped3A_422 : memref<!tpu.dma_semaphore, #tpu.memory_space<semaphore_mem>>) {add = true}
        %dma_wait3A_429 = arith.constant 0 : i32
        %dma_wait3A_430 = tpu.memref_slice %arg7[%run_scoped3A_326, %run_scoped3A_327, %dma_wait3A_429] : memref<10x2x128xi32, #tpu.memory_space<vmem>> -> memref<1x1x128xi32, #tpu.memory_space<vmem>>
        %dma_wait3A_431 = tpu.memref_squeeze %dma_wait3A_430 : memref<1x1x128xi32, #tpu.memory_space<vmem>> -> memref<128xi32, #tpu.memory_space<vmem>>
        %dma_wait3A_432 = arith.constant 0 : i32
        %dma_wait3A_433 = arith.constant 0 : i32
        %dma_wait3A_434 = tpu.memref_slice %arg14[%dma_wait3A_432, %dma_wait3A_433] : memref<10240x128xf32, #tpu.memory_space<vmem_shared>> -> memref<10240x128xf32, #tpu.memory_space<vmem_shared>>
        tpu.wait_indirect_dma semaphore(%run_scoped3A_422 : memref<!tpu.dma_semaphore, #tpu.memory_space<semaphore_mem>>) src(%arg8 : memref<128x128xf32, #tpu.memory_space<vmem>>) dst(%dma_wait3A_434 : memref<10240x128xf32, #tpu.memory_space<vmem_shared>>)
        tpu.yield
      }) : () -> ()
      %dma_start3A_328 = arith.constant 6 : i32
      %dma_start3A_329 = arith.constant 0 : i32
      %dma_start3A_330 = arith.constant 0 : i32
      %dma_start3A_331 = tpu.memref_slice %arg7[%dma_start3A_328, %dma_start3A_329, %dma_start3A_330] : memref<10x2x128xi32, #tpu.memory_space<vmem>> -> memref<1x1x128xi32, #tpu.memory_space<vmem>>
      %dma_start3A_332 = tpu.memref_squeeze %dma_start3A_331 : memref<1x1x128xi32, #tpu.memory_space<vmem>> -> memref<128xi32, #tpu.memory_space<vmem>>
      %dma_start3A_333 = arith.constant 0 : i32
      %dma_start3A_334 = arith.constant 0 : i32
      %dma_start3A_335 = tpu.memref_slice %arg2[%dma_start3A_333, %dma_start3A_334] : memref<10240x128xf32, #tpu.memory_space<hbm>> -> memref<10240x128xf32, #tpu.memory_space<hbm>>
      tpu.enqueue_indirect_dma source(%dma_start3A_335 : memref<10240x128xf32, #tpu.memory_space<hbm>>) target(%arg8 : memref<128x128xf32, #tpu.memory_space<vmem>>) offsets(%dma_start3A_332 : memref<128xi32, #tpu.memory_space<vmem>>) semaphore(%arg12 : memref<!tpu.dma_semaphore, #tpu.memory_space<semaphore_mem>>)
      %dma_wait3A_336 = arith.constant 5 : i32
      %dma_wait3A_337 = arith.constant 0 : i32
      %dma_wait3A_338 = arith.constant 0 : i32
      %dma_wait3A_339 = tpu.memref_slice %arg7[%dma_wait3A_336, %dma_wait3A_337, %dma_wait3A_338] : memref<10x2x128xi32, #tpu.memory_space<vmem>> -> memref<1x1x128xi32, #tpu.memory_space<vmem>>
      %dma_wait3A_340 = tpu.memref_squeeze %dma_wait3A_339 : memref<1x1x128xi32, #tpu.memory_space<vmem>> -> memref<128xi32, #tpu.memory_space<vmem>>
      %dma_wait3A_341 = arith.constant 0 : i32
      %dma_wait3A_342 = arith.constant 0 : i32
      %dma_wait3A_343 = tpu.memref_slice %arg2[%dma_wait3A_341, %dma_wait3A_342] : memref<10240x128xf32, #tpu.memory_space<hbm>> -> memref<10240x128xf32, #tpu.memory_space<hbm>>
      tpu.wait_indirect_dma semaphore(%arg13 : memref<!tpu.dma_semaphore, #tpu.memory_space<semaphore_mem>>) src(%dma_wait3A_343 : memref<10240x128xf32, #tpu.memory_space<hbm>>) dst(%arg9 : memref<128x128xf32, #tpu.memory_space<vmem>>)
      %run_scoped3A_344 = arith.constant 5 : i32
      %run_scoped3A_345 = arith.constant 1 : i32
      "tpu.region"() ({
        %run_scoped3A_422 = tpu.sem_alloc : memref<!tpu.dma_semaphore, #tpu.memory_space<semaphore_mem>>
        %dma_start3A_423 = arith.constant 0 : i32
        %dma_start3A_424 = tpu.memref_slice %arg7[%run_scoped3A_344, %run_scoped3A_345, %dma_start3A_423] : memref<10x2x128xi32, #tpu.memory_space<vmem>> -> memref<1x1x128xi32, #tpu.memory_space<vmem>>
        %dma_start3A_425 = tpu.memref_squeeze %dma_start3A_424 : memref<1x1x128xi32, #tpu.memory_space<vmem>> -> memref<128xi32, #tpu.memory_space<vmem>>
        %dma_start3A_426 = arith.constant 0 : i32
        %dma_start3A_427 = arith.constant 0 : i32
        %dma_start3A_428 = tpu.memref_slice %arg14[%dma_start3A_426, %dma_start3A_427] : memref<10240x128xf32, #tpu.memory_space<vmem_shared>> -> memref<10240x128xf32, #tpu.memory_space<vmem_shared>>
        tpu.enqueue_indirect_dma source(%arg9 : memref<128x128xf32, #tpu.memory_space<vmem>>) target(%dma_start3A_428 : memref<10240x128xf32, #tpu.memory_space<vmem_shared>>) offsets(%dma_start3A_425 : memref<128xi32, #tpu.memory_space<vmem>>) semaphore(%run_scoped3A_422 : memref<!tpu.dma_semaphore, #tpu.memory_space<semaphore_mem>>) {add = true}
        %dma_wait3A_429 = arith.constant 0 : i32
        %dma_wait3A_430 = tpu.memref_slice %arg7[%run_scoped3A_344, %run_scoped3A_345, %dma_wait3A_429] : memref<10x2x128xi32, #tpu.memory_space<vmem>> -> memref<1x1x128xi32, #tpu.memory_space<vmem>>
        %dma_wait3A_431 = tpu.memref_squeeze %dma_wait3A_430 : memref<1x1x128xi32, #tpu.memory_space<vmem>> -> memref<128xi32, #tpu.memory_space<vmem>>
        %dma_wait3A_432 = arith.constant 0 : i32
        %dma_wait3A_433 = arith.constant 0 : i32
        %dma_wait3A_434 = tpu.memref_slice %arg14[%dma_wait3A_432, %dma_wait3A_433] : memref<10240x128xf32, #tpu.memory_space<vmem_shared>> -> memref<10240x128xf32, #tpu.memory_space<vmem_shared>>
        tpu.wait_indirect_dma semaphore(%run_scoped3A_422 : memref<!tpu.dma_semaphore, #tpu.memory_space<semaphore_mem>>) src(%arg9 : memref<128x128xf32, #tpu.memory_space<vmem>>) dst(%dma_wait3A_434 : memref<10240x128xf32, #tpu.memory_space<vmem_shared>>)
        tpu.yield
      }) : () -> ()
      %dma_start3A_346 = arith.constant 7 : i32
      %dma_start3A_347 = arith.constant 0 : i32
      %dma_start3A_348 = arith.constant 0 : i32
      %dma_start3A_349 = tpu.memref_slice %arg7[%dma_start3A_346, %dma_start3A_347, %dma_start3A_348] : memref<10x2x128xi32, #tpu.memory_space<vmem>> -> memref<1x1x128xi32, #tpu.memory_space<vmem>>
      %dma_start3A_350 = tpu.memref_squeeze %dma_start3A_349 : memref<1x1x128xi32, #tpu.memory_space<vmem>> -> memref<128xi32, #tpu.memory_space<vmem>>
      %dma_start3A_351 = arith.constant 0 : i32
      %dma_start3A_352 = arith.constant 0 : i32
      %dma_start3A_353 = tpu.memref_slice %arg2[%dma_start3A_351, %dma_start3A_352] : memref<10240x128xf32, #tpu.memory_space<hbm>> -> memref<10240x128xf32, #tpu.memory_space<hbm>>
      tpu.enqueue_indirect_dma source(%dma_start3A_353 : memref<10240x128xf32, #tpu.memory_space<hbm>>) target(%arg9 : memref<128x128xf32, #tpu.memory_space<vmem>>) offsets(%dma_start3A_350 : memref<128xi32, #tpu.memory_space<vmem>>) semaphore(%arg13 : memref<!tpu.dma_semaphore, #tpu.memory_space<semaphore_mem>>)
      %dma_wait3A_354 = arith.constant 6 : i32
      %dma_wait3A_355 = arith.constant 0 : i32
      %dma_wait3A_356 = arith.constant 0 : i32
      %dma_wait3A_357 = tpu.memref_slice %arg7[%dma_wait3A_354, %dma_wait3A_355, %dma_wait3A_356] : memref<10x2x128xi32, #tpu.memory_space<vmem>> -> memref<1x1x128xi32, #tpu.memory_space<vmem>>
      %dma_wait3A_358 = tpu.memref_squeeze %dma_wait3A_357 : memref<1x1x128xi32, #tpu.memory_space<vmem>> -> memref<128xi32, #tpu.memory_space<vmem>>
      %dma_wait3A_359 = arith.constant 0 : i32
      %dma_wait3A_360 = arith.constant 0 : i32
      %dma_wait3A_361 = tpu.memref_slice %arg2[%dma_wait3A_359, %dma_wait3A_360] : memref<10240x128xf32, #tpu.memory_space<hbm>> -> memref<10240x128xf32, #tpu.memory_space<hbm>>
      tpu.wait_indirect_dma semaphore(%arg12 : memref<!tpu.dma_semaphore, #tpu.memory_space<semaphore_mem>>) src(%dma_wait3A_361 : memref<10240x128xf32, #tpu.memory_space<hbm>>) dst(%arg8 : memref<128x128xf32, #tpu.memory_space<vmem>>)
      %run_scoped3A_362 = arith.constant 6 : i32
      %run_scoped3A_363 = arith.constant 1 : i32
      "tpu.region"() ({
        %run_scoped3A_422 = tpu.sem_alloc : memref<!tpu.dma_semaphore, #tpu.memory_space<semaphore_mem>>
        %dma_start3A_423 = arith.constant 0 : i32
        %dma_start3A_424 = tpu.memref_slice %arg7[%run_scoped3A_362, %run_scoped3A_363, %dma_start3A_423] : memref<10x2x128xi32, #tpu.memory_space<vmem>> -> memref<1x1x128xi32, #tpu.memory_space<vmem>>
        %dma_start3A_425 = tpu.memref_squeeze %dma_start3A_424 : memref<1x1x128xi32, #tpu.memory_space<vmem>> -> memref<128xi32, #tpu.memory_space<vmem>>
        %dma_start3A_426 = arith.constant 0 : i32
        %dma_start3A_427 = arith.constant 0 : i32
        %dma_start3A_428 = tpu.memref_slice %arg14[%dma_start3A_426, %dma_start3A_427] : memref<10240x128xf32, #tpu.memory_space<vmem_shared>> -> memref<10240x128xf32, #tpu.memory_space<vmem_shared>>
        tpu.enqueue_indirect_dma source(%arg8 : memref<128x128xf32, #tpu.memory_space<vmem>>) target(%dma_start3A_428 : memref<10240x128xf32, #tpu.memory_space<vmem_shared>>) offsets(%dma_start3A_425 : memref<128xi32, #tpu.memory_space<vmem>>) semaphore(%run_scoped3A_422 : memref<!tpu.dma_semaphore, #tpu.memory_space<semaphore_mem>>) {add = true}
        %dma_wait3A_429 = arith.constant 0 : i32
        %dma_wait3A_430 = tpu.memref_slice %arg7[%run_scoped3A_362, %run_scoped3A_363, %dma_wait3A_429] : memref<10x2x128xi32, #tpu.memory_space<vmem>> -> memref<1x1x128xi32, #tpu.memory_space<vmem>>
        %dma_wait3A_431 = tpu.memref_squeeze %dma_wait3A_430 : memref<1x1x128xi32, #tpu.memory_space<vmem>> -> memref<128xi32, #tpu.memory_space<vmem>>
        %dma_wait3A_432 = arith.constant 0 : i32
        %dma_wait3A_433 = arith.constant 0 : i32
        %dma_wait3A_434 = tpu.memref_slice %arg14[%dma_wait3A_432, %dma_wait3A_433] : memref<10240x128xf32, #tpu.memory_space<vmem_shared>> -> memref<10240x128xf32, #tpu.memory_space<vmem_shared>>
        tpu.wait_indirect_dma semaphore(%run_scoped3A_422 : memref<!tpu.dma_semaphore, #tpu.memory_space<semaphore_mem>>) src(%arg8 : memref<128x128xf32, #tpu.memory_space<vmem>>) dst(%dma_wait3A_434 : memref<10240x128xf32, #tpu.memory_space<vmem_shared>>)
        tpu.yield
      }) : () -> ()
      %dma_start3A_364 = arith.constant 8 : i32
      %dma_start3A_365 = arith.constant 0 : i32
      %dma_start3A_366 = arith.constant 0 : i32
      %dma_start3A_367 = tpu.memref_slice %arg7[%dma_start3A_364, %dma_start3A_365, %dma_start3A_366] : memref<10x2x128xi32, #tpu.memory_space<vmem>> -> memref<1x1x128xi32, #tpu.memory_space<vmem>>
      %dma_start3A_368 = tpu.memref_squeeze %dma_start3A_367 : memref<1x1x128xi32, #tpu.memory_space<vmem>> -> memref<128xi32, #tpu.memory_space<vmem>>
      %dma_start3A_369 = arith.constant 0 : i32
      %dma_start3A_370 = arith.constant 0 : i32
      %dma_start3A_371 = tpu.memref_slice %arg2[%dma_start3A_369, %dma_start3A_370] : memref<10240x128xf32, #tpu.memory_space<hbm>> -> memref<10240x128xf32, #tpu.memory_space<hbm>>
      tpu.enqueue_indirect_dma source(%dma_start3A_371 : memref<10240x128xf32, #tpu.memory_space<hbm>>) target(%arg8 : memref<128x128xf32, #tpu.memory_space<vmem>>) offsets(%dma_start3A_368 : memref<128xi32, #tpu.memory_space<vmem>>) semaphore(%arg12 : memref<!tpu.dma_semaphore, #tpu.memory_space<semaphore_mem>>)
      %dma_wait3A_372 = arith.constant 7 : i32
      %dma_wait3A_373 = arith.constant 0 : i32
      %dma_wait3A_374 = arith.constant 0 : i32
      %dma_wait3A_375 = tpu.memref_slice %arg7[%dma_wait3A_372, %dma_wait3A_373, %dma_wait3A_374] : memref<10x2x128xi32, #tpu.memory_space<vmem>> -> memref<1x1x128xi32, #tpu.memory_space<vmem>>
      %dma_wait3A_376 = tpu.memref_squeeze %dma_wait3A_375 : memref<1x1x128xi32, #tpu.memory_space<vmem>> -> memref<128xi32, #tpu.memory_space<vmem>>
      %dma_wait3A_377 = arith.constant 0 : i32
      %dma_wait3A_378 = arith.constant 0 : i32
      %dma_wait3A_379 = tpu.memref_slice %arg2[%dma_wait3A_377, %dma_wait3A_378] : memref<10240x128xf32, #tpu.memory_space<hbm>> -> memref<10240x128xf32, #tpu.memory_space<hbm>>
      tpu.wait_indirect_dma semaphore(%arg13 : memref<!tpu.dma_semaphore, #tpu.memory_space<semaphore_mem>>) src(%dma_wait3A_379 : memref<10240x128xf32, #tpu.memory_space<hbm>>) dst(%arg9 : memref<128x128xf32, #tpu.memory_space<vmem>>)
      %run_scoped3A_380 = arith.constant 7 : i32
      %run_scoped3A_381 = arith.constant 1 : i32
      "tpu.region"() ({
        %run_scoped3A_422 = tpu.sem_alloc : memref<!tpu.dma_semaphore, #tpu.memory_space<semaphore_mem>>
        %dma_start3A_423 = arith.constant 0 : i32
        %dma_start3A_424 = tpu.memref_slice %arg7[%run_scoped3A_380, %run_scoped3A_381, %dma_start3A_423] : memref<10x2x128xi32, #tpu.memory_space<vmem>> -> memref<1x1x128xi32, #tpu.memory_space<vmem>>
        %dma_start3A_425 = tpu.memref_squeeze %dma_start3A_424 : memref<1x1x128xi32, #tpu.memory_space<vmem>> -> memref<128xi32, #tpu.memory_space<vmem>>
        %dma_start3A_426 = arith.constant 0 : i32
        %dma_start3A_427 = arith.constant 0 : i32
        %dma_start3A_428 = tpu.memref_slice %arg14[%dma_start3A_426, %dma_start3A_427] : memref<10240x128xf32, #tpu.memory_space<vmem_shared>> -> memref<10240x128xf32, #tpu.memory_space<vmem_shared>>
        tpu.enqueue_indirect_dma source(%arg9 : memref<128x128xf32, #tpu.memory_space<vmem>>) target(%dma_start3A_428 : memref<10240x128xf32, #tpu.memory_space<vmem_shared>>) offsets(%dma_start3A_425 : memref<128xi32, #tpu.memory_space<vmem>>) semaphore(%run_scoped3A_422 : memref<!tpu.dma_semaphore, #tpu.memory_space<semaphore_mem>>) {add = true}
        %dma_wait3A_429 = arith.constant 0 : i32
        %dma_wait3A_430 = tpu.memref_slice %arg7[%run_scoped3A_380, %run_scoped3A_381, %dma_wait3A_429] : memref<10x2x128xi32, #tpu.memory_space<vmem>> -> memref<1x1x128xi32, #tpu.memory_space<vmem>>
        %dma_wait3A_431 = tpu.memref_squeeze %dma_wait3A_430 : memref<1x1x128xi32, #tpu.memory_space<vmem>> -> memref<128xi32, #tpu.memory_space<vmem>>
        %dma_wait3A_432 = arith.constant 0 : i32
        %dma_wait3A_433 = arith.constant 0 : i32
        %dma_wait3A_434 = tpu.memref_slice %arg14[%dma_wait3A_432, %dma_wait3A_433] : memref<10240x128xf32, #tpu.memory_space<vmem_shared>> -> memref<10240x128xf32, #tpu.memory_space<vmem_shared>>
        tpu.wait_indirect_dma semaphore(%run_scoped3A_422 : memref<!tpu.dma_semaphore, #tpu.memory_space<semaphore_mem>>) src(%arg9 : memref<128x128xf32, #tpu.memory_space<vmem>>) dst(%dma_wait3A_434 : memref<10240x128xf32, #tpu.memory_space<vmem_shared>>)
        tpu.yield
      }) : () -> ()
      %dma_start3A_382 = arith.constant 9 : i32
      %dma_start3A_383 = arith.constant 0 : i32
      %dma_start3A_384 = arith.constant 0 : i32
      %dma_start3A_385 = tpu.memref_slice %arg7[%dma_start3A_382, %dma_start3A_383, %dma_start3A_384] : memref<10x2x128xi32, #tpu.memory_space<vmem>> -> memref<1x1x128xi32, #tpu.memory_space<vmem>>
      %dma_start3A_386 = tpu.memref_squeeze %dma_start3A_385 : memref<1x1x128xi32, #tpu.memory_space<vmem>> -> memref<128xi32, #tpu.memory_space<vmem>>
      %dma_start3A_387 = arith.constant 0 : i32
      %dma_start3A_388 = arith.constant 0 : i32
      %dma_start3A_389 = tpu.memref_slice %arg2[%dma_start3A_387, %dma_start3A_388] : memref<10240x128xf32, #tpu.memory_space<hbm>> -> memref<10240x128xf32, #tpu.memory_space<hbm>>
      tpu.enqueue_indirect_dma source(%dma_start3A_389 : memref<10240x128xf32, #tpu.memory_space<hbm>>) target(%arg9 : memref<128x128xf32, #tpu.memory_space<vmem>>) offsets(%dma_start3A_386 : memref<128xi32, #tpu.memory_space<vmem>>) semaphore(%arg13 : memref<!tpu.dma_semaphore, #tpu.memory_space<semaphore_mem>>)
      %dma_wait3A_390 = arith.constant 8 : i32
      %dma_wait3A_391 = arith.constant 0 : i32
      %dma_wait3A_392 = arith.constant 0 : i32
      %dma_wait3A_393 = tpu.memref_slice %arg7[%dma_wait3A_390, %dma_wait3A_391, %dma_wait3A_392] : memref<10x2x128xi32, #tpu.memory_space<vmem>> -> memref<1x1x128xi32, #tpu.memory_space<vmem>>
      %dma_wait3A_394 = tpu.memref_squeeze %dma_wait3A_393 : memref<1x1x128xi32, #tpu.memory_space<vmem>> -> memref<128xi32, #tpu.memory_space<vmem>>
      %dma_wait3A_395 = arith.constant 0 : i32
      %dma_wait3A_396 = arith.constant 0 : i32
      %dma_wait3A_397 = tpu.memref_slice %arg2[%dma_wait3A_395, %dma_wait3A_396] : memref<10240x128xf32, #tpu.memory_space<hbm>> -> memref<10240x128xf32, #tpu.memory_space<hbm>>
      tpu.wait_indirect_dma semaphore(%arg12 : memref<!tpu.dma_semaphore, #tpu.memory_space<semaphore_mem>>) src(%dma_wait3A_397 : memref<10240x128xf32, #tpu.memory_space<hbm>>) dst(%arg8 : memref<128x128xf32, #tpu.memory_space<vmem>>)
      %run_scoped3A_398 = arith.constant 8 : i32
      %run_scoped3A_399 = arith.constant 1 : i32
      "tpu.region"() ({
        %run_scoped3A_422 = tpu.sem_alloc : memref<!tpu.dma_semaphore, #tpu.memory_space<semaphore_mem>>
        %dma_start3A_423 = arith.constant 0 : i32
        %dma_start3A_424 = tpu.memref_slice %arg7[%run_scoped3A_398, %run_scoped3A_399, %dma_start3A_423] : memref<10x2x128xi32, #tpu.memory_space<vmem>> -> memref<1x1x128xi32, #tpu.memory_space<vmem>>
        %dma_start3A_425 = tpu.memref_squeeze %dma_start3A_424 : memref<1x1x128xi32, #tpu.memory_space<vmem>> -> memref<128xi32, #tpu.memory_space<vmem>>
        %dma_start3A_426 = arith.constant 0 : i32
        %dma_start3A_427 = arith.constant 0 : i32
        %dma_start3A_428 = tpu.memref_slice %arg14[%dma_start3A_426, %dma_start3A_427] : memref<10240x128xf32, #tpu.memory_space<vmem_shared>> -> memref<10240x128xf32, #tpu.memory_space<vmem_shared>>
        tpu.enqueue_indirect_dma source(%arg8 : memref<128x128xf32, #tpu.memory_space<vmem>>) target(%dma_start3A_428 : memref<10240x128xf32, #tpu.memory_space<vmem_shared>>) offsets(%dma_start3A_425 : memref<128xi32, #tpu.memory_space<vmem>>) semaphore(%run_scoped3A_422 : memref<!tpu.dma_semaphore, #tpu.memory_space<semaphore_mem>>) {add = true}
        %dma_wait3A_429 = arith.constant 0 : i32
        %dma_wait3A_430 = tpu.memref_slice %arg7[%run_scoped3A_398, %run_scoped3A_399, %dma_wait3A_429] : memref<10x2x128xi32, #tpu.memory_space<vmem>> -> memref<1x1x128xi32, #tpu.memory_space<vmem>>
        %dma_wait3A_431 = tpu.memref_squeeze %dma_wait3A_430 : memref<1x1x128xi32, #tpu.memory_space<vmem>> -> memref<128xi32, #tpu.memory_space<vmem>>
        %dma_wait3A_432 = arith.constant 0 : i32
        %dma_wait3A_433 = arith.constant 0 : i32
        %dma_wait3A_434 = tpu.memref_slice %arg14[%dma_wait3A_432, %dma_wait3A_433] : memref<10240x128xf32, #tpu.memory_space<vmem_shared>> -> memref<10240x128xf32, #tpu.memory_space<vmem_shared>>
        tpu.wait_indirect_dma semaphore(%run_scoped3A_422 : memref<!tpu.dma_semaphore, #tpu.memory_space<semaphore_mem>>) src(%arg8 : memref<128x128xf32, #tpu.memory_space<vmem>>) dst(%dma_wait3A_434 : memref<10240x128xf32, #tpu.memory_space<vmem_shared>>)
        tpu.yield
      }) : () -> ()
      %lt3A_400 = arith.constant 7 : i32
      %lt3A_401 = arith.cmpi slt, %add3A_237, %lt3A_400 : i32
      %convert_element_type3A_402 = arith.extui %lt3A_401 : i1 to i32
      %cond3A_403 = arith.constant 0 : i32
      %cond3A_404 = arith.cmpi ne, %convert_element_type3A_402, %cond3A_403 : i32
      scf.if %cond3A_404 {
        %add3A_422 = arith.constant 1 : i32
        %add3A_423 = arith.addi %add3A_237, %add3A_422 : i32
        %mul3A_424 = arith.constant 10 : i32
        %mul3A_425 = arith.muli %add3A_423, %mul3A_424 : i32
        %dma_wait3A_426 = arith.constant 0 : i32
        %dma_wait3A_427 = arith.constant 0 : i32
        %dma_wait3A_428 = tpu.memref_slice %arg3[%add3A, %mul3A_425, %dma_wait3A_426, %dma_wait3A_427] : memref<32x80x2x128xi32, #tpu.memory_space<hbm>> -> memref<1x10x2x128xi32, #tpu.memory_space<hbm>>
        %dma_wait3A_429 = tpu.memref_squeeze %dma_wait3A_428 : memref<1x10x2x128xi32, #tpu.memory_space<hbm>> -> memref<10x2x128xi32, #tpu.memory_space<hbm>>
        %dma_wait3A_430 = arith.constant 0 : i32
        %dma_wait3A_431 = arith.constant 0 : i32
        %dma_wait3A_432 = tpu.memref_slice %arg3[%add3A, %mul3A_425, %dma_wait3A_430, %dma_wait3A_431] : memref<32x80x2x128xi32, #tpu.memory_space<hbm>> -> memref<1x10x2x128xi32, #tpu.memory_space<hbm>>
        %dma_wait3A_433 = tpu.memref_squeeze %dma_wait3A_432 : memref<1x10x2x128xi32, #tpu.memory_space<hbm>> -> memref<10x2x128xi32, #tpu.memory_space<hbm>>
        tpu.wait_dma2 semaphore(%arg10 : memref<!tpu.dma_semaphore, #tpu.memory_space<semaphore_mem>>) src(%dma_wait3A_433 : memref<10x2x128xi32, #tpu.memory_space<hbm>>) dst(%arg6 : memref<10x2x128xi32, #tpu.memory_space<vmem>>)
        %dma_start3A_434 = arith.constant 0 : i32
        %dma_start3A_435 = arith.constant 0 : i32
        %dma_start3A_436 = arith.constant 0 : i32
        %dma_start3A_437 = tpu.memref_slice %arg6[%dma_start3A_434, %dma_start3A_435, %dma_start3A_436] : memref<10x2x128xi32, #tpu.memory_space<vmem>> -> memref<1x1x128xi32, #tpu.memory_space<vmem>>
        %dma_start3A_438 = tpu.memref_squeeze %dma_start3A_437 : memref<1x1x128xi32, #tpu.memory_space<vmem>> -> memref<128xi32, #tpu.memory_space<vmem>>
        %dma_start3A_439 = arith.constant 0 : i32
        %dma_start3A_440 = arith.constant 0 : i32
        %dma_start3A_441 = tpu.memref_slice %arg2[%dma_start3A_439, %dma_start3A_440] : memref<10240x128xf32, #tpu.memory_space<hbm>> -> memref<10240x128xf32, #tpu.memory_space<hbm>>
        tpu.enqueue_indirect_dma source(%dma_start3A_441 : memref<10240x128xf32, #tpu.memory_space<hbm>>) target(%arg8 : memref<128x128xf32, #tpu.memory_space<vmem>>) offsets(%dma_start3A_438 : memref<128xi32, #tpu.memory_space<vmem>>) semaphore(%arg12 : memref<!tpu.dma_semaphore, #tpu.memory_space<semaphore_mem>>)
      } else {
      }
      %dma_wait3A_405 = arith.constant 9 : i32
      %dma_wait3A_406 = arith.constant 0 : i32
      %dma_wait3A_407 = arith.constant 0 : i32
      %dma_wait3A_408 = tpu.memref_slice %arg7[%dma_wait3A_405, %dma_wait3A_406, %dma_wait3A_407] : memref<10x2x128xi32, #tpu.memory_space<vmem>> -> memref<1x1x128xi32, #tpu.memory_space<vmem>>
      %dma_wait3A_409 = tpu.memref_squeeze %dma_wait3A_408 : memref<1x1x128xi32, #tpu.memory_space<vmem>> -> memref<128xi32, #tpu.memory_space<vmem>>
      %dma_wait3A_410 = arith.constant 0 : i32
      %dma_wait3A_411 = arith.constant 0 : i32
      %dma_wait3A_412 = tpu.memref_slice %arg2[%dma_wait3A_410, %dma_wait3A_411] : memref<10240x128xf32, #tpu.memory_space<hbm>> -> memref<10240x128xf32, #tpu.memory_space<hbm>>
      tpu.wait_indirect_dma semaphore(%arg13 : memref<!tpu.dma_semaphore, #tpu.memory_space<semaphore_mem>>) src(%dma_wait3A_412 : memref<10240x128xf32, #tpu.memory_space<hbm>>) dst(%arg9 : memref<128x128xf32, #tpu.memory_space<vmem>>)
      %run_scoped3A_413 = arith.constant 9 : i32
      %run_scoped3A_414 = arith.constant 1 : i32
      "tpu.region"() ({
        %run_scoped3A_422 = tpu.sem_alloc : memref<!tpu.dma_semaphore, #tpu.memory_space<semaphore_mem>>
        %dma_start3A_423 = arith.constant 0 : i32
        %dma_start3A_424 = tpu.memref_slice %arg7[%run_scoped3A_413, %run_scoped3A_414, %dma_start3A_423] : memref<10x2x128xi32, #tpu.memory_space<vmem>> -> memref<1x1x128xi32, #tpu.memory_space<vmem>>
        %dma_start3A_425 = tpu.memref_squeeze %dma_start3A_424 : memref<1x1x128xi32, #tpu.memory_space<vmem>> -> memref<128xi32, #tpu.memory_space<vmem>>
        %dma_start3A_426 = arith.constant 0 : i32
        %dma_start3A_427 = arith.constant 0 : i32
        %dma_start3A_428 = tpu.memref_slice %arg14[%dma_start3A_426, %dma_start3A_427] : memref<10240x128xf32, #tpu.memory_space<vmem_shared>> -> memref<10240x128xf32, #tpu.memory_space<vmem_shared>>
        tpu.enqueue_indirect_dma source(%arg9 : memref<128x128xf32, #tpu.memory_space<vmem>>) target(%dma_start3A_428 : memref<10240x128xf32, #tpu.memory_space<vmem_shared>>) offsets(%dma_start3A_425 : memref<128xi32, #tpu.memory_space<vmem>>) semaphore(%run_scoped3A_422 : memref<!tpu.dma_semaphore, #tpu.memory_space<semaphore_mem>>) {add = true}
        %dma_wait3A_429 = arith.constant 0 : i32
        %dma_wait3A_430 = tpu.memref_slice %arg7[%run_scoped3A_413, %run_scoped3A_414, %dma_wait3A_429] : memref<10x2x128xi32, #tpu.memory_space<vmem>> -> memref<1x1x128xi32, #tpu.memory_space<vmem>>
        %dma_wait3A_431 = tpu.memref_squeeze %dma_wait3A_430 : memref<1x1x128xi32, #tpu.memory_space<vmem>> -> memref<128xi32, #tpu.memory_space<vmem>>
        %dma_wait3A_432 = arith.constant 0 : i32
        %dma_wait3A_433 = arith.constant 0 : i32
        %dma_wait3A_434 = tpu.memref_slice %arg14[%dma_wait3A_432, %dma_wait3A_433] : memref<10240x128xf32, #tpu.memory_space<vmem_shared>> -> memref<10240x128xf32, #tpu.memory_space<vmem_shared>>
        tpu.wait_indirect_dma semaphore(%run_scoped3A_422 : memref<!tpu.dma_semaphore, #tpu.memory_space<semaphore_mem>>) src(%arg9 : memref<128x128xf32, #tpu.memory_space<vmem>>) dst(%dma_wait3A_434 : memref<10240x128xf32, #tpu.memory_space<vmem_shared>>)
        tpu.yield
      }) : () -> ()
      %add3A_415 = arith.constant 2 : i32
      %add3A_416 = arith.addi %add3A_237, %add3A_415 : i32
      %lt3A_417 = arith.constant 8 : i32
      %lt3A_418 = arith.cmpi slt, %add3A_416, %lt3A_417 : i32
      %convert_element_type3A_419 = arith.extui %lt3A_418 : i1 to i32
      %cond3A_420 = arith.constant 0 : i32
      %cond3A_421 = arith.cmpi ne, %convert_element_type3A_419, %cond3A_420 : i32
      scf.if %cond3A_421 {
        %add3A_422 = arith.constant 2 : i32
        %add3A_423 = arith.addi %add3A_237, %add3A_422 : i32
        %mul3A_424 = arith.constant 10 : i32
        %mul3A_425 = arith.muli %add3A_423, %mul3A_424 : i32
        %dma_start3A_426 = arith.constant 0 : i32
        %dma_start3A_427 = arith.constant 0 : i32
        %dma_start3A_428 = tpu.memref_slice %arg3[%add3A, %mul3A_425, %dma_start3A_426, %dma_start3A_427] : memref<32x80x2x128xi32, #tpu.memory_space<hbm>> -> memref<1x10x2x128xi32, #tpu.memory_space<hbm>>
        %dma_start3A_429 = tpu.memref_squeeze %dma_start3A_428 : memref<1x10x2x128xi32, #tpu.memory_space<hbm>> -> memref<10x2x128xi32, #tpu.memory_space<hbm>>
        %dma_start3A_430 = arith.constant 0 : i32
        %dma_start3A_431 = arith.constant 0 : i32
        %dma_start3A_432 = tpu.memref_slice %arg3[%add3A, %mul3A_425, %dma_start3A_430, %dma_start3A_431] : memref<32x80x2x128xi32, #tpu.memory_space<hbm>> -> memref<1x10x2x128xi32, #tpu.memory_space<hbm>>
        %dma_start3A_433 = tpu.memref_squeeze %dma_start3A_432 : memref<1x10x2x128xi32, #tpu.memory_space<hbm>> -> memref<10x2x128xi32, #tpu.memory_space<hbm>>
        tpu.enqueue_dma source(%dma_start3A_433 : memref<10x2x128xi32, #tpu.memory_space<hbm>>) target(%arg7 : memref<10x2x128xi32, #tpu.memory_space<vmem>>) target_semaphore(%arg11 : memref<!tpu.dma_semaphore, #tpu.memory_space<semaphore_mem>>)
      } else {
      }
    }
    %scan3A_43 = arith.constant 4 : i32
    %barrier3A_44 = arith.constant 0 : index
    tpu.barrier barrier_id(%barrier3A_44)
    %mul3A_45 = arith.constant 640 : i32
    %mul3A_46 = arith.muli %arg1, %mul3A_45 : i32
    %mul3A_47 = arith.constant 640 : i32
    %mul3A_48 = arith.muli %arg1, %mul3A_47 : i32
    "tpu.region"() ({
      %run_scoped3A = tpu.sem_alloc : memref<!tpu.dma_semaphore, #tpu.memory_space<semaphore_mem>>
      %dma_start3A_49 = arith.constant 0 : i32
      %dma_start3A_50 = tpu.memref_slice %arg5[%arg0, %mul3A_48, %dma_start3A_49] : memref<2x10240x128xf32, #tpu.memory_space<hbm>> -> memref<1x640x128xf32, #tpu.memory_space<hbm>>
      %dma_start3A_51 = tpu.memref_squeeze %dma_start3A_50 : memref<1x640x128xf32, #tpu.memory_space<hbm>> -> memref<640x128xf32, #tpu.memory_space<hbm>>
      %dma_start3A_52 = arith.constant 0 : i32
      %dma_start3A_53 = tpu.memref_slice %arg14[%mul3A_46, %dma_start3A_52] : memref<10240x128xf32, #tpu.memory_space<vmem_shared>> -> memref<640x128xf32, #tpu.memory_space<vmem_shared>>
      tpu.enqueue_dma source(%dma_start3A_53 : memref<640x128xf32, #tpu.memory_space<vmem_shared>>) target(%dma_start3A_51 : memref<640x128xf32, #tpu.memory_space<hbm>>) target_semaphore(%run_scoped3A : memref<!tpu.dma_semaphore, #tpu.memory_space<semaphore_mem>>)
      %dma_wait3A_54 = arith.constant 0 : i32
      %dma_wait3A_55 = tpu.memref_slice %arg5[%arg0, %mul3A_48, %dma_wait3A_54] : memref<2x10240x128xf32, #tpu.memory_space<hbm>> -> memref<1x640x128xf32, #tpu.memory_space<hbm>>
      %dma_wait3A_56 = tpu.memref_squeeze %dma_wait3A_55 : memref<1x640x128xf32, #tpu.memory_space<hbm>> -> memref<640x128xf32, #tpu.memory_space<hbm>>
      %dma_wait3A_57 = arith.constant 0 : i32
      %dma_wait3A_58 = tpu.memref_slice %arg14[%mul3A_46, %dma_wait3A_57] : memref<10240x128xf32, #tpu.memory_space<vmem_shared>> -> memref<640x128xf32, #tpu.memory_space<vmem_shared>>
      tpu.wait_dma2 semaphore(%run_scoped3A : memref<!tpu.dma_semaphore, #tpu.memory_space<semaphore_mem>>) src(%dma_wait3A_58 : memref<640x128xf32, #tpu.memory_space<vmem_shared>>) dst(%dma_wait3A_56 : memref<640x128xf32, #tpu.memory_space<hbm>>)
      tpu.yield
    }) : () -> ()
    return
  }
}

module attributes {stable_mosaic.version = 14 : i64} {
  func.func @_mm1_body(%arg0: i32, %arg1: memref<1024x128xf32, #tpu.memory_space<vmem>>, %arg2: memref<128x128xf32, #tpu.memory_space<vmem>>, %arg3: memref<1024x128xf32, #tpu.memory_space<vmem>>) attributes {dimension_semantics = [#tpu.dimension_semantics<arbitrary>], iteration_bounds = array<i64: 10>, scalar_prefetch = 0 : i64, scratch_operands = 0 : i64, tpu.core_type = #tpu.core_type<tc>, window_params = [{transform_indices = @transform_0, window_bounds = array<i64: 1024, 128>}, {pipeline_mode = #tpu.pipeline_mode<synchronous>, transform_indices = @transform_1, window_bounds = array<i64: 128, 128>}, {transform_indices = @transform_2, window_bounds = array<i64: 1024, 128>}]} {
    %get3A = arith.constant 0 : index
    %get3A_0 = arith.constant 0 : index
    %get3A_1 = vector.load %arg1[%get3A, %get3A_0] : memref<1024x128xf32, #tpu.memory_space<vmem>>, vector<1024x128xf32>
    %get3A_2 = arith.constant 0 : index
    %get3A_3 = arith.constant 0 : index
    %get3A_4 = vector.load %arg2[%get3A_2, %get3A_3] : memref<128x128xf32, #tpu.memory_space<vmem>>, vector<128x128xf32>
    %dot_general3A = arith.constant dense<0.000000e+00> : vector<1024x128xf32>
    %dot_general3A_5 = tpu.matmul %get3A_1, %get3A_4, %dot_general3A {dimension_numbers = #tpu.dot_dimension_numbers<[1], [0], [0], [1], [0, 0, 1, 1], [], []>, transpose_lhs_hint = false} : vector<1024x128xf32>, vector<128x128xf32>, vector<1024x128xf32> -> vector<1024x128xf32>
    %swap3A = arith.constant 0 : index
    %swap3A_6 = arith.constant 0 : index
    %swap3A_7 = vector.load %arg3[%swap3A, %swap3A_6] : memref<1024x128xf32, #tpu.memory_space<vmem>>, vector<1024x128xf32>
    tpu.vector_store %arg3[%swap3A, %swap3A_6], %dot_general3A_5 {strides = array<i32>} : memref<1024x128xf32, #tpu.memory_space<vmem>>, vector<1024x128xf32>,
    return
  }
  func.func @transform_0(%arg0: i32) -> (i32, i32) {
    %c0_i32 = arith.constant 0 : i32
    %c0_i32_0 = arith.constant 0 : i32
    return %arg0, %c0_i32 : i32, i32
  }
  func.func @transform_1(%arg0: i32) -> (i32, i32) {
    %c0_i32 = arith.constant 0 : i32
    %c0_i32_0 = arith.constant 0 : i32
    %c0_i32_1 = arith.constant 0 : i32
    return %c0_i32, %c0_i32_0 : i32, i32
  }
  func.func @transform_2(%arg0: i32) -> (i32, i32) {
    %c0_i32 = arith.constant 0 : i32
    %c0_i32_0 = arith.constant 0 : i32
    return %arg0, %c0_i32 : i32, i32
  }
}

module attributes {stable_mosaic.version = 14 : i64} {
  func.func @_tc1_body(%arg0: i32, %arg1: memref<1024x128xf32, #tpu.memory_space<vmem>>, %arg2: memref<1024x1xf32, #tpu.memory_space<vmem>>, %arg3: memref<1024x1xf32, #tpu.memory_space<vmem>>, %arg4: memref<1024x128xf32, #tpu.memory_space<vmem>>, %arg5: memref<1024x1xf32, #tpu.memory_space<vmem>>) attributes {dimension_semantics = [#tpu.dimension_semantics<arbitrary>], iteration_bounds = array<i64: 10>, scalar_prefetch = 0 : i64, scratch_operands = 0 : i64, tpu.core_type = #tpu.core_type<tc>, window_params = [{transform_indices = @transform_0, window_bounds = array<i64: 1024, 128>}, {transform_indices = @transform_1, window_bounds = array<i64: 1024, 1>}, {transform_indices = @transform_2, window_bounds = array<i64: 1024, 1>}, {transform_indices = @transform_3, window_bounds = array<i64: 1024, 128>}, {transform_indices = @transform_4, window_bounds = array<i64: 1024, 1>}]} {
    %get3A = arith.constant 0 : index
    %get3A_0 = arith.constant 0 : index
    %get3A_1 = vector.load %arg2[%get3A, %get3A_0] : memref<1024x1xf32, #tpu.memory_space<vmem>>, vector<1024x1xf32>
    %get3A_2 = arith.constant 0 : index
    %get3A_3 = arith.constant 0 : index
    %get3A_4 = vector.load %arg3[%get3A_2, %get3A_3] : memref<1024x1xf32, #tpu.memory_space<vmem>>, vector<1024x1xf32>
    %add3A = arith.addf %get3A_1, %get3A_4 : vector<1024x1xf32>
    %add3A_5 = arith.constant 1.000000e+00 : f32
    %add3A_6 = vector.broadcast %add3A_5 : f32 to vector<1024x1xf32>
    %add3A_7 = arith.addf %add3A, %add3A_6 : vector<1024x1xf32>
    %rsqrt3A = math.rsqrt %add3A_7 : vector<1024x1xf32>
    %get3A_8 = arith.constant 0 : index
    %get3A_9 = arith.constant 0 : index
    %get3A_10 = vector.load %arg1[%get3A_8, %get3A_9] : memref<1024x128xf32, #tpu.memory_space<vmem>>, vector<1024x128xf32>
    %mul3A = vector.broadcast %rsqrt3A : vector<1024x1xf32> to vector<1024x128xf32>
    %mul3A_11 = arith.mulf %get3A_10, %mul3A : vector<1024x128xf32>
    %swap3A = arith.constant 0 : index
    %swap3A_12 = arith.constant 0 : index
    %swap3A_13 = vector.load %arg4[%swap3A, %swap3A_12] : memref<1024x128xf32, #tpu.memory_space<vmem>>, vector<1024x128xf32>
    tpu.vector_store %arg4[%swap3A, %swap3A_12], %mul3A_11 {strides = array<i32>} : memref<1024x128xf32, #tpu.memory_space<vmem>>, vector<1024x128xf32>,
    %swap3A_14 = arith.constant 0 : index
    %swap3A_15 = arith.constant 0 : index
    %swap3A_16 = vector.load %arg5[%swap3A_14, %swap3A_15] : memref<1024x1xf32, #tpu.memory_space<vmem>>, vector<1024x1xf32>
    tpu.vector_store %arg5[%swap3A_14, %swap3A_15], %rsqrt3A {strides = array<i32>} : memref<1024x1xf32, #tpu.memory_space<vmem>>, vector<1024x1xf32>,
    return
  }
  func.func @transform_0(%arg0: i32) -> (i32, i32) {
    %c0_i32 = arith.constant 0 : i32
    %c0_i32_0 = arith.constant 0 : i32
    return %arg0, %c0_i32 : i32, i32
  }
  func.func @transform_1(%arg0: i32) -> (i32, i32) {
    %c0_i32 = arith.constant 0 : i32
    %c0_i32_0 = arith.constant 0 : i32
    return %arg0, %c0_i32 : i32, i32
  }
  func.func @transform_2(%arg0: i32) -> (i32, i32) {
    %c0_i32 = arith.constant 0 : i32
    %c0_i32_0 = arith.constant 0 : i32
    return %arg0, %c0_i32 : i32, i32
  }
  func.func @transform_3(%arg0: i32) -> (i32, i32) {
    %c0_i32 = arith.constant 0 : i32
    %c0_i32_0 = arith.constant 0 : i32
    return %arg0, %c0_i32 : i32, i32
  }
  func.func @transform_4(%arg0: i32) -> (i32, i32) {
    %c0_i32 = arith.constant 0 : i32
    %c0_i32_0 = arith.constant 0 : i32
    return %arg0, %c0_i32 : i32, i32
  }
}

module attributes {stable_mosaic.version = 14 : i64} {
  func.func @_tc2_body(%arg0: i32, %arg1: memref<1024x128xf32, #tpu.memory_space<vmem>>, %arg2: memref<1024x128xf32, #tpu.memory_space<vmem>>, %arg3: memref<1024x128xf32, #tpu.memory_space<vmem>>, %arg4: memref<1024x1xf32, #tpu.memory_space<vmem>>, %arg5: memref<1x128xf32, #tpu.memory_space<vmem>>, %arg6: memref<128x128xf32, #tpu.memory_space<vmem>>, %arg7: memref<1024x128xf32, #tpu.memory_space<vmem>>) attributes {dimension_semantics = [#tpu.dimension_semantics<arbitrary>], iteration_bounds = array<i64: 10>, scalar_prefetch = 0 : i64, scratch_operands = 0 : i64, tpu.core_type = #tpu.core_type<tc>, window_params = [{transform_indices = @transform_0, window_bounds = array<i64: 1024, 128>}, {transform_indices = @transform_1, window_bounds = array<i64: 1024, 128>}, {transform_indices = @transform_2, window_bounds = array<i64: 1024, 128>}, {transform_indices = @transform_3, window_bounds = array<i64: 1024, 1>}, {pipeline_mode = #tpu.pipeline_mode<synchronous>, transform_indices = @transform_4, window_bounds = array<i64: 1, 128>}, {pipeline_mode = #tpu.pipeline_mode<synchronous>, transform_indices = @transform_5, window_bounds = array<i64: 128, 128>}, {transform_indices = @transform_6, window_bounds = array<i64: 1024, 128>}]} {
    %get3A = arith.constant 0 : index
    %get3A_0 = arith.constant 0 : index
    %get3A_1 = vector.load %arg4[%get3A, %get3A_0] : memref<1024x1xf32, #tpu.memory_space<vmem>>, vector<1024x1xf32>
    %get3A_2 = arith.constant 0 : index
    %get3A_3 = arith.constant 0 : index
    %get3A_4 = vector.load %arg1[%get3A_2, %get3A_3] : memref<1024x128xf32, #tpu.memory_space<vmem>>, vector<1024x128xf32>
    %get3A_5 = arith.constant 0 : index
    %get3A_6 = arith.constant 0 : index
    %get3A_7 = vector.load %arg2[%get3A_5, %get3A_6] : memref<1024x128xf32, #tpu.memory_space<vmem>>, vector<1024x128xf32>
    %add3A = arith.addf %get3A_4, %get3A_7 : vector<1024x128xf32>
    %get3A_8 = arith.constant 0 : index
    %get3A_9 = arith.constant 0 : index
    %get3A_10 = vector.load %arg3[%get3A_8, %get3A_9] : memref<1024x128xf32, #tpu.memory_space<vmem>>, vector<1024x128xf32>
    %add3A_11 = arith.addf %add3A, %get3A_10 : vector<1024x128xf32>
    %mul3A = vector.broadcast %get3A_1 : vector<1024x1xf32> to vector<1024x128xf32>
    %mul3A_12 = arith.mulf %add3A_11, %mul3A : vector<1024x128xf32>
    %get3A_13 = arith.constant 0 : index
    %get3A_14 = arith.constant 0 : index
    %get3A_15 = vector.load %arg5[%get3A_13, %get3A_14] : memref<1x128xf32, #tpu.memory_space<vmem>>, vector<1x128xf32>
    %add3A_16 = vector.broadcast %get3A_15 : vector<1x128xf32> to vector<1024x128xf32>
    %add3A_17 = arith.addf %mul3A_12, %add3A_16 : vector<1024x128xf32>
    %max3A = arith.constant 0.000000e+00 : f32
    %max3A_18 = vector.broadcast %max3A : f32 to vector<1024x128xf32>
    %max3A_19 = arith.maximumf %add3A_17, %max3A_18 : vector<1024x128xf32>
    %get3A_20 = arith.constant 0 : index
    %get3A_21 = arith.constant 0 : index
    %get3A_22 = vector.load %arg6[%get3A_20, %get3A_21] : memref<128x128xf32, #tpu.memory_space<vmem>>, vector<128x128xf32>
    %dot_general3A = arith.constant dense<0.000000e+00> : vector<1024x128xf32>
    %dot_general3A_23 = tpu.matmul %max3A_19, %get3A_22, %dot_general3A {dimension_numbers = #tpu.dot_dimension_numbers<[1], [0], [0], [1], [0, 0, 1, 1], [], []>, transpose_lhs_hint = false} : vector<1024x128xf32>, vector<128x128xf32>, vector<1024x128xf32> -> vector<1024x128xf32>
    %mul3A_24 = vector.broadcast %get3A_1 : vector<1024x1xf32> to vector<1024x128xf32>
    %mul3A_25 = arith.mulf %dot_general3A_23, %mul3A_24 : vector<1024x128xf32>
    %swap3A = arith.constant 0 : index
    %swap3A_26 = arith.constant 0 : index
    %swap3A_27 = vector.load %arg7[%swap3A, %swap3A_26] : memref<1024x128xf32, #tpu.memory_space<vmem>>, vector<1024x128xf32>
    tpu.vector_store %arg7[%swap3A, %swap3A_26], %mul3A_25 {strides = array<i32>} : memref<1024x128xf32, #tpu.memory_space<vmem>>, vector<1024x128xf32>,
    return
  }
  func.func @transform_0(%arg0: i32) -> (i32, i32) {
    %c0_i32 = arith.constant 0 : i32
    %c0_i32_0 = arith.constant 0 : i32
    return %arg0, %c0_i32 : i32, i32
  }
  func.func @transform_1(%arg0: i32) -> (i32, i32) {
    %c0_i32 = arith.constant 0 : i32
    %c0_i32_0 = arith.constant 0 : i32
    return %arg0, %c0_i32 : i32, i32
  }
  func.func @transform_2(%arg0: i32) -> (i32, i32) {
    %c0_i32 = arith.constant 0 : i32
    %c0_i32_0 = arith.constant 0 : i32
    return %arg0, %c0_i32 : i32, i32
  }
  func.func @transform_3(%arg0: i32) -> (i32, i32) {
    %c0_i32 = arith.constant 0 : i32
    %c0_i32_0 = arith.constant 0 : i32
    return %arg0, %c0_i32 : i32, i32
  }
  func.func @transform_4(%arg0: i32) -> (i32, i32) {
    %c0_i32 = arith.constant 0 : i32
    %c0_i32_0 = arith.constant 0 : i32
    %c0_i32_1 = arith.constant 0 : i32
    return %c0_i32, %c0_i32_0 : i32, i32
  }
  func.func @transform_5(%arg0: i32) -> (i32, i32) {
    %c0_i32 = arith.constant 0 : i32
    %c0_i32_0 = arith.constant 0 : i32
    %c0_i32_1 = arith.constant 0 : i32
    return %c0_i32, %c0_i32_0 : i32, i32
  }
  func.func @transform_6(%arg0: i32) -> (i32, i32) {
    %c0_i32 = arith.constant 0 : i32
    %c0_i32_0 = arith.constant 0 : i32
    return %arg0, %c0_i32 : i32, i32
  }
}

module attributes {stable_mosaic.version = 14 : i64} {
  func.func @_tc3_body(%arg0: i32, %arg1: memref<1000x128xf32, #tpu.memory_space<vmem>>, %arg2: memref<1000x128xf32, #tpu.memory_space<vmem>>, %arg3: memref<1000x128xf32, #tpu.memory_space<vmem>>, %arg4: memref<1000x1xf32, #tpu.memory_space<vmem>>, %arg5: memref<1x128xf32, #tpu.memory_space<vmem>>, %arg6: memref<1000x128xf32, #tpu.memory_space<vmem>>) attributes {dimension_semantics = [#tpu.dimension_semantics<arbitrary>], iteration_bounds = array<i64: 10>, scalar_prefetch = 0 : i64, scratch_operands = 0 : i64, tpu.core_type = #tpu.core_type<tc>, window_params = [{transform_indices = @transform_0, window_bounds = array<i64: 1000, 128>}, {transform_indices = @transform_1, window_bounds = array<i64: 1000, 128>}, {transform_indices = @transform_2, window_bounds = array<i64: 1000, 128>}, {transform_indices = @transform_3, window_bounds = array<i64: 1000, 1>}, {pipeline_mode = #tpu.pipeline_mode<synchronous>, transform_indices = @transform_4, window_bounds = array<i64: 1, 128>}, {transform_indices = @transform_5, window_bounds = array<i64: 1000, 128>}]} {
    %get3A = arith.constant 0 : index
    %get3A_0 = arith.constant 0 : index
    %get3A_1 = vector.load %arg1[%get3A, %get3A_0] : memref<1000x128xf32, #tpu.memory_space<vmem>>, vector<1000x128xf32>
    %get3A_2 = arith.constant 0 : index
    %get3A_3 = arith.constant 0 : index
    %get3A_4 = vector.load %arg2[%get3A_2, %get3A_3] : memref<1000x128xf32, #tpu.memory_space<vmem>>, vector<1000x128xf32>
    %add3A = arith.addf %get3A_1, %get3A_4 : vector<1000x128xf32>
    %get3A_5 = arith.constant 0 : index
    %get3A_6 = arith.constant 0 : index
    %get3A_7 = vector.load %arg3[%get3A_5, %get3A_6] : memref<1000x128xf32, #tpu.memory_space<vmem>>, vector<1000x128xf32>
    %add3A_8 = arith.addf %add3A, %get3A_7 : vector<1000x128xf32>
    %get3A_9 = arith.constant 0 : index
    %get3A_10 = arith.constant 0 : index
    %get3A_11 = vector.load %arg4[%get3A_9, %get3A_10] : memref<1000x1xf32, #tpu.memory_space<vmem>>, vector<1000x1xf32>
    %mul3A = vector.broadcast %get3A_11 : vector<1000x1xf32> to vector<1000x128xf32>
    %mul3A_12 = arith.mulf %add3A_8, %mul3A : vector<1000x128xf32>
    %get3A_13 = arith.constant 0 : index
    %get3A_14 = arith.constant 0 : index
    %get3A_15 = vector.load %arg5[%get3A_13, %get3A_14] : memref<1x128xf32, #tpu.memory_space<vmem>>, vector<1x128xf32>
    %add3A_16 = vector.broadcast %get3A_15 : vector<1x128xf32> to vector<1000x128xf32>
    %add3A_17 = arith.addf %mul3A_12, %add3A_16 : vector<1000x128xf32>
    %max3A = arith.constant 0.000000e+00 : f32
    %max3A_18 = vector.broadcast %max3A : f32 to vector<1000x128xf32>
    %max3A_19 = arith.maximumf %add3A_17, %max3A_18 : vector<1000x128xf32>
    %swap3A = arith.constant 0 : index
    %swap3A_20 = arith.constant 0 : index
    %swap3A_21 = vector.load %arg6[%swap3A, %swap3A_20] : memref<1000x128xf32, #tpu.memory_space<vmem>>, vector<1000x128xf32>
    tpu.vector_store %arg6[%swap3A, %swap3A_20], %max3A_19 {strides = array<i32>} : memref<1000x128xf32, #tpu.memory_space<vmem>>, vector<1000x128xf32>,
    return
  }
  func.func @transform_0(%arg0: i32) -> (i32, i32) {
    %c0_i32 = arith.constant 0 : i32
    %c0_i32_0 = arith.constant 0 : i32
    return %arg0, %c0_i32 : i32, i32
  }
  func.func @transform_1(%arg0: i32) -> (i32, i32) {
    %c0_i32 = arith.constant 0 : i32
    %c0_i32_0 = arith.constant 0 : i32
    return %arg0, %c0_i32 : i32, i32
  }
  func.func @transform_2(%arg0: i32) -> (i32, i32) {
    %c0_i32 = arith.constant 0 : i32
    %c0_i32_0 = arith.constant 0 : i32
    return %arg0, %c0_i32 : i32, i32
  }
  func.func @transform_3(%arg0: i32) -> (i32, i32) {
    %c0_i32 = arith.constant 0 : i32
    %c0_i32_0 = arith.constant 0 : i32
    return %arg0, %c0_i32 : i32, i32
  }
  func.func @transform_4(%arg0: i32) -> (i32, i32) {
    %c0_i32 = arith.constant 0 : i32
    %c0_i32_0 = arith.constant 0 : i32
    %c0_i32_1 = arith.constant 0 : i32
    return %c0_i32, %c0_i32_0 : i32, i32
  }
  func.func @transform_5(%arg0: i32) -> (i32, i32) {
    %c0_i32 = arith.constant 0 : i32
    %c0_i32_0 = arith.constant 0 : i32
    return %arg0, %c0_i32 : i32, i32
  }
}

</mosaic_0001>

<sc_bundles>
// kernel: kernel.12.cloned.1.call-start
scs
__scs_entry_jumppad:
0x0: {  	(pc) =	sbr.rel $0x88, $3  }
0x1: {  	(tag) =	ssettag $0x0;
	lr =	simm.s32 $0x1  }
0x2: {  	[smem:$0x3F9B] =	sst lr;
	_ =	strace $0xD0000000  }
0x3: {  	_ = 	snop  }
0x4: {  	_ = 	snop  }
0x5: {  	_ = 	snop  }
0x6: {  	_ = 	snop  }
0x7: {  	_ = 	snop  }
__scs_overlays_trampoline_lowered:
0x8: {  	[smem:$0x3FAA] =	sst s0  }
0x9: {  	[smem:$0x3FAB] =	sst s1  }
0xa: {  	[smem:$0x3FAC] =	sst s2  }
0xb: {  	[smem:$0x3FAD] =	sst s3  }
0xc: {  	[smem:$0x3FAE] =	sst s4  }
0xd: {  	[smem:$0x3FAF] =	sst s5  }
0xe: {  	[smem:$0x3FB0] =	sst s6  }
0xf: {  	[smem:$0x3FB1] =	sst s7  }
0x10: {  	[smem:$0x3FB2] =	sst s8  }
0x11: {  	[smem:$0x3FB3] =	sst s9;
	s0 =	simm.s32 @!p0 $0x0  }
0x12: {  	s1 =	sld [smem:$0x3F99];
	s0 =	simm.s32 @p0 $0x1  }
0x13: {  	[smem:$0x3FB4] =	sst s0;
	s0 =	simm.s32 @!p1 $0x0  }
0x14: {  	s2 =	sld [smem:$0x3F98];
	s0 =	simm.s32 @p1 $0x1  }
0x15: {  	[smem:$0x3FB5] =	sst s0;
	s0 =	simm.s32 @!p2 $0x0  }
0x16: {  	s3 =	sld [smem:$0x3FDB];
	s0 =	simm.s32 @p2 $0x1  }
0x17: {  	s4 =	simm.s32 $0x1BF5;
	[smem:$0x3FB7] =	sst s0  }
0x18: {  	s0 =	sld [smem:$0x3F9A];
	_ =	swait.ge [sflag:s4], $0x0  }
0x19: {  	s7 =	sld [smem:$0x3F9B]  }
0x1a: {  	s8 =	sadd.s32 $0xFFFFE003, lr  }
0x1b: {  	s9 =	sadd.s32 $0xFFFFFEF7, lr;
	s5 =	simm.s32 $0xFFFFFFFF;
	p2 =	slt.u32 s8, $0xFFFFF086  }
0x1c: {  	p1 =	slt.u32 s9, $0xF7A;
	s5 =	simm.s32 @!p2 $0x0  }
0x1d: {  	s5 =	simm.s32 @p1 $0x1;
	p0 =	seq.s32 s7, s2  }
0x1e: {  	s7 =	smul.u32 @!p0 $0xF7A, s2;
	p2 =	seq.s32 @!p0 s5, $0x0  }
0x1f: {  	s9 =	smul.u32 $0xF7A, s1;
	s8 =	simm.s32 @!p0 $0x1BF5;
	p2 =	por !p2, p0  }
0x20: {  	[sflag:s8] =	ssyncset.s32 @!p0 $0xFFFFF086;
	s6 =	sadd.s32 @!p0 s3, s7;
	s7 =	simm.s32 @!p0 $0x108  }
0x21: {  	s3 =	sadd.s32 s3, s9;
	s6 =	sadd.s32 @!p0 $0x88, s6;
	s7 =	simm.s32 @p2 $0x1082  }
0x22: {  	[simem:s7], [sflag:s8] =	dma.local @!p0 [hbm:s6], $0xF7A  }
0x23: {  	s9 =	sor.u32 $0xD0000000, s2;
	s6 =	simm.s32 $0x108;
	_ =	swait.ge @!p0 [sflag:s8], $0x0  }
0x24: {  	s3 =	sadd.s32 $0x88, s3;
	s6 =	simm.s32 @!p1 $0x1082;
	[sflag:s4] =	ssyncset.s32 $0xFFFFF086  }
0x25: {  	[simem:s6], [sflag:s4] =	dma.local [hbm:s3], $0xF7A  }
0x26: {  	[smem:$0x3F9B] =	sst s1;
	(tag) =	ssettag s2;
	_ =	strace s9  }
0x27: {  	s1 =	sld [smem:$0x3FAB]  }
0x28: {  	s2 =	sld [smem:$0x3FAC]  }
0x29: {  	s4 =	sld [smem:$0x3FAE]  }
0x2a: {  	p0 =	seq.s32 s5, $0x0;
	s5 =	sld [smem:$0x3FAF]  }
0x2b: {  	s6 =	sld [smem:$0x3FB0]  }
0x2c: {  	s7 =	sld [smem:$0x3FB1]  }
0x2d: {  	s3 =	simm.s32 $0x108;
	s8 =	sld [smem:$0x3FB2]  }
0x2e: {  	s3 =	simm.s32 @!p0 $0x1082;
	s9 =	sld [smem:$0x3FB3]  }
0x2f: {  	lr =	sadd.s32 s0, s3;
	s0 =	sld [smem:$0x3FAA]  }
0x30: {  	s3 =	sld [smem:$0x3FAD]  }
0x31: {  	[smem:$0x3FB6] =	sst s10  }
0x32: {  	s10 =	sld [smem:$0x3FB4];
	_ =	sdelay $0x3  }
0x33: {  	p0 =	seq.s32 s10, $0x1;
	s10 =	sld [smem:$0x3FB6];
	_ =	sdelay $0x3  }
0x34: {  	[smem:$0x3FB6] =	sst s10  }
0x35: {  	s10 =	sld [smem:$0x3FB5];
	_ =	sdelay $0x3  }
0x36: {  	p1 =	seq.s32 s10, $0x1;
	s10 =	sld [smem:$0x3FB6];
	_ =	sdelay $0x3  }
0x37: {  	[smem:$0x3FB6] =	sst s10  }
0x38: {  	s10 =	sld [smem:$0x3FB7]  }
0x39: {  	_ = 	snop;
	(pc) =	sbr.ind lr, $3  }
0x3a: {  	_ = 	snop  }
0x3b: {  	_ = 	snop  }
0x3c: {  	p2 =	seq.s32 s10, $0x1;
	s10 =	sld [smem:$0x3FB6]  }
0x3d: {  	_ =	shalt  }
0x3e: {  	_ =	shalt  }
0x3f: {  	_ =	shalt  }
0x40: {  	_ =	shalt  }
0x41: {  	_ =	shalt  }
0x42: {  	_ =	shalt  }
0x43: {  	_ =	shalt  }
0x44: {  	_ =	shalt  }
0x45: {  	_ =	shalt  }
0x46: {  	_ =	shalt  }
0x47: {  	_ =	shalt  }
0x48: {  	_ =	shalt  }
0x49: {  	_ =	shalt  }
0x4a: {  	_ =	shalt  }
0x4b: {  	_ =	shalt  }
0x4c: {  	_ =	shalt  }
0x4d: {  	_ =	shalt  }
0x4e: {  	_ =	shalt  }
0x4f: {  	_ =	shalt  }
0x50: {  	_ =	shalt  }
0x51: {  	_ =	shalt  }
0x52: {  	_ =	shalt  }
0x53: {  	_ =	shalt  }
0x54: {  	_ =	shalt  }
0x55: {  	_ =	shalt  }
0x56: {  	_ =	shalt  }
0x57: {  	_ =	shalt  }
0x58: {  	_ =	shalt  }
0x59: {  	_ =	shalt  }
0x5a: {  	_ =	shalt  }
0x5b: {  	_ =	shalt  }
0x5c: {  	_ =	shalt  }
0x5d: {  	_ =	shalt  }
0x5e: {  	_ =	shalt  }
0x5f: {  	_ =	shalt  }
0x60: {  	_ =	shalt  }
0x61: {  	_ =	shalt  }
0x62: {  	_ =	shalt  }
0x63: {  	_ =	shalt  }
0x64: {  	_ =	shalt  }
0x65: {  	_ =	shalt  }
0x66: {  	_ =	shalt  }
0x67: {  	_ =	shalt  }
0x68: {  	_ =	shalt  }
0x69: {  	_ =	shalt  }
0x6a: {  	_ =	shalt  }
0x6b: {  	_ =	shalt  }
0x6c: {  	_ =	shalt  }
0x6d: {  	_ =	shalt  }
0x6e: {  	_ =	shalt  }
0x6f: {  	_ =	shalt  }
0x70: {  	_ =	shalt  }
0x71: {  	_ =	shalt  }
0x72: {  	_ =	shalt  }
0x73: {  	_ =	shalt  }
0x74: {  	_ =	shalt  }
0x75: {  	_ =	shalt  }
0x76: {  	_ =	shalt  }
0x77: {  	_ =	shalt  }
0x78: {  	_ =	shalt  }
0x79: {  	_ =	shalt  }
0x7a: {  	_ =	shalt  }
0x7b: {  	_ =	shalt  }
0x7c: {  	_ =	shalt  }
0x7d: {  	_ =	shalt  }
0x7e: {  	_ =	shalt  }
0x7f: {  	_ =	shalt  }
0x80: {  	_ =	shalt  }
0x81: {  	_ =	shalt  }
0x82: {  	_ =	shalt  }
0x83: {  	_ =	shalt  }
0x84: {  	_ =	shalt  }
0x85: {  	_ =	shalt  }
0x86: {  	_ =	shalt  }
0x87: {  	_ =	shalt  }
.Lfunc_end0:
.L_simem_size_0:
called_computation.1_lowered:
.L_overlay_start_0:
0x88: {  	s2 =	sld [smem:$0x3FD9]  }
0x89: {  	s3 =	sld [smem:$0x3FFE];
	_ =	sdelay $0x1  }
0x8a: {  	s1 =	srdreg.scid  }
0x8b: {  	s0 =	sand.u32 $0x1, s1  }
0x8c: {  	s17 =	sshll.u32 s0, $0xA;
	s2 =	sadd.s32 s3, s2  }
0x8d: {  	s2 =	sadd.s32 s2, s17  }
0x8e: {  	[smem:$0x3FC2] =	sst s2  }
0x8f: {  	_ = 	snop  }
0x90: {  	s2 =	sld [smem:$0x3FD0];
	(tm) =	ssettm $0x1  }
0x91: {  	s18 =	sld [smem:$0x3FFB];
	_ =	sdelay $0x3  }
0x92: {  	_ =	strace s18  }
0x93: {  	s3 =	sld [smem:$0x3FFC];
	_ =	sdelay $0x3  }
0x94: {  	_ =	strace s3  }
0x95: {  	s3 =	sld [smem:$0x3FFD];
	_ =	sdelay $0x3  }
0x96: {  	_ =	strace s3  }
0x97: {  	_ =	strace $0x8FFFFFFF  }
0x98: {  	s19 =	sld [smem:$0x3FDB];
	_ =	sdelay $0x1  }
0x99: {  	s4 =	simm.s32 $_scs_section_size  }
0x9a: {  	s5 =	simm.s32 $_size__tile_overlayer_lowered;
	s6 =	simm.s32 $_tile_overlayer_lowered  }
0x9b: {  	s22 =	simm.s32 $0x1BFF;
	s21 =	sshll.u32 s6, $0x1;
	s3 =	sadd.s32 s4, s19  }
0x9c: {  	s7 =	simm.s32 $0x0;
	s20 =	sshll.u32 s5, $0x1;
	s5 =	sadd.s32 s21, s3  }
0x9d: {  	[timem:s7], [sflag:s22] =	dma.local [hbm:s5], s20  }
0x9e: {  	_ =	swait.ge [sflag:s22], s20  }
0x9f: {  	s4 =	ssub.s32 $0x0, s20;
	[sflag:s22] =	ssyncset.done $0x0  }
0xa0: {  	[sflag:s22] =	ssyncadd.s32 s4;
	_ =	sdelay $0x1  }
0xa1: {  	s23 =	simm.s32 $0x1B8B  }
0xa2: {  	_ =	swait.ge [sflag:s23], $0x1  }
0xa3: {  	[sflag:s23] =	ssyncset.done $0x0  }
0xa4: {  	s25 =	simm.s32 $0x1B8E;
	s24 =	sld [smem:$0x3FFE];
	[sflag:s23] =	ssyncadd.s32 $0xFFFFFFFF  }
0xa5: {  	s26 =	simm.s32 $execute0_lowered;
	[smem:$0x3FD2] =	sst s25  }
0xa6: {  	s5 =	sshll.u32 s26, $0x1;
	_ =	strace $0x80000049;
	[dreg:$0x1] =	wrdreg $0xFFFFFFFF  }
0xa7: {  	s28 =	simm.s32 $_size_execute0_lowered;
	s3 =	sadd.s32 s3, s5;
	[dreg:$0x0] =	wrdreg $0x0  }
0xa8: {  	s5 =	sshll.u32 s28, $0x1;
	[dreg:$0x2] =	wrdreg s3  }
0xa9: {  	[dreg:$0x3] =	wrdreg s5  }
0xaa: {  	[dreg:$0x4] =	wrdreg $0xC0  }
0xab: {  	_ =	task [dreg:s7], $0x5FFFF  }
0xac: {  	[dreg:$0x1] =	wrdreg $0xFFFFFFFF  }
0xad: {  	[dreg:$0x0] =	wrdreg $0x60  }
0xae: {  	[dreg:$0x2] =	wrdreg s24  }
0xaf: {  	[dreg:$0x3] =	wrdreg s2  }
0xb0: {  	[dreg:$0x4] =	wrdreg $0x94000  }
0xb1: {  	[dreg:$0x5] =	wrdreg $0x9  }
0xb2: {  	_ =	task.clear_ibuf [dreg:s7], $0x6FFFF;
	_ =	strace $0x90000049  }
0xb3: {  	s29 =	simm.s32 $0x9;
	_ =	strace $0x8000004B  }
0xb4: {  	_ =	swait.ge [sflag:s29], $0x1  }
0xb5: {  	[sflag:s29] =	ssyncadd.s32 $0xFFFFFFFF  }
0xb6: {  	_ =	strace $0x9000004B  }
0xb7: {  	_ =	sfence  }
0xb8: {  	s30 =	sld [smem:$0x0];
	_ =	sdelay $0x2  }
0xb9: {  	s31 =	sshll.u32 s1, $0xD;
	s1 =	sshrl.u32 s1, $0x2  }
0xba: {  	s3 =	sand.u32 $0x4000, s31;
	s1 =	sadd.s32 s1, s30  }
0xbb: {  	s0 =	sor.u32 s3, s0;
	s1 =	sshll.u32 s1, $0x11  }
0xbc: {  	s0 =	sor.u32 s1, s0  }
0xbd: {  	s0 =	sadd.s32 $0x8F2B, s0  }
0xbe: {  	[sflag:s0] =	ssyncadd.remote.s32 $0x1  }
0xbf: {  	_ =	sfence.sel $0xFFFF  }
0xc0: {  	[dreg:$0x0] =	wrdreg $0xFFFFFFFF;
	(pc) =	sbr.abs _section_cstart, $3  }
0xc1: {  	[dreg:$0x1] =	wrdreg $0xFFFFFFFF  }
0xc2: {  	_ =	task.clear_ibuf [dreg:s7], $0x2FFFF;
	_ =	strace $0x9FFFFFFF  }
0xc3: {  	(tm) =	ssettm $0x7FFFFFFF  }
tec
execute0_lowered:
.L_overlay_start_1:
0x0: {  	(tag) =	ssettag $0x1  }
0x1: {  	s0 =	rddreg [dreg:$0x0]  }
0x2: {  	s10 =	rddreg [dreg:$0x1]  }
0x3: {  	s2 =	rddreg [dreg:$0x2];
	s3 =	simm.s32 $0x0;
	s1 =	srdreg.scid  }
0x4: {  	s11 =	stileid.u32;
	s15 =	simm.s32 $0x5;
	s28 =	simm.s32 $0xD80  }
0x5: {  	s29 =	simm.s32 $0xF00;
	s30 =	simm.s32 $0xE80;
	s31 =	simm.s32 $0x1000  }
0x6: {  	s12 =	simm.s32 $0x1380;
	s13 =	simm.s32 $0x0;
	[smem:$0x7FF] =	sst s3  }
0x7: {  	s1 =	sand.u32 $0x1, s1;
	s4 =	smul.u32 $0x14000, s11;
	s6 =	sshll.u32 s11, $0x1  }
0x8: {  	s5 =	sadd.s32 $0x3800, s0;
	s7 =	smul.u32 $0x50000, s11;
	s8 =	sadd.s32 $0x53800, s0  }
0x9: {  	s19 =	smul.u32 $0xA000, s11;
	s22 =	sshll.u32 s11, $0x6;
	s11 =	simm.s32 $0x1300  }
0xa: {  	s16 =	smul.u32 $0x140000, s1;
	_ =	strace $0x8000004A;
	s6 =	sor.u32 s1, s6  }
0xb: {  	[dreg:$0x4] =	wrdreg s8;
	s18 =	ssub.s32 $0x2, s1;
	s1 =	smul.u32 $0x5000, s1  }
0xc: {  	s17 =	smul.u32 $0x5000, s6;
	s9 =	sshrl.u32 s18, $0x1;
	s7 =	sshrl.u32 s7, $0x2  }
0xd: {  	s6 =	simm.s32 $0x1080;
	s3 =	sadd.s32 s4, s16;
	s20 =	ssub.s32 s18, s9  }
0xe: {  	s21 =	sadd.s32 s7, s2;
	s1 =	sadd.s32 s1, s19;
	s7 =	sor.u32 $0x1C05, s22  }
0xf: {  	s16 =	simm.s32 $0xA00;
	s18 =	simm.s32 $0x80;
	s19 =	simm.s32 $0x1400  }
0x10: {  	s22 =	simm.s32 $0x3;
	s9 =	simm.s32 $0x1200;
	s3 =	sshrl.u32 s3, $0x3  }
0x11: {  	s4 =	sshrl.u32 s17, $0x3;
	s24 =	sadd.s32 $0x1E00, s1;
	s26 =	sadd.s32 $0x1400, s1  }
0x12: {  	s17 =	simm.s32 $0x2;
	[dreg:$0x5] =	wrdreg s7;
	s0 =	sadd.s32 s3, s0  }
0x13: {  	s23 =	sadd.s32 s10, s4;
	s25 =	sshrl.u32 s24, $0x3;
	[dreg:$0xb] =	wrdreg s26  }
0x14: {  	s3 =	smax.u32 s20, $0x1;
	s4 =	sshrl.u32 s21, $0x3;
	[dreg:$0x6] =	wrdreg s23  }
0x15: {  	s21 =	simm.s32 $0x5400;
	s24 =	simm.s32 $0x4;
	[dreg:$0x9] =	wrdreg s3  }
.Ltmp0:
0x16: {  	s8 =	sadd.s32 $0x140, s23;
	[dreg:$0xc] =	wrdreg s4;
	(pc) =	sbr.rel .LBB2_1-.Ltmp0, $4  }
0x17: {  	s26 =	simm.s32 $0xE00;
	s0 =	sadd.s32 $0x56000, s0;
	[dreg:$0x7] =	wrdreg s8  }
0x18: {  	s3 =	simm.s32 $0x1100;
	s23 =	simm.s32 $0x0;
	[dreg:$0x8] =	wrdreg s0  }
0x19: {  	s0 =	sadd.s32 s25, s10;
	s25 =	simm.s32 $0xC80;
	s10 =	simm.s32 $0x1180  }
0x1a: {  	s8 =	simm.s32 $0x1280;
	[dreg:$0xa] =	wrdreg s0;
	s0 =	simm.s32 $0xF80  }
.LBB2_4:
0x1b: {  	[bflag:$0x0] =	sbarrier.arrive $0xFFFF  }
0x1c: {  	s7 =	rddreg [dreg:$0x5]  }
0x1d: {  	s1 =	rddreg [dreg:$0x8]  }
0x1e: {  	s4 =	rddreg [dreg:$0xc]  }
0x1f: {  	[hbm:s1], [sflag:s7] =	dma.local [spmem:s4], $0x2800  }
0x20: {  	_ =	swait.ge [sflag:s15], $0x2800  }
0x21: {  	s13 =	rddreg [dreg:$0xd]  }
0x22: {  	s20 =	rddreg [dreg:$0x9];
	s13 =	sadd.s32 $0x1, s13  }
0x23: {  	p0 =	sne.s32 s13, s20  }
.Ltmp1:
0x24: {  	_ = 	snop;
	(pc) =	sbr.rel @!p0 .LBB2_5-.Ltmp1, $3  }
0x25: {  	_ =	sdelay $0x1  }
0x26: {  	[sflag:s15] =	ssyncset.done $0x0  }
0x27: {  	[sflag:s15] =	ssyncadd.s32 $0xFFFFD800  }
.LBB2_1:
0x28: {  	[dreg:$0xd] =	wrdreg s13  }
0x29: {  	s1 =	rddreg [dreg:$0x4]  }
0x2a: {  	[spmem:s4], [sflag:s7] =	dma.local [hbm:s1], $0x2800  }
0x2b: {  	_ =	swait.ge [sflag:s15], $0x2800  }
0x2c: {  	[sflag:s15] =	ssyncset.done $0x0  }
0x2d: {  	s7 =	simm.s32 $0x0;
	s13 =	rddreg [dreg:$0x6];
	[sflag:s15] =	ssyncadd.s32 $0xFFFFD800  }
0x2e: {  	[tilespmem:s7], [sflag:$0x1] =	stream.linear.gather [hbm4b:s13+s7], $0xA00, $0x38;
	[tilespmem:$0x1D400] =	vst v63  }
0x2f: {  	s20 =	simm.s32 $0x1;
	s14 =	rddreg [dreg:$0x7]  }
0x30: {  	[tilespmem:s16], [sflag:$0x2] =	stream.linear.gather [hbm4b:s14+s7], $0xA00, $0x38;
	[tilespmem:$0x1D400] =	vst v63  }
0x31: {  	_ =	swait.ge [sflag:s20], $0xA00  }
0x32: {  	[sflag:s20] =	ssyncset.done $0x0  }
0x33: {  	[sflag:s20] =	ssyncadd.s32 $0xFFFFF600  }
0x34: {  	[tilespmem:s19], [sflag:$0x3] =	stream.indirect.gather [hbm4b:s5+s18], $0x80, s7, s18, $0xb8;
	[tilespmem:$0x1D400] =	vst v63  }
0x35: {  	[bflag:$0x0] =	sbarrier.arrive $0xFFFF  }
0x36: {  	s13 =	rddreg [dreg:$0xb]  }
0x37: {  	s14 =	simm.s32 $0x0;
	s7 =	rddreg [dreg:$0xa]  }
.LBB2_2:
0x38: {  	s1 =	simm.s32 $0x100  }
0x39: {  	[tilespmem:s21], [sflag:$0x4] =	stream.indirect.gather [hbm4b:s5+s18], $0x80, s1, s18, $0xb8;
	[tilespmem:$0x1D400] =	vst v63  }
0x3a: {  	_ =	swait.ge [sflag:s22], $0x4000  }
0x3b: {  	[sflag:s22] =	ssyncset.done $0x0  }
0x3c: {  	[sflag:s22] =	ssyncadd.s32 $0xFFFFC000  }
0x3d: {  	[spmem:s2] =	stream.indirect.scatter.add.f32 [tilespmem:s19], [sflag:$0x5], $0x80, s18, s18, $0xb8;
	[tilespmem:$0x1D400] =	vst v63  }
0x3e: {  	_ =	swait.ge [sflag:s15], $0x4000  }
0x3f: {  	[sflag:s15] =	ssyncset.done $0x0  }
0x40: {  	s4 =	simm.s32 $0x200;
	[sflag:s15] =	ssyncadd.s32 $0xFFFFC000  }
0x41: {  	[tilespmem:s19], [sflag:$0x3] =	stream.indirect.gather [hbm4b:s5+s18], $0x80, s4, s18, $0xb8;
	[tilespmem:$0x1D400] =	vst v63  }
0x42: {  	_ =	swait.ge [sflag:s24], $0x4000  }
0x43: {  	[sflag:s24] =	ssyncset.done $0x0  }
0x44: {  	s20 =	simm.s32 $0x180;
	[sflag:s24] =	ssyncadd.s32 $0xFFFFC000  }
0x45: {  	[spmem:s2] =	stream.indirect.scatter.add.f32 [tilespmem:s21], [sflag:$0x5], $0x80, s20, s18, $0xb8;
	[tilespmem:$0x1D400] =	vst v63  }
0x46: {  	_ =	swait.ge [sflag:s15], $0x4000  }
0x47: {  	[sflag:s15] =	ssyncset.done $0x0  }
0x48: {  	s4 =	simm.s32 $0x300;
	[sflag:s15] =	ssyncadd.s32 $0xFFFFC000  }
0x49: {  	[tilespmem:s21], [sflag:$0x4] =	stream.indirect.gather [hbm4b:s5+s18], $0x80, s4, s18, $0xb8;
	[tilespmem:$0x1D400] =	vst v63  }
0x4a: {  	_ =	swait.ge [sflag:s22], $0x4000  }
0x4b: {  	[sflag:s22] =	ssyncset.done $0x0  }
0x4c: {  	s20 =	simm.s32 $0x280;
	[sflag:s22] =	ssyncadd.s32 $0xFFFFC000  }
0x4d: {  	[spmem:s2] =	stream.indirect.scatter.add.f32 [tilespmem:s19], [sflag:$0x5], $0x80, s20, s18, $0xb8;
	[tilespmem:$0x1D400] =	vst v63  }
0x4e: {  	_ =	swait.ge [sflag:s15], $0x4000  }
0x4f: {  	[sflag:s15] =	ssyncset.done $0x0  }
0x50: {  	s4 =	simm.s32 $0x400;
	[sflag:s15] =	ssyncadd.s32 $0xFFFFC000  }
0x51: {  	[tilespmem:s19], [sflag:$0x3] =	stream.indirect.gather [hbm4b:s5+s18], $0x80, s4, s18, $0xb8;
	[tilespmem:$0x1D400] =	vst v63  }
0x52: {  	_ =	swait.ge [sflag:s24], $0x4000  }
0x53: {  	[sflag:s24] =	ssyncset.done $0x0  }
0x54: {  	s20 =	simm.s32 $0x380;
	[sflag:s24] =	ssyncadd.s32 $0xFFFFC000  }
0x55: {  	[spmem:s2] =	stream.indirect.scatter.add.f32 [tilespmem:s21], [sflag:$0x5], $0x80, s20, s18, $0xb8;
	[tilespmem:$0x1D400] =	vst v63  }
0x56: {  	_ =	swait.ge [sflag:s15], $0x4000  }
0x57: {  	[sflag:s15] =	ssyncset.done $0x0  }
0x58: {  	s4 =	simm.s32 $0x500;
	[sflag:s15] =	ssyncadd.s32 $0xFFFFC000  }
0x59: {  	[tilespmem:s21], [sflag:$0x4] =	stream.indirect.gather [hbm4b:s5+s18], $0x80, s4, s18, $0xb8;
	[tilespmem:$0x1D400] =	vst v63  }
0x5a: {  	_ =	swait.ge [sflag:s22], $0x4000  }
0x5b: {  	[sflag:s22] =	ssyncset.done $0x0  }
0x5c: {  	s20 =	simm.s32 $0x480;
	[sflag:s22] =	ssyncadd.s32 $0xFFFFC000  }
0x5d: {  	[spmem:s2] =	stream.indirect.scatter.add.f32 [tilespmem:s19], [sflag:$0x5], $0x80, s20, s18, $0xb8;
	[tilespmem:$0x1D400] =	vst v63  }
0x5e: {  	_ =	swait.ge [sflag:s15], $0x4000  }
0x5f: {  	[sflag:s15] =	ssyncset.done $0x0  }
0x60: {  	s4 =	simm.s32 $0x600;
	[sflag:s15] =	ssyncadd.s32 $0xFFFFC000  }
0x61: {  	[tilespmem:s19], [sflag:$0x3] =	stream.indirect.gather [hbm4b:s5+s18], $0x80, s4, s18, $0xb8;
	[tilespmem:$0x1D400] =	vst v63  }
0x62: {  	_ =	swait.ge [sflag:s24], $0x4000  }
0x63: {  	[sflag:s24] =	ssyncset.done $0x0  }
0x64: {  	s20 =	simm.s32 $0x580;
	[sflag:s24] =	ssyncadd.s32 $0xFFFFC000  }
0x65: {  	[spmem:s2] =	stream.indirect.scatter.add.f32 [tilespmem:s21], [sflag:$0x5], $0x80, s20, s18, $0xb8;
	[tilespmem:$0x1D400] =	vst v63  }
0x66: {  	_ =	swait.ge [sflag:s15], $0x4000  }
0x67: {  	[sflag:s15] =	ssyncset.done $0x0  }
0x68: {  	s4 =	simm.s32 $0x700;
	[sflag:s15] =	ssyncadd.s32 $0xFFFFC000  }
0x69: {  	[tilespmem:s21], [sflag:$0x4] =	stream.indirect.gather [hbm4b:s5+s18], $0x80, s4, s18, $0xb8;
	[tilespmem:$0x1D400] =	vst v63  }
0x6a: {  	_ =	swait.ge [sflag:s22], $0x4000  }
0x6b: {  	[sflag:s22] =	ssyncset.done $0x0  }
0x6c: {  	s20 =	simm.s32 $0x680;
	[sflag:s22] =	ssyncadd.s32 $0xFFFFC000  }
0x6d: {  	[spmem:s2] =	stream.indirect.scatter.add.f32 [tilespmem:s19], [sflag:$0x5], $0x80, s20, s18, $0xb8;
	[tilespmem:$0x1D400] =	vst v63  }
0x6e: {  	_ =	swait.ge [sflag:s15], $0x4000  }
0x6f: {  	[sflag:s15] =	ssyncset.done $0x0  }
0x70: {  	s4 =	simm.s32 $0x800;
	[sflag:s15] =	ssyncadd.s32 $0xFFFFC000  }
0x71: {  	[tilespmem:s19], [sflag:$0x3] =	stream.indirect.gather [hbm4b:s5+s18], $0x80, s4, s18, $0xb8;
	[tilespmem:$0x1D400] =	vst v63  }
0x72: {  	_ =	swait.ge [sflag:s24], $0x4000  }
0x73: {  	[sflag:s24] =	ssyncset.done $0x0  }
0x74: {  	s20 =	simm.s32 $0x780;
	[sflag:s24] =	ssyncadd.s32 $0xFFFFC000  }
0x75: {  	[spmem:s2] =	stream.indirect.scatter.add.f32 [tilespmem:s21], [sflag:$0x5], $0x80, s20, s18, $0xb8;
	[tilespmem:$0x1D400] =	vst v63  }
0x76: {  	_ =	swait.ge [sflag:s15], $0x4000  }
0x77: {  	[sflag:s15] =	ssyncset.done $0x0  }
0x78: {  	s4 =	simm.s32 $0x900;
	[sflag:s15] =	ssyncadd.s32 $0xFFFFC000  }
0x79: {  	[tilespmem:s21], [sflag:$0x4] =	stream.indirect.gather [hbm4b:s5+s18], $0x80, s4, s18, $0xb8;
	[tilespmem:$0x1D400] =	vst v63  }
0x7a: {  	_ =	swait.ge [sflag:s22], $0x4000  }
0x7b: {  	[sflag:s22] =	ssyncset.done $0x0  }
0x7c: {  	s20 =	simm.s32 $0x880;
	[sflag:s22] =	ssyncadd.s32 $0xFFFFC000  }
0x7d: {  	[spmem:s2] =	stream.indirect.scatter.add.f32 [tilespmem:s19], [sflag:$0x5], $0x80, s20, s18, $0xb8;
	[tilespmem:$0x1D400] =	vst v63  }
0x7e: {  	_ =	swait.ge [sflag:s15], $0x4000  }
0x7f: {  	[sflag:s15] =	ssyncset.done $0x0  }
0x80: {  	[sflag:s15] =	ssyncadd.s32 $0xFFFFC000  }
0x81: {  	_ =	swait.ge [sflag:s17], $0xA00  }
0x82: {  	[sflag:s17] =	ssyncset.done $0x0  }
0x83: {  	[sflag:s17] =	ssyncadd.s32 $0xFFFFF600  }
0x84: {  	[tilespmem:s19], [sflag:$0x3] =	stream.indirect.gather [hbm4b:s5+s18], $0x80, s16, s18, $0xb8;
	[tilespmem:$0x1D400] =	vst v63  }
0x85: {  	_ =	swait.ge [sflag:s24], $0x4000  }
0x86: {  	[sflag:s24] =	ssyncset.done $0x0  }
0x87: {  	s4 =	simm.s32 $0x980;
	[sflag:s24] =	ssyncadd.s32 $0xFFFFC000  }
0x88: {  	[spmem:s2] =	stream.indirect.scatter.add.f32 [tilespmem:s21], [sflag:$0x5], $0x80, s4, s18, $0xb8;
	[tilespmem:$0x1D400] =	vst v63  }
0x89: {  	_ =	swait.ge [sflag:s15], $0x4000  }
0x8a: {  	[sflag:s15] =	ssyncset.done $0x0  }
0x8b: {  	p0 =	seq.s32 s14, $0x3;
	[sflag:s15] =	ssyncadd.s32 $0xFFFFC000  }
0x8c: {  	s1 =	sshrl.u32 @!p0 s13, $0x3;
	s4 =	rddreg [dreg:$0x1]  }
0x8d: {  	s1 =	sadd.s32 @!p0 s4, s1;
	s4 =	simm.s32 @!p0 $0x0  }
0x8e: {  	[tilespmem:s4], [sflag:$0x1] =	stream.linear.gather @!p0 [hbm4b:s1+s4], $0xA00, $0x38;
	[tilespmem:$0x1D400] =	vst v63  }
0x8f: {  	s20 =	simm.s32 $0xB00  }
0x90: {  	[tilespmem:s21], [sflag:$0x4] =	stream.indirect.gather [hbm4b:s5+s18], $0x80, s20, s18, $0xb8;
	[tilespmem:$0x1D400] =	vst v63  }
0x91: {  	_ =	swait.ge [sflag:s22], $0x4000  }
0x92: {  	[sflag:s22] =	ssyncset.done $0x0  }
0x93: {  	s4 =	simm.s32 $0xA80;
	[sflag:s22] =	ssyncadd.s32 $0xFFFFC000  }
0x94: {  	[spmem:s2] =	stream.indirect.scatter.add.f32 [tilespmem:s19], [sflag:$0x5], $0x80, s4, s18, $0xb8;
	[tilespmem:$0x1D400] =	vst v63  }
0x95: {  	_ =	swait.ge [sflag:s15], $0x4000  }
0x96: {  	[sflag:s15] =	ssyncset.done $0x0  }
0x97: {  	s20 =	simm.s32 $0xC00;
	[sflag:s15] =	ssyncadd.s32 $0xFFFFC000  }
0x98: {  	[tilespmem:s19], [sflag:$0x3] =	stream.indirect.gather [hbm4b:s5+s18], $0x80, s20, s18, $0xb8;
	[tilespmem:$0x1D400] =	vst v63  }
0x99: {  	_ =	swait.ge [sflag:s24], $0x4000  }
0x9a: {  	[sflag:s24] =	ssyncset.done $0x0  }
0x9b: {  	s4 =	simm.s32 $0xB80;
	[sflag:s24] =	ssyncadd.s32 $0xFFFFC000  }
0x9c: {  	[spmem:s2] =	stream.indirect.scatter.add.f32 [tilespmem:s21], [sflag:$0x5], $0x80, s4, s18, $0xb8;
	[tilespmem:$0x1D400] =	vst v63  }
0x9d: {  	_ =	swait.ge [sflag:s15], $0x4000  }
0x9e: {  	[sflag:s15] =	ssyncset.done $0x0  }
0x9f: {  	s20 =	simm.s32 $0xD00;
	[sflag:s15] =	ssyncadd.s32 $0xFFFFC000  }
0xa0: {  	[tilespmem:s21], [sflag:$0x4] =	stream.indirect.gather [hbm4b:s5+s18], $0x80, s20, s18, $0xb8;
	[tilespmem:$0x1D400] =	vst v63  }
0xa1: {  	_ =	swait.ge [sflag:s22], $0x4000  }
0xa2: {  	[sflag:s22] =	ssyncset.done $0x0  }
0xa3: {  	[sflag:s22] =	ssyncadd.s32 $0xFFFFC000  }
0xa4: {  	[spmem:s2] =	stream.indirect.scatter.add.f32 [tilespmem:s19], [sflag:$0x5], $0x80, s25, s18, $0xb8;
	[tilespmem:$0x1D400] =	vst v63  }
0xa5: {  	_ =	swait.ge [sflag:s15], $0x4000  }
0xa6: {  	[sflag:s15] =	ssyncset.done $0x0  }
0xa7: {  	[sflag:s15] =	ssyncadd.s32 $0xFFFFC000  }
0xa8: {  	[tilespmem:s19], [sflag:$0x3] =	stream.indirect.gather [hbm4b:s5+s18], $0x80, s26, s18, $0xb8;
	[tilespmem:$0x1D400] =	vst v63  }
0xa9: {  	_ =	swait.ge [sflag:s24], $0x4000  }
0xaa: {  	[sflag:s24] =	ssyncset.done $0x0  }
0xab: {  	[sflag:s24] =	ssyncadd.s32 $0xFFFFC000  }
0xac: {  	[spmem:s2] =	stream.indirect.scatter.add.f32 [tilespmem:s21], [sflag:$0x5], $0x80, s28, s18, $0xb8;
	[tilespmem:$0x1D400] =	vst v63  }
0xad: {  	_ =	swait.ge [sflag:s15], $0x4000  }
0xae: {  	[sflag:s15] =	ssyncset.done $0x0  }
0xaf: {  	[sflag:s15] =	ssyncadd.s32 $0xFFFFC000  }
0xb0: {  	[tilespmem:s21], [sflag:$0x4] =	stream.indirect.gather [hbm4b:s5+s18], $0x80, s29, s18, $0xb8;
	[tilespmem:$0x1D400] =	vst v63  }
0xb1: {  	_ =	swait.ge [sflag:s22], $0x4000  }
0xb2: {  	[sflag:s22] =	ssyncset.done $0x0  }
0xb3: {  	[sflag:s22] =	ssyncadd.s32 $0xFFFFC000  }
0xb4: {  	[spmem:s2] =	stream.indirect.scatter.add.f32 [tilespmem:s19], [sflag:$0x5], $0x80, s30, s18, $0xb8;
	[tilespmem:$0x1D400] =	vst v63  }
0xb5: {  	_ =	swait.ge [sflag:s15], $0x4000  }
0xb6: {  	[sflag:s15] =	ssyncset.done $0x0  }
0xb7: {  	[sflag:s15] =	ssyncadd.s32 $0xFFFFC000  }
0xb8: {  	[tilespmem:s19], [sflag:$0x3] =	stream.indirect.gather [hbm4b:s5+s18], $0x80, s31, s18, $0xb8;
	[tilespmem:$0x1D400] =	vst v63  }
0xb9: {  	_ =	swait.ge [sflag:s24], $0x4000  }
0xba: {  	[sflag:s24] =	ssyncset.done $0x0  }
0xbb: {  	[sflag:s24] =	ssyncadd.s32 $0xFFFFC000  }
0xbc: {  	[spmem:s2] =	stream.indirect.scatter.add.f32 [tilespmem:s21], [sflag:$0x5], $0x80, s0, s18, $0xb8;
	[tilespmem:$0x1D400] =	vst v63  }
0xbd: {  	_ =	swait.ge [sflag:s15], $0x4000  }
0xbe: {  	[sflag:s15] =	ssyncset.done $0x0  }
0xbf: {  	[sflag:s15] =	ssyncadd.s32 $0xFFFFC000  }
0xc0: {  	[tilespmem:s21], [sflag:$0x4] =	stream.indirect.gather [hbm4b:s5+s18], $0x80, s3, s18, $0xb8;
	[tilespmem:$0x1D400] =	vst v63  }
0xc1: {  	_ =	swait.ge [sflag:s22], $0x4000  }
0xc2: {  	[sflag:s22] =	ssyncset.done $0x0  }
0xc3: {  	[sflag:s22] =	ssyncadd.s32 $0xFFFFC000  }
0xc4: {  	[spmem:s2] =	stream.indirect.scatter.add.f32 [tilespmem:s19], [sflag:$0x5], $0x80, s6, s18, $0xb8;
	[tilespmem:$0x1D400] =	vst v63  }
0xc5: {  	_ =	swait.ge [sflag:s15], $0x4000  }
0xc6: {  	[sflag:s15] =	ssyncset.done $0x0  }
0xc7: {  	[sflag:s15] =	ssyncadd.s32 $0xFFFFC000  }
0xc8: {  	[tilespmem:s19], [sflag:$0x3] =	stream.indirect.gather [hbm4b:s5+s18], $0x80, s9, s18, $0xb8;
	[tilespmem:$0x1D400] =	vst v63  }
0xc9: {  	_ =	swait.ge [sflag:s24], $0x4000  }
0xca: {  	[sflag:s24] =	ssyncset.done $0x0  }
0xcb: {  	[sflag:s24] =	ssyncadd.s32 $0xFFFFC000  }
0xcc: {  	[spmem:s2] =	stream.indirect.scatter.add.f32 [tilespmem:s21], [sflag:$0x5], $0x80, s10, s18, $0xb8;
	[tilespmem:$0x1D400] =	vst v63  }
0xcd: {  	_ =	swait.ge [sflag:s15], $0x4000  }
0xce: {  	[sflag:s15] =	ssyncset.done $0x0  }
0xcf: {  	[sflag:s15] =	ssyncadd.s32 $0xFFFFC000  }
0xd0: {  	[tilespmem:s21], [sflag:$0x4] =	stream.indirect.gather [hbm4b:s5+s18], $0x80, s11, s18, $0xb8;
	[tilespmem:$0x1D400] =	vst v63  }
0xd1: {  	_ =	swait.ge [sflag:s22], $0x4000  }
0xd2: {  	[sflag:s22] =	ssyncset.done $0x0  }
0xd3: {  	[sflag:s22] =	ssyncadd.s32 $0xFFFFC000  }
0xd4: {  	[spmem:s2] =	stream.indirect.scatter.add.f32 [tilespmem:s19], [sflag:$0x5], $0x80, s8, s18, $0xb8;
	[tilespmem:$0x1D400] =	vst v63  }
0xd5: {  	_ =	swait.ge [sflag:s15], $0x4000  }
0xd6: {  	p1 =	sgt.u32 s14, $0x2;
	[sflag:s15] =	ssyncset.done $0x0  }
0xd7: {  	s1 =	simm.s32 @!p1 $0x1;
	[sflag:s15] =	ssyncadd.s32 $0xFFFFC000  }
0xd8: {  	_ =	swait.ge @!p1 [sflag:s1], $0xA00  }
0xd9: {  	s4 =	simm.s32 @!p1 $0x0;
	[sflag:s1] =	ssyncset.done @!p1 $0x0  }
0xda: {  	s20 =	simm.s32 @!p1 $0x1400;
	[sflag:s1] =	ssyncadd.s32 @!p1 $0xFFFFF600;
	s1 =	simm.s32 @!p1 $0x80  }
0xdb: {  	[tilespmem:s20], [sflag:$0x3] =	stream.indirect.gather @!p1 [hbm4b:s5+s1], $0x80, s4, s1, $0xb8;
	[tilespmem:$0x1D400] =	vst v63  }
0xdc: {  	_ =	swait.ge [sflag:s24], $0x4000  }
0xdd: {  	[sflag:s24] =	ssyncset.done $0x0  }
.Ltmp2:
0xde: {  	[sflag:s24] =	ssyncadd.s32 $0xFFFFC000;
	(pc) =	sbr.rel @p0 .LBB2_4-.Ltmp2, $4  }
0xdf: {  	[spmem:s2] =	stream.indirect.scatter.add.f32 [tilespmem:s21], [sflag:$0x5], $0x80, s12, s18, $0xb8;
	[tilespmem:$0x1D400] =	vst v63  }
0xe0: {  	_ =	swait.ge [sflag:s15], $0x4000  }
0xe1: {  	[sflag:s15] =	ssyncset.done $0x0  }
0xe2: {  	[sflag:s15] =	ssyncadd.s32 $0xFFFFC000  }
.Ltmp3:
0xe3: {  	(pc) =	sbr.rel .LBB2_2-.Ltmp3, $3  }
0xe4: {  	_ =	sdelay $0x1  }
0xe5: {  	[tilespmem:s16], [sflag:$0x2] =	stream.linear.gather [hbm4b:s7+s23], $0xA00, $0x38;
	[tilespmem:$0x1D400] =	vst v63  }
0xe6: {  	s14 =	sadd.s32 $0x1, s14;
	s7 =	sadd.s32 $0x280, s7;
	s13 =	sadd.s32 $0x1400, s13  }
.LBB2_5:
0xe7: {  	_ =	sfence.sel $0x180000  }
0xe8: {  	[bflag:$0x0] =	sbarrier.arrive $0xFFFF  }
0xe9: {  	_ =	strace $0x9000004A  }
0xea: {  	s0 =	stileid.u32;
	[bflag:$0x2] =	sbarrier.arrive $0xFFFF  }
0xeb: {  	p0 =	sne.s32 s0, $0x0;
	s0 =	rddreg [dreg:$0x3]  }
0xec: {  	s0 =	sadd.s32 @!p0 $0x100000, s0  }
0xed: {  	[sflag:s0] =	ssyncadd.tile.s32 @!p0 $0x1;
	_ =	shalt  }
.Lfunc_end2:
_tile_overlayer_lowered:
.L_overlay_start_2:
0xee: {  	(tag) =	ssettag $0x2  }
0xef: {  	s0 =	rddreg [dreg:$0x0];
	s2 =	stileid.u32  }
0xf0: {  	s1 =	rddreg [dreg:$0x1];
	p0 =	sne.s32 s2, $0x0  }
0xf1: {  	s3 =	rddreg [dreg:$0x2];
	[bflag:$0x3] =	sbarrier.arrive $0xFFFF;
	s2 =	simm.s32 @!p0 $0x1C05  }
0xf2: {  	[timem:s3], [sflag:s2] =	dma.local @!p0 [hbm:s0], s1  }
0xf3: {  	s0 =	simm.s32 @!p0 $0x5  }
0xf4: {  	_ =	swait.ge @!p0 [sflag:s0], s1  }
0xf5: {  	s1 =	ssub.s32 @!p0 $0x0, s1;
	[sflag:s0] =	ssyncset.done @!p0 $0x0  }
0xf6: {  	[sflag:s0] =	ssyncadd.s32 @!p0 s1  }
0xf7: {  	[bflag:$0x3] =	sbarrier.arrive $0xFFFF  }
0xf8: {  	_ =	shalt  }

// kernel: kernel.15.cloned.1.call-start
scs
__scs_entry_jumppad:
0x0: {  	(pc) =	sbr.rel $0x88, $3  }
0x1: {  	(tag) =	ssettag $0x0;
	lr =	simm.s32 $0x1  }
0x2: {  	[smem:$0x3F9B] =	sst lr;
	_ =	strace $0xD0000000  }
0x3: {  	_ = 	snop  }
0x4: {  	_ = 	snop  }
0x5: {  	_ = 	snop  }
0x6: {  	_ = 	snop  }
0x7: {  	_ = 	snop  }
__scs_overlays_trampoline_lowered:
0x8: {  	[smem:$0x3FAA] =	sst s0  }
0x9: {  	[smem:$0x3FAB] =	sst s1  }
0xa: {  	[smem:$0x3FAC] =	sst s2  }
0xb: {  	[smem:$0x3FAD] =	sst s3  }
0xc: {  	[smem:$0x3FAE] =	sst s4  }
0xd: {  	[smem:$0x3FAF] =	sst s5  }
0xe: {  	[smem:$0x3FB0] =	sst s6  }
0xf: {  	[smem:$0x3FB1] =	sst s7  }
0x10: {  	[smem:$0x3FB2] =	sst s8  }
0x11: {  	[smem:$0x3FB3] =	sst s9;
	s0 =	simm.s32 @!p0 $0x0  }
0x12: {  	s1 =	sld [smem:$0x3F99];
	s0 =	simm.s32 @p0 $0x1  }
0x13: {  	[smem:$0x3FB4] =	sst s0;
	s0 =	simm.s32 @!p1 $0x0  }
0x14: {  	s2 =	sld [smem:$0x3F98];
	s0 =	simm.s32 @p1 $0x1  }
0x15: {  	[smem:$0x3FB5] =	sst s0;
	s0 =	simm.s32 @!p2 $0x0  }
0x16: {  	s3 =	sld [smem:$0x3FDB];
	s0 =	simm.s32 @p2 $0x1  }
0x17: {  	s4 =	simm.s32 $0x1BF5;
	[smem:$0x3FB7] =	sst s0  }
0x18: {  	s0 =	sld [smem:$0x3F9A];
	_ =	swait.ge [sflag:s4], $0x0  }
0x19: {  	s7 =	sld [smem:$0x3F9B]  }
0x1a: {  	s8 =	sadd.s32 $0xFFFFE003, lr  }
0x1b: {  	s9 =	sadd.s32 $0xFFFFFEF7, lr;
	s5 =	simm.s32 $0xFFFFFFFF;
	p2 =	slt.u32 s8, $0xFFFFF086  }
0x1c: {  	p1 =	slt.u32 s9, $0xF7A;
	s5 =	simm.s32 @!p2 $0x0  }
0x1d: {  	s5 =	simm.s32 @p1 $0x1;
	p0 =	seq.s32 s7, s2  }
0x1e: {  	s7 =	smul.u32 @!p0 $0xF7A, s2;
	p2 =	seq.s32 @!p0 s5, $0x0  }
0x1f: {  	s9 =	smul.u32 $0xF7A, s1;
	s8 =	simm.s32 @!p0 $0x1BF5;
	p2 =	por !p2, p0  }
0x20: {  	[sflag:s8] =	ssyncset.s32 @!p0 $0xFFFFF086;
	s6 =	sadd.s32 @!p0 s3, s7;
	s7 =	simm.s32 @!p0 $0x108  }
0x21: {  	s3 =	sadd.s32 s3, s9;
	s6 =	sadd.s32 @!p0 $0x88, s6;
	s7 =	simm.s32 @p2 $0x1082  }
0x22: {  	[simem:s7], [sflag:s8] =	dma.local @!p0 [hbm:s6], $0xF7A  }
0x23: {  	s9 =	sor.u32 $0xD0000000, s2;
	s6 =	simm.s32 $0x108;
	_ =	swait.ge @!p0 [sflag:s8], $0x0  }
0x24: {  	s3 =	sadd.s32 $0x88, s3;
	s6 =	simm.s32 @!p1 $0x1082;
	[sflag:s4] =	ssyncset.s32 $0xFFFFF086  }
0x25: {  	[simem:s6], [sflag:s4] =	dma.local [hbm:s3], $0xF7A  }
0x26: {  	[smem:$0x3F9B] =	sst s1;
	(tag) =	ssettag s2;
	_ =	strace s9  }
0x27: {  	s1 =	sld [smem:$0x3FAB]  }
0x28: {  	s2 =	sld [smem:$0x3FAC]  }
0x29: {  	s4 =	sld [smem:$0x3FAE]  }
0x2a: {  	p0 =	seq.s32 s5, $0x0;
	s5 =	sld [smem:$0x3FAF]  }
0x2b: {  	s6 =	sld [smem:$0x3FB0]  }
0x2c: {  	s7 =	sld [smem:$0x3FB1]  }
0x2d: {  	s3 =	simm.s32 $0x108;
	s8 =	sld [smem:$0x3FB2]  }
0x2e: {  	s3 =	simm.s32 @!p0 $0x1082;
	s9 =	sld [smem:$0x3FB3]  }
0x2f: {  	lr =	sadd.s32 s0, s3;
	s0 =	sld [smem:$0x3FAA]  }
0x30: {  	s3 =	sld [smem:$0x3FAD]  }
0x31: {  	[smem:$0x3FB6] =	sst s10  }
0x32: {  	s10 =	sld [smem:$0x3FB4];
	_ =	sdelay $0x3  }
0x33: {  	p0 =	seq.s32 s10, $0x1;
	s10 =	sld [smem:$0x3FB6];
	_ =	sdelay $0x3  }
0x34: {  	[smem:$0x3FB6] =	sst s10  }
0x35: {  	s10 =	sld [smem:$0x3FB5];
	_ =	sdelay $0x3  }
0x36: {  	p1 =	seq.s32 s10, $0x1;
	s10 =	sld [smem:$0x3FB6];
	_ =	sdelay $0x3  }
0x37: {  	[smem:$0x3FB6] =	sst s10  }
0x38: {  	s10 =	sld [smem:$0x3FB7]  }
0x39: {  	_ = 	snop;
	(pc) =	sbr.ind lr, $3  }
0x3a: {  	_ = 	snop  }
0x3b: {  	_ = 	snop  }
0x3c: {  	p2 =	seq.s32 s10, $0x1;
	s10 =	sld [smem:$0x3FB6]  }
0x3d: {  	_ =	shalt  }
0x3e: {  	_ =	shalt  }
0x3f: {  	_ =	shalt  }
0x40: {  	_ =	shalt  }
0x41: {  	_ =	shalt  }
0x42: {  	_ =	shalt  }
0x43: {  	_ =	shalt  }
0x44: {  	_ =	shalt  }
0x45: {  	_ =	shalt  }
0x46: {  	_ =	shalt  }
0x47: {  	_ =	shalt  }
0x48: {  	_ =	shalt  }
0x49: {  	_ =	shalt  }
0x4a: {  	_ =	shalt  }
0x4b: {  	_ =	shalt  }
0x4c: {  	_ =	shalt  }
0x4d: {  	_ =	shalt  }
0x4e: {  	_ =	shalt  }
0x4f: {  	_ =	shalt  }
0x50: {  	_ =	shalt  }
0x51: {  	_ =	shalt  }
0x52: {  	_ =	shalt  }
0x53: {  	_ =	shalt  }
0x54: {  	_ =	shalt  }
0x55: {  	_ =	shalt  }
0x56: {  	_ =	shalt  }
0x57: {  	_ =	shalt  }
0x58: {  	_ =	shalt  }
0x59: {  	_ =	shalt  }
0x5a: {  	_ =	shalt  }
0x5b: {  	_ =	shalt  }
0x5c: {  	_ =	shalt  }
0x5d: {  	_ =	shalt  }
0x5e: {  	_ =	shalt  }
0x5f: {  	_ =	shalt  }
0x60: {  	_ =	shalt  }
0x61: {  	_ =	shalt  }
0x62: {  	_ =	shalt  }
0x63: {  	_ =	shalt  }
0x64: {  	_ =	shalt  }
0x65: {  	_ =	shalt  }
0x66: {  	_ =	shalt  }
0x67: {  	_ =	shalt  }
0x68: {  	_ =	shalt  }
0x69: {  	_ =	shalt  }
0x6a: {  	_ =	shalt  }
0x6b: {  	_ =	shalt  }
0x6c: {  	_ =	shalt  }
0x6d: {  	_ =	shalt  }
0x6e: {  	_ =	shalt  }
0x6f: {  	_ =	shalt  }
0x70: {  	_ =	shalt  }
0x71: {  	_ =	shalt  }
0x72: {  	_ =	shalt  }
0x73: {  	_ =	shalt  }
0x74: {  	_ =	shalt  }
0x75: {  	_ =	shalt  }
0x76: {  	_ =	shalt  }
0x77: {  	_ =	shalt  }
0x78: {  	_ =	shalt  }
0x79: {  	_ =	shalt  }
0x7a: {  	_ =	shalt  }
0x7b: {  	_ =	shalt  }
0x7c: {  	_ =	shalt  }
0x7d: {  	_ =	shalt  }
0x7e: {  	_ =	shalt  }
0x7f: {  	_ =	shalt  }
0x80: {  	_ =	shalt  }
0x81: {  	_ =	shalt  }
0x82: {  	_ =	shalt  }
0x83: {  	_ =	shalt  }
0x84: {  	_ =	shalt  }
0x85: {  	_ =	shalt  }
0x86: {  	_ =	shalt  }
0x87: {  	_ =	shalt  }
.Lfunc_end0:
.L_simem_size_0:
called_computation.2_lowered:
.L_overlay_start_0:
0x88: {  	s2 =	sld [smem:$0x3FD9]  }
0x89: {  	s3 =	sld [smem:$0x3FFE];
	_ =	sdelay $0x1  }
0x8a: {  	s1 =	srdreg.scid  }
0x8b: {  	s0 =	sand.u32 $0x1, s1  }
0x8c: {  	s17 =	sshll.u32 s0, $0xA;
	s2 =	sadd.s32 s3, s2  }
0x8d: {  	s2 =	sadd.s32 s2, s17  }
0x8e: {  	[smem:$0x3FC2] =	sst s2  }
0x8f: {  	_ = 	snop  }
0x90: {  	s2 =	sld [smem:$0x3FD0];
	(tm) =	ssettm $0x1  }
0x91: {  	s18 =	sld [smem:$0x3FFB];
	_ =	sdelay $0x3  }
0x92: {  	_ =	strace s18  }
0x93: {  	s3 =	sld [smem:$0x3FFC];
	_ =	sdelay $0x3  }
0x94: {  	_ =	strace s3  }
0x95: {  	s3 =	sld [smem:$0x3FFD];
	_ =	sdelay $0x3  }
0x96: {  	_ =	strace s3  }
0x97: {  	_ =	strace $0x8FFFFFFF  }
0x98: {  	s19 =	sld [smem:$0x3FDB];
	_ =	sdelay $0x1  }
0x99: {  	s4 =	simm.s32 $_scs_section_size  }
0x9a: {  	s5 =	simm.s32 $_size__tile_overlayer_lowered;
	s6 =	simm.s32 $_tile_overlayer_lowered  }
0x9b: {  	s22 =	simm.s32 $0x1BFF;
	s21 =	sshll.u32 s6, $0x1;
	s3 =	sadd.s32 s4, s19  }
0x9c: {  	s7 =	simm.s32 $0x0;
	s20 =	sshll.u32 s5, $0x1;
	s5 =	sadd.s32 s21, s3  }
0x9d: {  	[timem:s7], [sflag:s22] =	dma.local [hbm:s5], s20  }
0x9e: {  	_ =	swait.ge [sflag:s22], s20  }
0x9f: {  	s4 =	ssub.s32 $0x0, s20;
	[sflag:s22] =	ssyncset.done $0x0  }
0xa0: {  	[sflag:s22] =	ssyncadd.s32 s4;
	_ =	sdelay $0x1  }
0xa1: {  	s23 =	simm.s32 $0x1B8B  }
0xa2: {  	_ =	swait.ge [sflag:s23], $0x1  }
0xa3: {  	[sflag:s23] =	ssyncset.done $0x0  }
0xa4: {  	s25 =	simm.s32 $0x1B8E;
	s24 =	sld [smem:$0x3FFE];
	[sflag:s23] =	ssyncadd.s32 $0xFFFFFFFF  }
0xa5: {  	s26 =	simm.s32 $execute0_lowered;
	[smem:$0x3FD2] =	sst s25  }
0xa6: {  	s5 =	sshll.u32 s26, $0x1;
	_ =	strace $0x8000004C;
	[dreg:$0x1] =	wrdreg $0xFFFFFFFF  }
0xa7: {  	s28 =	simm.s32 $_size_execute0_lowered;
	s3 =	sadd.s32 s3, s5;
	[dreg:$0x0] =	wrdreg $0x0  }
0xa8: {  	s5 =	sshll.u32 s28, $0x1;
	[dreg:$0x2] =	wrdreg s3  }
0xa9: {  	[dreg:$0x3] =	wrdreg s5  }
0xaa: {  	[dreg:$0x4] =	wrdreg $0xC0  }
0xab: {  	_ =	task [dreg:s7], $0x5FFFF  }
0xac: {  	[dreg:$0x1] =	wrdreg $0xFFFFFFFF  }
0xad: {  	[dreg:$0x0] =	wrdreg $0x60  }
0xae: {  	[dreg:$0x2] =	wrdreg s24  }
0xaf: {  	[dreg:$0x3] =	wrdreg s2  }
0xb0: {  	[dreg:$0x4] =	wrdreg $0x94000  }
0xb1: {  	[dreg:$0x5] =	wrdreg $0x9  }
0xb2: {  	_ =	task.clear_ibuf [dreg:s7], $0x6FFFF;
	_ =	strace $0x9000004C  }
0xb3: {  	s29 =	simm.s32 $0x9;
	_ =	strace $0x8000004E  }
0xb4: {  	_ =	swait.ge [sflag:s29], $0x1  }
0xb5: {  	[sflag:s29] =	ssyncadd.s32 $0xFFFFFFFF  }
0xb6: {  	_ =	strace $0x9000004E  }
0xb7: {  	_ =	sfence  }
0xb8: {  	s30 =	sld [smem:$0x0];
	_ =	sdelay $0x2  }
0xb9: {  	s31 =	sshll.u32 s1, $0xD;
	s1 =	sshrl.u32 s1, $0x2  }
0xba: {  	s3 =	sand.u32 $0x4000, s31;
	s1 =	sadd.s32 s1, s30  }
0xbb: {  	s0 =	sor.u32 s3, s0;
	s1 =	sshll.u32 s1, $0x11  }
0xbc: {  	s0 =	sor.u32 s1, s0  }
0xbd: {  	s0 =	sadd.s32 $0x8F2B, s0  }
0xbe: {  	[sflag:s0] =	ssyncadd.remote.s32 $0x1  }
0xbf: {  	_ =	sfence.sel $0xFFFF  }
0xc0: {  	[dreg:$0x0] =	wrdreg $0xFFFFFFFF;
	(pc) =	sbr.abs _section_cstart, $3  }
0xc1: {  	[dreg:$0x1] =	wrdreg $0xFFFFFFFF  }
0xc2: {  	_ =	task.clear_ibuf [dreg:s7], $0x2FFFF;
	_ =	strace $0x9FFFFFFF  }
0xc3: {  	(tm) =	ssettm $0x7FFFFFFF  }
tec
execute0_lowered:
.L_overlay_start_1:
0x0: {  	(tag) =	ssettag $0x1  }
0x1: {  	s0 =	rddreg [dreg:$0x0]  }
0x2: {  	s10 =	rddreg [dreg:$0x1]  }
0x3: {  	s2 =	rddreg [dreg:$0x2];
	s3 =	simm.s32 $0x0;
	s1 =	srdreg.scid  }
0x4: {  	s11 =	stileid.u32;
	s15 =	simm.s32 $0x5;
	s28 =	simm.s32 $0xD80  }
0x5: {  	s29 =	simm.s32 $0xF00;
	s30 =	simm.s32 $0xE80;
	s31 =	simm.s32 $0x1000  }
0x6: {  	s12 =	simm.s32 $0x1380;
	s13 =	simm.s32 $0x0;
	[smem:$0x7FF] =	sst s3  }
0x7: {  	s1 =	sand.u32 $0x1, s1;
	s4 =	smul.u32 $0x14000, s11;
	s6 =	sshll.u32 s11, $0x1  }
0x8: {  	s5 =	sadd.s32 $0x3800, s0;
	s7 =	smul.u32 $0x50000, s11;
	s8 =	sadd.s32 $0x53800, s0  }
0x9: {  	s19 =	smul.u32 $0xA000, s11;
	s22 =	sshll.u32 s11, $0x6;
	s11 =	simm.s32 $0x1300  }
0xa: {  	s16 =	smul.u32 $0x140000, s1;
	_ =	strace $0x8000004D;
	s6 =	sor.u32 s1, s6  }
0xb: {  	[dreg:$0x4] =	wrdreg s8;
	s18 =	ssub.s32 $0x2, s1;
	s1 =	smul.u32 $0x5000, s1  }
0xc: {  	s17 =	smul.u32 $0x5000, s6;
	s9 =	sshrl.u32 s18, $0x1;
	s7 =	sshrl.u32 s7, $0x2  }
0xd: {  	s6 =	simm.s32 $0x1080;
	s3 =	sadd.s32 s4, s16;
	s20 =	ssub.s32 s18, s9  }
0xe: {  	s21 =	sadd.s32 s7, s2;
	s1 =	sadd.s32 s1, s19;
	s7 =	sor.u32 $0x1C05, s22  }
0xf: {  	s16 =	simm.s32 $0xA00;
	s18 =	simm.s32 $0x80;
	s19 =	simm.s32 $0x1400  }
0x10: {  	s22 =	simm.s32 $0x3;
	s9 =	simm.s32 $0x1200;
	s3 =	sshrl.u32 s3, $0x3  }
0x11: {  	s4 =	sshrl.u32 s17, $0x3;
	s24 =	sadd.s32 $0x1E00, s1;
	s26 =	sadd.s32 $0x1400, s1  }
0x12: {  	s17 =	simm.s32 $0x2;
	[dreg:$0x5] =	wrdreg s7;
	s0 =	sadd.s32 s3, s0  }
0x13: {  	s23 =	sadd.s32 s10, s4;
	s25 =	sshrl.u32 s24, $0x3;
	[dreg:$0xb] =	wrdreg s26  }
0x14: {  	s3 =	smax.u32 s20, $0x1;
	s4 =	sshrl.u32 s21, $0x3;
	[dreg:$0x6] =	wrdreg s23  }
0x15: {  	s21 =	simm.s32 $0x5400;
	s24 =	simm.s32 $0x4;
	[dreg:$0x9] =	wrdreg s3  }
.Ltmp0:
0x16: {  	s8 =	sadd.s32 $0x140, s23;
	[dreg:$0xc] =	wrdreg s4;
	(pc) =	sbr.rel .LBB2_1-.Ltmp0, $4  }
0x17: {  	s26 =	simm.s32 $0xE00;
	s0 =	sadd.s32 $0x56000, s0;
	[dreg:$0x7] =	wrdreg s8  }
0x18: {  	s3 =	simm.s32 $0x1100;
	s23 =	simm.s32 $0x0;
	[dreg:$0x8] =	wrdreg s0  }
0x19: {  	s0 =	sadd.s32 s25, s10;
	s25 =	simm.s32 $0xC80;
	s10 =	simm.s32 $0x1180  }
0x1a: {  	s8 =	simm.s32 $0x1280;
	[dreg:$0xa] =	wrdreg s0;
	s0 =	simm.s32 $0xF80  }
.LBB2_4:
0x1b: {  	[bflag:$0x0] =	sbarrier.arrive $0xFFFF  }
0x1c: {  	s7 =	rddreg [dreg:$0x5]  }
0x1d: {  	s1 =	rddreg [dreg:$0x8]  }
0x1e: {  	s4 =	rddreg [dreg:$0xc]  }
0x1f: {  	[hbm:s1], [sflag:s7] =	dma.local [spmem:s4], $0x2800  }
0x20: {  	_ =	swait.ge [sflag:s15], $0x2800  }
0x21: {  	s13 =	rddreg [dreg:$0xd]  }
0x22: {  	s20 =	rddreg [dreg:$0x9];
	s13 =	sadd.s32 $0x1, s13  }
0x23: {  	p0 =	sne.s32 s13, s20  }
.Ltmp1:
0x24: {  	_ = 	snop;
	(pc) =	sbr.rel @!p0 .LBB2_5-.Ltmp1, $3  }
0x25: {  	_ =	sdelay $0x1  }
0x26: {  	[sflag:s15] =	ssyncset.done $0x0  }
0x27: {  	[sflag:s15] =	ssyncadd.s32 $0xFFFFD800  }
.LBB2_1:
0x28: {  	[dreg:$0xd] =	wrdreg s13  }
0x29: {  	s1 =	rddreg [dreg:$0x4]  }
0x2a: {  	[spmem:s4], [sflag:s7] =	dma.local [hbm:s1], $0x2800  }
0x2b: {  	_ =	swait.ge [sflag:s15], $0x2800  }
0x2c: {  	[sflag:s15] =	ssyncset.done $0x0  }
0x2d: {  	s7 =	simm.s32 $0x0;
	s13 =	rddreg [dreg:$0x6];
	[sflag:s15] =	ssyncadd.s32 $0xFFFFD800  }
0x2e: {  	[tilespmem:s7], [sflag:$0x1] =	stream.linear.gather [hbm4b:s13+s7], $0xA00, $0x38;
	[tilespmem:$0x1D400] =	vst v63  }
0x2f: {  	s20 =	simm.s32 $0x1;
	s14 =	rddreg [dreg:$0x7]  }
0x30: {  	[tilespmem:s16], [sflag:$0x2] =	stream.linear.gather [hbm4b:s14+s7], $0xA00, $0x38;
	[tilespmem:$0x1D400] =	vst v63  }
0x31: {  	_ =	swait.ge [sflag:s20], $0xA00  }
0x32: {  	[sflag:s20] =	ssyncset.done $0x0  }
0x33: {  	[sflag:s20] =	ssyncadd.s32 $0xFFFFF600  }
0x34: {  	[tilespmem:s19], [sflag:$0x3] =	stream.indirect.gather [hbm4b:s5+s18], $0x80, s7, s18, $0xb8;
	[tilespmem:$0x1D400] =	vst v63  }
0x35: {  	[bflag:$0x0] =	sbarrier.arrive $0xFFFF  }
0x36: {  	s13 =	rddreg [dreg:$0xb]  }
0x37: {  	s14 =	simm.s32 $0x0;
	s7 =	rddreg [dreg:$0xa]  }
.LBB2_2:
0x38: {  	s1 =	simm.s32 $0x100  }
0x39: {  	[tilespmem:s21], [sflag:$0x4] =	stream.indirect.gather [hbm4b:s5+s18], $0x80, s1, s18, $0xb8;
	[tilespmem:$0x1D400] =	vst v63  }
0x3a: {  	_ =	swait.ge [sflag:s22], $0x4000  }
0x3b: {  	[sflag:s22] =	ssyncset.done $0x0  }
0x3c: {  	[sflag:s22] =	ssyncadd.s32 $0xFFFFC000  }
0x3d: {  	[spmem:s2] =	stream.indirect.scatter.add.f32 [tilespmem:s19], [sflag:$0x5], $0x80, s18, s18, $0xb8;
	[tilespmem:$0x1D400] =	vst v63  }
0x3e: {  	_ =	swait.ge [sflag:s15], $0x4000  }
0x3f: {  	[sflag:s15] =	ssyncset.done $0x0  }
0x40: {  	s4 =	simm.s32 $0x200;
	[sflag:s15] =	ssyncadd.s32 $0xFFFFC000  }
0x41: {  	[tilespmem:s19], [sflag:$0x3] =	stream.indirect.gather [hbm4b:s5+s18], $0x80, s4, s18, $0xb8;
	[tilespmem:$0x1D400] =	vst v63  }
0x42: {  	_ =	swait.ge [sflag:s24], $0x4000  }
0x43: {  	[sflag:s24] =	ssyncset.done $0x0  }
0x44: {  	s20 =	simm.s32 $0x180;
	[sflag:s24] =	ssyncadd.s32 $0xFFFFC000  }
0x45: {  	[spmem:s2] =	stream.indirect.scatter.add.f32 [tilespmem:s21], [sflag:$0x5], $0x80, s20, s18, $0xb8;
	[tilespmem:$0x1D400] =	vst v63  }
0x46: {  	_ =	swait.ge [sflag:s15], $0x4000  }
0x47: {  	[sflag:s15] =	ssyncset.done $0x0  }
0x48: {  	s4 =	simm.s32 $0x300;
	[sflag:s15] =	ssyncadd.s32 $0xFFFFC000  }
0x49: {  	[tilespmem:s21], [sflag:$0x4] =	stream.indirect.gather [hbm4b:s5+s18], $0x80, s4, s18, $0xb8;
	[tilespmem:$0x1D400] =	vst v63  }
0x4a: {  	_ =	swait.ge [sflag:s22], $0x4000  }
0x4b: {  	[sflag:s22] =	ssyncset.done $0x0  }
0x4c: {  	s20 =	simm.s32 $0x280;
	[sflag:s22] =	ssyncadd.s32 $0xFFFFC000  }
0x4d: {  	[spmem:s2] =	stream.indirect.scatter.add.f32 [tilespmem:s19], [sflag:$0x5], $0x80, s20, s18, $0xb8;
	[tilespmem:$0x1D400] =	vst v63  }
0x4e: {  	_ =	swait.ge [sflag:s15], $0x4000  }
0x4f: {  	[sflag:s15] =	ssyncset.done $0x0  }
0x50: {  	s4 =	simm.s32 $0x400;
	[sflag:s15] =	ssyncadd.s32 $0xFFFFC000  }
0x51: {  	[tilespmem:s19], [sflag:$0x3] =	stream.indirect.gather [hbm4b:s5+s18], $0x80, s4, s18, $0xb8;
	[tilespmem:$0x1D400] =	vst v63  }
0x52: {  	_ =	swait.ge [sflag:s24], $0x4000  }
0x53: {  	[sflag:s24] =	ssyncset.done $0x0  }
0x54: {  	s20 =	simm.s32 $0x380;
	[sflag:s24] =	ssyncadd.s32 $0xFFFFC000  }
0x55: {  	[spmem:s2] =	stream.indirect.scatter.add.f32 [tilespmem:s21], [sflag:$0x5], $0x80, s20, s18, $0xb8;
	[tilespmem:$0x1D400] =	vst v63  }
0x56: {  	_ =	swait.ge [sflag:s15], $0x4000  }
0x57: {  	[sflag:s15] =	ssyncset.done $0x0  }
0x58: {  	s4 =	simm.s32 $0x500;
	[sflag:s15] =	ssyncadd.s32 $0xFFFFC000  }
0x59: {  	[tilespmem:s21], [sflag:$0x4] =	stream.indirect.gather [hbm4b:s5+s18], $0x80, s4, s18, $0xb8;
	[tilespmem:$0x1D400] =	vst v63  }
0x5a: {  	_ =	swait.ge [sflag:s22], $0x4000  }
0x5b: {  	[sflag:s22] =	ssyncset.done $0x0  }
0x5c: {  	s20 =	simm.s32 $0x480;
	[sflag:s22] =	ssyncadd.s32 $0xFFFFC000  }
0x5d: {  	[spmem:s2] =	stream.indirect.scatter.add.f32 [tilespmem:s19], [sflag:$0x5], $0x80, s20, s18, $0xb8;
	[tilespmem:$0x1D400] =	vst v63  }
0x5e: {  	_ =	swait.ge [sflag:s15], $0x4000  }
0x5f: {  	[sflag:s15] =	ssyncset.done $0x0  }
0x60: {  	s4 =	simm.s32 $0x600;
	[sflag:s15] =	ssyncadd.s32 $0xFFFFC000  }
0x61: {  	[tilespmem:s19], [sflag:$0x3] =	stream.indirect.gather [hbm4b:s5+s18], $0x80, s4, s18, $0xb8;
	[tilespmem:$0x1D400] =	vst v63  }
0x62: {  	_ =	swait.ge [sflag:s24], $0x4000  }
0x63: {  	[sflag:s24] =	ssyncset.done $0x0  }
0x64: {  	s20 =	simm.s32 $0x580;
	[sflag:s24] =	ssyncadd.s32 $0xFFFFC000  }
0x65: {  	[spmem:s2] =	stream.indirect.scatter.add.f32 [tilespmem:s21], [sflag:$0x5], $0x80, s20, s18, $0xb8;
	[tilespmem:$0x1D400] =	vst v63  }
0x66: {  	_ =	swait.ge [sflag:s15], $0x4000  }
0x67: {  	[sflag:s15] =	ssyncset.done $0x0  }
0x68: {  	s4 =	simm.s32 $0x700;
	[sflag:s15] =	ssyncadd.s32 $0xFFFFC000  }
0x69: {  	[tilespmem:s21], [sflag:$0x4] =	stream.indirect.gather [hbm4b:s5+s18], $0x80, s4, s18, $0xb8;
	[tilespmem:$0x1D400] =	vst v63  }
0x6a: {  	_ =	swait.ge [sflag:s22], $0x4000  }
0x6b: {  	[sflag:s22] =	ssyncset.done $0x0  }
0x6c: {  	s20 =	simm.s32 $0x680;
	[sflag:s22] =	ssyncadd.s32 $0xFFFFC000  }
0x6d: {  	[spmem:s2] =	stream.indirect.scatter.add.f32 [tilespmem:s19], [sflag:$0x5], $0x80, s20, s18, $0xb8;
	[tilespmem:$0x1D400] =	vst v63  }
0x6e: {  	_ =	swait.ge [sflag:s15], $0x4000  }
0x6f: {  	[sflag:s15] =	ssyncset.done $0x0  }
0x70: {  	s4 =	simm.s32 $0x800;
	[sflag:s15] =	ssyncadd.s32 $0xFFFFC000  }
0x71: {  	[tilespmem:s19], [sflag:$0x3] =	stream.indirect.gather [hbm4b:s5+s18], $0x80, s4, s18, $0xb8;
	[tilespmem:$0x1D400] =	vst v63  }
0x72: {  	_ =	swait.ge [sflag:s24], $0x4000  }
0x73: {  	[sflag:s24] =	ssyncset.done $0x0  }
0x74: {  	s20 =	simm.s32 $0x780;
	[sflag:s24] =	ssyncadd.s32 $0xFFFFC000  }
0x75: {  	[spmem:s2] =	stream.indirect.scatter.add.f32 [tilespmem:s21], [sflag:$0x5], $0x80, s20, s18, $0xb8;
	[tilespmem:$0x1D400] =	vst v63  }
0x76: {  	_ =	swait.ge [sflag:s15], $0x4000  }
0x77: {  	[sflag:s15] =	ssyncset.done $0x0  }
0x78: {  	s4 =	simm.s32 $0x900;
	[sflag:s15] =	ssyncadd.s32 $0xFFFFC000  }
0x79: {  	[tilespmem:s21], [sflag:$0x4] =	stream.indirect.gather [hbm4b:s5+s18], $0x80, s4, s18, $0xb8;
	[tilespmem:$0x1D400] =	vst v63  }
0x7a: {  	_ =	swait.ge [sflag:s22], $0x4000  }
0x7b: {  	[sflag:s22] =	ssyncset.done $0x0  }
0x7c: {  	s20 =	simm.s32 $0x880;
	[sflag:s22] =	ssyncadd.s32 $0xFFFFC000  }
0x7d: {  	[spmem:s2] =	stream.indirect.scatter.add.f32 [tilespmem:s19], [sflag:$0x5], $0x80, s20, s18, $0xb8;
	[tilespmem:$0x1D400] =	vst v63  }
0x7e: {  	_ =	swait.ge [sflag:s15], $0x4000  }
0x7f: {  	[sflag:s15] =	ssyncset.done $0x0  }
0x80: {  	[sflag:s15] =	ssyncadd.s32 $0xFFFFC000  }
0x81: {  	_ =	swait.ge [sflag:s17], $0xA00  }
0x82: {  	[sflag:s17] =	ssyncset.done $0x0  }
0x83: {  	[sflag:s17] =	ssyncadd.s32 $0xFFFFF600  }
0x84: {  	[tilespmem:s19], [sflag:$0x3] =	stream.indirect.gather [hbm4b:s5+s18], $0x80, s16, s18, $0xb8;
	[tilespmem:$0x1D400] =	vst v63  }
0x85: {  	_ =	swait.ge [sflag:s24], $0x4000  }
0x86: {  	[sflag:s24] =	ssyncset.done $0x0  }
0x87: {  	s4 =	simm.s32 $0x980;
	[sflag:s24] =	ssyncadd.s32 $0xFFFFC000  }
0x88: {  	[spmem:s2] =	stream.indirect.scatter.add.f32 [tilespmem:s21], [sflag:$0x5], $0x80, s4, s18, $0xb8;
	[tilespmem:$0x1D400] =	vst v63  }
0x89: {  	_ =	swait.ge [sflag:s15], $0x4000  }
0x8a: {  	[sflag:s15] =	ssyncset.done $0x0  }
0x8b: {  	p0 =	seq.s32 s14, $0x3;
	[sflag:s15] =	ssyncadd.s32 $0xFFFFC000  }
0x8c: {  	s1 =	sshrl.u32 @!p0 s13, $0x3;
	s4 =	rddreg [dreg:$0x1]  }
0x8d: {  	s1 =	sadd.s32 @!p0 s4, s1;
	s4 =	simm.s32 @!p0 $0x0  }
0x8e: {  	[tilespmem:s4], [sflag:$0x1] =	stream.linear.gather @!p0 [hbm4b:s1+s4], $0xA00, $0x38;
	[tilespmem:$0x1D400] =	vst v63  }
0x8f: {  	s20 =	simm.s32 $0xB00  }
0x90: {  	[tilespmem:s21], [sflag:$0x4] =	stream.indirect.gather [hbm4b:s5+s18], $0x80, s20, s18, $0xb8;
	[tilespmem:$0x1D400] =	vst v63  }
0x91: {  	_ =	swait.ge [sflag:s22], $0x4000  }
0x92: {  	[sflag:s22] =	ssyncset.done $0x0  }
0x93: {  	s4 =	simm.s32 $0xA80;
	[sflag:s22] =	ssyncadd.s32 $0xFFFFC000  }
0x94: {  	[spmem:s2] =	stream.indirect.scatter.add.f32 [tilespmem:s19], [sflag:$0x5], $0x80, s4, s18, $0xb8;
	[tilespmem:$0x1D400] =	vst v63  }
0x95: {  	_ =	swait.ge [sflag:s15], $0x4000  }
0x96: {  	[sflag:s15] =	ssyncset.done $0x0  }
0x97: {  	s20 =	simm.s32 $0xC00;
	[sflag:s15] =	ssyncadd.s32 $0xFFFFC000  }
0x98: {  	[tilespmem:s19], [sflag:$0x3] =	stream.indirect.gather [hbm4b:s5+s18], $0x80, s20, s18, $0xb8;
	[tilespmem:$0x1D400] =	vst v63  }
0x99: {  	_ =	swait.ge [sflag:s24], $0x4000  }
0x9a: {  	[sflag:s24] =	ssyncset.done $0x0  }
0x9b: {  	s4 =	simm.s32 $0xB80;
	[sflag:s24] =	ssyncadd.s32 $0xFFFFC000  }
0x9c: {  	[spmem:s2] =	stream.indirect.scatter.add.f32 [tilespmem:s21], [sflag:$0x5], $0x80, s4, s18, $0xb8;
	[tilespmem:$0x1D400] =	vst v63  }
0x9d: {  	_ =	swait.ge [sflag:s15], $0x4000  }
0x9e: {  	[sflag:s15] =	ssyncset.done $0x0  }
0x9f: {  	s20 =	simm.s32 $0xD00;
	[sflag:s15] =	ssyncadd.s32 $0xFFFFC000  }
0xa0: {  	[tilespmem:s21], [sflag:$0x4] =	stream.indirect.gather [hbm4b:s5+s18], $0x80, s20, s18, $0xb8;
	[tilespmem:$0x1D400] =	vst v63  }
0xa1: {  	_ =	swait.ge [sflag:s22], $0x4000  }
0xa2: {  	[sflag:s22] =	ssyncset.done $0x0  }
0xa3: {  	[sflag:s22] =	ssyncadd.s32 $0xFFFFC000  }
0xa4: {  	[spmem:s2] =	stream.indirect.scatter.add.f32 [tilespmem:s19], [sflag:$0x5], $0x80, s25, s18, $0xb8;
	[tilespmem:$0x1D400] =	vst v63  }
0xa5: {  	_ =	swait.ge [sflag:s15], $0x4000  }
0xa6: {  	[sflag:s15] =	ssyncset.done $0x0  }
0xa7: {  	[sflag:s15] =	ssyncadd.s32 $0xFFFFC000  }
0xa8: {  	[tilespmem:s19], [sflag:$0x3] =	stream.indirect.gather [hbm4b:s5+s18], $0x80, s26, s18, $0xb8;
	[tilespmem:$0x1D400] =	vst v63  }
0xa9: {  	_ =	swait.ge [sflag:s24], $0x4000  }
0xaa: {  	[sflag:s24] =	ssyncset.done $0x0  }
0xab: {  	[sflag:s24] =	ssyncadd.s32 $0xFFFFC000  }
0xac: {  	[spmem:s2] =	stream.indirect.scatter.add.f32 [tilespmem:s21], [sflag:$0x5], $0x80, s28, s18, $0xb8;
	[tilespmem:$0x1D400] =	vst v63  }
0xad: {  	_ =	swait.ge [sflag:s15], $0x4000  }
0xae: {  	[sflag:s15] =	ssyncset.done $0x0  }
0xaf: {  	[sflag:s15] =	ssyncadd.s32 $0xFFFFC000  }
0xb0: {  	[tilespmem:s21], [sflag:$0x4] =	stream.indirect.gather [hbm4b:s5+s18], $0x80, s29, s18, $0xb8;
	[tilespmem:$0x1D400] =	vst v63  }
0xb1: {  	_ =	swait.ge [sflag:s22], $0x4000  }
0xb2: {  	[sflag:s22] =	ssyncset.done $0x0  }
0xb3: {  	[sflag:s22] =	ssyncadd.s32 $0xFFFFC000  }
0xb4: {  	[spmem:s2] =	stream.indirect.scatter.add.f32 [tilespmem:s19], [sflag:$0x5], $0x80, s30, s18, $0xb8;
	[tilespmem:$0x1D400] =	vst v63  }
0xb5: {  	_ =	swait.ge [sflag:s15], $0x4000  }
0xb6: {  	[sflag:s15] =	ssyncset.done $0x0  }
0xb7: {  	[sflag:s15] =	ssyncadd.s32 $0xFFFFC000  }
0xb8: {  	[tilespmem:s19], [sflag:$0x3] =	stream.indirect.gather [hbm4b:s5+s18], $0x80, s31, s18, $0xb8;
	[tilespmem:$0x1D400] =	vst v63  }
0xb9: {  	_ =	swait.ge [sflag:s24], $0x4000  }
0xba: {  	[sflag:s24] =	ssyncset.done $0x0  }
0xbb: {  	[sflag:s24] =	ssyncadd.s32 $0xFFFFC000  }
0xbc: {  	[spmem:s2] =	stream.indirect.scatter.add.f32 [tilespmem:s21], [sflag:$0x5], $0x80, s0, s18, $0xb8;
	[tilespmem:$0x1D400] =	vst v63  }
0xbd: {  	_ =	swait.ge [sflag:s15], $0x4000  }
0xbe: {  	[sflag:s15] =	ssyncset.done $0x0  }
0xbf: {  	[sflag:s15] =	ssyncadd.s32 $0xFFFFC000  }
0xc0: {  	[tilespmem:s21], [sflag:$0x4] =	stream.indirect.gather [hbm4b:s5+s18], $0x80, s3, s18, $0xb8;
	[tilespmem:$0x1D400] =	vst v63  }
0xc1: {  	_ =	swait.ge [sflag:s22], $0x4000  }
0xc2: {  	[sflag:s22] =	ssyncset.done $0x0  }
0xc3: {  	[sflag:s22] =	ssyncadd.s32 $0xFFFFC000  }
0xc4: {  	[spmem:s2] =	stream.indirect.scatter.add.f32 [tilespmem:s19], [sflag:$0x5], $0x80, s6, s18, $0xb8;
	[tilespmem:$0x1D400] =	vst v63  }
0xc5: {  	_ =	swait.ge [sflag:s15], $0x4000  }
0xc6: {  	[sflag:s15] =	ssyncset.done $0x0  }
0xc7: {  	[sflag:s15] =	ssyncadd.s32 $0xFFFFC000  }
0xc8: {  	[tilespmem:s19], [sflag:$0x3] =	stream.indirect.gather [hbm4b:s5+s18], $0x80, s9, s18, $0xb8;
	[tilespmem:$0x1D400] =	vst v63  }
0xc9: {  	_ =	swait.ge [sflag:s24], $0x4000  }
0xca: {  	[sflag:s24] =	ssyncset.done $0x0  }
0xcb: {  	[sflag:s24] =	ssyncadd.s32 $0xFFFFC000  }
0xcc: {  	[spmem:s2] =	stream.indirect.scatter.add.f32 [tilespmem:s21], [sflag:$0x5], $0x80, s10, s18, $0xb8;
	[tilespmem:$0x1D400] =	vst v63  }
0xcd: {  	_ =	swait.ge [sflag:s15], $0x4000  }
0xce: {  	[sflag:s15] =	ssyncset.done $0x0  }
0xcf: {  	[sflag:s15] =	ssyncadd.s32 $0xFFFFC000  }
0xd0: {  	[tilespmem:s21], [sflag:$0x4] =	stream.indirect.gather [hbm4b:s5+s18], $0x80, s11, s18, $0xb8;
	[tilespmem:$0x1D400] =	vst v63  }
0xd1: {  	_ =	swait.ge [sflag:s22], $0x4000  }
0xd2: {  	[sflag:s22] =	ssyncset.done $0x0  }
0xd3: {  	[sflag:s22] =	ssyncadd.s32 $0xFFFFC000  }
0xd4: {  	[spmem:s2] =	stream.indirect.scatter.add.f32 [tilespmem:s19], [sflag:$0x5], $0x80, s8, s18, $0xb8;
	[tilespmem:$0x1D400] =	vst v63  }
0xd5: {  	_ =	swait.ge [sflag:s15], $0x4000  }
0xd6: {  	p1 =	sgt.u32 s14, $0x2;
	[sflag:s15] =	ssyncset.done $0x0  }
0xd7: {  	s1 =	simm.s32 @!p1 $0x1;
	[sflag:s15] =	ssyncadd.s32 $0xFFFFC000  }
0xd8: {  	_ =	swait.ge @!p1 [sflag:s1], $0xA00  }
0xd9: {  	s4 =	simm.s32 @!p1 $0x0;
	[sflag:s1] =	ssyncset.done @!p1 $0x0  }
0xda: {  	s20 =	simm.s32 @!p1 $0x1400;
	[sflag:s1] =	ssyncadd.s32 @!p1 $0xFFFFF600;
	s1 =	simm.s32 @!p1 $0x80  }
0xdb: {  	[tilespmem:s20], [sflag:$0x3] =	stream.indirect.gather @!p1 [hbm4b:s5+s1], $0x80, s4, s1, $0xb8;
	[tilespmem:$0x1D400] =	vst v63  }
0xdc: {  	_ =	swait.ge [sflag:s24], $0x4000  }
0xdd: {  	[sflag:s24] =	ssyncset.done $0x0  }
.Ltmp2:
0xde: {  	[sflag:s24] =	ssyncadd.s32 $0xFFFFC000;
	(pc) =	sbr.rel @p0 .LBB2_4-.Ltmp2, $4  }
0xdf: {  	[spmem:s2] =	stream.indirect.scatter.add.f32 [tilespmem:s21], [sflag:$0x5], $0x80, s12, s18, $0xb8;
	[tilespmem:$0x1D400] =	vst v63  }
0xe0: {  	_ =	swait.ge [sflag:s15], $0x4000  }
0xe1: {  	[sflag:s15] =	ssyncset.done $0x0  }
0xe2: {  	[sflag:s15] =	ssyncadd.s32 $0xFFFFC000  }
.Ltmp3:
0xe3: {  	(pc) =	sbr.rel .LBB2_2-.Ltmp3, $3  }
0xe4: {  	_ =	sdelay $0x1  }
0xe5: {  	[tilespmem:s16], [sflag:$0x2] =	stream.linear.gather [hbm4b:s7+s23], $0xA00, $0x38;
	[tilespmem:$0x1D400] =	vst v63  }
0xe6: {  	s14 =	sadd.s32 $0x1, s14;
	s7 =	sadd.s32 $0x280, s7;
	s13 =	sadd.s32 $0x1400, s13  }
.LBB2_5:
0xe7: {  	_ =	sfence.sel $0x180000  }
0xe8: {  	[bflag:$0x0] =	sbarrier.arrive $0xFFFF  }
0xe9: {  	_ =	strace $0x9000004D  }
0xea: {  	s0 =	stileid.u32;
	[bflag:$0x2] =	sbarrier.arrive $0xFFFF  }
0xeb: {  	p0 =	sne.s32 s0, $0x0;
	s0 =	rddreg [dreg:$0x3]  }
0xec: {  	s0 =	sadd.s32 @!p0 $0x100000, s0  }
0xed: {  	[sflag:s0] =	ssyncadd.tile.s32 @!p0 $0x1;
	_ =	shalt  }
.Lfunc_end2:
_tile_overlayer_lowered:
.L_overlay_start_2:
0xee: {  	(tag) =	ssettag $0x2  }
0xef: {  	s0 =	rddreg [dreg:$0x0];
	s2 =	stileid.u32  }
0xf0: {  	s1 =	rddreg [dreg:$0x1];
	p0 =	sne.s32 s2, $0x0  }
0xf1: {  	s3 =	rddreg [dreg:$0x2];
	[bflag:$0x3] =	sbarrier.arrive $0xFFFF;
	s2 =	simm.s32 @!p0 $0x1C05  }
0xf2: {  	[timem:s3], [sflag:s2] =	dma.local @!p0 [hbm:s0], s1  }
0xf3: {  	s0 =	simm.s32 @!p0 $0x5  }
0xf4: {  	_ =	swait.ge @!p0 [sflag:s0], s1  }
0xf5: {  	s1 =	ssub.s32 @!p0 $0x0, s1;
	[sflag:s0] =	ssyncset.done @!p0 $0x0  }
0xf6: {  	[sflag:s0] =	ssyncadd.s32 @!p0 s1  }
0xf7: {  	[bflag:$0x3] =	sbarrier.arrive $0xFFFF  }
0xf8: {  	_ =	shalt  }

// kernel: kernel.9.cloned.1.call-start
scs
__scs_entry_jumppad:
0x0: {  	(pc) =	sbr.rel $0x88, $3  }
0x1: {  	(tag) =	ssettag $0x0;
	lr =	simm.s32 $0x1  }
0x2: {  	[smem:$0x3F9B] =	sst lr;
	_ =	strace $0xD0000000  }
0x3: {  	_ = 	snop  }
0x4: {  	_ = 	snop  }
0x5: {  	_ = 	snop  }
0x6: {  	_ = 	snop  }
0x7: {  	_ = 	snop  }
__scs_overlays_trampoline_lowered:
0x8: {  	[smem:$0x3FAA] =	sst s0  }
0x9: {  	[smem:$0x3FAB] =	sst s1  }
0xa: {  	[smem:$0x3FAC] =	sst s2  }
0xb: {  	[smem:$0x3FAD] =	sst s3  }
0xc: {  	[smem:$0x3FAE] =	sst s4  }
0xd: {  	[smem:$0x3FAF] =	sst s5  }
0xe: {  	[smem:$0x3FB0] =	sst s6  }
0xf: {  	[smem:$0x3FB1] =	sst s7  }
0x10: {  	[smem:$0x3FB2] =	sst s8  }
0x11: {  	[smem:$0x3FB3] =	sst s9;
	s0 =	simm.s32 @!p0 $0x0  }
0x12: {  	s1 =	sld [smem:$0x3F99];
	s0 =	simm.s32 @p0 $0x1  }
0x13: {  	[smem:$0x3FB4] =	sst s0;
	s0 =	simm.s32 @!p1 $0x0  }
0x14: {  	s2 =	sld [smem:$0x3F98];
	s0 =	simm.s32 @p1 $0x1  }
0x15: {  	[smem:$0x3FB5] =	sst s0;
	s0 =	simm.s32 @!p2 $0x0  }
0x16: {  	s3 =	sld [smem:$0x3FDB];
	s0 =	simm.s32 @p2 $0x1  }
0x17: {  	s4 =	simm.s32 $0x1BF5;
	[smem:$0x3FB7] =	sst s0  }
0x18: {  	s0 =	sld [smem:$0x3F9A];
	_ =	swait.ge [sflag:s4], $0x0  }
0x19: {  	s7 =	sld [smem:$0x3F9B]  }
0x1a: {  	s8 =	sadd.s32 $0xFFFFE003, lr  }
0x1b: {  	s9 =	sadd.s32 $0xFFFFFEF7, lr;
	s5 =	simm.s32 $0xFFFFFFFF;
	p2 =	slt.u32 s8, $0xFFFFF086  }
0x1c: {  	p1 =	slt.u32 s9, $0xF7A;
	s5 =	simm.s32 @!p2 $0x0  }
0x1d: {  	s5 =	simm.s32 @p1 $0x1;
	p0 =	seq.s32 s7, s2  }
0x1e: {  	s7 =	smul.u32 @!p0 $0xF7A, s2;
	p2 =	seq.s32 @!p0 s5, $0x0  }
0x1f: {  	s9 =	smul.u32 $0xF7A, s1;
	s8 =	simm.s32 @!p0 $0x1BF5;
	p2 =	por !p2, p0  }
0x20: {  	[sflag:s8] =	ssyncset.s32 @!p0 $0xFFFFF086;
	s6 =	sadd.s32 @!p0 s3, s7;
	s7 =	simm.s32 @!p0 $0x108  }
0x21: {  	s3 =	sadd.s32 s3, s9;
	s6 =	sadd.s32 @!p0 $0x88, s6;
	s7 =	simm.s32 @p2 $0x1082  }
0x22: {  	[simem:s7], [sflag:s8] =	dma.local @!p0 [hbm:s6], $0xF7A  }
0x23: {  	s9 =	sor.u32 $0xD0000000, s2;
	s6 =	simm.s32 $0x108;
	_ =	swait.ge @!p0 [sflag:s8], $0x0  }
0x24: {  	s3 =	sadd.s32 $0x88, s3;
	s6 =	simm.s32 @!p1 $0x1082;
	[sflag:s4] =	ssyncset.s32 $0xFFFFF086  }
0x25: {  	[simem:s6], [sflag:s4] =	dma.local [hbm:s3], $0xF7A  }
0x26: {  	[smem:$0x3F9B] =	sst s1;
	(tag) =	ssettag s2;
	_ =	strace s9  }
0x27: {  	s1 =	sld [smem:$0x3FAB]  }
0x28: {  	s2 =	sld [smem:$0x3FAC]  }
0x29: {  	s4 =	sld [smem:$0x3FAE]  }
0x2a: {  	p0 =	seq.s32 s5, $0x0;
	s5 =	sld [smem:$0x3FAF]  }
0x2b: {  	s6 =	sld [smem:$0x3FB0]  }
0x2c: {  	s7 =	sld [smem:$0x3FB1]  }
0x2d: {  	s3 =	simm.s32 $0x108;
	s8 =	sld [smem:$0x3FB2]  }
0x2e: {  	s3 =	simm.s32 @!p0 $0x1082;
	s9 =	sld [smem:$0x3FB3]  }
0x2f: {  	lr =	sadd.s32 s0, s3;
	s0 =	sld [smem:$0x3FAA]  }
0x30: {  	s3 =	sld [smem:$0x3FAD]  }
0x31: {  	[smem:$0x3FB6] =	sst s10  }
0x32: {  	s10 =	sld [smem:$0x3FB4];
	_ =	sdelay $0x3  }
0x33: {  	p0 =	seq.s32 s10, $0x1;
	s10 =	sld [smem:$0x3FB6];
	_ =	sdelay $0x3  }
0x34: {  	[smem:$0x3FB6] =	sst s10  }
0x35: {  	s10 =	sld [smem:$0x3FB5];
	_ =	sdelay $0x3  }
0x36: {  	p1 =	seq.s32 s10, $0x1;
	s10 =	sld [smem:$0x3FB6];
	_ =	sdelay $0x3  }
0x37: {  	[smem:$0x3FB6] =	sst s10  }
0x38: {  	s10 =	sld [smem:$0x3FB7]  }
0x39: {  	_ = 	snop;
	(pc) =	sbr.ind lr, $3  }
0x3a: {  	_ = 	snop  }
0x3b: {  	_ = 	snop  }
0x3c: {  	p2 =	seq.s32 s10, $0x1;
	s10 =	sld [smem:$0x3FB6]  }
0x3d: {  	_ =	shalt  }
0x3e: {  	_ =	shalt  }
0x3f: {  	_ =	shalt  }
0x40: {  	_ =	shalt  }
0x41: {  	_ =	shalt  }
0x42: {  	_ =	shalt  }
0x43: {  	_ =	shalt  }
0x44: {  	_ =	shalt  }
0x45: {  	_ =	shalt  }
0x46: {  	_ =	shalt  }
0x47: {  	_ =	shalt  }
0x48: {  	_ =	shalt  }
0x49: {  	_ =	shalt  }
0x4a: {  	_ =	shalt  }
0x4b: {  	_ =	shalt  }
0x4c: {  	_ =	shalt  }
0x4d: {  	_ =	shalt  }
0x4e: {  	_ =	shalt  }
0x4f: {  	_ =	shalt  }
0x50: {  	_ =	shalt  }
0x51: {  	_ =	shalt  }
0x52: {  	_ =	shalt  }
0x53: {  	_ =	shalt  }
0x54: {  	_ =	shalt  }
0x55: {  	_ =	shalt  }
0x56: {  	_ =	shalt  }
0x57: {  	_ =	shalt  }
0x58: {  	_ =	shalt  }
0x59: {  	_ =	shalt  }
0x5a: {  	_ =	shalt  }
0x5b: {  	_ =	shalt  }
0x5c: {  	_ =	shalt  }
0x5d: {  	_ =	shalt  }
0x5e: {  	_ =	shalt  }
0x5f: {  	_ =	shalt  }
0x60: {  	_ =	shalt  }
0x61: {  	_ =	shalt  }
0x62: {  	_ =	shalt  }
0x63: {  	_ =	shalt  }
0x64: {  	_ =	shalt  }
0x65: {  	_ =	shalt  }
0x66: {  	_ =	shalt  }
0x67: {  	_ =	shalt  }
0x68: {  	_ =	shalt  }
0x69: {  	_ =	shalt  }
0x6a: {  	_ =	shalt  }
0x6b: {  	_ =	shalt  }
0x6c: {  	_ =	shalt  }
0x6d: {  	_ =	shalt  }
0x6e: {  	_ =	shalt  }
0x6f: {  	_ =	shalt  }
0x70: {  	_ =	shalt  }
0x71: {  	_ =	shalt  }
0x72: {  	_ =	shalt  }
0x73: {  	_ =	shalt  }
0x74: {  	_ =	shalt  }
0x75: {  	_ =	shalt  }
0x76: {  	_ =	shalt  }
0x77: {  	_ =	shalt  }
0x78: {  	_ =	shalt  }
0x79: {  	_ =	shalt  }
0x7a: {  	_ =	shalt  }
0x7b: {  	_ =	shalt  }
0x7c: {  	_ =	shalt  }
0x7d: {  	_ =	shalt  }
0x7e: {  	_ =	shalt  }
0x7f: {  	_ =	shalt  }
0x80: {  	_ =	shalt  }
0x81: {  	_ =	shalt  }
0x82: {  	_ =	shalt  }
0x83: {  	_ =	shalt  }
0x84: {  	_ =	shalt  }
0x85: {  	_ =	shalt  }
0x86: {  	_ =	shalt  }
0x87: {  	_ =	shalt  }
.Lfunc_end0:
.L_simem_size_0:
called_computation_lowered:
.L_overlay_start_0:
0x88: {  	s2 =	sld [smem:$0x3FD9]  }
0x89: {  	s3 =	sld [smem:$0x3FFE];
	_ =	sdelay $0x1  }
0x8a: {  	s1 =	srdreg.scid  }
0x8b: {  	s0 =	sand.u32 $0x1, s1  }
0x8c: {  	s16 =	sshll.u32 s0, $0xA;
	s2 =	sadd.s32 s3, s2  }
0x8d: {  	s2 =	sadd.s32 s2, s16  }
0x8e: {  	[smem:$0x3FC2] =	sst s2  }
0x8f: {  	_ = 	snop  }
0x90: {  	(tm) =	ssettm $0x1  }
0x91: {  	s17 =	sld [smem:$0x3FFB];
	_ =	sdelay $0x3  }
0x92: {  	_ =	strace s17  }
0x93: {  	s2 =	sld [smem:$0x3FFC];
	_ =	sdelay $0x3  }
0x94: {  	_ =	strace s2  }
0x95: {  	s2 =	sld [smem:$0x3FFD];
	_ =	sdelay $0x3  }
0x96: {  	_ =	strace s2  }
0x97: {  	_ =	strace $0x8FFFFFFF  }
0x98: {  	s18 =	sld [smem:$0x3FDB];
	_ =	sdelay $0x1  }
0x99: {  	s19 =	simm.s32 $_scs_section_size  }
0x9a: {  	s4 =	simm.s32 $_size__tile_overlayer_lowered;
	s5 =	simm.s32 $_tile_overlayer_lowered  }
0x9b: {  	s22 =	simm.s32 $0x1BFF;
	s21 =	sshll.u32 s5, $0x1;
	s2 =	sadd.s32 s19, s18  }
0x9c: {  	s6 =	simm.s32 $0x0;
	s20 =	sshll.u32 s4, $0x1;
	s4 =	sadd.s32 s21, s2  }
0x9d: {  	[timem:s6], [sflag:s22] =	dma.local [hbm:s4], s20  }
0x9e: {  	_ =	swait.ge [sflag:s22], s20  }
0x9f: {  	s3 =	ssub.s32 $0x0, s20;
	[sflag:s22] =	ssyncset.done $0x0  }
0xa0: {  	[sflag:s22] =	ssyncadd.s32 s3;
	_ =	sdelay $0x1  }
0xa1: {  	s23 =	simm.s32 $0x1B8B  }
0xa2: {  	_ =	swait.ge [sflag:s23], $0x1  }
0xa3: {  	[sflag:s23] =	ssyncset.done $0x0  }
0xa4: {  	s25 =	simm.s32 $0x1B8E;
	s24 =	sld [smem:$0x3FFE];
	[sflag:s23] =	ssyncadd.s32 $0xFFFFFFFF  }
0xa5: {  	s26 =	simm.s32 $execute0_lowered;
	[smem:$0x3FD2] =	sst s25  }
0xa6: {  	s4 =	sshll.u32 s26, $0x1;
	_ =	strace $0x80000046;
	[dreg:$0x1] =	wrdreg $0xFFFFFFFF  }
0xa7: {  	s28 =	simm.s32 $_size_execute0_lowered;
	s2 =	sadd.s32 s2, s4;
	[dreg:$0x0] =	wrdreg $0x0  }
0xa8: {  	s4 =	sshll.u32 s28, $0x1;
	[dreg:$0x2] =	wrdreg s2  }
0xa9: {  	[dreg:$0x3] =	wrdreg s4  }
0xaa: {  	[dreg:$0x4] =	wrdreg $0xC0  }
0xab: {  	_ =	task [dreg:s6], $0x5FFFF  }
0xac: {  	[dreg:$0x1] =	wrdreg $0xFFFFFFFF  }
0xad: {  	[dreg:$0x0] =	wrdreg $0x60  }
0xae: {  	[dreg:$0x2] =	wrdreg s24  }
0xaf: {  	[dreg:$0x3] =	wrdreg $0x28800  }
0xb0: {  	[dreg:$0x4] =	wrdreg $0x9  }
0xb1: {  	_ =	task.clear_ibuf [dreg:s6], $0x5FFFF;
	_ =	strace $0x90000046  }
0xb2: {  	s29 =	simm.s32 $0x9;
	_ =	strace $0x80000048  }
0xb3: {  	_ =	swait.ge [sflag:s29], $0x1  }
0xb4: {  	[sflag:s29] =	ssyncadd.s32 $0xFFFFFFFF  }
0xb5: {  	_ =	strace $0x90000048  }
0xb6: {  	_ =	sfence  }
0xb7: {  	s30 =	sld [smem:$0x0];
	_ =	sdelay $0x2  }
0xb8: {  	s31 =	sshll.u32 s1, $0xD;
	s1 =	sshrl.u32 s1, $0x2  }
0xb9: {  	s3 =	sand.u32 $0x4000, s31;
	s1 =	sadd.s32 s1, s30  }
0xba: {  	s0 =	sor.u32 s3, s0;
	s1 =	sshll.u32 s1, $0x11  }
0xbb: {  	s0 =	sor.u32 s1, s0  }
0xbc: {  	s0 =	sadd.s32 $0x8F2B, s0  }
0xbd: {  	[sflag:s0] =	ssyncadd.remote.s32 $0x1  }
0xbe: {  	_ =	sfence.sel $0xFFFF  }
0xbf: {  	[dreg:$0x0] =	wrdreg $0xFFFFFFFF;
	(pc) =	sbr.abs _section_cstart, $3  }
0xc0: {  	[dreg:$0x1] =	wrdreg $0xFFFFFFFF  }
0xc1: {  	_ =	task.clear_ibuf [dreg:s6], $0x2FFFF;
	_ =	strace $0x9FFFFFFF  }
0xc2: {  	(tm) =	ssettm $0x7FFFFFFF  }
0xc3: {  	_ =	shalt  }
tec
execute0_lowered:
.L_overlay_start_1:
0x0: {  	(tag) =	ssettag $0x1  }
0x1: {  	s1 =	srdreg.scid;
	s5 =	rddreg [dreg:$0x0]  }
0x2: {  	s0 =	stileid.u32;
	s2 =	rddreg [dreg:$0x1]  }
0x3: {  	s3 =	simm.s32 $0x0;
	s11 =	simm.s32 $0x80;
	s12 =	simm.s32 $0x2800  }
0x4: {  	s13 =	simm.s32 $0x20;
	s14 =	simm.s32 $0x10;
	s15 =	simm.s32 $0x0  }
0x5: {  	s4 =	sand.u32 $0x1, s1;
	s26 =	sshll.u32 s0, $0x1;
	s7 =	smul.u32 $0x500, s0  }
0x6: {  	[smem:$0x7FF] =	sst s3;
	s9 =	smul.u32 $0xA00, s0;
	s31 =	sshll.u32 s0, $0x6  }
0x7: {  	s1 =	sor.u32 s4, s26;
	s8 =	sshll.u32 s4, $0x7;
	s28 =	ssub.s32 $0x2, s4  }
0x8: {  	s4 =	sadd.s32 $0xD800, s5;
	s6 =	smul.u32 $0x500, s1;
	s1 =	rddreg [dreg:$0x2]  }
0x9: {  	_ =	strace $0x80000047;
	s7 =	sor.u32 s8, s7;
	s29 =	sshrl.u32 s28, $0x1  }
0xa: {  	s30 =	sshrl.u32 s9, $0x2;
	s7 =	sshrl.u32 s7, $0x3;
	s8 =	ssub.s32 s28, s29  }
0xb: {  	s10 =	sadd.s32 s30, s2;
	s6 =	sadd.s32 s6, s5;
	s7 =	sadd.s32 s7, s5  }
0xc: {  	s5 =	sor.u32 $0x1C01, s31;
	s8 =	smax.u32 s8, $0x1;
	s9 =	sshrl.u32 s10, $0x3  }
0xd: {  	v0 =	vimm.f32 $1.000000000e+00;
	s10 =	simm.s32 $0x1;
	s6 =	sadd.s32 $0x3800, s6;
	s7 =	sadd.s32 $0xDA00, s7  }
.LBB2_1:
0xe: {  	[spmem:s9], [sflag:s5] =	dma.local [hbm:s4], $0x50  }
0xf: {  	_ =	swait.ge [sflag:s10], $0x50  }
0x10: {  	[sflag:s10] =	ssyncset.done $0x0  }
0x11: {  	[sflag:s10] =	ssyncadd.s32 $0xFFFFFFB0  }
0x12: {  	[tilespmem:s3], [sflag:$0x1] =	stream.linear.gather [hbm4b:s6+s3], $0x2800, $0x38;
	[tilespmem:$0x2B00] =	vst v63  }
0x13: {  	_ =	swait.ge [sflag:s10], $0x2800  }
0x14: {  	[sflag:s10] =	ssyncset.done $0x0  }
0x15: {  	[sflag:s10] =	ssyncadd.s32 $0xFFFFD800  }
0x16: {  	[tilespmem:$0x2800] =	vst v0  }
0x17: {  	[tilespmem:$0x2810] =	vst v0  }
0x18: {  	[tilespmem:$0x2820] =	vst v0  }
0x19: {  	[tilespmem:$0x2830] =	vst v0  }
0x1a: {  	[tilespmem:$0x2840] =	vst v0  }
0x1b: {  	[tilespmem:$0x2850] =	vst v0  }
0x1c: {  	[tilespmem:$0x2860] =	vst v0  }
0x1d: {  	[tilespmem:$0x2870] =	vst v0  }
0x1e: {  	s16 =	simm.s32 $0x0;
	[bflag:$0x0] =	sbarrier.arrive $0xFFFF  }
0x1f: {  	[spmem:s2] =	stream.indirect.scatter.add.f32 [tilespmem:s12], [sflag:$0x1], $0x1, s16, s11, $0xb8;
	[tilespmem:$0x2B00] =	vst v63  }
0x20: {  	_ =	swait.ge [sflag:s10], $0x80  }
0x21: {  	s16 =	simm.s32 $0x200;
	[sflag:s10] =	ssyncset.done $0x0  }
.LBB2_2:
0x22: {  	s17 =	sshra.s32 s16, $0x2;
	[sflag:s10] =	ssyncadd.s32 $0xFFFFFF80;
	p0 =	sne.s32 s16, $0x9E00  }
0x23: {  	[spmem:s2] =	stream.indirect.scatter.add.f32 [tilespmem:s12], [sflag:$0x1], $0x1, s17, s11, $0xb8;
	[tilespmem:$0x2B00] =	vst v63  }
.Ltmp0:
0x24: {  	_ = 	snop;
	(pc) =	sbr.rel @p0 .LBB2_2-.Ltmp0, $4  }
0x25: {  	_ = 	snop  }
0x26: {  	s16 =	sadd.s32 $0x200, s16  }
0x27: {  	_ =	swait.ge [sflag:s10], $0x80  }
0x28: {  	[sflag:s10] =	ssyncset.done $0x0  }
0x29: {  	s15 =	sadd.s32 $0x1, s15  }
0x2a: {  	[sflag:s10] =	ssyncadd.s32 $0xFFFFFF80;
	p0 =	sne.s32 s15, s8  }
.Ltmp1:
0x2b: {  	[bflag:$0x0] =	sbarrier.arrive $0xFFFF;
	(pc) =	sbr.rel @p0 .LBB2_1-.Ltmp1, $4  }
0x2c: {  	[hbm:s7@s13], [sflag:s5] =	dma.strided [spmem:s9@s14], $0x50, s10, $0x10   }
0x2d: {  	_ =	swait.ge [sflag:s10], $0x50  }
0x2e: {  	[sflag:s10] =	ssyncset.done $0x0  }
0x2f: {  	[sflag:s10] =	ssyncadd.s32 $0xFFFFFFB0  }
0x30: {  	_ =	sfence.sel $0x180000  }
0x31: {  	[bflag:$0x0] =	sbarrier.arrive $0xFFFF  }
0x32: {  	p0 =	sne.s32 s0, $0x0;
	_ =	strace $0x90000047  }
0x33: {  	s0 =	sadd.s32 @!p0 $0x100000, s1;
	[bflag:$0x2] =	sbarrier.arrive $0xFFFF  }
0x34: {  	[sflag:s0] =	ssyncadd.tile.s32 @!p0 $0x1;
	_ =	shalt  }
.Lfunc_end2:
_tile_overlayer_lowered:
.L_overlay_start_2:
0x35: {  	(tag) =	ssettag $0x2  }
0x36: {  	s0 =	rddreg [dreg:$0x0];
	s2 =	stileid.u32  }
0x37: {  	s1 =	rddreg [dreg:$0x1];
	p0 =	sne.s32 s2, $0x0  }
0x38: {  	s3 =	rddreg [dreg:$0x2];
	[bflag:$0x3] =	sbarrier.arrive $0xFFFF;
	s2 =	simm.s32 @!p0 $0x1C01  }
0x39: {  	[timem:s3], [sflag:s2] =	dma.local @!p0 [hbm:s0], s1  }
0x3a: {  	s0 =	simm.s32 @!p0 $0x1  }
0x3b: {  	_ =	swait.ge @!p0 [sflag:s0], s1  }
0x3c: {  	s1 =	ssub.s32 @!p0 $0x0, s1;
	[sflag:s0] =	ssyncset.done @!p0 $0x0  }
0x3d: {  	[sflag:s0] =	ssyncadd.s32 @!p0 s1  }
0x3e: {  	[bflag:$0x3] =	sbarrier.arrive $0xFFFF  }
0x3f: {  	_ =	shalt  }

</sc_bundles>
